<compile_context>
chip_gen: v7x
topology: tpu7x:2x2x1
jax: 0.10.2.dev20260603
libtpu: 0.0.44.dev20260713+nightly
codegen_flags: <defaults>
</compile_context>

<pallas_src>
import functools

import jax
import jax.numpy as jnp
from jax import lax
from jax.experimental import pallas as pl
from jax.experimental.pallas import tpu as pltpu
from jax.experimental.pallas import tpu_sc as plsc

NUM_BINS = 512
T = 32
TBL = NUM_BINS * NUM_BINS
B = 16384
NC, NS, L = 2, 16, 16
NW = NC * NS
NBW = B // NW
SUBL = 8
LANE = 128
CTILES = TBL // LANE
NCH = 2
CHB = NBW // NCH
CHV = CHB // L
CHW = T * CHB


def _sc_tile_code(sv, wp, wv, wr):
    mesh = plsc.VectorSubcoreMesh(
        core_axis_name="c", subcore_axis_name="s",
        num_cores=NC, num_subcores=NS)

    @functools.partial(
        pl.kernel,
        out_type=jax.ShapeDtypeStruct((4 * B,), jnp.float32),
        mesh=mesh,
        scratch_types=[
            pltpu.VMEM((2 * NBW,), jnp.float32),
            pltpu.VMEM((T * NBW,), jnp.int32),
            pltpu.VMEM((T * NBW,), jnp.float32),
            pltpu.VMEM((T * NBW,), jnp.float32),
            pltpu.VMEM((T * NBW,), jnp.float32),
            pltpu.VMEM((4 * NBW,), jnp.float32),
            [pltpu.SemaphoreType.DMA] * 6,
            pltpu.SemaphoreType.DMA,
        ],
    )
    def k(sv_hbm, wp_hbm, wv_hbm, wr_hbm, out_hbm,
          sv_v, idx_v, gp_v, gv_v, gr_v, ov_v, sems, sem_out):
        wid = lax.axis_index("s") * NC + lax.axis_index("c")
        pltpu.sync_copy(sv_hbm.at[pl.ds(wid * (2 * NBW), 2 * NBW)], sv_v)

        def idx_chunk(ch):
            def body(vb, _):
                e0 = ch * CHB + vb * L
                blk = (e0 // LANE) * (2 * LANE) + (e0 % LANE)
                s0 = sv_v[pl.ds(blk, L)] * 512.0
                s1 = sv_v[pl.ds(blk + LANE, L)] * 512.0
                for t in range(T):
                    c = float(t) / 32.0
                    i0 = jnp.minimum((s0 + c).astype(jnp.int32), NUM_BINS - 1)
                    i1 = jnp.minimum((s1 + c).astype(jnp.int32), NUM_BINS - 1)
                    f = i0 * NUM_BINS + i1
                    tconst = (t // SUBL) * (CTILES * SUBL * LANE) + (t % SUBL) * LANE
                    idx_v[pl.ds(ch * CHW + t * CHB + vb * L, L)] = (
                        ((f >> 7) << 10) + (f & (LANE - 1)) + tconst)
                return 0
            lax.fori_loop(0, CHV, body, 0)

        def fire(ch):
            s = ch * CHW
            par = 3 * (ch % 2)
            return (
                pltpu.async_copy(wp_hbm.at[idx_v.at[pl.ds(s, CHW)]],
                                 gp_v.at[pl.ds(s, CHW)], sems[par + 0]),
                pltpu.async_copy(wv_hbm.at[idx_v.at[pl.ds(s, CHW)]],
                                 gv_v.at[pl.ds(s, CHW)], sems[par + 1]),
                pltpu.async_copy(wr_hbm.at[idx_v.at[pl.ds(s, CHW)]],
                                 gr_v.at[pl.ds(s, CHW)], sems[par + 2]),
            )

        def acc_chunk(ch):
            def body(vb, _):
                e0 = ch * CHB + vb * L
                blk = (e0 // LANE) * (2 * LANE) + (e0 % LANE)
                ob = (e0 // LANE) * (4 * LANE) + (e0 % LANE)
                ap = jnp.zeros((L,), jnp.float32)
                av = jnp.zeros((L,), jnp.float32)
                ar = jnp.zeros((L,), jnp.float32)
                for t in range(T):
                    s = ch * CHW + t * CHB + vb * L
                    ap = ap + gp_v[pl.ds(s, L)]
                    av = av + gv_v[pl.ds(s, L)]
                    ar = ar + gr_v[pl.ds(s, L)]
                c0 = sv_v[pl.ds(blk, L)]
                c1 = sv_v[pl.ds(blk + LANE, L)]
                ov_v[pl.ds(ob, L)] = jnp.clip(c0 + ap, 0.0, 1.0)
                ov_v[pl.ds(ob + LANE, L)] = jnp.clip(c1 + av, 0.0, 1.0)
                ov_v[pl.ds(ob + 2 * LANE, L)] = ar
                return 0
            lax.fori_loop(0, CHV, body, 0)

        def flush(ch):
            s = ch * (4 * CHB)
            return pltpu.async_copy(
                ov_v.at[pl.ds(s, 4 * CHB)],
                out_hbm.at[pl.ds(wid * (4 * NBW) + s, 4 * CHB)], sem_out)

        inflight = []
        out_cps = []
        for ch in range(NCH):
            idx_chunk(ch)
            cps = fire(ch)
            inflight.append(cps)
            if ch >= 1:
                for c in inflight[ch - 1]:
                    c.wait()
                acc_chunk(ch - 1)
                out_cps.append(flush(ch - 1))
        for c in inflight[NCH - 1]:
            c.wait()
        acc_chunk(NCH - 1)
        out_cps.append(flush(NCH - 1))
        for c in out_cps:
            c.wait()

    return k(sv, wp, wv, wr)


def _phys_flat(w):
    return (w.reshape(T // SUBL, SUBL, CTILES, LANE)
             .transpose(0, 2, 1, 3)
             .reshape(-1))


def kernel(state, w_p, w_v, w_r):
    sv = state.reshape(B // LANE, LANE, 2).transpose(0, 2, 1).reshape(-1)
    flat = _sc_tile_code(sv, _phys_flat(w_p), _phys_flat(w_v), _phys_flat(w_r))
    out4 = flat.reshape(B // LANE, 4, LANE).transpose(0, 2, 1).reshape(B, 4)
    return out4[:, :3]

# --- scband reference (transcript-rebuilt; emitter-appended) ---
"""Pipeline reference for scband-fast-tile-coding-joint-46402826666080 (READ-ONLY COPY).

The authoritative reference and input builder live on the scoring server;
editing this copy changes nothing except your own understanding.
"""

import jax, jax.numpy as jnp
import numpy as np

NUM_BINS = 512
NUM_TILINGS = 32
LIMITS = np.array([[0.0, 1.0], [0.0, 1.0]], dtype=np.float32)
B = 16384


def setup_inputs(seed: int = 0) -> dict:
    key = jax.random.key(seed)
    k1, k2, k3, k4 = jax.random.split(key, 4)
    state = jax.random.uniform(k1, (B, 2), dtype=jnp.float32)
    tbl = NUM_BINS * NUM_BINS
    w_p = jax.random.normal(k2, (NUM_TILINGS, tbl), dtype=jnp.float32) * 0.01
    w_v = jax.random.normal(k3, (NUM_TILINGS, tbl), dtype=jnp.float32) * 0.01
    w_r = jax.random.normal(k4, (NUM_TILINGS, tbl), dtype=jnp.float32) * 0.01
    return {"state": state, "w_p": w_p, "w_v": w_v, "w_r": w_r}


def _tile_code(x, w):
    # x: [B, 2], w: [NUM_TILINGS, NUM_BINS**2] -> [B, 1]
    lim = jnp.asarray(LIMITS)
    mins = lim[:, 0]
    maxs = lim[:, 1]
    width = (maxs - mins) / NUM_BINS  # [2]
    offs = (jnp.arange(NUM_TILINGS, dtype=jnp.float32)[:, None] / NUM_TILINGS) * width[None, :]  # [T, 2]
    scaled = (x[None, :, :] - mins[None, None, :] + offs[:, None, :]) / width[None, None, :]  # [T, B, 2]
    idx = jnp.clip(jnp.floor(scaled).astype(jnp.int32), 0, NUM_BINS - 1)  # [T, B, 2]
    flat = idx[..., 0] * NUM_BINS + idx[..., 1]  # [T, B]
    vals = jnp.take_along_axis(w, flat, axis=1)  # [T, B] gather from weight tables
    return jnp.sum(vals, axis=0)[:, None]  # [B, 1]


def reference(state, w_p, w_v, w_r):
    # Faithful translation of FastTileCoding_Joint.forward(state, action=a):
    # p_v = state[:, :2]; p_delta/v_delta/r_prime from per-action tile coders;
    # clamp p+p_delta and v+v_delta to limits; concat outputs.
    p_v = state[:, :2]
    p = state[:, :1]
    v = state[:, 1:2]
    p_delta = _tile_code(p_v, w_p)
    v_delta = _tile_code(p_v, w_v)
    r_prime = _tile_code(p_v, w_r)
    p_prime = jnp.clip(p + p_delta, float(LIMITS[0, 0]), float(LIMITS[0, 1]))
    v_prime = jnp.clip(v + v_delta, float(LIMITS[1, 0]), float(LIMITS[1, 1]))
    return jnp.concatenate([p_prime, v_prime, r_prime], axis=1)

if __name__ == "__main__":
    import jax
    _d = setup_inputs()
    print(jax.jit(kernel)(*tuple(_d.values())))

</pallas_src>

<mosaic_0001>
#map = affine_map<(d0, d1) -> (0)>
module attributes {stable_mosaic.version = 14 : i64} {
  func.func @k(%arg0: i32, %arg1: i32, %arg2: memref<32768xf32, #tpu.memory_space<hbm>>, %arg3: memref<8388608xf32, #tpu.memory_space<hbm>>, %arg4: memref<8388608xf32, #tpu.memory_space<hbm>>, %arg5: memref<8388608xf32, #tpu.memory_space<hbm>>, %arg6: memref<65536xf32, #tpu.memory_space<hbm>>, %arg7: memref<1024xf32, #tpu.memory_space<vmem>>, %arg8: memref<16384xi32, #tpu.memory_space<vmem>>, %arg9: memref<16384xf32, #tpu.memory_space<vmem>>, %arg10: memref<16384xf32, #tpu.memory_space<vmem>>, %arg11: memref<16384xf32, #tpu.memory_space<vmem>>, %arg12: memref<2048xf32, #tpu.memory_space<vmem>>, %arg13: memref<!tpu.dma_semaphore, #tpu.memory_space<semaphore_mem>>, %arg14: memref<!tpu.dma_semaphore, #tpu.memory_space<semaphore_mem>>, %arg15: memref<!tpu.dma_semaphore, #tpu.memory_space<semaphore_mem>>, %arg16: memref<!tpu.dma_semaphore, #tpu.memory_space<semaphore_mem>>, %arg17: memref<!tpu.dma_semaphore, #tpu.memory_space<semaphore_mem>>, %arg18: memref<!tpu.dma_semaphore, #tpu.memory_space<semaphore_mem>>, %arg19: memref<!tpu.dma_semaphore, #tpu.memory_space<semaphore_mem>>) attributes {dimension_semantics = [#tpu.dimension_semantics<core_parallel>, #tpu.dimension_semantics<subcore_parallel>], iteration_bounds = array<i64: 2, 16>, scalar_prefetch = 0 : i64, scratch_operands = 13 : i64, tpu.core_type = #tpu.core_type<sc_vector_subcore>, window_params = [{transform_indices = #map}, {transform_indices = #map}, {transform_indices = #map}, {transform_indices = #map}, {transform_indices = #map}]} {
    %mul3A = arith.constant 2 : i32
    %mul3A_0 = arith.muli %arg1, %mul3A : i32
    %add3A = arith.addi %mul3A_0, %arg0 : i32
    %mul3A_1 = arith.constant 1024 : i32
    %mul3A_2 = arith.muli %add3A, %mul3A_1 : i32
    "tpu.region"() ({
      %run_scoped3A = tpu.sem_alloc : memref<!tpu.dma_semaphore, #tpu.memory_space<semaphore_mem>>
      %dma_start3A_132 = tpu.memref_slice %arg2[%mul3A_2] : memref<32768xf32, #tpu.memory_space<hbm>> -> memref<1024xf32, #tpu.memory_space<hbm>>
      %dma_start3A_133 = tpu.memref_slice %arg2[%mul3A_2] : memref<32768xf32, #tpu.memory_space<hbm>> -> memref<1024xf32, #tpu.memory_space<hbm>>
      tpu.enqueue_dma source(%dma_start3A_133 : memref<1024xf32, #tpu.memory_space<hbm>>) target(%arg7 : memref<1024xf32, #tpu.memory_space<vmem>>) target_semaphore(%run_scoped3A : memref<!tpu.dma_semaphore, #tpu.memory_space<semaphore_mem>>)
      %dma_wait3A_134 = tpu.memref_slice %arg2[%mul3A_2] : memref<32768xf32, #tpu.memory_space<hbm>> -> memref<1024xf32, #tpu.memory_space<hbm>>
      %dma_wait3A_135 = tpu.memref_slice %arg2[%mul3A_2] : memref<32768xf32, #tpu.memory_space<hbm>> -> memref<1024xf32, #tpu.memory_space<hbm>>
      tpu.wait_dma2 semaphore(%run_scoped3A : memref<!tpu.dma_semaphore, #tpu.memory_space<semaphore_mem>>) src(%dma_wait3A_135 : memref<1024xf32, #tpu.memory_space<hbm>>) dst(%arg7 : memref<1024xf32, #tpu.memory_space<vmem>>)
      tpu.yield
    }) : () -> ()
    %scan3A = arith.constant 0 : i32
    %scan3A_3 = arith.constant 0 : i32
    %scan3A_4 = arith.constant 16 : i32
    %scan3A_5 = arith.addi %scan3A_3, %scan3A_4 : i32
    %scan3A_6 = arith.constant 1 : i32
    %scan3A_7 = scf.for %scan3A_132 = %scan3A_3 to %scan3A_5 step %scan3A_6 iter_args(%scan3A_133 = %scan3A) -> (i32)  : i32 {
      %mul3A_134 = arith.constant 16 : i32
      %mul3A_135 = arith.muli %scan3A_132, %mul3A_134 : i32
      %add3A_136 = arith.constant 0 : i32
      %add3A_137 = arith.addi %add3A_136, %mul3A_135 : i32
      %jit3A = arith.constant 128 : i32
      %div3A = arith.divsi %add3A_137, %jit3A : i32
      %sign3A = arith.constant 0 : i32
      %sign3A_138 = arith.cmpi sgt, %add3A_137, %sign3A : i32
      %sign3A_139 = arith.extui %sign3A_138 : i1 to i32
      %sign3A_140 = arith.constant 0 : i32
      %sign3A_141 = arith.cmpi slt, %add3A_137, %sign3A_140 : i32
      %sign3A_142 = arith.extui %sign3A_141 : i1 to i32
      %sign3A_143 = arith.subi %sign3A_139, %sign3A_142 : i32
      %sign3A_144 = arith.constant 0 : i32
      %sign3A_145 = arith.cmpi sgt, %jit3A, %sign3A_144 : i32
      %sign3A_146 = arith.extui %sign3A_145 : i1 to i32
      %sign3A_147 = arith.constant 0 : i32
      %sign3A_148 = arith.cmpi slt, %jit3A, %sign3A_147 : i32
      %sign3A_149 = arith.extui %sign3A_148 : i1 to i32
      %sign3A_150 = arith.subi %sign3A_146, %sign3A_149 : i32
      %ne3A = arith.cmpi ne, %sign3A_143, %sign3A_150 : i32
      %rem3A = arith.remsi %add3A_137, %jit3A : i32
      %ne3A_151 = arith.constant 0 : i32
      %ne3A_152 = arith.cmpi ne, %rem3A, %ne3A_151 : i32
      %and3A = arith.andi %ne3A, %ne3A_152 : i1
      %sub3A = arith.constant 1 : i32
      %sub3A_153 = arith.subi %div3A, %sub3A : i32
      %select_n3A = arith.select %and3A, %sub3A_153, %div3A : i32
      %mul3A_154 = arith.constant 256 : i32
      %mul3A_155 = arith.muli %select_n3A, %mul3A_154 : i32
      %jit3A_156 = arith.constant 128 : i32
      %eq3A = arith.constant 0 : i32
      %eq3A_157 = arith.cmpi eq, %jit3A_156, %eq3A : i32
      %jit3A_158 = arith.constant 1 : i32
      %select_n3A_159 = arith.select %eq3A_157, %jit3A_158, %jit3A_156 : i32
      %rem3A_160 = arith.remsi %add3A_137, %select_n3A_159 : i32
      %ne3A_161 = arith.constant 0 : i32
      %ne3A_162 = arith.cmpi ne, %rem3A_160, %ne3A_161 : i32
      %lt3A = arith.constant 0 : i32
      %lt3A_163 = arith.cmpi slt, %rem3A_160, %lt3A : i32
      %lt3A_164 = arith.constant 0 : i32
      %lt3A_165 = arith.cmpi slt, %select_n3A_159, %lt3A_164 : i32
      %ne3A_166 = arith.xori %lt3A_163, %lt3A_165 : i1
      %and3A_167 = arith.andi %ne3A_166, %ne3A_162 : i1
      %add3A_168 = arith.addi %rem3A_160, %select_n3A_159 : i32
      %select_n3A_169 = arith.select %and3A_167, %add3A_168, %rem3A_160 : i32
      %add3A_170 = arith.addi %mul3A_155, %select_n3A_169 : i32
      %get3A = arith.index_cast %add3A_170 : i32 to index
      %get3A_171 = tpu.vector_load %arg7[%get3A] {strides = array<i32>} : memref<1024xf32, #tpu.memory_space<vmem>>, vector<16xf32>,
      %get3A_172 = vector.shape_cast %get3A_171 : vector<16xf32> to vector<16xf32>
      %mul3A_173 = arith.constant 5.120000e+02 : f32
      %mul3A_174 = vector.broadcast %mul3A_173 : f32 to vector<16xf32>
      %mul3A_175 = arith.mulf %get3A_172, %mul3A_174 : vector<16xf32>
      %add3A_176 = arith.constant 128 : i32
      %add3A_177 = arith.addi %add3A_170, %add3A_176 : i32
      %get3A_178 = arith.index_cast %add3A_177 : i32 to index
      %get3A_179 = tpu.vector_load %arg7[%get3A_178] {strides = array<i32>} : memref<1024xf32, #tpu.memory_space<vmem>>, vector<16xf32>,
      %get3A_180 = vector.shape_cast %get3A_179 : vector<16xf32> to vector<16xf32>
      %mul3A_181 = arith.constant 5.120000e+02 : f32
      %mul3A_182 = vector.broadcast %mul3A_181 : f32 to vector<16xf32>
      %mul3A_183 = arith.mulf %get3A_180, %mul3A_182 : vector<16xf32>
      %add3A_184 = arith.constant 0.000000e+00 : f32
      %add3A_185 = vector.broadcast %add3A_184 : f32 to vector<16xf32>
      %add3A_186 = arith.addf %mul3A_175, %add3A_185 : vector<16xf32>
      %convert_element_type3A = arith.fptosi %add3A_186 : vector<16xf32> to vector<16xi32>
      %min3A = arith.constant 511 : i32
      %min3A_187 = vector.broadcast %min3A : i32 to vector<16xi32>
      %min3A_188 = arith.minsi %convert_element_type3A, %min3A_187 : vector<16xi32>
      %add3A_189 = arith.constant 0.000000e+00 : f32
      %add3A_190 = vector.broadcast %add3A_189 : f32 to vector<16xf32>
      %add3A_191 = arith.addf %mul3A_183, %add3A_190 : vector<16xf32>
      %convert_element_type3A_192 = arith.fptosi %add3A_191 : vector<16xf32> to vector<16xi32>
      %min3A_193 = arith.constant 511 : i32
      %min3A_194 = vector.broadcast %min3A_193 : i32 to vector<16xi32>
      %min3A_195 = arith.minsi %convert_element_type3A_192, %min3A_194 : vector<16xi32>
      %mul3A_196 = arith.constant 512 : i32
      %mul3A_197 = vector.broadcast %mul3A_196 : i32 to vector<16xi32>
      %mul3A_198 = arith.muli %min3A_188, %mul3A_197 : vector<16xi32>
      %add3A_199 = arith.addi %mul3A_198, %min3A_195 : vector<16xi32>
      %shift_right_arithmetic3A = arith.constant 7 : i32
      %shift_right_arithmetic3A_200 = vector.broadcast %shift_right_arithmetic3A : i32 to vector<16xi32>
      %shift_right_arithmetic3A_201 = arith.shrsi %add3A_199, %shift_right_arithmetic3A_200 : vector<16xi32>
      %shift_left3A = arith.constant 10 : i32
      %shift_left3A_202 = vector.broadcast %shift_left3A : i32 to vector<16xi32>
      %shift_left3A_203 = arith.shli %shift_right_arithmetic3A_201, %shift_left3A_202 : vector<16xi32>
      %and3A_204 = arith.constant 127 : i32
      %and3A_205 = vector.broadcast %and3A_204 : i32 to vector<16xi32>
      %and3A_206 = arith.andi %add3A_199, %and3A_205 : vector<16xi32>
      %add3A_207 = arith.addi %shift_left3A_203, %and3A_206 : vector<16xi32>
      %add3A_208 = arith.constant 0 : i32
      %add3A_209 = vector.broadcast %add3A_208 : i32 to vector<16xi32>
      %add3A_210 = arith.addi %add3A_207, %add3A_209 : vector<16xi32>
      %mul3A_211 = arith.constant 16 : i32
      %mul3A_212 = arith.muli %scan3A_132, %mul3A_211 : i32
      %add3A_213 = arith.constant 0 : i32
      %add3A_214 = arith.addi %add3A_213, %mul3A_212 : i32
      %swap3A = arith.index_cast %add3A_214 : i32 to index
      %swap3A_215 = tpu.vector_load %arg8[%swap3A] {strides = array<i32>} : memref<16384xi32, #tpu.memory_space<vmem>>, vector<16xi32>,
      %swap3A_216 = vector.shape_cast %swap3A_215 : vector<16xi32> to vector<16xi32>
      %swap3A_217 = vector.shape_cast %add3A_210 : vector<16xi32> to vector<16xi32>
      tpu.vector_store %arg8[%swap3A], %swap3A_217 {strides = array<i32>} : memref<16384xi32, #tpu.memory_space<vmem>>, vector<16xi32>,
      %add3A_218 = arith.constant 3.125000e-02 : f32
      %add3A_219 = vector.broadcast %add3A_218 : f32 to vector<16xf32>
      %add3A_220 = arith.addf %mul3A_175, %add3A_219 : vector<16xf32>
      %convert_element_type3A_221 = arith.fptosi %add3A_220 : vector<16xf32> to vector<16xi32>
      %min3A_222 = arith.constant 511 : i32
      %min3A_223 = vector.broadcast %min3A_222 : i32 to vector<16xi32>
      %min3A_224 = arith.minsi %convert_element_type3A_221, %min3A_223 : vector<16xi32>
      %add3A_225 = arith.constant 3.125000e-02 : f32
      %add3A_226 = vector.broadcast %add3A_225 : f32 to vector<16xf32>
      %add3A_227 = arith.addf %mul3A_183, %add3A_226 : vector<16xf32>
      %convert_element_type3A_228 = arith.fptosi %add3A_227 : vector<16xf32> to vector<16xi32>
      %min3A_229 = arith.constant 511 : i32
      %min3A_230 = vector.broadcast %min3A_229 : i32 to vector<16xi32>
      %min3A_231 = arith.minsi %convert_element_type3A_228, %min3A_230 : vector<16xi32>
      %mul3A_232 = arith.constant 512 : i32
      %mul3A_233 = vector.broadcast %mul3A_232 : i32 to vector<16xi32>
      %mul3A_234 = arith.muli %min3A_224, %mul3A_233 : vector<16xi32>
      %add3A_235 = arith.addi %mul3A_234, %min3A_231 : vector<16xi32>
      %shift_right_arithmetic3A_236 = arith.constant 7 : i32
      %shift_right_arithmetic3A_237 = vector.broadcast %shift_right_arithmetic3A_236 : i32 to vector<16xi32>
      %shift_right_arithmetic3A_238 = arith.shrsi %add3A_235, %shift_right_arithmetic3A_237 : vector<16xi32>
      %shift_left3A_239 = arith.constant 10 : i32
      %shift_left3A_240 = vector.broadcast %shift_left3A_239 : i32 to vector<16xi32>
      %shift_left3A_241 = arith.shli %shift_right_arithmetic3A_238, %shift_left3A_240 : vector<16xi32>
      %and3A_242 = arith.constant 127 : i32
      %and3A_243 = vector.broadcast %and3A_242 : i32 to vector<16xi32>
      %and3A_244 = arith.andi %add3A_235, %and3A_243 : vector<16xi32>
      %add3A_245 = arith.addi %shift_left3A_241, %and3A_244 : vector<16xi32>
      %add3A_246 = arith.constant 128 : i32
      %add3A_247 = vector.broadcast %add3A_246 : i32 to vector<16xi32>
      %add3A_248 = arith.addi %add3A_245, %add3A_247 : vector<16xi32>
      %mul3A_249 = arith.constant 16 : i32
      %mul3A_250 = arith.muli %scan3A_132, %mul3A_249 : i32
      %add3A_251 = arith.constant 256 : i32
      %add3A_252 = arith.addi %add3A_251, %mul3A_250 : i32
      %swap3A_253 = arith.index_cast %add3A_252 : i32 to index
      %swap3A_254 = tpu.vector_load %arg8[%swap3A_253] {strides = array<i32>} : memref<16384xi32, #tpu.memory_space<vmem>>, vector<16xi32>,
      %swap3A_255 = vector.shape_cast %swap3A_254 : vector<16xi32> to vector<16xi32>
      %swap3A_256 = vector.shape_cast %add3A_248 : vector<16xi32> to vector<16xi32>
      tpu.vector_store %arg8[%swap3A_253], %swap3A_256 {strides = array<i32>} : memref<16384xi32, #tpu.memory_space<vmem>>, vector<16xi32>,
      %add3A_257 = arith.constant 6.250000e-02 : f32
      %add3A_258 = vector.broadcast %add3A_257 : f32 to vector<16xf32>
      %add3A_259 = arith.addf %mul3A_175, %add3A_258 : vector<16xf32>
      %convert_element_type3A_260 = arith.fptosi %add3A_259 : vector<16xf32> to vector<16xi32>
      %min3A_261 = arith.constant 511 : i32
      %min3A_262 = vector.broadcast %min3A_261 : i32 to vector<16xi32>
      %min3A_263 = arith.minsi %convert_element_type3A_260, %min3A_262 : vector<16xi32>
      %add3A_264 = arith.constant 6.250000e-02 : f32
      %add3A_265 = vector.broadcast %add3A_264 : f32 to vector<16xf32>
      %add3A_266 = arith.addf %mul3A_183, %add3A_265 : vector<16xf32>
      %convert_element_type3A_267 = arith.fptosi %add3A_266 : vector<16xf32> to vector<16xi32>
      %min3A_268 = arith.constant 511 : i32
      %min3A_269 = vector.broadcast %min3A_268 : i32 to vector<16xi32>
      %min3A_270 = arith.minsi %convert_element_type3A_267, %min3A_269 : vector<16xi32>
      %mul3A_271 = arith.constant 512 : i32
      %mul3A_272 = vector.broadcast %mul3A_271 : i32 to vector<16xi32>
      %mul3A_273 = arith.muli %min3A_263, %mul3A_272 : vector<16xi32>
      %add3A_274 = arith.addi %mul3A_273, %min3A_270 : vector<16xi32>
      %shift_right_arithmetic3A_275 = arith.constant 7 : i32
      %shift_right_arithmetic3A_276 = vector.broadcast %shift_right_arithmetic3A_275 : i32 to vector<16xi32>
      %shift_right_arithmetic3A_277 = arith.shrsi %add3A_274, %shift_right_arithmetic3A_276 : vector<16xi32>
      %shift_left3A_278 = arith.constant 10 : i32
      %shift_left3A_279 = vector.broadcast %shift_left3A_278 : i32 to vector<16xi32>
      %shift_left3A_280 = arith.shli %shift_right_arithmetic3A_277, %shift_left3A_279 : vector<16xi32>
      %and3A_281 = arith.constant 127 : i32
      %and3A_282 = vector.broadcast %and3A_281 : i32 to vector<16xi32>
      %and3A_283 = arith.andi %add3A_274, %and3A_282 : vector<16xi32>
      %add3A_284 = arith.addi %shift_left3A_280, %and3A_283 : vector<16xi32>
      %add3A_285 = arith.constant 256 : i32
      %add3A_286 = vector.broadcast %add3A_285 : i32 to vector<16xi32>
      %add3A_287 = arith.addi %add3A_284, %add3A_286 : vector<16xi32>
      %mul3A_288 = arith.constant 16 : i32
      %mul3A_289 = arith.muli %scan3A_132, %mul3A_288 : i32
      %add3A_290 = arith.constant 512 : i32
      %add3A_291 = arith.addi %add3A_290, %mul3A_289 : i32
      %swap3A_292 = arith.index_cast %add3A_291 : i32 to index
      %swap3A_293 = tpu.vector_load %arg8[%swap3A_292] {strides = array<i32>} : memref<16384xi32, #tpu.memory_space<vmem>>, vector<16xi32>,
      %swap3A_294 = vector.shape_cast %swap3A_293 : vector<16xi32> to vector<16xi32>
      %swap3A_295 = vector.shape_cast %add3A_287 : vector<16xi32> to vector<16xi32>
      tpu.vector_store %arg8[%swap3A_292], %swap3A_295 {strides = array<i32>} : memref<16384xi32, #tpu.memory_space<vmem>>, vector<16xi32>,
      %add3A_296 = arith.constant 9.375000e-02 : f32
      %add3A_297 = vector.broadcast %add3A_296 : f32 to vector<16xf32>
      %add3A_298 = arith.addf %mul3A_175, %add3A_297 : vector<16xf32>
      %convert_element_type3A_299 = arith.fptosi %add3A_298 : vector<16xf32> to vector<16xi32>
      %min3A_300 = arith.constant 511 : i32
      %min3A_301 = vector.broadcast %min3A_300 : i32 to vector<16xi32>
      %min3A_302 = arith.minsi %convert_element_type3A_299, %min3A_301 : vector<16xi32>
      %add3A_303 = arith.constant 9.375000e-02 : f32
      %add3A_304 = vector.broadcast %add3A_303 : f32 to vector<16xf32>
      %add3A_305 = arith.addf %mul3A_183, %add3A_304 : vector<16xf32>
      %convert_element_type3A_306 = arith.fptosi %add3A_305 : vector<16xf32> to vector<16xi32>
      %min3A_307 = arith.constant 511 : i32
      %min3A_308 = vector.broadcast %min3A_307 : i32 to vector<16xi32>
      %min3A_309 = arith.minsi %convert_element_type3A_306, %min3A_308 : vector<16xi32>
      %mul3A_310 = arith.constant 512 : i32
      %mul3A_311 = vector.broadcast %mul3A_310 : i32 to vector<16xi32>
      %mul3A_312 = arith.muli %min3A_302, %mul3A_311 : vector<16xi32>
      %add3A_313 = arith.addi %mul3A_312, %min3A_309 : vector<16xi32>
      %shift_right_arithmetic3A_314 = arith.constant 7 : i32
      %shift_right_arithmetic3A_315 = vector.broadcast %shift_right_arithmetic3A_314 : i32 to vector<16xi32>
      %shift_right_arithmetic3A_316 = arith.shrsi %add3A_313, %shift_right_arithmetic3A_315 : vector<16xi32>
      %shift_left3A_317 = arith.constant 10 : i32
      %shift_left3A_318 = vector.broadcast %shift_left3A_317 : i32 to vector<16xi32>
      %shift_left3A_319 = arith.shli %shift_right_arithmetic3A_316, %shift_left3A_318 : vector<16xi32>
      %and3A_320 = arith.constant 127 : i32
      %and3A_321 = vector.broadcast %and3A_320 : i32 to vector<16xi32>
      %and3A_322 = arith.andi %add3A_313, %and3A_321 : vector<16xi32>
      %add3A_323 = arith.addi %shift_left3A_319, %and3A_322 : vector<16xi32>
      %add3A_324 = arith.constant 384 : i32
      %add3A_325 = vector.broadcast %add3A_324 : i32 to vector<16xi32>
      %add3A_326 = arith.addi %add3A_323, %add3A_325 : vector<16xi32>
      %mul3A_327 = arith.constant 16 : i32
      %mul3A_328 = arith.muli %scan3A_132, %mul3A_327 : i32
      %add3A_329 = arith.constant 768 : i32
      %add3A_330 = arith.addi %add3A_329, %mul3A_328 : i32
      %swap3A_331 = arith.index_cast %add3A_330 : i32 to index
      %swap3A_332 = tpu.vector_load %arg8[%swap3A_331] {strides = array<i32>} : memref<16384xi32, #tpu.memory_space<vmem>>, vector<16xi32>,
      %swap3A_333 = vector.shape_cast %swap3A_332 : vector<16xi32> to vector<16xi32>
      %swap3A_334 = vector.shape_cast %add3A_326 : vector<16xi32> to vector<16xi32>
      tpu.vector_store %arg8[%swap3A_331], %swap3A_334 {strides = array<i32>} : memref<16384xi32, #tpu.memory_space<vmem>>, vector<16xi32>,
      %add3A_335 = arith.constant 1.250000e-01 : f32
      %add3A_336 = vector.broadcast %add3A_335 : f32 to vector<16xf32>
      %add3A_337 = arith.addf %mul3A_175, %add3A_336 : vector<16xf32>
      %convert_element_type3A_338 = arith.fptosi %add3A_337 : vector<16xf32> to vector<16xi32>
      %min3A_339 = arith.constant 511 : i32
      %min3A_340 = vector.broadcast %min3A_339 : i32 to vector<16xi32>
      %min3A_341 = arith.minsi %convert_element_type3A_338, %min3A_340 : vector<16xi32>
      %add3A_342 = arith.constant 1.250000e-01 : f32
      %add3A_343 = vector.broadcast %add3A_342 : f32 to vector<16xf32>
      %add3A_344 = arith.addf %mul3A_183, %add3A_343 : vector<16xf32>
      %convert_element_type3A_345 = arith.fptosi %add3A_344 : vector<16xf32> to vector<16xi32>
      %min3A_346 = arith.constant 511 : i32
      %min3A_347 = vector.broadcast %min3A_346 : i32 to vector<16xi32>
      %min3A_348 = arith.minsi %convert_element_type3A_345, %min3A_347 : vector<16xi32>
      %mul3A_349 = arith.constant 512 : i32
      %mul3A_350 = vector.broadcast %mul3A_349 : i32 to vector<16xi32>
      %mul3A_351 = arith.muli %min3A_341, %mul3A_350 : vector<16xi32>
      %add3A_352 = arith.addi %mul3A_351, %min3A_348 : vector<16xi32>
      %shift_right_arithmetic3A_353 = arith.constant 7 : i32
      %shift_right_arithmetic3A_354 = vector.broadcast %shift_right_arithmetic3A_353 : i32 to vector<16xi32>
      %shift_right_arithmetic3A_355 = arith.shrsi %add3A_352, %shift_right_arithmetic3A_354 : vector<16xi32>
      %shift_left3A_356 = arith.constant 10 : i32
      %shift_left3A_357 = vector.broadcast %shift_left3A_356 : i32 to vector<16xi32>
      %shift_left3A_358 = arith.shli %shift_right_arithmetic3A_355, %shift_left3A_357 : vector<16xi32>
      %and3A_359 = arith.constant 127 : i32
      %and3A_360 = vector.broadcast %and3A_359 : i32 to vector<16xi32>
      %and3A_361 = arith.andi %add3A_352, %and3A_360 : vector<16xi32>
      %add3A_362 = arith.addi %shift_left3A_358, %and3A_361 : vector<16xi32>
      %add3A_363 = arith.constant 512 : i32
      %add3A_364 = vector.broadcast %add3A_363 : i32 to vector<16xi32>
      %add3A_365 = arith.addi %add3A_362, %add3A_364 : vector<16xi32>
      %mul3A_366 = arith.constant 16 : i32
      %mul3A_367 = arith.muli %scan3A_132, %mul3A_366 : i32
      %add3A_368 = arith.constant 1024 : i32
      %add3A_369 = arith.addi %add3A_368, %mul3A_367 : i32
      %swap3A_370 = arith.index_cast %add3A_369 : i32 to index
      %swap3A_371 = tpu.vector_load %arg8[%swap3A_370] {strides = array<i32>} : memref<16384xi32, #tpu.memory_space<vmem>>, vector<16xi32>,
      %swap3A_372 = vector.shape_cast %swap3A_371 : vector<16xi32> to vector<16xi32>
      %swap3A_373 = vector.shape_cast %add3A_365 : vector<16xi32> to vector<16xi32>
      tpu.vector_store %arg8[%swap3A_370], %swap3A_373 {strides = array<i32>} : memref<16384xi32, #tpu.memory_space<vmem>>, vector<16xi32>,
      %add3A_374 = arith.constant 1.562500e-01 : f32
      %add3A_375 = vector.broadcast %add3A_374 : f32 to vector<16xf32>
      %add3A_376 = arith.addf %mul3A_175, %add3A_375 : vector<16xf32>
      %convert_element_type3A_377 = arith.fptosi %add3A_376 : vector<16xf32> to vector<16xi32>
      %min3A_378 = arith.constant 511 : i32
      %min3A_379 = vector.broadcast %min3A_378 : i32 to vector<16xi32>
      %min3A_380 = arith.minsi %convert_element_type3A_377, %min3A_379 : vector<16xi32>
      %add3A_381 = arith.constant 1.562500e-01 : f32
      %add3A_382 = vector.broadcast %add3A_381 : f32 to vector<16xf32>
      %add3A_383 = arith.addf %mul3A_183, %add3A_382 : vector<16xf32>
      %convert_element_type3A_384 = arith.fptosi %add3A_383 : vector<16xf32> to vector<16xi32>
      %min3A_385 = arith.constant 511 : i32
      %min3A_386 = vector.broadcast %min3A_385 : i32 to vector<16xi32>
      %min3A_387 = arith.minsi %convert_element_type3A_384, %min3A_386 : vector<16xi32>
      %mul3A_388 = arith.constant 512 : i32
      %mul3A_389 = vector.broadcast %mul3A_388 : i32 to vector<16xi32>
      %mul3A_390 = arith.muli %min3A_380, %mul3A_389 : vector<16xi32>
      %add3A_391 = arith.addi %mul3A_390, %min3A_387 : vector<16xi32>
      %shift_right_arithmetic3A_392 = arith.constant 7 : i32
      %shift_right_arithmetic3A_393 = vector.broadcast %shift_right_arithmetic3A_392 : i32 to vector<16xi32>
      %shift_right_arithmetic3A_394 = arith.shrsi %add3A_391, %shift_right_arithmetic3A_393 : vector<16xi32>
      %shift_left3A_395 = arith.constant 10 : i32
      %shift_left3A_396 = vector.broadcast %shift_left3A_395 : i32 to vector<16xi32>
      %shift_left3A_397 = arith.shli %shift_right_arithmetic3A_394, %shift_left3A_396 : vector<16xi32>
      %and3A_398 = arith.constant 127 : i32
      %and3A_399 = vector.broadcast %and3A_398 : i32 to vector<16xi32>
      %and3A_400 = arith.andi %add3A_391, %and3A_399 : vector<16xi32>
      %add3A_401 = arith.addi %shift_left3A_397, %and3A_400 : vector<16xi32>
      %add3A_402 = arith.constant 640 : i32
      %add3A_403 = vector.broadcast %add3A_402 : i32 to vector<16xi32>
      %add3A_404 = arith.addi %add3A_401, %add3A_403 : vector<16xi32>
      %mul3A_405 = arith.constant 16 : i32
      %mul3A_406 = arith.muli %scan3A_132, %mul3A_405 : i32
      %add3A_407 = arith.constant 1280 : i32
      %add3A_408 = arith.addi %add3A_407, %mul3A_406 : i32
      %swap3A_409 = arith.index_cast %add3A_408 : i32 to index
      %swap3A_410 = tpu.vector_load %arg8[%swap3A_409] {strides = array<i32>} : memref<16384xi32, #tpu.memory_space<vmem>>, vector<16xi32>,
      %swap3A_411 = vector.shape_cast %swap3A_410 : vector<16xi32> to vector<16xi32>
      %swap3A_412 = vector.shape_cast %add3A_404 : vector<16xi32> to vector<16xi32>
      tpu.vector_store %arg8[%swap3A_409], %swap3A_412 {strides = array<i32>} : memref<16384xi32, #tpu.memory_space<vmem>>, vector<16xi32>,
      %add3A_413 = arith.constant 1.875000e-01 : f32
      %add3A_414 = vector.broadcast %add3A_413 : f32 to vector<16xf32>
      %add3A_415 = arith.addf %mul3A_175, %add3A_414 : vector<16xf32>
      %convert_element_type3A_416 = arith.fptosi %add3A_415 : vector<16xf32> to vector<16xi32>
      %min3A_417 = arith.constant 511 : i32
      %min3A_418 = vector.broadcast %min3A_417 : i32 to vector<16xi32>
      %min3A_419 = arith.minsi %convert_element_type3A_416, %min3A_418 : vector<16xi32>
      %add3A_420 = arith.constant 1.875000e-01 : f32
      %add3A_421 = vector.broadcast %add3A_420 : f32 to vector<16xf32>
      %add3A_422 = arith.addf %mul3A_183, %add3A_421 : vector<16xf32>
      %convert_element_type3A_423 = arith.fptosi %add3A_422 : vector<16xf32> to vector<16xi32>
      %min3A_424 = arith.constant 511 : i32
      %min3A_425 = vector.broadcast %min3A_424 : i32 to vector<16xi32>
      %min3A_426 = arith.minsi %convert_element_type3A_423, %min3A_425 : vector<16xi32>
      %mul3A_427 = arith.constant 512 : i32
      %mul3A_428 = vector.broadcast %mul3A_427 : i32 to vector<16xi32>
      %mul3A_429 = arith.muli %min3A_419, %mul3A_428 : vector<16xi32>
      %add3A_430 = arith.addi %mul3A_429, %min3A_426 : vector<16xi32>
      %shift_right_arithmetic3A_431 = arith.constant 7 : i32
      %shift_right_arithmetic3A_432 = vector.broadcast %shift_right_arithmetic3A_431 : i32 to vector<16xi32>
      %shift_right_arithmetic3A_433 = arith.shrsi %add3A_430, %shift_right_arithmetic3A_432 : vector<16xi32>
      %shift_left3A_434 = arith.constant 10 : i32
      %shift_left3A_435 = vector.broadcast %shift_left3A_434 : i32 to vector<16xi32>
      %shift_left3A_436 = arith.shli %shift_right_arithmetic3A_433, %shift_left3A_435 : vector<16xi32>
      %and3A_437 = arith.constant 127 : i32
      %and3A_438 = vector.broadcast %and3A_437 : i32 to vector<16xi32>
      %and3A_439 = arith.andi %add3A_430, %and3A_438 : vector<16xi32>
      %add3A_440 = arith.addi %shift_left3A_436, %and3A_439 : vector<16xi32>
      %add3A_441 = arith.constant 768 : i32
      %add3A_442 = vector.broadcast %add3A_441 : i32 to vector<16xi32>
      %add3A_443 = arith.addi %add3A_440, %add3A_442 : vector<16xi32>
      %mul3A_444 = arith.constant 16 : i32
      %mul3A_445 = arith.muli %scan3A_132, %mul3A_444 : i32
      %add3A_446 = arith.constant 1536 : i32
      %add3A_447 = arith.addi %add3A_446, %mul3A_445 : i32
      %swap3A_448 = arith.index_cast %add3A_447 : i32 to index
      %swap3A_449 = tpu.vector_load %arg8[%swap3A_448] {strides = array<i32>} : memref<16384xi32, #tpu.memory_space<vmem>>, vector<16xi32>,
      %swap3A_450 = vector.shape_cast %swap3A_449 : vector<16xi32> to vector<16xi32>
      %swap3A_451 = vector.shape_cast %add3A_443 : vector<16xi32> to vector<16xi32>
      tpu.vector_store %arg8[%swap3A_448], %swap3A_451 {strides = array<i32>} : memref<16384xi32, #tpu.memory_space<vmem>>, vector<16xi32>,
      %add3A_452 = arith.constant 2.187500e-01 : f32
      %add3A_453 = vector.broadcast %add3A_452 : f32 to vector<16xf32>
      %add3A_454 = arith.addf %mul3A_175, %add3A_453 : vector<16xf32>
      %convert_element_type3A_455 = arith.fptosi %add3A_454 : vector<16xf32> to vector<16xi32>
      %min3A_456 = arith.constant 511 : i32
      %min3A_457 = vector.broadcast %min3A_456 : i32 to vector<16xi32>
      %min3A_458 = arith.minsi %convert_element_type3A_455, %min3A_457 : vector<16xi32>
      %add3A_459 = arith.constant 2.187500e-01 : f32
      %add3A_460 = vector.broadcast %add3A_459 : f32 to vector<16xf32>
      %add3A_461 = arith.addf %mul3A_183, %add3A_460 : vector<16xf32>
      %convert_element_type3A_462 = arith.fptosi %add3A_461 : vector<16xf32> to vector<16xi32>
      %min3A_463 = arith.constant 511 : i32
      %min3A_464 = vector.broadcast %min3A_463 : i32 to vector<16xi32>
      %min3A_465 = arith.minsi %convert_element_type3A_462, %min3A_464 : vector<16xi32>
      %mul3A_466 = arith.constant 512 : i32
      %mul3A_467 = vector.broadcast %mul3A_466 : i32 to vector<16xi32>
      %mul3A_468 = arith.muli %min3A_458, %mul3A_467 : vector<16xi32>
      %add3A_469 = arith.addi %mul3A_468, %min3A_465 : vector<16xi32>
      %shift_right_arithmetic3A_470 = arith.constant 7 : i32
      %shift_right_arithmetic3A_471 = vector.broadcast %shift_right_arithmetic3A_470 : i32 to vector<16xi32>
      %shift_right_arithmetic3A_472 = arith.shrsi %add3A_469, %shift_right_arithmetic3A_471 : vector<16xi32>
      %shift_left3A_473 = arith.constant 10 : i32
      %shift_left3A_474 = vector.broadcast %shift_left3A_473 : i32 to vector<16xi32>
      %shift_left3A_475 = arith.shli %shift_right_arithmetic3A_472, %shift_left3A_474 : vector<16xi32>
      %and3A_476 = arith.constant 127 : i32
      %and3A_477 = vector.broadcast %and3A_476 : i32 to vector<16xi32>
      %and3A_478 = arith.andi %add3A_469, %and3A_477 : vector<16xi32>
      %add3A_479 = arith.addi %shift_left3A_475, %and3A_478 : vector<16xi32>
      %add3A_480 = arith.constant 896 : i32
      %add3A_481 = vector.broadcast %add3A_480 : i32 to vector<16xi32>
      %add3A_482 = arith.addi %add3A_479, %add3A_481 : vector<16xi32>
      %mul3A_483 = arith.constant 16 : i32
      %mul3A_484 = arith.muli %scan3A_132, %mul3A_483 : i32
      %add3A_485 = arith.constant 1792 : i32
      %add3A_486 = arith.addi %add3A_485, %mul3A_484 : i32
      %swap3A_487 = arith.index_cast %add3A_486 : i32 to index
      %swap3A_488 = tpu.vector_load %arg8[%swap3A_487] {strides = array<i32>} : memref<16384xi32, #tpu.memory_space<vmem>>, vector<16xi32>,
      %swap3A_489 = vector.shape_cast %swap3A_488 : vector<16xi32> to vector<16xi32>
      %swap3A_490 = vector.shape_cast %add3A_482 : vector<16xi32> to vector<16xi32>
      tpu.vector_store %arg8[%swap3A_487], %swap3A_490 {strides = array<i32>} : memref<16384xi32, #tpu.memory_space<vmem>>, vector<16xi32>,
      %add3A_491 = arith.constant 2.500000e-01 : f32
      %add3A_492 = vector.broadcast %add3A_491 : f32 to vector<16xf32>
      %add3A_493 = arith.addf %mul3A_175, %add3A_492 : vector<16xf32>
      %convert_element_type3A_494 = arith.fptosi %add3A_493 : vector<16xf32> to vector<16xi32>
      %min3A_495 = arith.constant 511 : i32
      %min3A_496 = vector.broadcast %min3A_495 : i32 to vector<16xi32>
      %min3A_497 = arith.minsi %convert_element_type3A_494, %min3A_496 : vector<16xi32>
      %add3A_498 = arith.constant 2.500000e-01 : f32
      %add3A_499 = vector.broadcast %add3A_498 : f32 to vector<16xf32>
      %add3A_500 = arith.addf %mul3A_183, %add3A_499 : vector<16xf32>
      %convert_element_type3A_501 = arith.fptosi %add3A_500 : vector<16xf32> to vector<16xi32>
      %min3A_502 = arith.constant 511 : i32
      %min3A_503 = vector.broadcast %min3A_502 : i32 to vector<16xi32>
      %min3A_504 = arith.minsi %convert_element_type3A_501, %min3A_503 : vector<16xi32>
      %mul3A_505 = arith.constant 512 : i32
      %mul3A_506 = vector.broadcast %mul3A_505 : i32 to vector<16xi32>
      %mul3A_507 = arith.muli %min3A_497, %mul3A_506 : vector<16xi32>
      %add3A_508 = arith.addi %mul3A_507, %min3A_504 : vector<16xi32>
      %shift_right_arithmetic3A_509 = arith.constant 7 : i32
      %shift_right_arithmetic3A_510 = vector.broadcast %shift_right_arithmetic3A_509 : i32 to vector<16xi32>
      %shift_right_arithmetic3A_511 = arith.shrsi %add3A_508, %shift_right_arithmetic3A_510 : vector<16xi32>
      %shift_left3A_512 = arith.constant 10 : i32
      %shift_left3A_513 = vector.broadcast %shift_left3A_512 : i32 to vector<16xi32>
      %shift_left3A_514 = arith.shli %shift_right_arithmetic3A_511, %shift_left3A_513 : vector<16xi32>
      %and3A_515 = arith.constant 127 : i32
      %and3A_516 = vector.broadcast %and3A_515 : i32 to vector<16xi32>
      %and3A_517 = arith.andi %add3A_508, %and3A_516 : vector<16xi32>
      %add3A_518 = arith.addi %shift_left3A_514, %and3A_517 : vector<16xi32>
      %add3A_519 = arith.constant 2097152 : i32
      %add3A_520 = vector.broadcast %add3A_519 : i32 to vector<16xi32>
      %add3A_521 = arith.addi %add3A_518, %add3A_520 : vector<16xi32>
      %mul3A_522 = arith.constant 16 : i32
      %mul3A_523 = arith.muli %scan3A_132, %mul3A_522 : i32
      %add3A_524 = arith.constant 2048 : i32
      %add3A_525 = arith.addi %add3A_524, %mul3A_523 : i32
      %swap3A_526 = arith.index_cast %add3A_525 : i32 to index
      %swap3A_527 = tpu.vector_load %arg8[%swap3A_526] {strides = array<i32>} : memref<16384xi32, #tpu.memory_space<vmem>>, vector<16xi32>,
      %swap3A_528 = vector.shape_cast %swap3A_527 : vector<16xi32> to vector<16xi32>
      %swap3A_529 = vector.shape_cast %add3A_521 : vector<16xi32> to vector<16xi32>
      tpu.vector_store %arg8[%swap3A_526], %swap3A_529 {strides = array<i32>} : memref<16384xi32, #tpu.memory_space<vmem>>, vector<16xi32>,
      %add3A_530 = arith.constant 2.812500e-01 : f32
      %add3A_531 = vector.broadcast %add3A_530 : f32 to vector<16xf32>
      %add3A_532 = arith.addf %mul3A_175, %add3A_531 : vector<16xf32>
      %convert_element_type3A_533 = arith.fptosi %add3A_532 : vector<16xf32> to vector<16xi32>
      %min3A_534 = arith.constant 511 : i32
      %min3A_535 = vector.broadcast %min3A_534 : i32 to vector<16xi32>
      %min3A_536 = arith.minsi %convert_element_type3A_533, %min3A_535 : vector<16xi32>
      %add3A_537 = arith.constant 2.812500e-01 : f32
      %add3A_538 = vector.broadcast %add3A_537 : f32 to vector<16xf32>
      %add3A_539 = arith.addf %mul3A_183, %add3A_538 : vector<16xf32>
      %convert_element_type3A_540 = arith.fptosi %add3A_539 : vector<16xf32> to vector<16xi32>
      %min3A_541 = arith.constant 511 : i32
      %min3A_542 = vector.broadcast %min3A_541 : i32 to vector<16xi32>
      %min3A_543 = arith.minsi %convert_element_type3A_540, %min3A_542 : vector<16xi32>
      %mul3A_544 = arith.constant 512 : i32
      %mul3A_545 = vector.broadcast %mul3A_544 : i32 to vector<16xi32>
      %mul3A_546 = arith.muli %min3A_536, %mul3A_545 : vector<16xi32>
      %add3A_547 = arith.addi %mul3A_546, %min3A_543 : vector<16xi32>
      %shift_right_arithmetic3A_548 = arith.constant 7 : i32
      %shift_right_arithmetic3A_549 = vector.broadcast %shift_right_arithmetic3A_548 : i32 to vector<16xi32>
      %shift_right_arithmetic3A_550 = arith.shrsi %add3A_547, %shift_right_arithmetic3A_549 : vector<16xi32>
      %shift_left3A_551 = arith.constant 10 : i32
      %shift_left3A_552 = vector.broadcast %shift_left3A_551 : i32 to vector<16xi32>
      %shift_left3A_553 = arith.shli %shift_right_arithmetic3A_550, %shift_left3A_552 : vector<16xi32>
      %and3A_554 = arith.constant 127 : i32
      %and3A_555 = vector.broadcast %and3A_554 : i32 to vector<16xi32>
      %and3A_556 = arith.andi %add3A_547, %and3A_555 : vector<16xi32>
      %add3A_557 = arith.addi %shift_left3A_553, %and3A_556 : vector<16xi32>
      %add3A_558 = arith.constant 2097280 : i32
      %add3A_559 = vector.broadcast %add3A_558 : i32 to vector<16xi32>
      %add3A_560 = arith.addi %add3A_557, %add3A_559 : vector<16xi32>
      %mul3A_561 = arith.constant 16 : i32
      %mul3A_562 = arith.muli %scan3A_132, %mul3A_561 : i32
      %add3A_563 = arith.constant 2304 : i32
      %add3A_564 = arith.addi %add3A_563, %mul3A_562 : i32
      %swap3A_565 = arith.index_cast %add3A_564 : i32 to index
      %swap3A_566 = tpu.vector_load %arg8[%swap3A_565] {strides = array<i32>} : memref<16384xi32, #tpu.memory_space<vmem>>, vector<16xi32>,
      %swap3A_567 = vector.shape_cast %swap3A_566 : vector<16xi32> to vector<16xi32>
      %swap3A_568 = vector.shape_cast %add3A_560 : vector<16xi32> to vector<16xi32>
      tpu.vector_store %arg8[%swap3A_565], %swap3A_568 {strides = array<i32>} : memref<16384xi32, #tpu.memory_space<vmem>>, vector<16xi32>,
      %add3A_569 = arith.constant 3.125000e-01 : f32
      %add3A_570 = vector.broadcast %add3A_569 : f32 to vector<16xf32>
      %add3A_571 = arith.addf %mul3A_175, %add3A_570 : vector<16xf32>
      %convert_element_type3A_572 = arith.fptosi %add3A_571 : vector<16xf32> to vector<16xi32>
      %min3A_573 = arith.constant 511 : i32
      %min3A_574 = vector.broadcast %min3A_573 : i32 to vector<16xi32>
      %min3A_575 = arith.minsi %convert_element_type3A_572, %min3A_574 : vector<16xi32>
      %add3A_576 = arith.constant 3.125000e-01 : f32
      %add3A_577 = vector.broadcast %add3A_576 : f32 to vector<16xf32>
      %add3A_578 = arith.addf %mul3A_183, %add3A_577 : vector<16xf32>
      %convert_element_type3A_579 = arith.fptosi %add3A_578 : vector<16xf32> to vector<16xi32>
      %min3A_580 = arith.constant 511 : i32
      %min3A_581 = vector.broadcast %min3A_580 : i32 to vector<16xi32>
      %min3A_582 = arith.minsi %convert_element_type3A_579, %min3A_581 : vector<16xi32>
      %mul3A_583 = arith.constant 512 : i32
      %mul3A_584 = vector.broadcast %mul3A_583 : i32 to vector<16xi32>
      %mul3A_585 = arith.muli %min3A_575, %mul3A_584 : vector<16xi32>
      %add3A_586 = arith.addi %mul3A_585, %min3A_582 : vector<16xi32>
      %shift_right_arithmetic3A_587 = arith.constant 7 : i32
      %shift_right_arithmetic3A_588 = vector.broadcast %shift_right_arithmetic3A_587 : i32 to vector<16xi32>
      %shift_right_arithmetic3A_589 = arith.shrsi %add3A_586, %shift_right_arithmetic3A_588 : vector<16xi32>
      %shift_left3A_590 = arith.constant 10 : i32
      %shift_left3A_591 = vector.broadcast %shift_left3A_590 : i32 to vector<16xi32>
      %shift_left3A_592 = arith.shli %shift_right_arithmetic3A_589, %shift_left3A_591 : vector<16xi32>
      %and3A_593 = arith.constant 127 : i32
      %and3A_594 = vector.broadcast %and3A_593 : i32 to vector<16xi32>
      %and3A_595 = arith.andi %add3A_586, %and3A_594 : vector<16xi32>
      %add3A_596 = arith.addi %shift_left3A_592, %and3A_595 : vector<16xi32>
      %add3A_597 = arith.constant 2097408 : i32
      %add3A_598 = vector.broadcast %add3A_597 : i32 to vector<16xi32>
      %add3A_599 = arith.addi %add3A_596, %add3A_598 : vector<16xi32>
      %mul3A_600 = arith.constant 16 : i32
      %mul3A_601 = arith.muli %scan3A_132, %mul3A_600 : i32
      %add3A_602 = arith.constant 2560 : i32
      %add3A_603 = arith.addi %add3A_602, %mul3A_601 : i32
      %swap3A_604 = arith.index_cast %add3A_603 : i32 to index
      %swap3A_605 = tpu.vector_load %arg8[%swap3A_604] {strides = array<i32>} : memref<16384xi32, #tpu.memory_space<vmem>>, vector<16xi32>,
      %swap3A_606 = vector.shape_cast %swap3A_605 : vector<16xi32> to vector<16xi32>
      %swap3A_607 = vector.shape_cast %add3A_599 : vector<16xi32> to vector<16xi32>
      tpu.vector_store %arg8[%swap3A_604], %swap3A_607 {strides = array<i32>} : memref<16384xi32, #tpu.memory_space<vmem>>, vector<16xi32>,
      %add3A_608 = arith.constant 3.437500e-01 : f32
      %add3A_609 = vector.broadcast %add3A_608 : f32 to vector<16xf32>
      %add3A_610 = arith.addf %mul3A_175, %add3A_609 : vector<16xf32>
      %convert_element_type3A_611 = arith.fptosi %add3A_610 : vector<16xf32> to vector<16xi32>
      %min3A_612 = arith.constant 511 : i32
      %min3A_613 = vector.broadcast %min3A_612 : i32 to vector<16xi32>
      %min3A_614 = arith.minsi %convert_element_type3A_611, %min3A_613 : vector<16xi32>
      %add3A_615 = arith.constant 3.437500e-01 : f32
      %add3A_616 = vector.broadcast %add3A_615 : f32 to vector<16xf32>
      %add3A_617 = arith.addf %mul3A_183, %add3A_616 : vector<16xf32>
      %convert_element_type3A_618 = arith.fptosi %add3A_617 : vector<16xf32> to vector<16xi32>
      %min3A_619 = arith.constant 511 : i32
      %min3A_620 = vector.broadcast %min3A_619 : i32 to vector<16xi32>
      %min3A_621 = arith.minsi %convert_element_type3A_618, %min3A_620 : vector<16xi32>
      %mul3A_622 = arith.constant 512 : i32
      %mul3A_623 = vector.broadcast %mul3A_622 : i32 to vector<16xi32>
      %mul3A_624 = arith.muli %min3A_614, %mul3A_623 : vector<16xi32>
      %add3A_625 = arith.addi %mul3A_624, %min3A_621 : vector<16xi32>
      %shift_right_arithmetic3A_626 = arith.constant 7 : i32
      %shift_right_arithmetic3A_627 = vector.broadcast %shift_right_arithmetic3A_626 : i32 to vector<16xi32>
      %shift_right_arithmetic3A_628 = arith.shrsi %add3A_625, %shift_right_arithmetic3A_627 : vector<16xi32>
      %shift_left3A_629 = arith.constant 10 : i32
      %shift_left3A_630 = vector.broadcast %shift_left3A_629 : i32 to vector<16xi32>
      %shift_left3A_631 = arith.shli %shift_right_arithmetic3A_628, %shift_left3A_630 : vector<16xi32>
      %and3A_632 = arith.constant 127 : i32
      %and3A_633 = vector.broadcast %and3A_632 : i32 to vector<16xi32>
      %and3A_634 = arith.andi %add3A_625, %and3A_633 : vector<16xi32>
      %add3A_635 = arith.addi %shift_left3A_631, %and3A_634 : vector<16xi32>
      %add3A_636 = arith.constant 2097536 : i32
      %add3A_637 = vector.broadcast %add3A_636 : i32 to vector<16xi32>
      %add3A_638 = arith.addi %add3A_635, %add3A_637 : vector<16xi32>
      %mul3A_639 = arith.constant 16 : i32
      %mul3A_640 = arith.muli %scan3A_132, %mul3A_639 : i32
      %add3A_641 = arith.constant 2816 : i32
      %add3A_642 = arith.addi %add3A_641, %mul3A_640 : i32
      %swap3A_643 = arith.index_cast %add3A_642 : i32 to index
      %swap3A_644 = tpu.vector_load %arg8[%swap3A_643] {strides = array<i32>} : memref<16384xi32, #tpu.memory_space<vmem>>, vector<16xi32>,
      %swap3A_645 = vector.shape_cast %swap3A_644 : vector<16xi32> to vector<16xi32>
      %swap3A_646 = vector.shape_cast %add3A_638 : vector<16xi32> to vector<16xi32>
      tpu.vector_store %arg8[%swap3A_643], %swap3A_646 {strides = array<i32>} : memref<16384xi32, #tpu.memory_space<vmem>>, vector<16xi32>,
      %add3A_647 = arith.constant 3.750000e-01 : f32
      %add3A_648 = vector.broadcast %add3A_647 : f32 to vector<16xf32>
      %add3A_649 = arith.addf %mul3A_175, %add3A_648 : vector<16xf32>
      %convert_element_type3A_650 = arith.fptosi %add3A_649 : vector<16xf32> to vector<16xi32>
      %min3A_651 = arith.constant 511 : i32
      %min3A_652 = vector.broadcast %min3A_651 : i32 to vector<16xi32>
      %min3A_653 = arith.minsi %convert_element_type3A_650, %min3A_652 : vector<16xi32>
      %add3A_654 = arith.constant 3.750000e-01 : f32
      %add3A_655 = vector.broadcast %add3A_654 : f32 to vector<16xf32>
      %add3A_656 = arith.addf %mul3A_183, %add3A_655 : vector<16xf32>
      %convert_element_type3A_657 = arith.fptosi %add3A_656 : vector<16xf32> to vector<16xi32>
      %min3A_658 = arith.constant 511 : i32
      %min3A_659 = vector.broadcast %min3A_658 : i32 to vector<16xi32>
      %min3A_660 = arith.minsi %convert_element_type3A_657, %min3A_659 : vector<16xi32>
      %mul3A_661 = arith.constant 512 : i32
      %mul3A_662 = vector.broadcast %mul3A_661 : i32 to vector<16xi32>
      %mul3A_663 = arith.muli %min3A_653, %mul3A_662 : vector<16xi32>
      %add3A_664 = arith.addi %mul3A_663, %min3A_660 : vector<16xi32>
      %shift_right_arithmetic3A_665 = arith.constant 7 : i32
      %shift_right_arithmetic3A_666 = vector.broadcast %shift_right_arithmetic3A_665 : i32 to vector<16xi32>
      %shift_right_arithmetic3A_667 = arith.shrsi %add3A_664, %shift_right_arithmetic3A_666 : vector<16xi32>
      %shift_left3A_668 = arith.constant 10 : i32
      %shift_left3A_669 = vector.broadcast %shift_left3A_668 : i32 to vector<16xi32>
      %shift_left3A_670 = arith.shli %shift_right_arithmetic3A_667, %shift_left3A_669 : vector<16xi32>
      %and3A_671 = arith.constant 127 : i32
      %and3A_672 = vector.broadcast %and3A_671 : i32 to vector<16xi32>
      %and3A_673 = arith.andi %add3A_664, %and3A_672 : vector<16xi32>
      %add3A_674 = arith.addi %shift_left3A_670, %and3A_673 : vector<16xi32>
      %add3A_675 = arith.constant 2097664 : i32
      %add3A_676 = vector.broadcast %add3A_675 : i32 to vector<16xi32>
      %add3A_677 = arith.addi %add3A_674, %add3A_676 : vector<16xi32>
      %mul3A_678 = arith.constant 16 : i32
      %mul3A_679 = arith.muli %scan3A_132, %mul3A_678 : i32
      %add3A_680 = arith.constant 3072 : i32
      %add3A_681 = arith.addi %add3A_680, %mul3A_679 : i32
      %swap3A_682 = arith.index_cast %add3A_681 : i32 to index
      %swap3A_683 = tpu.vector_load %arg8[%swap3A_682] {strides = array<i32>} : memref<16384xi32, #tpu.memory_space<vmem>>, vector<16xi32>,
      %swap3A_684 = vector.shape_cast %swap3A_683 : vector<16xi32> to vector<16xi32>
      %swap3A_685 = vector.shape_cast %add3A_677 : vector<16xi32> to vector<16xi32>
      tpu.vector_store %arg8[%swap3A_682], %swap3A_685 {strides = array<i32>} : memref<16384xi32, #tpu.memory_space<vmem>>, vector<16xi32>,
      %add3A_686 = arith.constant 4.062500e-01 : f32
      %add3A_687 = vector.broadcast %add3A_686 : f32 to vector<16xf32>
      %add3A_688 = arith.addf %mul3A_175, %add3A_687 : vector<16xf32>
      %convert_element_type3A_689 = arith.fptosi %add3A_688 : vector<16xf32> to vector<16xi32>
      %min3A_690 = arith.constant 511 : i32
      %min3A_691 = vector.broadcast %min3A_690 : i32 to vector<16xi32>
      %min3A_692 = arith.minsi %convert_element_type3A_689, %min3A_691 : vector<16xi32>
      %add3A_693 = arith.constant 4.062500e-01 : f32
      %add3A_694 = vector.broadcast %add3A_693 : f32 to vector<16xf32>
      %add3A_695 = arith.addf %mul3A_183, %add3A_694 : vector<16xf32>
      %convert_element_type3A_696 = arith.fptosi %add3A_695 : vector<16xf32> to vector<16xi32>
      %min3A_697 = arith.constant 511 : i32
      %min3A_698 = vector.broadcast %min3A_697 : i32 to vector<16xi32>
      %min3A_699 = arith.minsi %convert_element_type3A_696, %min3A_698 : vector<16xi32>
      %mul3A_700 = arith.constant 512 : i32
      %mul3A_701 = vector.broadcast %mul3A_700 : i32 to vector<16xi32>
      %mul3A_702 = arith.muli %min3A_692, %mul3A_701 : vector<16xi32>
      %add3A_703 = arith.addi %mul3A_702, %min3A_699 : vector<16xi32>
      %shift_right_arithmetic3A_704 = arith.constant 7 : i32
      %shift_right_arithmetic3A_705 = vector.broadcast %shift_right_arithmetic3A_704 : i32 to vector<16xi32>
      %shift_right_arithmetic3A_706 = arith.shrsi %add3A_703, %shift_right_arithmetic3A_705 : vector<16xi32>
      %shift_left3A_707 = arith.constant 10 : i32
      %shift_left3A_708 = vector.broadcast %shift_left3A_707 : i32 to vector<16xi32>
      %shift_left3A_709 = arith.shli %shift_right_arithmetic3A_706, %shift_left3A_708 : vector<16xi32>
      %and3A_710 = arith.constant 127 : i32
      %and3A_711 = vector.broadcast %and3A_710 : i32 to vector<16xi32>
      %and3A_712 = arith.andi %add3A_703, %and3A_711 : vector<16xi32>
      %add3A_713 = arith.addi %shift_left3A_709, %and3A_712 : vector<16xi32>
      %add3A_714 = arith.constant 2097792 : i32
      %add3A_715 = vector.broadcast %add3A_714 : i32 to vector<16xi32>
      %add3A_716 = arith.addi %add3A_713, %add3A_715 : vector<16xi32>
      %mul3A_717 = arith.constant 16 : i32
      %mul3A_718 = arith.muli %scan3A_132, %mul3A_717 : i32
      %add3A_719 = arith.constant 3328 : i32
      %add3A_720 = arith.addi %add3A_719, %mul3A_718 : i32
      %swap3A_721 = arith.index_cast %add3A_720 : i32 to index
      %swap3A_722 = tpu.vector_load %arg8[%swap3A_721] {strides = array<i32>} : memref<16384xi32, #tpu.memory_space<vmem>>, vector<16xi32>,
      %swap3A_723 = vector.shape_cast %swap3A_722 : vector<16xi32> to vector<16xi32>
      %swap3A_724 = vector.shape_cast %add3A_716 : vector<16xi32> to vector<16xi32>
      tpu.vector_store %arg8[%swap3A_721], %swap3A_724 {strides = array<i32>} : memref<16384xi32, #tpu.memory_space<vmem>>, vector<16xi32>,
      %add3A_725 = arith.constant 4.375000e-01 : f32
      %add3A_726 = vector.broadcast %add3A_725 : f32 to vector<16xf32>
      %add3A_727 = arith.addf %mul3A_175, %add3A_726 : vector<16xf32>
      %convert_element_type3A_728 = arith.fptosi %add3A_727 : vector<16xf32> to vector<16xi32>
      %min3A_729 = arith.constant 511 : i32
      %min3A_730 = vector.broadcast %min3A_729 : i32 to vector<16xi32>
      %min3A_731 = arith.minsi %convert_element_type3A_728, %min3A_730 : vector<16xi32>
      %add3A_732 = arith.constant 4.375000e-01 : f32
      %add3A_733 = vector.broadcast %add3A_732 : f32 to vector<16xf32>
      %add3A_734 = arith.addf %mul3A_183, %add3A_733 : vector<16xf32>
      %convert_element_type3A_735 = arith.fptosi %add3A_734 : vector<16xf32> to vector<16xi32>
      %min3A_736 = arith.constant 511 : i32
      %min3A_737 = vector.broadcast %min3A_736 : i32 to vector<16xi32>
      %min3A_738 = arith.minsi %convert_element_type3A_735, %min3A_737 : vector<16xi32>
      %mul3A_739 = arith.constant 512 : i32
      %mul3A_740 = vector.broadcast %mul3A_739 : i32 to vector<16xi32>
      %mul3A_741 = arith.muli %min3A_731, %mul3A_740 : vector<16xi32>
      %add3A_742 = arith.addi %mul3A_741, %min3A_738 : vector<16xi32>
      %shift_right_arithmetic3A_743 = arith.constant 7 : i32
      %shift_right_arithmetic3A_744 = vector.broadcast %shift_right_arithmetic3A_743 : i32 to vector<16xi32>
      %shift_right_arithmetic3A_745 = arith.shrsi %add3A_742, %shift_right_arithmetic3A_744 : vector<16xi32>
      %shift_left3A_746 = arith.constant 10 : i32
      %shift_left3A_747 = vector.broadcast %shift_left3A_746 : i32 to vector<16xi32>
      %shift_left3A_748 = arith.shli %shift_right_arithmetic3A_745, %shift_left3A_747 : vector<16xi32>
      %and3A_749 = arith.constant 127 : i32
      %and3A_750 = vector.broadcast %and3A_749 : i32 to vector<16xi32>
      %and3A_751 = arith.andi %add3A_742, %and3A_750 : vector<16xi32>
      %add3A_752 = arith.addi %shift_left3A_748, %and3A_751 : vector<16xi32>
      %add3A_753 = arith.constant 2097920 : i32
      %add3A_754 = vector.broadcast %add3A_753 : i32 to vector<16xi32>
      %add3A_755 = arith.addi %add3A_752, %add3A_754 : vector<16xi32>
      %mul3A_756 = arith.constant 16 : i32
      %mul3A_757 = arith.muli %scan3A_132, %mul3A_756 : i32
      %add3A_758 = arith.constant 3584 : i32
      %add3A_759 = arith.addi %add3A_758, %mul3A_757 : i32
      %swap3A_760 = arith.index_cast %add3A_759 : i32 to index
      %swap3A_761 = tpu.vector_load %arg8[%swap3A_760] {strides = array<i32>} : memref<16384xi32, #tpu.memory_space<vmem>>, vector<16xi32>,
      %swap3A_762 = vector.shape_cast %swap3A_761 : vector<16xi32> to vector<16xi32>
      %swap3A_763 = vector.shape_cast %add3A_755 : vector<16xi32> to vector<16xi32>
      tpu.vector_store %arg8[%swap3A_760], %swap3A_763 {strides = array<i32>} : memref<16384xi32, #tpu.memory_space<vmem>>, vector<16xi32>,
      %add3A_764 = arith.constant 4.687500e-01 : f32
      %add3A_765 = vector.broadcast %add3A_764 : f32 to vector<16xf32>
      %add3A_766 = arith.addf %mul3A_175, %add3A_765 : vector<16xf32>
      %convert_element_type3A_767 = arith.fptosi %add3A_766 : vector<16xf32> to vector<16xi32>
      %min3A_768 = arith.constant 511 : i32
      %min3A_769 = vector.broadcast %min3A_768 : i32 to vector<16xi32>
      %min3A_770 = arith.minsi %convert_element_type3A_767, %min3A_769 : vector<16xi32>
      %add3A_771 = arith.constant 4.687500e-01 : f32
      %add3A_772 = vector.broadcast %add3A_771 : f32 to vector<16xf32>
      %add3A_773 = arith.addf %mul3A_183, %add3A_772 : vector<16xf32>
      %convert_element_type3A_774 = arith.fptosi %add3A_773 : vector<16xf32> to vector<16xi32>
      %min3A_775 = arith.constant 511 : i32
      %min3A_776 = vector.broadcast %min3A_775 : i32 to vector<16xi32>
      %min3A_777 = arith.minsi %convert_element_type3A_774, %min3A_776 : vector<16xi32>
      %mul3A_778 = arith.constant 512 : i32
      %mul3A_779 = vector.broadcast %mul3A_778 : i32 to vector<16xi32>
      %mul3A_780 = arith.muli %min3A_770, %mul3A_779 : vector<16xi32>
      %add3A_781 = arith.addi %mul3A_780, %min3A_777 : vector<16xi32>
      %shift_right_arithmetic3A_782 = arith.constant 7 : i32
      %shift_right_arithmetic3A_783 = vector.broadcast %shift_right_arithmetic3A_782 : i32 to vector<16xi32>
      %shift_right_arithmetic3A_784 = arith.shrsi %add3A_781, %shift_right_arithmetic3A_783 : vector<16xi32>
      %shift_left3A_785 = arith.constant 10 : i32
      %shift_left3A_786 = vector.broadcast %shift_left3A_785 : i32 to vector<16xi32>
      %shift_left3A_787 = arith.shli %shift_right_arithmetic3A_784, %shift_left3A_786 : vector<16xi32>
      %and3A_788 = arith.constant 127 : i32
      %and3A_789 = vector.broadcast %and3A_788 : i32 to vector<16xi32>
      %and3A_790 = arith.andi %add3A_781, %and3A_789 : vector<16xi32>
      %add3A_791 = arith.addi %shift_left3A_787, %and3A_790 : vector<16xi32>
      %add3A_792 = arith.constant 2098048 : i32
      %add3A_793 = vector.broadcast %add3A_792 : i32 to vector<16xi32>
      %add3A_794 = arith.addi %add3A_791, %add3A_793 : vector<16xi32>
      %mul3A_795 = arith.constant 16 : i32
      %mul3A_796 = arith.muli %scan3A_132, %mul3A_795 : i32
      %add3A_797 = arith.constant 3840 : i32
      %add3A_798 = arith.addi %add3A_797, %mul3A_796 : i32
      %swap3A_799 = arith.index_cast %add3A_798 : i32 to index
      %swap3A_800 = tpu.vector_load %arg8[%swap3A_799] {strides = array<i32>} : memref<16384xi32, #tpu.memory_space<vmem>>, vector<16xi32>,
      %swap3A_801 = vector.shape_cast %swap3A_800 : vector<16xi32> to vector<16xi32>
      %swap3A_802 = vector.shape_cast %add3A_794 : vector<16xi32> to vector<16xi32>
      tpu.vector_store %arg8[%swap3A_799], %swap3A_802 {strides = array<i32>} : memref<16384xi32, #tpu.memory_space<vmem>>, vector<16xi32>,
      %add3A_803 = arith.constant 5.000000e-01 : f32
      %add3A_804 = vector.broadcast %add3A_803 : f32 to vector<16xf32>
      %add3A_805 = arith.addf %mul3A_175, %add3A_804 : vector<16xf32>
      %convert_element_type3A_806 = arith.fptosi %add3A_805 : vector<16xf32> to vector<16xi32>
      %min3A_807 = arith.constant 511 : i32
      %min3A_808 = vector.broadcast %min3A_807 : i32 to vector<16xi32>
      %min3A_809 = arith.minsi %convert_element_type3A_806, %min3A_808 : vector<16xi32>
      %add3A_810 = arith.constant 5.000000e-01 : f32
      %add3A_811 = vector.broadcast %add3A_810 : f32 to vector<16xf32>
      %add3A_812 = arith.addf %mul3A_183, %add3A_811 : vector<16xf32>
      %convert_element_type3A_813 = arith.fptosi %add3A_812 : vector<16xf32> to vector<16xi32>
      %min3A_814 = arith.constant 511 : i32
      %min3A_815 = vector.broadcast %min3A_814 : i32 to vector<16xi32>
      %min3A_816 = arith.minsi %convert_element_type3A_813, %min3A_815 : vector<16xi32>
      %mul3A_817 = arith.constant 512 : i32
      %mul3A_818 = vector.broadcast %mul3A_817 : i32 to vector<16xi32>
      %mul3A_819 = arith.muli %min3A_809, %mul3A_818 : vector<16xi32>
      %add3A_820 = arith.addi %mul3A_819, %min3A_816 : vector<16xi32>
      %shift_right_arithmetic3A_821 = arith.constant 7 : i32
      %shift_right_arithmetic3A_822 = vector.broadcast %shift_right_arithmetic3A_821 : i32 to vector<16xi32>
      %shift_right_arithmetic3A_823 = arith.shrsi %add3A_820, %shift_right_arithmetic3A_822 : vector<16xi32>
      %shift_left3A_824 = arith.constant 10 : i32
      %shift_left3A_825 = vector.broadcast %shift_left3A_824 : i32 to vector<16xi32>
      %shift_left3A_826 = arith.shli %shift_right_arithmetic3A_823, %shift_left3A_825 : vector<16xi32>
      %and3A_827 = arith.constant 127 : i32
      %and3A_828 = vector.broadcast %and3A_827 : i32 to vector<16xi32>
      %and3A_829 = arith.andi %add3A_820, %and3A_828 : vector<16xi32>
      %add3A_830 = arith.addi %shift_left3A_826, %and3A_829 : vector<16xi32>
      %add3A_831 = arith.constant 4194304 : i32
      %add3A_832 = vector.broadcast %add3A_831 : i32 to vector<16xi32>
      %add3A_833 = arith.addi %add3A_830, %add3A_832 : vector<16xi32>
      %mul3A_834 = arith.constant 16 : i32
      %mul3A_835 = arith.muli %scan3A_132, %mul3A_834 : i32
      %add3A_836 = arith.constant 4096 : i32
      %add3A_837 = arith.addi %add3A_836, %mul3A_835 : i32
      %swap3A_838 = arith.index_cast %add3A_837 : i32 to index
      %swap3A_839 = tpu.vector_load %arg8[%swap3A_838] {strides = array<i32>} : memref<16384xi32, #tpu.memory_space<vmem>>, vector<16xi32>,
      %swap3A_840 = vector.shape_cast %swap3A_839 : vector<16xi32> to vector<16xi32>
      %swap3A_841 = vector.shape_cast %add3A_833 : vector<16xi32> to vector<16xi32>
      tpu.vector_store %arg8[%swap3A_838], %swap3A_841 {strides = array<i32>} : memref<16384xi32, #tpu.memory_space<vmem>>, vector<16xi32>,
      %add3A_842 = arith.constant 5.312500e-01 : f32
      %add3A_843 = vector.broadcast %add3A_842 : f32 to vector<16xf32>
      %add3A_844 = arith.addf %mul3A_175, %add3A_843 : vector<16xf32>
      %convert_element_type3A_845 = arith.fptosi %add3A_844 : vector<16xf32> to vector<16xi32>
      %min3A_846 = arith.constant 511 : i32
      %min3A_847 = vector.broadcast %min3A_846 : i32 to vector<16xi32>
      %min3A_848 = arith.minsi %convert_element_type3A_845, %min3A_847 : vector<16xi32>
      %add3A_849 = arith.constant 5.312500e-01 : f32
      %add3A_850 = vector.broadcast %add3A_849 : f32 to vector<16xf32>
      %add3A_851 = arith.addf %mul3A_183, %add3A_850 : vector<16xf32>
      %convert_element_type3A_852 = arith.fptosi %add3A_851 : vector<16xf32> to vector<16xi32>
      %min3A_853 = arith.constant 511 : i32
      %min3A_854 = vector.broadcast %min3A_853 : i32 to vector<16xi32>
      %min3A_855 = arith.minsi %convert_element_type3A_852, %min3A_854 : vector<16xi32>
      %mul3A_856 = arith.constant 512 : i32
      %mul3A_857 = vector.broadcast %mul3A_856 : i32 to vector<16xi32>
      %mul3A_858 = arith.muli %min3A_848, %mul3A_857 : vector<16xi32>
      %add3A_859 = arith.addi %mul3A_858, %min3A_855 : vector<16xi32>
      %shift_right_arithmetic3A_860 = arith.constant 7 : i32
      %shift_right_arithmetic3A_861 = vector.broadcast %shift_right_arithmetic3A_860 : i32 to vector<16xi32>
      %shift_right_arithmetic3A_862 = arith.shrsi %add3A_859, %shift_right_arithmetic3A_861 : vector<16xi32>
      %shift_left3A_863 = arith.constant 10 : i32
      %shift_left3A_864 = vector.broadcast %shift_left3A_863 : i32 to vector<16xi32>
      %shift_left3A_865 = arith.shli %shift_right_arithmetic3A_862, %shift_left3A_864 : vector<16xi32>
      %and3A_866 = arith.constant 127 : i32
      %and3A_867 = vector.broadcast %and3A_866 : i32 to vector<16xi32>
      %and3A_868 = arith.andi %add3A_859, %and3A_867 : vector<16xi32>
      %add3A_869 = arith.addi %shift_left3A_865, %and3A_868 : vector<16xi32>
      %add3A_870 = arith.constant 4194432 : i32
      %add3A_871 = vector.broadcast %add3A_870 : i32 to vector<16xi32>
      %add3A_872 = arith.addi %add3A_869, %add3A_871 : vector<16xi32>
      %mul3A_873 = arith.constant 16 : i32
      %mul3A_874 = arith.muli %scan3A_132, %mul3A_873 : i32
      %add3A_875 = arith.constant 4352 : i32
      %add3A_876 = arith.addi %add3A_875, %mul3A_874 : i32
      %swap3A_877 = arith.index_cast %add3A_876 : i32 to index
      %swap3A_878 = tpu.vector_load %arg8[%swap3A_877] {strides = array<i32>} : memref<16384xi32, #tpu.memory_space<vmem>>, vector<16xi32>,
      %swap3A_879 = vector.shape_cast %swap3A_878 : vector<16xi32> to vector<16xi32>
      %swap3A_880 = vector.shape_cast %add3A_872 : vector<16xi32> to vector<16xi32>
      tpu.vector_store %arg8[%swap3A_877], %swap3A_880 {strides = array<i32>} : memref<16384xi32, #tpu.memory_space<vmem>>, vector<16xi32>,
      %add3A_881 = arith.constant 5.625000e-01 : f32
      %add3A_882 = vector.broadcast %add3A_881 : f32 to vector<16xf32>
      %add3A_883 = arith.addf %mul3A_175, %add3A_882 : vector<16xf32>
      %convert_element_type3A_884 = arith.fptosi %add3A_883 : vector<16xf32> to vector<16xi32>
      %min3A_885 = arith.constant 511 : i32
      %min3A_886 = vector.broadcast %min3A_885 : i32 to vector<16xi32>
      %min3A_887 = arith.minsi %convert_element_type3A_884, %min3A_886 : vector<16xi32>
      %add3A_888 = arith.constant 5.625000e-01 : f32
      %add3A_889 = vector.broadcast %add3A_888 : f32 to vector<16xf32>
      %add3A_890 = arith.addf %mul3A_183, %add3A_889 : vector<16xf32>
      %convert_element_type3A_891 = arith.fptosi %add3A_890 : vector<16xf32> to vector<16xi32>
      %min3A_892 = arith.constant 511 : i32
      %min3A_893 = vector.broadcast %min3A_892 : i32 to vector<16xi32>
      %min3A_894 = arith.minsi %convert_element_type3A_891, %min3A_893 : vector<16xi32>
      %mul3A_895 = arith.constant 512 : i32
      %mul3A_896 = vector.broadcast %mul3A_895 : i32 to vector<16xi32>
      %mul3A_897 = arith.muli %min3A_887, %mul3A_896 : vector<16xi32>
      %add3A_898 = arith.addi %mul3A_897, %min3A_894 : vector<16xi32>
      %shift_right_arithmetic3A_899 = arith.constant 7 : i32
      %shift_right_arithmetic3A_900 = vector.broadcast %shift_right_arithmetic3A_899 : i32 to vector<16xi32>
      %shift_right_arithmetic3A_901 = arith.shrsi %add3A_898, %shift_right_arithmetic3A_900 : vector<16xi32>
      %shift_left3A_902 = arith.constant 10 : i32
      %shift_left3A_903 = vector.broadcast %shift_left3A_902 : i32 to vector<16xi32>
      %shift_left3A_904 = arith.shli %shift_right_arithmetic3A_901, %shift_left3A_903 : vector<16xi32>
      %and3A_905 = arith.constant 127 : i32
      %and3A_906 = vector.broadcast %and3A_905 : i32 to vector<16xi32>
      %and3A_907 = arith.andi %add3A_898, %and3A_906 : vector<16xi32>
      %add3A_908 = arith.addi %shift_left3A_904, %and3A_907 : vector<16xi32>
      %add3A_909 = arith.constant 4194560 : i32
      %add3A_910 = vector.broadcast %add3A_909 : i32 to vector<16xi32>
      %add3A_911 = arith.addi %add3A_908, %add3A_910 : vector<16xi32>
      %mul3A_912 = arith.constant 16 : i32
      %mul3A_913 = arith.muli %scan3A_132, %mul3A_912 : i32
      %add3A_914 = arith.constant 4608 : i32
      %add3A_915 = arith.addi %add3A_914, %mul3A_913 : i32
      %swap3A_916 = arith.index_cast %add3A_915 : i32 to index
      %swap3A_917 = tpu.vector_load %arg8[%swap3A_916] {strides = array<i32>} : memref<16384xi32, #tpu.memory_space<vmem>>, vector<16xi32>,
      %swap3A_918 = vector.shape_cast %swap3A_917 : vector<16xi32> to vector<16xi32>
      %swap3A_919 = vector.shape_cast %add3A_911 : vector<16xi32> to vector<16xi32>
      tpu.vector_store %arg8[%swap3A_916], %swap3A_919 {strides = array<i32>} : memref<16384xi32, #tpu.memory_space<vmem>>, vector<16xi32>,
      %add3A_920 = arith.constant 5.937500e-01 : f32
      %add3A_921 = vector.broadcast %add3A_920 : f32 to vector<16xf32>
      %add3A_922 = arith.addf %mul3A_175, %add3A_921 : vector<16xf32>
      %convert_element_type3A_923 = arith.fptosi %add3A_922 : vector<16xf32> to vector<16xi32>
      %min3A_924 = arith.constant 511 : i32
      %min3A_925 = vector.broadcast %min3A_924 : i32 to vector<16xi32>
      %min3A_926 = arith.minsi %convert_element_type3A_923, %min3A_925 : vector<16xi32>
      %add3A_927 = arith.constant 5.937500e-01 : f32
      %add3A_928 = vector.broadcast %add3A_927 : f32 to vector<16xf32>
      %add3A_929 = arith.addf %mul3A_183, %add3A_928 : vector<16xf32>
      %convert_element_type3A_930 = arith.fptosi %add3A_929 : vector<16xf32> to vector<16xi32>
      %min3A_931 = arith.constant 511 : i32
      %min3A_932 = vector.broadcast %min3A_931 : i32 to vector<16xi32>
      %min3A_933 = arith.minsi %convert_element_type3A_930, %min3A_932 : vector<16xi32>
      %mul3A_934 = arith.constant 512 : i32
      %mul3A_935 = vector.broadcast %mul3A_934 : i32 to vector<16xi32>
      %mul3A_936 = arith.muli %min3A_926, %mul3A_935 : vector<16xi32>
      %add3A_937 = arith.addi %mul3A_936, %min3A_933 : vector<16xi32>
      %shift_right_arithmetic3A_938 = arith.constant 7 : i32
      %shift_right_arithmetic3A_939 = vector.broadcast %shift_right_arithmetic3A_938 : i32 to vector<16xi32>
      %shift_right_arithmetic3A_940 = arith.shrsi %add3A_937, %shift_right_arithmetic3A_939 : vector<16xi32>
      %shift_left3A_941 = arith.constant 10 : i32
      %shift_left3A_942 = vector.broadcast %shift_left3A_941 : i32 to vector<16xi32>
      %shift_left3A_943 = arith.shli %shift_right_arithmetic3A_940, %shift_left3A_942 : vector<16xi32>
      %and3A_944 = arith.constant 127 : i32
      %and3A_945 = vector.broadcast %and3A_944 : i32 to vector<16xi32>
      %and3A_946 = arith.andi %add3A_937, %and3A_945 : vector<16xi32>
      %add3A_947 = arith.addi %shift_left3A_943, %and3A_946 : vector<16xi32>
      %add3A_948 = arith.constant 4194688 : i32
      %add3A_949 = vector.broadcast %add3A_948 : i32 to vector<16xi32>
      %add3A_950 = arith.addi %add3A_947, %add3A_949 : vector<16xi32>
      %mul3A_951 = arith.constant 16 : i32
      %mul3A_952 = arith.muli %scan3A_132, %mul3A_951 : i32
      %add3A_953 = arith.constant 4864 : i32
      %add3A_954 = arith.addi %add3A_953, %mul3A_952 : i32
      %swap3A_955 = arith.index_cast %add3A_954 : i32 to index
      %swap3A_956 = tpu.vector_load %arg8[%swap3A_955] {strides = array<i32>} : memref<16384xi32, #tpu.memory_space<vmem>>, vector<16xi32>,
      %swap3A_957 = vector.shape_cast %swap3A_956 : vector<16xi32> to vector<16xi32>
      %swap3A_958 = vector.shape_cast %add3A_950 : vector<16xi32> to vector<16xi32>
      tpu.vector_store %arg8[%swap3A_955], %swap3A_958 {strides = array<i32>} : memref<16384xi32, #tpu.memory_space<vmem>>, vector<16xi32>,
      %add3A_959 = arith.constant 6.250000e-01 : f32
      %add3A_960 = vector.broadcast %add3A_959 : f32 to vector<16xf32>
      %add3A_961 = arith.addf %mul3A_175, %add3A_960 : vector<16xf32>
      %convert_element_type3A_962 = arith.fptosi %add3A_961 : vector<16xf32> to vector<16xi32>
      %min3A_963 = arith.constant 511 : i32
      %min3A_964 = vector.broadcast %min3A_963 : i32 to vector<16xi32>
      %min3A_965 = arith.minsi %convert_element_type3A_962, %min3A_964 : vector<16xi32>
      %add3A_966 = arith.constant 6.250000e-01 : f32
      %add3A_967 = vector.broadcast %add3A_966 : f32 to vector<16xf32>
      %add3A_968 = arith.addf %mul3A_183, %add3A_967 : vector<16xf32>
      %convert_element_type3A_969 = arith.fptosi %add3A_968 : vector<16xf32> to vector<16xi32>
      %min3A_970 = arith.constant 511 : i32
      %min3A_971 = vector.broadcast %min3A_970 : i32 to vector<16xi32>
      %min3A_972 = arith.minsi %convert_element_type3A_969, %min3A_971 : vector<16xi32>
      %mul3A_973 = arith.constant 512 : i32
      %mul3A_974 = vector.broadcast %mul3A_973 : i32 to vector<16xi32>
      %mul3A_975 = arith.muli %min3A_965, %mul3A_974 : vector<16xi32>
      %add3A_976 = arith.addi %mul3A_975, %min3A_972 : vector<16xi32>
      %shift_right_arithmetic3A_977 = arith.constant 7 : i32
      %shift_right_arithmetic3A_978 = vector.broadcast %shift_right_arithmetic3A_977 : i32 to vector<16xi32>
      %shift_right_arithmetic3A_979 = arith.shrsi %add3A_976, %shift_right_arithmetic3A_978 : vector<16xi32>
      %shift_left3A_980 = arith.constant 10 : i32
      %shift_left3A_981 = vector.broadcast %shift_left3A_980 : i32 to vector<16xi32>
      %shift_left3A_982 = arith.shli %shift_right_arithmetic3A_979, %shift_left3A_981 : vector<16xi32>
      %and3A_983 = arith.constant 127 : i32
      %and3A_984 = vector.broadcast %and3A_983 : i32 to vector<16xi32>
      %and3A_985 = arith.andi %add3A_976, %and3A_984 : vector<16xi32>
      %add3A_986 = arith.addi %shift_left3A_982, %and3A_985 : vector<16xi32>
      %add3A_987 = arith.constant 4194816 : i32
      %add3A_988 = vector.broadcast %add3A_987 : i32 to vector<16xi32>
      %add3A_989 = arith.addi %add3A_986, %add3A_988 : vector<16xi32>
      %mul3A_990 = arith.constant 16 : i32
      %mul3A_991 = arith.muli %scan3A_132, %mul3A_990 : i32
      %add3A_992 = arith.constant 5120 : i32
      %add3A_993 = arith.addi %add3A_992, %mul3A_991 : i32
      %swap3A_994 = arith.index_cast %add3A_993 : i32 to index
      %swap3A_995 = tpu.vector_load %arg8[%swap3A_994] {strides = array<i32>} : memref<16384xi32, #tpu.memory_space<vmem>>, vector<16xi32>,
      %swap3A_996 = vector.shape_cast %swap3A_995 : vector<16xi32> to vector<16xi32>
      %swap3A_997 = vector.shape_cast %add3A_989 : vector<16xi32> to vector<16xi32>
      tpu.vector_store %arg8[%swap3A_994], %swap3A_997 {strides = array<i32>} : memref<16384xi32, #tpu.memory_space<vmem>>, vector<16xi32>,
      %add3A_998 = arith.constant 6.562500e-01 : f32
      %add3A_999 = vector.broadcast %add3A_998 : f32 to vector<16xf32>
      %add3A_1000 = arith.addf %mul3A_175, %add3A_999 : vector<16xf32>
      %convert_element_type3A_1001 = arith.fptosi %add3A_1000 : vector<16xf32> to vector<16xi32>
      %min3A_1002 = arith.constant 511 : i32
      %min3A_1003 = vector.broadcast %min3A_1002 : i32 to vector<16xi32>
      %min3A_1004 = arith.minsi %convert_element_type3A_1001, %min3A_1003 : vector<16xi32>
      %add3A_1005 = arith.constant 6.562500e-01 : f32
      %add3A_1006 = vector.broadcast %add3A_1005 : f32 to vector<16xf32>
      %add3A_1007 = arith.addf %mul3A_183, %add3A_1006 : vector<16xf32>
      %convert_element_type3A_1008 = arith.fptosi %add3A_1007 : vector<16xf32> to vector<16xi32>
      %min3A_1009 = arith.constant 511 : i32
      %min3A_1010 = vector.broadcast %min3A_1009 : i32 to vector<16xi32>
      %min3A_1011 = arith.minsi %convert_element_type3A_1008, %min3A_1010 : vector<16xi32>
      %mul3A_1012 = arith.constant 512 : i32
      %mul3A_1013 = vector.broadcast %mul3A_1012 : i32 to vector<16xi32>
      %mul3A_1014 = arith.muli %min3A_1004, %mul3A_1013 : vector<16xi32>
      %add3A_1015 = arith.addi %mul3A_1014, %min3A_1011 : vector<16xi32>
      %shift_right_arithmetic3A_1016 = arith.constant 7 : i32
      %shift_right_arithmetic3A_1017 = vector.broadcast %shift_right_arithmetic3A_1016 : i32 to vector<16xi32>
      %shift_right_arithmetic3A_1018 = arith.shrsi %add3A_1015, %shift_right_arithmetic3A_1017 : vector<16xi32>
      %shift_left3A_1019 = arith.constant 10 : i32
      %shift_left3A_1020 = vector.broadcast %shift_left3A_1019 : i32 to vector<16xi32>
      %shift_left3A_1021 = arith.shli %shift_right_arithmetic3A_1018, %shift_left3A_1020 : vector<16xi32>
      %and3A_1022 = arith.constant 127 : i32
      %and3A_1023 = vector.broadcast %and3A_1022 : i32 to vector<16xi32>
      %and3A_1024 = arith.andi %add3A_1015, %and3A_1023 : vector<16xi32>
      %add3A_1025 = arith.addi %shift_left3A_1021, %and3A_1024 : vector<16xi32>
      %add3A_1026 = arith.constant 4194944 : i32
      %add3A_1027 = vector.broadcast %add3A_1026 : i32 to vector<16xi32>
      %add3A_1028 = arith.addi %add3A_1025, %add3A_1027 : vector<16xi32>
      %mul3A_1029 = arith.constant 16 : i32
      %mul3A_1030 = arith.muli %scan3A_132, %mul3A_1029 : i32
      %add3A_1031 = arith.constant 5376 : i32
      %add3A_1032 = arith.addi %add3A_1031, %mul3A_1030 : i32
      %swap3A_1033 = arith.index_cast %add3A_1032 : i32 to index
      %swap3A_1034 = tpu.vector_load %arg8[%swap3A_1033] {strides = array<i32>} : memref<16384xi32, #tpu.memory_space<vmem>>, vector<16xi32>,
      %swap3A_1035 = vector.shape_cast %swap3A_1034 : vector<16xi32> to vector<16xi32>
      %swap3A_1036 = vector.shape_cast %add3A_1028 : vector<16xi32> to vector<16xi32>
      tpu.vector_store %arg8[%swap3A_1033], %swap3A_1036 {strides = array<i32>} : memref<16384xi32, #tpu.memory_space<vmem>>, vector<16xi32>,
      %add3A_1037 = arith.constant 6.875000e-01 : f32
      %add3A_1038 = vector.broadcast %add3A_1037 : f32 to vector<16xf32>
      %add3A_1039 = arith.addf %mul3A_175, %add3A_1038 : vector<16xf32>
      %convert_element_type3A_1040 = arith.fptosi %add3A_1039 : vector<16xf32> to vector<16xi32>
      %min3A_1041 = arith.constant 511 : i32
      %min3A_1042 = vector.broadcast %min3A_1041 : i32 to vector<16xi32>
      %min3A_1043 = arith.minsi %convert_element_type3A_1040, %min3A_1042 : vector<16xi32>
      %add3A_1044 = arith.constant 6.875000e-01 : f32
      %add3A_1045 = vector.broadcast %add3A_1044 : f32 to vector<16xf32>
      %add3A_1046 = arith.addf %mul3A_183, %add3A_1045 : vector<16xf32>
      %convert_element_type3A_1047 = arith.fptosi %add3A_1046 : vector<16xf32> to vector<16xi32>
      %min3A_1048 = arith.constant 511 : i32
      %min3A_1049 = vector.broadcast %min3A_1048 : i32 to vector<16xi32>
      %min3A_1050 = arith.minsi %convert_element_type3A_1047, %min3A_1049 : vector<16xi32>
      %mul3A_1051 = arith.constant 512 : i32
      %mul3A_1052 = vector.broadcast %mul3A_1051 : i32 to vector<16xi32>
      %mul3A_1053 = arith.muli %min3A_1043, %mul3A_1052 : vector<16xi32>
      %add3A_1054 = arith.addi %mul3A_1053, %min3A_1050 : vector<16xi32>
      %shift_right_arithmetic3A_1055 = arith.constant 7 : i32
      %shift_right_arithmetic3A_1056 = vector.broadcast %shift_right_arithmetic3A_1055 : i32 to vector<16xi32>
      %shift_right_arithmetic3A_1057 = arith.shrsi %add3A_1054, %shift_right_arithmetic3A_1056 : vector<16xi32>
      %shift_left3A_1058 = arith.constant 10 : i32
      %shift_left3A_1059 = vector.broadcast %shift_left3A_1058 : i32 to vector<16xi32>
      %shift_left3A_1060 = arith.shli %shift_right_arithmetic3A_1057, %shift_left3A_1059 : vector<16xi32>
      %and3A_1061 = arith.constant 127 : i32
      %and3A_1062 = vector.broadcast %and3A_1061 : i32 to vector<16xi32>
      %and3A_1063 = arith.andi %add3A_1054, %and3A_1062 : vector<16xi32>
      %add3A_1064 = arith.addi %shift_left3A_1060, %and3A_1063 : vector<16xi32>
      %add3A_1065 = arith.constant 4195072 : i32
      %add3A_1066 = vector.broadcast %add3A_1065 : i32 to vector<16xi32>
      %add3A_1067 = arith.addi %add3A_1064, %add3A_1066 : vector<16xi32>
      %mul3A_1068 = arith.constant 16 : i32
      %mul3A_1069 = arith.muli %scan3A_132, %mul3A_1068 : i32
      %add3A_1070 = arith.constant 5632 : i32
      %add3A_1071 = arith.addi %add3A_1070, %mul3A_1069 : i32
      %swap3A_1072 = arith.index_cast %add3A_1071 : i32 to index
      %swap3A_1073 = tpu.vector_load %arg8[%swap3A_1072] {strides = array<i32>} : memref<16384xi32, #tpu.memory_space<vmem>>, vector<16xi32>,
      %swap3A_1074 = vector.shape_cast %swap3A_1073 : vector<16xi32> to vector<16xi32>
      %swap3A_1075 = vector.shape_cast %add3A_1067 : vector<16xi32> to vector<16xi32>
      tpu.vector_store %arg8[%swap3A_1072], %swap3A_1075 {strides = array<i32>} : memref<16384xi32, #tpu.memory_space<vmem>>, vector<16xi32>,
      %add3A_1076 = arith.constant 7.187500e-01 : f32
      %add3A_1077 = vector.broadcast %add3A_1076 : f32 to vector<16xf32>
      %add3A_1078 = arith.addf %mul3A_175, %add3A_1077 : vector<16xf32>
      %convert_element_type3A_1079 = arith.fptosi %add3A_1078 : vector<16xf32> to vector<16xi32>
      %min3A_1080 = arith.constant 511 : i32
      %min3A_1081 = vector.broadcast %min3A_1080 : i32 to vector<16xi32>
      %min3A_1082 = arith.minsi %convert_element_type3A_1079, %min3A_1081 : vector<16xi32>
      %add3A_1083 = arith.constant 7.187500e-01 : f32
      %add3A_1084 = vector.broadcast %add3A_1083 : f32 to vector<16xf32>
      %add3A_1085 = arith.addf %mul3A_183, %add3A_1084 : vector<16xf32>
      %convert_element_type3A_1086 = arith.fptosi %add3A_1085 : vector<16xf32> to vector<16xi32>
      %min3A_1087 = arith.constant 511 : i32
      %min3A_1088 = vector.broadcast %min3A_1087 : i32 to vector<16xi32>
      %min3A_1089 = arith.minsi %convert_element_type3A_1086, %min3A_1088 : vector<16xi32>
      %mul3A_1090 = arith.constant 512 : i32
      %mul3A_1091 = vector.broadcast %mul3A_1090 : i32 to vector<16xi32>
      %mul3A_1092 = arith.muli %min3A_1082, %mul3A_1091 : vector<16xi32>
      %add3A_1093 = arith.addi %mul3A_1092, %min3A_1089 : vector<16xi32>
      %shift_right_arithmetic3A_1094 = arith.constant 7 : i32
      %shift_right_arithmetic3A_1095 = vector.broadcast %shift_right_arithmetic3A_1094 : i32 to vector<16xi32>
      %shift_right_arithmetic3A_1096 = arith.shrsi %add3A_1093, %shift_right_arithmetic3A_1095 : vector<16xi32>
      %shift_left3A_1097 = arith.constant 10 : i32
      %shift_left3A_1098 = vector.broadcast %shift_left3A_1097 : i32 to vector<16xi32>
      %shift_left3A_1099 = arith.shli %shift_right_arithmetic3A_1096, %shift_left3A_1098 : vector<16xi32>
      %and3A_1100 = arith.constant 127 : i32
      %and3A_1101 = vector.broadcast %and3A_1100 : i32 to vector<16xi32>
      %and3A_1102 = arith.andi %add3A_1093, %and3A_1101 : vector<16xi32>
      %add3A_1103 = arith.addi %shift_left3A_1099, %and3A_1102 : vector<16xi32>
      %add3A_1104 = arith.constant 4195200 : i32
      %add3A_1105 = vector.broadcast %add3A_1104 : i32 to vector<16xi32>
      %add3A_1106 = arith.addi %add3A_1103, %add3A_1105 : vector<16xi32>
      %mul3A_1107 = arith.constant 16 : i32
      %mul3A_1108 = arith.muli %scan3A_132, %mul3A_1107 : i32
      %add3A_1109 = arith.constant 5888 : i32
      %add3A_1110 = arith.addi %add3A_1109, %mul3A_1108 : i32
      %swap3A_1111 = arith.index_cast %add3A_1110 : i32 to index
      %swap3A_1112 = tpu.vector_load %arg8[%swap3A_1111] {strides = array<i32>} : memref<16384xi32, #tpu.memory_space<vmem>>, vector<16xi32>,
      %swap3A_1113 = vector.shape_cast %swap3A_1112 : vector<16xi32> to vector<16xi32>
      %swap3A_1114 = vector.shape_cast %add3A_1106 : vector<16xi32> to vector<16xi32>
      tpu.vector_store %arg8[%swap3A_1111], %swap3A_1114 {strides = array<i32>} : memref<16384xi32, #tpu.memory_space<vmem>>, vector<16xi32>,
      %add3A_1115 = arith.constant 7.500000e-01 : f32
      %add3A_1116 = vector.broadcast %add3A_1115 : f32 to vector<16xf32>
      %add3A_1117 = arith.addf %mul3A_175, %add3A_1116 : vector<16xf32>
      %convert_element_type3A_1118 = arith.fptosi %add3A_1117 : vector<16xf32> to vector<16xi32>
      %min3A_1119 = arith.constant 511 : i32
      %min3A_1120 = vector.broadcast %min3A_1119 : i32 to vector<16xi32>
      %min3A_1121 = arith.minsi %convert_element_type3A_1118, %min3A_1120 : vector<16xi32>
      %add3A_1122 = arith.constant 7.500000e-01 : f32
      %add3A_1123 = vector.broadcast %add3A_1122 : f32 to vector<16xf32>
      %add3A_1124 = arith.addf %mul3A_183, %add3A_1123 : vector<16xf32>
      %convert_element_type3A_1125 = arith.fptosi %add3A_1124 : vector<16xf32> to vector<16xi32>
      %min3A_1126 = arith.constant 511 : i32
      %min3A_1127 = vector.broadcast %min3A_1126 : i32 to vector<16xi32>
      %min3A_1128 = arith.minsi %convert_element_type3A_1125, %min3A_1127 : vector<16xi32>
      %mul3A_1129 = arith.constant 512 : i32
      %mul3A_1130 = vector.broadcast %mul3A_1129 : i32 to vector<16xi32>
      %mul3A_1131 = arith.muli %min3A_1121, %mul3A_1130 : vector<16xi32>
      %add3A_1132 = arith.addi %mul3A_1131, %min3A_1128 : vector<16xi32>
      %shift_right_arithmetic3A_1133 = arith.constant 7 : i32
      %shift_right_arithmetic3A_1134 = vector.broadcast %shift_right_arithmetic3A_1133 : i32 to vector<16xi32>
      %shift_right_arithmetic3A_1135 = arith.shrsi %add3A_1132, %shift_right_arithmetic3A_1134 : vector<16xi32>
      %shift_left3A_1136 = arith.constant 10 : i32
      %shift_left3A_1137 = vector.broadcast %shift_left3A_1136 : i32 to vector<16xi32>
      %shift_left3A_1138 = arith.shli %shift_right_arithmetic3A_1135, %shift_left3A_1137 : vector<16xi32>
      %and3A_1139 = arith.constant 127 : i32
      %and3A_1140 = vector.broadcast %and3A_1139 : i32 to vector<16xi32>
      %and3A_1141 = arith.andi %add3A_1132, %and3A_1140 : vector<16xi32>
      %add3A_1142 = arith.addi %shift_left3A_1138, %and3A_1141 : vector<16xi32>
      %add3A_1143 = arith.constant 6291456 : i32
      %add3A_1144 = vector.broadcast %add3A_1143 : i32 to vector<16xi32>
      %add3A_1145 = arith.addi %add3A_1142, %add3A_1144 : vector<16xi32>
      %mul3A_1146 = arith.constant 16 : i32
      %mul3A_1147 = arith.muli %scan3A_132, %mul3A_1146 : i32
      %add3A_1148 = arith.constant 6144 : i32
      %add3A_1149 = arith.addi %add3A_1148, %mul3A_1147 : i32
      %swap3A_1150 = arith.index_cast %add3A_1149 : i32 to index
      %swap3A_1151 = tpu.vector_load %arg8[%swap3A_1150] {strides = array<i32>} : memref<16384xi32, #tpu.memory_space<vmem>>, vector<16xi32>,
      %swap3A_1152 = vector.shape_cast %swap3A_1151 : vector<16xi32> to vector<16xi32>
      %swap3A_1153 = vector.shape_cast %add3A_1145 : vector<16xi32> to vector<16xi32>
      tpu.vector_store %arg8[%swap3A_1150], %swap3A_1153 {strides = array<i32>} : memref<16384xi32, #tpu.memory_space<vmem>>, vector<16xi32>,
      %add3A_1154 = arith.constant 7.812500e-01 : f32
      %add3A_1155 = vector.broadcast %add3A_1154 : f32 to vector<16xf32>
      %add3A_1156 = arith.addf %mul3A_175, %add3A_1155 : vector<16xf32>
      %convert_element_type3A_1157 = arith.fptosi %add3A_1156 : vector<16xf32> to vector<16xi32>
      %min3A_1158 = arith.constant 511 : i32
      %min3A_1159 = vector.broadcast %min3A_1158 : i32 to vector<16xi32>
      %min3A_1160 = arith.minsi %convert_element_type3A_1157, %min3A_1159 : vector<16xi32>
      %add3A_1161 = arith.constant 7.812500e-01 : f32
      %add3A_1162 = vector.broadcast %add3A_1161 : f32 to vector<16xf32>
      %add3A_1163 = arith.addf %mul3A_183, %add3A_1162 : vector<16xf32>
      %convert_element_type3A_1164 = arith.fptosi %add3A_1163 : vector<16xf32> to vector<16xi32>
      %min3A_1165 = arith.constant 511 : i32
      %min3A_1166 = vector.broadcast %min3A_1165 : i32 to vector<16xi32>
      %min3A_1167 = arith.minsi %convert_element_type3A_1164, %min3A_1166 : vector<16xi32>
      %mul3A_1168 = arith.constant 512 : i32
      %mul3A_1169 = vector.broadcast %mul3A_1168 : i32 to vector<16xi32>
      %mul3A_1170 = arith.muli %min3A_1160, %mul3A_1169 : vector<16xi32>
      %add3A_1171 = arith.addi %mul3A_1170, %min3A_1167 : vector<16xi32>
      %shift_right_arithmetic3A_1172 = arith.constant 7 : i32
      %shift_right_arithmetic3A_1173 = vector.broadcast %shift_right_arithmetic3A_1172 : i32 to vector<16xi32>
      %shift_right_arithmetic3A_1174 = arith.shrsi %add3A_1171, %shift_right_arithmetic3A_1173 : vector<16xi32>
      %shift_left3A_1175 = arith.constant 10 : i32
      %shift_left3A_1176 = vector.broadcast %shift_left3A_1175 : i32 to vector<16xi32>
      %shift_left3A_1177 = arith.shli %shift_right_arithmetic3A_1174, %shift_left3A_1176 : vector<16xi32>
      %and3A_1178 = arith.constant 127 : i32
      %and3A_1179 = vector.broadcast %and3A_1178 : i32 to vector<16xi32>
      %and3A_1180 = arith.andi %add3A_1171, %and3A_1179 : vector<16xi32>
      %add3A_1181 = arith.addi %shift_left3A_1177, %and3A_1180 : vector<16xi32>
      %add3A_1182 = arith.constant 6291584 : i32
      %add3A_1183 = vector.broadcast %add3A_1182 : i32 to vector<16xi32>
      %add3A_1184 = arith.addi %add3A_1181, %add3A_1183 : vector<16xi32>
      %mul3A_1185 = arith.constant 16 : i32
      %mul3A_1186 = arith.muli %scan3A_132, %mul3A_1185 : i32
      %add3A_1187 = arith.constant 6400 : i32
      %add3A_1188 = arith.addi %add3A_1187, %mul3A_1186 : i32
      %swap3A_1189 = arith.index_cast %add3A_1188 : i32 to index
      %swap3A_1190 = tpu.vector_load %arg8[%swap3A_1189] {strides = array<i32>} : memref<16384xi32, #tpu.memory_space<vmem>>, vector<16xi32>,
      %swap3A_1191 = vector.shape_cast %swap3A_1190 : vector<16xi32> to vector<16xi32>
      %swap3A_1192 = vector.shape_cast %add3A_1184 : vector<16xi32> to vector<16xi32>
      tpu.vector_store %arg8[%swap3A_1189], %swap3A_1192 {strides = array<i32>} : memref<16384xi32, #tpu.memory_space<vmem>>, vector<16xi32>,
      %add3A_1193 = arith.constant 8.125000e-01 : f32
      %add3A_1194 = vector.broadcast %add3A_1193 : f32 to vector<16xf32>
      %add3A_1195 = arith.addf %mul3A_175, %add3A_1194 : vector<16xf32>
      %convert_element_type3A_1196 = arith.fptosi %add3A_1195 : vector<16xf32> to vector<16xi32>
      %min3A_1197 = arith.constant 511 : i32
      %min3A_1198 = vector.broadcast %min3A_1197 : i32 to vector<16xi32>
      %min3A_1199 = arith.minsi %convert_element_type3A_1196, %min3A_1198 : vector<16xi32>
      %add3A_1200 = arith.constant 8.125000e-01 : f32
      %add3A_1201 = vector.broadcast %add3A_1200 : f32 to vector<16xf32>
      %add3A_1202 = arith.addf %mul3A_183, %add3A_1201 : vector<16xf32>
      %convert_element_type3A_1203 = arith.fptosi %add3A_1202 : vector<16xf32> to vector<16xi32>
      %min3A_1204 = arith.constant 511 : i32
      %min3A_1205 = vector.broadcast %min3A_1204 : i32 to vector<16xi32>
      %min3A_1206 = arith.minsi %convert_element_type3A_1203, %min3A_1205 : vector<16xi32>
      %mul3A_1207 = arith.constant 512 : i32
      %mul3A_1208 = vector.broadcast %mul3A_1207 : i32 to vector<16xi32>
      %mul3A_1209 = arith.muli %min3A_1199, %mul3A_1208 : vector<16xi32>
      %add3A_1210 = arith.addi %mul3A_1209, %min3A_1206 : vector<16xi32>
      %shift_right_arithmetic3A_1211 = arith.constant 7 : i32
      %shift_right_arithmetic3A_1212 = vector.broadcast %shift_right_arithmetic3A_1211 : i32 to vector<16xi32>
      %shift_right_arithmetic3A_1213 = arith.shrsi %add3A_1210, %shift_right_arithmetic3A_1212 : vector<16xi32>
      %shift_left3A_1214 = arith.constant 10 : i32
      %shift_left3A_1215 = vector.broadcast %shift_left3A_1214 : i32 to vector<16xi32>
      %shift_left3A_1216 = arith.shli %shift_right_arithmetic3A_1213, %shift_left3A_1215 : vector<16xi32>
      %and3A_1217 = arith.constant 127 : i32
      %and3A_1218 = vector.broadcast %and3A_1217 : i32 to vector<16xi32>
      %and3A_1219 = arith.andi %add3A_1210, %and3A_1218 : vector<16xi32>
      %add3A_1220 = arith.addi %shift_left3A_1216, %and3A_1219 : vector<16xi32>
      %add3A_1221 = arith.constant 6291712 : i32
      %add3A_1222 = vector.broadcast %add3A_1221 : i32 to vector<16xi32>
      %add3A_1223 = arith.addi %add3A_1220, %add3A_1222 : vector<16xi32>
      %mul3A_1224 = arith.constant 16 : i32
      %mul3A_1225 = arith.muli %scan3A_132, %mul3A_1224 : i32
      %add3A_1226 = arith.constant 6656 : i32
      %add3A_1227 = arith.addi %add3A_1226, %mul3A_1225 : i32
      %swap3A_1228 = arith.index_cast %add3A_1227 : i32 to index
      %swap3A_1229 = tpu.vector_load %arg8[%swap3A_1228] {strides = array<i32>} : memref<16384xi32, #tpu.memory_space<vmem>>, vector<16xi32>,
      %swap3A_1230 = vector.shape_cast %swap3A_1229 : vector<16xi32> to vector<16xi32>
      %swap3A_1231 = vector.shape_cast %add3A_1223 : vector<16xi32> to vector<16xi32>
      tpu.vector_store %arg8[%swap3A_1228], %swap3A_1231 {strides = array<i32>} : memref<16384xi32, #tpu.memory_space<vmem>>, vector<16xi32>,
      %add3A_1232 = arith.constant 8.437500e-01 : f32
      %add3A_1233 = vector.broadcast %add3A_1232 : f32 to vector<16xf32>
      %add3A_1234 = arith.addf %mul3A_175, %add3A_1233 : vector<16xf32>
      %convert_element_type3A_1235 = arith.fptosi %add3A_1234 : vector<16xf32> to vector<16xi32>
      %min3A_1236 = arith.constant 511 : i32
      %min3A_1237 = vector.broadcast %min3A_1236 : i32 to vector<16xi32>
      %min3A_1238 = arith.minsi %convert_element_type3A_1235, %min3A_1237 : vector<16xi32>
      %add3A_1239 = arith.constant 8.437500e-01 : f32
      %add3A_1240 = vector.broadcast %add3A_1239 : f32 to vector<16xf32>
      %add3A_1241 = arith.addf %mul3A_183, %add3A_1240 : vector<16xf32>
      %convert_element_type3A_1242 = arith.fptosi %add3A_1241 : vector<16xf32> to vector<16xi32>
      %min3A_1243 = arith.constant 511 : i32
      %min3A_1244 = vector.broadcast %min3A_1243 : i32 to vector<16xi32>
      %min3A_1245 = arith.minsi %convert_element_type3A_1242, %min3A_1244 : vector<16xi32>
      %mul3A_1246 = arith.constant 512 : i32
      %mul3A_1247 = vector.broadcast %mul3A_1246 : i32 to vector<16xi32>
      %mul3A_1248 = arith.muli %min3A_1238, %mul3A_1247 : vector<16xi32>
      %add3A_1249 = arith.addi %mul3A_1248, %min3A_1245 : vector<16xi32>
      %shift_right_arithmetic3A_1250 = arith.constant 7 : i32
      %shift_right_arithmetic3A_1251 = vector.broadcast %shift_right_arithmetic3A_1250 : i32 to vector<16xi32>
      %shift_right_arithmetic3A_1252 = arith.shrsi %add3A_1249, %shift_right_arithmetic3A_1251 : vector<16xi32>
      %shift_left3A_1253 = arith.constant 10 : i32
      %shift_left3A_1254 = vector.broadcast %shift_left3A_1253 : i32 to vector<16xi32>
      %shift_left3A_1255 = arith.shli %shift_right_arithmetic3A_1252, %shift_left3A_1254 : vector<16xi32>
      %and3A_1256 = arith.constant 127 : i32
      %and3A_1257 = vector.broadcast %and3A_1256 : i32 to vector<16xi32>
      %and3A_1258 = arith.andi %add3A_1249, %and3A_1257 : vector<16xi32>
      %add3A_1259 = arith.addi %shift_left3A_1255, %and3A_1258 : vector<16xi32>
      %add3A_1260 = arith.constant 6291840 : i32
      %add3A_1261 = vector.broadcast %add3A_1260 : i32 to vector<16xi32>
      %add3A_1262 = arith.addi %add3A_1259, %add3A_1261 : vector<16xi32>
      %mul3A_1263 = arith.constant 16 : i32
      %mul3A_1264 = arith.muli %scan3A_132, %mul3A_1263 : i32
      %add3A_1265 = arith.constant 6912 : i32
      %add3A_1266 = arith.addi %add3A_1265, %mul3A_1264 : i32
      %swap3A_1267 = arith.index_cast %add3A_1266 : i32 to index
      %swap3A_1268 = tpu.vector_load %arg8[%swap3A_1267] {strides = array<i32>} : memref<16384xi32, #tpu.memory_space<vmem>>, vector<16xi32>,
      %swap3A_1269 = vector.shape_cast %swap3A_1268 : vector<16xi32> to vector<16xi32>
      %swap3A_1270 = vector.shape_cast %add3A_1262 : vector<16xi32> to vector<16xi32>
      tpu.vector_store %arg8[%swap3A_1267], %swap3A_1270 {strides = array<i32>} : memref<16384xi32, #tpu.memory_space<vmem>>, vector<16xi32>,
      %add3A_1271 = arith.constant 8.750000e-01 : f32
      %add3A_1272 = vector.broadcast %add3A_1271 : f32 to vector<16xf32>
      %add3A_1273 = arith.addf %mul3A_175, %add3A_1272 : vector<16xf32>
      %convert_element_type3A_1274 = arith.fptosi %add3A_1273 : vector<16xf32> to vector<16xi32>
      %min3A_1275 = arith.constant 511 : i32
      %min3A_1276 = vector.broadcast %min3A_1275 : i32 to vector<16xi32>
      %min3A_1277 = arith.minsi %convert_element_type3A_1274, %min3A_1276 : vector<16xi32>
      %add3A_1278 = arith.constant 8.750000e-01 : f32
      %add3A_1279 = vector.broadcast %add3A_1278 : f32 to vector<16xf32>
      %add3A_1280 = arith.addf %mul3A_183, %add3A_1279 : vector<16xf32>
      %convert_element_type3A_1281 = arith.fptosi %add3A_1280 : vector<16xf32> to vector<16xi32>
      %min3A_1282 = arith.constant 511 : i32
      %min3A_1283 = vector.broadcast %min3A_1282 : i32 to vector<16xi32>
      %min3A_1284 = arith.minsi %convert_element_type3A_1281, %min3A_1283 : vector<16xi32>
      %mul3A_1285 = arith.constant 512 : i32
      %mul3A_1286 = vector.broadcast %mul3A_1285 : i32 to vector<16xi32>
      %mul3A_1287 = arith.muli %min3A_1277, %mul3A_1286 : vector<16xi32>
      %add3A_1288 = arith.addi %mul3A_1287, %min3A_1284 : vector<16xi32>
      %shift_right_arithmetic3A_1289 = arith.constant 7 : i32
      %shift_right_arithmetic3A_1290 = vector.broadcast %shift_right_arithmetic3A_1289 : i32 to vector<16xi32>
      %shift_right_arithmetic3A_1291 = arith.shrsi %add3A_1288, %shift_right_arithmetic3A_1290 : vector<16xi32>
      %shift_left3A_1292 = arith.constant 10 : i32
      %shift_left3A_1293 = vector.broadcast %shift_left3A_1292 : i32 to vector<16xi32>
      %shift_left3A_1294 = arith.shli %shift_right_arithmetic3A_1291, %shift_left3A_1293 : vector<16xi32>
      %and3A_1295 = arith.constant 127 : i32
      %and3A_1296 = vector.broadcast %and3A_1295 : i32 to vector<16xi32>
      %and3A_1297 = arith.andi %add3A_1288, %and3A_1296 : vector<16xi32>
      %add3A_1298 = arith.addi %shift_left3A_1294, %and3A_1297 : vector<16xi32>
      %add3A_1299 = arith.constant 6291968 : i32
      %add3A_1300 = vector.broadcast %add3A_1299 : i32 to vector<16xi32>
      %add3A_1301 = arith.addi %add3A_1298, %add3A_1300 : vector<16xi32>
      %mul3A_1302 = arith.constant 16 : i32
      %mul3A_1303 = arith.muli %scan3A_132, %mul3A_1302 : i32
      %add3A_1304 = arith.constant 7168 : i32
      %add3A_1305 = arith.addi %add3A_1304, %mul3A_1303 : i32
      %swap3A_1306 = arith.index_cast %add3A_1305 : i32 to index
      %swap3A_1307 = tpu.vector_load %arg8[%swap3A_1306] {strides = array<i32>} : memref<16384xi32, #tpu.memory_space<vmem>>, vector<16xi32>,
      %swap3A_1308 = vector.shape_cast %swap3A_1307 : vector<16xi32> to vector<16xi32>
      %swap3A_1309 = vector.shape_cast %add3A_1301 : vector<16xi32> to vector<16xi32>
      tpu.vector_store %arg8[%swap3A_1306], %swap3A_1309 {strides = array<i32>} : memref<16384xi32, #tpu.memory_space<vmem>>, vector<16xi32>,
      %add3A_1310 = arith.constant 9.062500e-01 : f32
      %add3A_1311 = vector.broadcast %add3A_1310 : f32 to vector<16xf32>
      %add3A_1312 = arith.addf %mul3A_175, %add3A_1311 : vector<16xf32>
      %convert_element_type3A_1313 = arith.fptosi %add3A_1312 : vector<16xf32> to vector<16xi32>
      %min3A_1314 = arith.constant 511 : i32
      %min3A_1315 = vector.broadcast %min3A_1314 : i32 to vector<16xi32>
      %min3A_1316 = arith.minsi %convert_element_type3A_1313, %min3A_1315 : vector<16xi32>
      %add3A_1317 = arith.constant 9.062500e-01 : f32
      %add3A_1318 = vector.broadcast %add3A_1317 : f32 to vector<16xf32>
      %add3A_1319 = arith.addf %mul3A_183, %add3A_1318 : vector<16xf32>
      %convert_element_type3A_1320 = arith.fptosi %add3A_1319 : vector<16xf32> to vector<16xi32>
      %min3A_1321 = arith.constant 511 : i32
      %min3A_1322 = vector.broadcast %min3A_1321 : i32 to vector<16xi32>
      %min3A_1323 = arith.minsi %convert_element_type3A_1320, %min3A_1322 : vector<16xi32>
      %mul3A_1324 = arith.constant 512 : i32
      %mul3A_1325 = vector.broadcast %mul3A_1324 : i32 to vector<16xi32>
      %mul3A_1326 = arith.muli %min3A_1316, %mul3A_1325 : vector<16xi32>
      %add3A_1327 = arith.addi %mul3A_1326, %min3A_1323 : vector<16xi32>
      %shift_right_arithmetic3A_1328 = arith.constant 7 : i32
      %shift_right_arithmetic3A_1329 = vector.broadcast %shift_right_arithmetic3A_1328 : i32 to vector<16xi32>
      %shift_right_arithmetic3A_1330 = arith.shrsi %add3A_1327, %shift_right_arithmetic3A_1329 : vector<16xi32>
      %shift_left3A_1331 = arith.constant 10 : i32
      %shift_left3A_1332 = vector.broadcast %shift_left3A_1331 : i32 to vector<16xi32>
      %shift_left3A_1333 = arith.shli %shift_right_arithmetic3A_1330, %shift_left3A_1332 : vector<16xi32>
      %and3A_1334 = arith.constant 127 : i32
      %and3A_1335 = vector.broadcast %and3A_1334 : i32 to vector<16xi32>
      %and3A_1336 = arith.andi %add3A_1327, %and3A_1335 : vector<16xi32>
      %add3A_1337 = arith.addi %shift_left3A_1333, %and3A_1336 : vector<16xi32>
      %add3A_1338 = arith.constant 6292096 : i32
      %add3A_1339 = vector.broadcast %add3A_1338 : i32 to vector<16xi32>
      %add3A_1340 = arith.addi %add3A_1337, %add3A_1339 : vector<16xi32>
      %mul3A_1341 = arith.constant 16 : i32
      %mul3A_1342 = arith.muli %scan3A_132, %mul3A_1341 : i32
      %add3A_1343 = arith.constant 7424 : i32
      %add3A_1344 = arith.addi %add3A_1343, %mul3A_1342 : i32
      %swap3A_1345 = arith.index_cast %add3A_1344 : i32 to index
      %swap3A_1346 = tpu.vector_load %arg8[%swap3A_1345] {strides = array<i32>} : memref<16384xi32, #tpu.memory_space<vmem>>, vector<16xi32>,
      %swap3A_1347 = vector.shape_cast %swap3A_1346 : vector<16xi32> to vector<16xi32>
      %swap3A_1348 = vector.shape_cast %add3A_1340 : vector<16xi32> to vector<16xi32>
      tpu.vector_store %arg8[%swap3A_1345], %swap3A_1348 {strides = array<i32>} : memref<16384xi32, #tpu.memory_space<vmem>>, vector<16xi32>,
      %add3A_1349 = arith.constant 9.375000e-01 : f32
      %add3A_1350 = vector.broadcast %add3A_1349 : f32 to vector<16xf32>
      %add3A_1351 = arith.addf %mul3A_175, %add3A_1350 : vector<16xf32>
      %convert_element_type3A_1352 = arith.fptosi %add3A_1351 : vector<16xf32> to vector<16xi32>
      %min3A_1353 = arith.constant 511 : i32
      %min3A_1354 = vector.broadcast %min3A_1353 : i32 to vector<16xi32>
      %min3A_1355 = arith.minsi %convert_element_type3A_1352, %min3A_1354 : vector<16xi32>
      %add3A_1356 = arith.constant 9.375000e-01 : f32
      %add3A_1357 = vector.broadcast %add3A_1356 : f32 to vector<16xf32>
      %add3A_1358 = arith.addf %mul3A_183, %add3A_1357 : vector<16xf32>
      %convert_element_type3A_1359 = arith.fptosi %add3A_1358 : vector<16xf32> to vector<16xi32>
      %min3A_1360 = arith.constant 511 : i32
      %min3A_1361 = vector.broadcast %min3A_1360 : i32 to vector<16xi32>
      %min3A_1362 = arith.minsi %convert_element_type3A_1359, %min3A_1361 : vector<16xi32>
      %mul3A_1363 = arith.constant 512 : i32
      %mul3A_1364 = vector.broadcast %mul3A_1363 : i32 to vector<16xi32>
      %mul3A_1365 = arith.muli %min3A_1355, %mul3A_1364 : vector<16xi32>
      %add3A_1366 = arith.addi %mul3A_1365, %min3A_1362 : vector<16xi32>
      %shift_right_arithmetic3A_1367 = arith.constant 7 : i32
      %shift_right_arithmetic3A_1368 = vector.broadcast %shift_right_arithmetic3A_1367 : i32 to vector<16xi32>
      %shift_right_arithmetic3A_1369 = arith.shrsi %add3A_1366, %shift_right_arithmetic3A_1368 : vector<16xi32>
      %shift_left3A_1370 = arith.constant 10 : i32
      %shift_left3A_1371 = vector.broadcast %shift_left3A_1370 : i32 to vector<16xi32>
      %shift_left3A_1372 = arith.shli %shift_right_arithmetic3A_1369, %shift_left3A_1371 : vector<16xi32>
      %and3A_1373 = arith.constant 127 : i32
      %and3A_1374 = vector.broadcast %and3A_1373 : i32 to vector<16xi32>
      %and3A_1375 = arith.andi %add3A_1366, %and3A_1374 : vector<16xi32>
      %add3A_1376 = arith.addi %shift_left3A_1372, %and3A_1375 : vector<16xi32>
      %add3A_1377 = arith.constant 6292224 : i32
      %add3A_1378 = vector.broadcast %add3A_1377 : i32 to vector<16xi32>
      %add3A_1379 = arith.addi %add3A_1376, %add3A_1378 : vector<16xi32>
      %mul3A_1380 = arith.constant 16 : i32
      %mul3A_1381 = arith.muli %scan3A_132, %mul3A_1380 : i32
      %add3A_1382 = arith.constant 7680 : i32
      %add3A_1383 = arith.addi %add3A_1382, %mul3A_1381 : i32
      %swap3A_1384 = arith.index_cast %add3A_1383 : i32 to index
      %swap3A_1385 = tpu.vector_load %arg8[%swap3A_1384] {strides = array<i32>} : memref<16384xi32, #tpu.memory_space<vmem>>, vector<16xi32>,
      %swap3A_1386 = vector.shape_cast %swap3A_1385 : vector<16xi32> to vector<16xi32>
      %swap3A_1387 = vector.shape_cast %add3A_1379 : vector<16xi32> to vector<16xi32>
      tpu.vector_store %arg8[%swap3A_1384], %swap3A_1387 {strides = array<i32>} : memref<16384xi32, #tpu.memory_space<vmem>>, vector<16xi32>,
      %add3A_1388 = arith.constant 9.687500e-01 : f32
      %add3A_1389 = vector.broadcast %add3A_1388 : f32 to vector<16xf32>
      %add3A_1390 = arith.addf %mul3A_175, %add3A_1389 : vector<16xf32>
      %convert_element_type3A_1391 = arith.fptosi %add3A_1390 : vector<16xf32> to vector<16xi32>
      %min3A_1392 = arith.constant 511 : i32
      %min3A_1393 = vector.broadcast %min3A_1392 : i32 to vector<16xi32>
      %min3A_1394 = arith.minsi %convert_element_type3A_1391, %min3A_1393 : vector<16xi32>
      %add3A_1395 = arith.constant 9.687500e-01 : f32
      %add3A_1396 = vector.broadcast %add3A_1395 : f32 to vector<16xf32>
      %add3A_1397 = arith.addf %mul3A_183, %add3A_1396 : vector<16xf32>
      %convert_element_type3A_1398 = arith.fptosi %add3A_1397 : vector<16xf32> to vector<16xi32>
      %min3A_1399 = arith.constant 511 : i32
      %min3A_1400 = vector.broadcast %min3A_1399 : i32 to vector<16xi32>
      %min3A_1401 = arith.minsi %convert_element_type3A_1398, %min3A_1400 : vector<16xi32>
      %mul3A_1402 = arith.constant 512 : i32
      %mul3A_1403 = vector.broadcast %mul3A_1402 : i32 to vector<16xi32>
      %mul3A_1404 = arith.muli %min3A_1394, %mul3A_1403 : vector<16xi32>
      %add3A_1405 = arith.addi %mul3A_1404, %min3A_1401 : vector<16xi32>
      %shift_right_arithmetic3A_1406 = arith.constant 7 : i32
      %shift_right_arithmetic3A_1407 = vector.broadcast %shift_right_arithmetic3A_1406 : i32 to vector<16xi32>
      %shift_right_arithmetic3A_1408 = arith.shrsi %add3A_1405, %shift_right_arithmetic3A_1407 : vector<16xi32>
      %shift_left3A_1409 = arith.constant 10 : i32
      %shift_left3A_1410 = vector.broadcast %shift_left3A_1409 : i32 to vector<16xi32>
      %shift_left3A_1411 = arith.shli %shift_right_arithmetic3A_1408, %shift_left3A_1410 : vector<16xi32>
      %and3A_1412 = arith.constant 127 : i32
      %and3A_1413 = vector.broadcast %and3A_1412 : i32 to vector<16xi32>
      %and3A_1414 = arith.andi %add3A_1405, %and3A_1413 : vector<16xi32>
      %add3A_1415 = arith.addi %shift_left3A_1411, %and3A_1414 : vector<16xi32>
      %add3A_1416 = arith.constant 6292352 : i32
      %add3A_1417 = vector.broadcast %add3A_1416 : i32 to vector<16xi32>
      %add3A_1418 = arith.addi %add3A_1415, %add3A_1417 : vector<16xi32>
      %mul3A_1419 = arith.constant 16 : i32
      %mul3A_1420 = arith.muli %scan3A_132, %mul3A_1419 : i32
      %add3A_1421 = arith.constant 7936 : i32
      %add3A_1422 = arith.addi %add3A_1421, %mul3A_1420 : i32
      %swap3A_1423 = arith.index_cast %add3A_1422 : i32 to index
      %swap3A_1424 = tpu.vector_load %arg8[%swap3A_1423] {strides = array<i32>} : memref<16384xi32, #tpu.memory_space<vmem>>, vector<16xi32>,
      %swap3A_1425 = vector.shape_cast %swap3A_1424 : vector<16xi32> to vector<16xi32>
      %swap3A_1426 = vector.shape_cast %add3A_1418 : vector<16xi32> to vector<16xi32>
      tpu.vector_store %arg8[%swap3A_1423], %swap3A_1426 {strides = array<i32>} : memref<16384xi32, #tpu.memory_space<vmem>>, vector<16xi32>,
      %scan3A_1427 = arith.constant 0 : i32
      scf.yield %scan3A_1427 : i32
    }
    %scan3A_8 = arith.constant 16 : i32
    %dma_start3A = arith.constant 0 : i32
    %dma_start3A_9 = tpu.memref_slice %arg9[%dma_start3A] : memref<16384xf32, #tpu.memory_space<vmem>> -> memref<8192xf32, #tpu.memory_space<vmem>>
    %dma_start3A_10 = arith.constant 0 : i32
    %dma_start3A_11 = tpu.memref_slice %arg8[%dma_start3A_10] : memref<16384xi32, #tpu.memory_space<vmem>> -> memref<8192xi32, #tpu.memory_space<vmem>>
    %dma_start3A_12 = arith.constant 0 : i32
    %dma_start3A_13 = tpu.memref_slice %arg3[%dma_start3A_12] : memref<8388608xf32, #tpu.memory_space<hbm>> -> memref<8388608xf32, #tpu.memory_space<hbm>>
    tpu.enqueue_indirect_dma source(%dma_start3A_13 : memref<8388608xf32, #tpu.memory_space<hbm>>) target(%dma_start3A_9 : memref<8192xf32, #tpu.memory_space<vmem>>) offsets(%dma_start3A_11 : memref<8192xi32, #tpu.memory_space<vmem>>) semaphore(%arg13 : memref<!tpu.dma_semaphore, #tpu.memory_space<semaphore_mem>>)
    %dma_start3A_14 = arith.constant 0 : i32
    %dma_start3A_15 = tpu.memref_slice %arg10[%dma_start3A_14] : memref<16384xf32, #tpu.memory_space<vmem>> -> memref<8192xf32, #tpu.memory_space<vmem>>
    %dma_start3A_16 = arith.constant 0 : i32
    %dma_start3A_17 = tpu.memref_slice %arg8[%dma_start3A_16] : memref<16384xi32, #tpu.memory_space<vmem>> -> memref<8192xi32, #tpu.memory_space<vmem>>
    %dma_start3A_18 = arith.constant 0 : i32
    %dma_start3A_19 = tpu.memref_slice %arg4[%dma_start3A_18] : memref<8388608xf32, #tpu.memory_space<hbm>> -> memref<8388608xf32, #tpu.memory_space<hbm>>
    tpu.enqueue_indirect_dma source(%dma_start3A_19 : memref<8388608xf32, #tpu.memory_space<hbm>>) target(%dma_start3A_15 : memref<8192xf32, #tpu.memory_space<vmem>>) offsets(%dma_start3A_17 : memref<8192xi32, #tpu.memory_space<vmem>>) semaphore(%arg14 : memref<!tpu.dma_semaphore, #tpu.memory_space<semaphore_mem>>)
    %dma_start3A_20 = arith.constant 0 : i32
    %dma_start3A_21 = tpu.memref_slice %arg11[%dma_start3A_20] : memref<16384xf32, #tpu.memory_space<vmem>> -> memref<8192xf32, #tpu.memory_space<vmem>>
    %dma_start3A_22 = arith.constant 0 : i32
    %dma_start3A_23 = tpu.memref_slice %arg8[%dma_start3A_22] : memref<16384xi32, #tpu.memory_space<vmem>> -> memref<8192xi32, #tpu.memory_space<vmem>>
    %dma_start3A_24 = arith.constant 0 : i32
    %dma_start3A_25 = tpu.memref_slice %arg5[%dma_start3A_24] : memref<8388608xf32, #tpu.memory_space<hbm>> -> memref<8388608xf32, #tpu.memory_space<hbm>>
    tpu.enqueue_indirect_dma source(%dma_start3A_25 : memref<8388608xf32, #tpu.memory_space<hbm>>) target(%dma_start3A_21 : memref<8192xf32, #tpu.memory_space<vmem>>) offsets(%dma_start3A_23 : memref<8192xi32, #tpu.memory_space<vmem>>) semaphore(%arg15 : memref<!tpu.dma_semaphore, #tpu.memory_space<semaphore_mem>>)
    %scan3A_26 = arith.constant 0 : i32
    %scan3A_27 = arith.constant 0 : i32
    %scan3A_28 = arith.constant 16 : i32
    %scan3A_29 = arith.addi %scan3A_27, %scan3A_28 : i32
    %scan3A_30 = arith.constant 1 : i32
    %scan3A_31 = scf.for %scan3A_132 = %scan3A_27 to %scan3A_29 step %scan3A_30 iter_args(%scan3A_133 = %scan3A_26) -> (i32)  : i32 {
      %mul3A_134 = arith.constant 16 : i32
      %mul3A_135 = arith.muli %scan3A_132, %mul3A_134 : i32
      %add3A_136 = arith.constant 256 : i32
      %add3A_137 = arith.addi %add3A_136, %mul3A_135 : i32
      %jit3A = arith.constant 128 : i32
      %div3A = arith.divsi %add3A_137, %jit3A : i32
      %sign3A = arith.constant 0 : i32
      %sign3A_138 = arith.cmpi sgt, %add3A_137, %sign3A : i32
      %sign3A_139 = arith.extui %sign3A_138 : i1 to i32
      %sign3A_140 = arith.constant 0 : i32
      %sign3A_141 = arith.cmpi slt, %add3A_137, %sign3A_140 : i32
      %sign3A_142 = arith.extui %sign3A_141 : i1 to i32
      %sign3A_143 = arith.subi %sign3A_139, %sign3A_142 : i32
      %sign3A_144 = arith.constant 0 : i32
      %sign3A_145 = arith.cmpi sgt, %jit3A, %sign3A_144 : i32
      %sign3A_146 = arith.extui %sign3A_145 : i1 to i32
      %sign3A_147 = arith.constant 0 : i32
      %sign3A_148 = arith.cmpi slt, %jit3A, %sign3A_147 : i32
      %sign3A_149 = arith.extui %sign3A_148 : i1 to i32
      %sign3A_150 = arith.subi %sign3A_146, %sign3A_149 : i32
      %ne3A = arith.cmpi ne, %sign3A_143, %sign3A_150 : i32
      %rem3A = arith.remsi %add3A_137, %jit3A : i32
      %ne3A_151 = arith.constant 0 : i32
      %ne3A_152 = arith.cmpi ne, %rem3A, %ne3A_151 : i32
      %and3A = arith.andi %ne3A, %ne3A_152 : i1
      %sub3A = arith.constant 1 : i32
      %sub3A_153 = arith.subi %div3A, %sub3A : i32
      %select_n3A = arith.select %and3A, %sub3A_153, %div3A : i32
      %mul3A_154 = arith.constant 256 : i32
      %mul3A_155 = arith.muli %select_n3A, %mul3A_154 : i32
      %jit3A_156 = arith.constant 128 : i32
      %eq3A = arith.constant 0 : i32
      %eq3A_157 = arith.cmpi eq, %jit3A_156, %eq3A : i32
      %jit3A_158 = arith.constant 1 : i32
      %select_n3A_159 = arith.select %eq3A_157, %jit3A_158, %jit3A_156 : i32
      %rem3A_160 = arith.remsi %add3A_137, %select_n3A_159 : i32
      %ne3A_161 = arith.constant 0 : i32
      %ne3A_162 = arith.cmpi ne, %rem3A_160, %ne3A_161 : i32
      %lt3A = arith.constant 0 : i32
      %lt3A_163 = arith.cmpi slt, %rem3A_160, %lt3A : i32
      %lt3A_164 = arith.constant 0 : i32
      %lt3A_165 = arith.cmpi slt, %select_n3A_159, %lt3A_164 : i32
      %ne3A_166 = arith.xori %lt3A_163, %lt3A_165 : i1
      %and3A_167 = arith.andi %ne3A_166, %ne3A_162 : i1
      %add3A_168 = arith.addi %rem3A_160, %select_n3A_159 : i32
      %select_n3A_169 = arith.select %and3A_167, %add3A_168, %rem3A_160 : i32
      %add3A_170 = arith.addi %mul3A_155, %select_n3A_169 : i32
      %get3A = arith.index_cast %add3A_170 : i32 to index
      %get3A_171 = tpu.vector_load %arg7[%get3A] {strides = array<i32>} : memref<1024xf32, #tpu.memory_space<vmem>>, vector<16xf32>,
      %get3A_172 = vector.shape_cast %get3A_171 : vector<16xf32> to vector<16xf32>
      %mul3A_173 = arith.constant 5.120000e+02 : f32
      %mul3A_174 = vector.broadcast %mul3A_173 : f32 to vector<16xf32>
      %mul3A_175 = arith.mulf %get3A_172, %mul3A_174 : vector<16xf32>
      %add3A_176 = arith.constant 128 : i32
      %add3A_177 = arith.addi %add3A_170, %add3A_176 : i32
      %get3A_178 = arith.index_cast %add3A_177 : i32 to index
      %get3A_179 = tpu.vector_load %arg7[%get3A_178] {strides = array<i32>} : memref<1024xf32, #tpu.memory_space<vmem>>, vector<16xf32>,
      %get3A_180 = vector.shape_cast %get3A_179 : vector<16xf32> to vector<16xf32>
      %mul3A_181 = arith.constant 5.120000e+02 : f32
      %mul3A_182 = vector.broadcast %mul3A_181 : f32 to vector<16xf32>
      %mul3A_183 = arith.mulf %get3A_180, %mul3A_182 : vector<16xf32>
      %add3A_184 = arith.constant 0.000000e+00 : f32
      %add3A_185 = vector.broadcast %add3A_184 : f32 to vector<16xf32>
      %add3A_186 = arith.addf %mul3A_175, %add3A_185 : vector<16xf32>
      %convert_element_type3A = arith.fptosi %add3A_186 : vector<16xf32> to vector<16xi32>
      %min3A = arith.constant 511 : i32
      %min3A_187 = vector.broadcast %min3A : i32 to vector<16xi32>
      %min3A_188 = arith.minsi %convert_element_type3A, %min3A_187 : vector<16xi32>
      %add3A_189 = arith.constant 0.000000e+00 : f32
      %add3A_190 = vector.broadcast %add3A_189 : f32 to vector<16xf32>
      %add3A_191 = arith.addf %mul3A_183, %add3A_190 : vector<16xf32>
      %convert_element_type3A_192 = arith.fptosi %add3A_191 : vector<16xf32> to vector<16xi32>
      %min3A_193 = arith.constant 511 : i32
      %min3A_194 = vector.broadcast %min3A_193 : i32 to vector<16xi32>
      %min3A_195 = arith.minsi %convert_element_type3A_192, %min3A_194 : vector<16xi32>
      %mul3A_196 = arith.constant 512 : i32
      %mul3A_197 = vector.broadcast %mul3A_196 : i32 to vector<16xi32>
      %mul3A_198 = arith.muli %min3A_188, %mul3A_197 : vector<16xi32>
      %add3A_199 = arith.addi %mul3A_198, %min3A_195 : vector<16xi32>
      %shift_right_arithmetic3A = arith.constant 7 : i32
      %shift_right_arithmetic3A_200 = vector.broadcast %shift_right_arithmetic3A : i32 to vector<16xi32>
      %shift_right_arithmetic3A_201 = arith.shrsi %add3A_199, %shift_right_arithmetic3A_200 : vector<16xi32>
      %shift_left3A = arith.constant 10 : i32
      %shift_left3A_202 = vector.broadcast %shift_left3A : i32 to vector<16xi32>
      %shift_left3A_203 = arith.shli %shift_right_arithmetic3A_201, %shift_left3A_202 : vector<16xi32>
      %and3A_204 = arith.constant 127 : i32
      %and3A_205 = vector.broadcast %and3A_204 : i32 to vector<16xi32>
      %and3A_206 = arith.andi %add3A_199, %and3A_205 : vector<16xi32>
      %add3A_207 = arith.addi %shift_left3A_203, %and3A_206 : vector<16xi32>
      %add3A_208 = arith.constant 0 : i32
      %add3A_209 = vector.broadcast %add3A_208 : i32 to vector<16xi32>
      %add3A_210 = arith.addi %add3A_207, %add3A_209 : vector<16xi32>
      %mul3A_211 = arith.constant 16 : i32
      %mul3A_212 = arith.muli %scan3A_132, %mul3A_211 : i32
      %add3A_213 = arith.constant 8192 : i32
      %add3A_214 = arith.addi %add3A_213, %mul3A_212 : i32
      %swap3A = arith.index_cast %add3A_214 : i32 to index
      %swap3A_215 = tpu.vector_load %arg8[%swap3A] {strides = array<i32>} : memref<16384xi32, #tpu.memory_space<vmem>>, vector<16xi32>,
      %swap3A_216 = vector.shape_cast %swap3A_215 : vector<16xi32> to vector<16xi32>
      %swap3A_217 = vector.shape_cast %add3A_210 : vector<16xi32> to vector<16xi32>
      tpu.vector_store %arg8[%swap3A], %swap3A_217 {strides = array<i32>} : memref<16384xi32, #tpu.memory_space<vmem>>, vector<16xi32>,
      %add3A_218 = arith.constant 3.125000e-02 : f32
      %add3A_219 = vector.broadcast %add3A_218 : f32 to vector<16xf32>
      %add3A_220 = arith.addf %mul3A_175, %add3A_219 : vector<16xf32>
      %convert_element_type3A_221 = arith.fptosi %add3A_220 : vector<16xf32> to vector<16xi32>
      %min3A_222 = arith.constant 511 : i32
      %min3A_223 = vector.broadcast %min3A_222 : i32 to vector<16xi32>
      %min3A_224 = arith.minsi %convert_element_type3A_221, %min3A_223 : vector<16xi32>
      %add3A_225 = arith.constant 3.125000e-02 : f32
      %add3A_226 = vector.broadcast %add3A_225 : f32 to vector<16xf32>
      %add3A_227 = arith.addf %mul3A_183, %add3A_226 : vector<16xf32>
      %convert_element_type3A_228 = arith.fptosi %add3A_227 : vector<16xf32> to vector<16xi32>
      %min3A_229 = arith.constant 511 : i32
      %min3A_230 = vector.broadcast %min3A_229 : i32 to vector<16xi32>
      %min3A_231 = arith.minsi %convert_element_type3A_228, %min3A_230 : vector<16xi32>
      %mul3A_232 = arith.constant 512 : i32
      %mul3A_233 = vector.broadcast %mul3A_232 : i32 to vector<16xi32>
      %mul3A_234 = arith.muli %min3A_224, %mul3A_233 : vector<16xi32>
      %add3A_235 = arith.addi %mul3A_234, %min3A_231 : vector<16xi32>
      %shift_right_arithmetic3A_236 = arith.constant 7 : i32
      %shift_right_arithmetic3A_237 = vector.broadcast %shift_right_arithmetic3A_236 : i32 to vector<16xi32>
      %shift_right_arithmetic3A_238 = arith.shrsi %add3A_235, %shift_right_arithmetic3A_237 : vector<16xi32>
      %shift_left3A_239 = arith.constant 10 : i32
      %shift_left3A_240 = vector.broadcast %shift_left3A_239 : i32 to vector<16xi32>
      %shift_left3A_241 = arith.shli %shift_right_arithmetic3A_238, %shift_left3A_240 : vector<16xi32>
      %and3A_242 = arith.constant 127 : i32
      %and3A_243 = vector.broadcast %and3A_242 : i32 to vector<16xi32>
      %and3A_244 = arith.andi %add3A_235, %and3A_243 : vector<16xi32>
      %add3A_245 = arith.addi %shift_left3A_241, %and3A_244 : vector<16xi32>
      %add3A_246 = arith.constant 128 : i32
      %add3A_247 = vector.broadcast %add3A_246 : i32 to vector<16xi32>
      %add3A_248 = arith.addi %add3A_245, %add3A_247 : vector<16xi32>
      %mul3A_249 = arith.constant 16 : i32
      %mul3A_250 = arith.muli %scan3A_132, %mul3A_249 : i32
      %add3A_251 = arith.constant 8448 : i32
      %add3A_252 = arith.addi %add3A_251, %mul3A_250 : i32
      %swap3A_253 = arith.index_cast %add3A_252 : i32 to index
      %swap3A_254 = tpu.vector_load %arg8[%swap3A_253] {strides = array<i32>} : memref<16384xi32, #tpu.memory_space<vmem>>, vector<16xi32>,
      %swap3A_255 = vector.shape_cast %swap3A_254 : vector<16xi32> to vector<16xi32>
      %swap3A_256 = vector.shape_cast %add3A_248 : vector<16xi32> to vector<16xi32>
      tpu.vector_store %arg8[%swap3A_253], %swap3A_256 {strides = array<i32>} : memref<16384xi32, #tpu.memory_space<vmem>>, vector<16xi32>,
      %add3A_257 = arith.constant 6.250000e-02 : f32
      %add3A_258 = vector.broadcast %add3A_257 : f32 to vector<16xf32>
      %add3A_259 = arith.addf %mul3A_175, %add3A_258 : vector<16xf32>
      %convert_element_type3A_260 = arith.fptosi %add3A_259 : vector<16xf32> to vector<16xi32>
      %min3A_261 = arith.constant 511 : i32
      %min3A_262 = vector.broadcast %min3A_261 : i32 to vector<16xi32>
      %min3A_263 = arith.minsi %convert_element_type3A_260, %min3A_262 : vector<16xi32>
      %add3A_264 = arith.constant 6.250000e-02 : f32
      %add3A_265 = vector.broadcast %add3A_264 : f32 to vector<16xf32>
      %add3A_266 = arith.addf %mul3A_183, %add3A_265 : vector<16xf32>
      %convert_element_type3A_267 = arith.fptosi %add3A_266 : vector<16xf32> to vector<16xi32>
      %min3A_268 = arith.constant 511 : i32
      %min3A_269 = vector.broadcast %min3A_268 : i32 to vector<16xi32>
      %min3A_270 = arith.minsi %convert_element_type3A_267, %min3A_269 : vector<16xi32>
      %mul3A_271 = arith.constant 512 : i32
      %mul3A_272 = vector.broadcast %mul3A_271 : i32 to vector<16xi32>
      %mul3A_273 = arith.muli %min3A_263, %mul3A_272 : vector<16xi32>
      %add3A_274 = arith.addi %mul3A_273, %min3A_270 : vector<16xi32>
      %shift_right_arithmetic3A_275 = arith.constant 7 : i32
      %shift_right_arithmetic3A_276 = vector.broadcast %shift_right_arithmetic3A_275 : i32 to vector<16xi32>
      %shift_right_arithmetic3A_277 = arith.shrsi %add3A_274, %shift_right_arithmetic3A_276 : vector<16xi32>
      %shift_left3A_278 = arith.constant 10 : i32
      %shift_left3A_279 = vector.broadcast %shift_left3A_278 : i32 to vector<16xi32>
      %shift_left3A_280 = arith.shli %shift_right_arithmetic3A_277, %shift_left3A_279 : vector<16xi32>
      %and3A_281 = arith.constant 127 : i32
      %and3A_282 = vector.broadcast %and3A_281 : i32 to vector<16xi32>
      %and3A_283 = arith.andi %add3A_274, %and3A_282 : vector<16xi32>
      %add3A_284 = arith.addi %shift_left3A_280, %and3A_283 : vector<16xi32>
      %add3A_285 = arith.constant 256 : i32
      %add3A_286 = vector.broadcast %add3A_285 : i32 to vector<16xi32>
      %add3A_287 = arith.addi %add3A_284, %add3A_286 : vector<16xi32>
      %mul3A_288 = arith.constant 16 : i32
      %mul3A_289 = arith.muli %scan3A_132, %mul3A_288 : i32
      %add3A_290 = arith.constant 8704 : i32
      %add3A_291 = arith.addi %add3A_290, %mul3A_289 : i32
      %swap3A_292 = arith.index_cast %add3A_291 : i32 to index
      %swap3A_293 = tpu.vector_load %arg8[%swap3A_292] {strides = array<i32>} : memref<16384xi32, #tpu.memory_space<vmem>>, vector<16xi32>,
      %swap3A_294 = vector.shape_cast %swap3A_293 : vector<16xi32> to vector<16xi32>
      %swap3A_295 = vector.shape_cast %add3A_287 : vector<16xi32> to vector<16xi32>
      tpu.vector_store %arg8[%swap3A_292], %swap3A_295 {strides = array<i32>} : memref<16384xi32, #tpu.memory_space<vmem>>, vector<16xi32>,
      %add3A_296 = arith.constant 9.375000e-02 : f32
      %add3A_297 = vector.broadcast %add3A_296 : f32 to vector<16xf32>
      %add3A_298 = arith.addf %mul3A_175, %add3A_297 : vector<16xf32>
      %convert_element_type3A_299 = arith.fptosi %add3A_298 : vector<16xf32> to vector<16xi32>
      %min3A_300 = arith.constant 511 : i32
      %min3A_301 = vector.broadcast %min3A_300 : i32 to vector<16xi32>
      %min3A_302 = arith.minsi %convert_element_type3A_299, %min3A_301 : vector<16xi32>
      %add3A_303 = arith.constant 9.375000e-02 : f32
      %add3A_304 = vector.broadcast %add3A_303 : f32 to vector<16xf32>
      %add3A_305 = arith.addf %mul3A_183, %add3A_304 : vector<16xf32>
      %convert_element_type3A_306 = arith.fptosi %add3A_305 : vector<16xf32> to vector<16xi32>
      %min3A_307 = arith.constant 511 : i32
      %min3A_308 = vector.broadcast %min3A_307 : i32 to vector<16xi32>
      %min3A_309 = arith.minsi %convert_element_type3A_306, %min3A_308 : vector<16xi32>
      %mul3A_310 = arith.constant 512 : i32
      %mul3A_311 = vector.broadcast %mul3A_310 : i32 to vector<16xi32>
      %mul3A_312 = arith.muli %min3A_302, %mul3A_311 : vector<16xi32>
      %add3A_313 = arith.addi %mul3A_312, %min3A_309 : vector<16xi32>
      %shift_right_arithmetic3A_314 = arith.constant 7 : i32
      %shift_right_arithmetic3A_315 = vector.broadcast %shift_right_arithmetic3A_314 : i32 to vector<16xi32>
      %shift_right_arithmetic3A_316 = arith.shrsi %add3A_313, %shift_right_arithmetic3A_315 : vector<16xi32>
      %shift_left3A_317 = arith.constant 10 : i32
      %shift_left3A_318 = vector.broadcast %shift_left3A_317 : i32 to vector<16xi32>
      %shift_left3A_319 = arith.shli %shift_right_arithmetic3A_316, %shift_left3A_318 : vector<16xi32>
      %and3A_320 = arith.constant 127 : i32
      %and3A_321 = vector.broadcast %and3A_320 : i32 to vector<16xi32>
      %and3A_322 = arith.andi %add3A_313, %and3A_321 : vector<16xi32>
      %add3A_323 = arith.addi %shift_left3A_319, %and3A_322 : vector<16xi32>
      %add3A_324 = arith.constant 384 : i32
      %add3A_325 = vector.broadcast %add3A_324 : i32 to vector<16xi32>
      %add3A_326 = arith.addi %add3A_323, %add3A_325 : vector<16xi32>
      %mul3A_327 = arith.constant 16 : i32
      %mul3A_328 = arith.muli %scan3A_132, %mul3A_327 : i32
      %add3A_329 = arith.constant 8960 : i32
      %add3A_330 = arith.addi %add3A_329, %mul3A_328 : i32
      %swap3A_331 = arith.index_cast %add3A_330 : i32 to index
      %swap3A_332 = tpu.vector_load %arg8[%swap3A_331] {strides = array<i32>} : memref<16384xi32, #tpu.memory_space<vmem>>, vector<16xi32>,
      %swap3A_333 = vector.shape_cast %swap3A_332 : vector<16xi32> to vector<16xi32>
      %swap3A_334 = vector.shape_cast %add3A_326 : vector<16xi32> to vector<16xi32>
      tpu.vector_store %arg8[%swap3A_331], %swap3A_334 {strides = array<i32>} : memref<16384xi32, #tpu.memory_space<vmem>>, vector<16xi32>,
      %add3A_335 = arith.constant 1.250000e-01 : f32
      %add3A_336 = vector.broadcast %add3A_335 : f32 to vector<16xf32>
      %add3A_337 = arith.addf %mul3A_175, %add3A_336 : vector<16xf32>
      %convert_element_type3A_338 = arith.fptosi %add3A_337 : vector<16xf32> to vector<16xi32>
      %min3A_339 = arith.constant 511 : i32
      %min3A_340 = vector.broadcast %min3A_339 : i32 to vector<16xi32>
      %min3A_341 = arith.minsi %convert_element_type3A_338, %min3A_340 : vector<16xi32>
      %add3A_342 = arith.constant 1.250000e-01 : f32
      %add3A_343 = vector.broadcast %add3A_342 : f32 to vector<16xf32>
      %add3A_344 = arith.addf %mul3A_183, %add3A_343 : vector<16xf32>
      %convert_element_type3A_345 = arith.fptosi %add3A_344 : vector<16xf32> to vector<16xi32>
      %min3A_346 = arith.constant 511 : i32
      %min3A_347 = vector.broadcast %min3A_346 : i32 to vector<16xi32>
      %min3A_348 = arith.minsi %convert_element_type3A_345, %min3A_347 : vector<16xi32>
      %mul3A_349 = arith.constant 512 : i32
      %mul3A_350 = vector.broadcast %mul3A_349 : i32 to vector<16xi32>
      %mul3A_351 = arith.muli %min3A_341, %mul3A_350 : vector<16xi32>
      %add3A_352 = arith.addi %mul3A_351, %min3A_348 : vector<16xi32>
      %shift_right_arithmetic3A_353 = arith.constant 7 : i32
      %shift_right_arithmetic3A_354 = vector.broadcast %shift_right_arithmetic3A_353 : i32 to vector<16xi32>
      %shift_right_arithmetic3A_355 = arith.shrsi %add3A_352, %shift_right_arithmetic3A_354 : vector<16xi32>
      %shift_left3A_356 = arith.constant 10 : i32
      %shift_left3A_357 = vector.broadcast %shift_left3A_356 : i32 to vector<16xi32>
      %shift_left3A_358 = arith.shli %shift_right_arithmetic3A_355, %shift_left3A_357 : vector<16xi32>
      %and3A_359 = arith.constant 127 : i32
      %and3A_360 = vector.broadcast %and3A_359 : i32 to vector<16xi32>
      %and3A_361 = arith.andi %add3A_352, %and3A_360 : vector<16xi32>
      %add3A_362 = arith.addi %shift_left3A_358, %and3A_361 : vector<16xi32>
      %add3A_363 = arith.constant 512 : i32
      %add3A_364 = vector.broadcast %add3A_363 : i32 to vector<16xi32>
      %add3A_365 = arith.addi %add3A_362, %add3A_364 : vector<16xi32>
      %mul3A_366 = arith.constant 16 : i32
      %mul3A_367 = arith.muli %scan3A_132, %mul3A_366 : i32
      %add3A_368 = arith.constant 9216 : i32
      %add3A_369 = arith.addi %add3A_368, %mul3A_367 : i32
      %swap3A_370 = arith.index_cast %add3A_369 : i32 to index
      %swap3A_371 = tpu.vector_load %arg8[%swap3A_370] {strides = array<i32>} : memref<16384xi32, #tpu.memory_space<vmem>>, vector<16xi32>,
      %swap3A_372 = vector.shape_cast %swap3A_371 : vector<16xi32> to vector<16xi32>
      %swap3A_373 = vector.shape_cast %add3A_365 : vector<16xi32> to vector<16xi32>
      tpu.vector_store %arg8[%swap3A_370], %swap3A_373 {strides = array<i32>} : memref<16384xi32, #tpu.memory_space<vmem>>, vector<16xi32>,
      %add3A_374 = arith.constant 1.562500e-01 : f32
      %add3A_375 = vector.broadcast %add3A_374 : f32 to vector<16xf32>
      %add3A_376 = arith.addf %mul3A_175, %add3A_375 : vector<16xf32>
      %convert_element_type3A_377 = arith.fptosi %add3A_376 : vector<16xf32> to vector<16xi32>
      %min3A_378 = arith.constant 511 : i32
      %min3A_379 = vector.broadcast %min3A_378 : i32 to vector<16xi32>
      %min3A_380 = arith.minsi %convert_element_type3A_377, %min3A_379 : vector<16xi32>
      %add3A_381 = arith.constant 1.562500e-01 : f32
      %add3A_382 = vector.broadcast %add3A_381 : f32 to vector<16xf32>
      %add3A_383 = arith.addf %mul3A_183, %add3A_382 : vector<16xf32>
      %convert_element_type3A_384 = arith.fptosi %add3A_383 : vector<16xf32> to vector<16xi32>
      %min3A_385 = arith.constant 511 : i32
      %min3A_386 = vector.broadcast %min3A_385 : i32 to vector<16xi32>
      %min3A_387 = arith.minsi %convert_element_type3A_384, %min3A_386 : vector<16xi32>
      %mul3A_388 = arith.constant 512 : i32
      %mul3A_389 = vector.broadcast %mul3A_388 : i32 to vector<16xi32>
      %mul3A_390 = arith.muli %min3A_380, %mul3A_389 : vector<16xi32>
      %add3A_391 = arith.addi %mul3A_390, %min3A_387 : vector<16xi32>
      %shift_right_arithmetic3A_392 = arith.constant 7 : i32
      %shift_right_arithmetic3A_393 = vector.broadcast %shift_right_arithmetic3A_392 : i32 to vector<16xi32>
      %shift_right_arithmetic3A_394 = arith.shrsi %add3A_391, %shift_right_arithmetic3A_393 : vector<16xi32>
      %shift_left3A_395 = arith.constant 10 : i32
      %shift_left3A_396 = vector.broadcast %shift_left3A_395 : i32 to vector<16xi32>
      %shift_left3A_397 = arith.shli %shift_right_arithmetic3A_394, %shift_left3A_396 : vector<16xi32>
      %and3A_398 = arith.constant 127 : i32
      %and3A_399 = vector.broadcast %and3A_398 : i32 to vector<16xi32>
      %and3A_400 = arith.andi %add3A_391, %and3A_399 : vector<16xi32>
      %add3A_401 = arith.addi %shift_left3A_397, %and3A_400 : vector<16xi32>
      %add3A_402 = arith.constant 640 : i32
      %add3A_403 = vector.broadcast %add3A_402 : i32 to vector<16xi32>
      %add3A_404 = arith.addi %add3A_401, %add3A_403 : vector<16xi32>
      %mul3A_405 = arith.constant 16 : i32
      %mul3A_406 = arith.muli %scan3A_132, %mul3A_405 : i32
      %add3A_407 = arith.constant 9472 : i32
      %add3A_408 = arith.addi %add3A_407, %mul3A_406 : i32
      %swap3A_409 = arith.index_cast %add3A_408 : i32 to index
      %swap3A_410 = tpu.vector_load %arg8[%swap3A_409] {strides = array<i32>} : memref<16384xi32, #tpu.memory_space<vmem>>, vector<16xi32>,
      %swap3A_411 = vector.shape_cast %swap3A_410 : vector<16xi32> to vector<16xi32>
      %swap3A_412 = vector.shape_cast %add3A_404 : vector<16xi32> to vector<16xi32>
      tpu.vector_store %arg8[%swap3A_409], %swap3A_412 {strides = array<i32>} : memref<16384xi32, #tpu.memory_space<vmem>>, vector<16xi32>,
      %add3A_413 = arith.constant 1.875000e-01 : f32
      %add3A_414 = vector.broadcast %add3A_413 : f32 to vector<16xf32>
      %add3A_415 = arith.addf %mul3A_175, %add3A_414 : vector<16xf32>
      %convert_element_type3A_416 = arith.fptosi %add3A_415 : vector<16xf32> to vector<16xi32>
      %min3A_417 = arith.constant 511 : i32
      %min3A_418 = vector.broadcast %min3A_417 : i32 to vector<16xi32>
      %min3A_419 = arith.minsi %convert_element_type3A_416, %min3A_418 : vector<16xi32>
      %add3A_420 = arith.constant 1.875000e-01 : f32
      %add3A_421 = vector.broadcast %add3A_420 : f32 to vector<16xf32>
      %add3A_422 = arith.addf %mul3A_183, %add3A_421 : vector<16xf32>
      %convert_element_type3A_423 = arith.fptosi %add3A_422 : vector<16xf32> to vector<16xi32>
      %min3A_424 = arith.constant 511 : i32
      %min3A_425 = vector.broadcast %min3A_424 : i32 to vector<16xi32>
      %min3A_426 = arith.minsi %convert_element_type3A_423, %min3A_425 : vector<16xi32>
      %mul3A_427 = arith.constant 512 : i32
      %mul3A_428 = vector.broadcast %mul3A_427 : i32 to vector<16xi32>
      %mul3A_429 = arith.muli %min3A_419, %mul3A_428 : vector<16xi32>
      %add3A_430 = arith.addi %mul3A_429, %min3A_426 : vector<16xi32>
      %shift_right_arithmetic3A_431 = arith.constant 7 : i32
      %shift_right_arithmetic3A_432 = vector.broadcast %shift_right_arithmetic3A_431 : i32 to vector<16xi32>
      %shift_right_arithmetic3A_433 = arith.shrsi %add3A_430, %shift_right_arithmetic3A_432 : vector<16xi32>
      %shift_left3A_434 = arith.constant 10 : i32
      %shift_left3A_435 = vector.broadcast %shift_left3A_434 : i32 to vector<16xi32>
      %shift_left3A_436 = arith.shli %shift_right_arithmetic3A_433, %shift_left3A_435 : vector<16xi32>
      %and3A_437 = arith.constant 127 : i32
      %and3A_438 = vector.broadcast %and3A_437 : i32 to vector<16xi32>
      %and3A_439 = arith.andi %add3A_430, %and3A_438 : vector<16xi32>
      %add3A_440 = arith.addi %shift_left3A_436, %and3A_439 : vector<16xi32>
      %add3A_441 = arith.constant 768 : i32
      %add3A_442 = vector.broadcast %add3A_441 : i32 to vector<16xi32>
      %add3A_443 = arith.addi %add3A_440, %add3A_442 : vector<16xi32>
      %mul3A_444 = arith.constant 16 : i32
      %mul3A_445 = arith.muli %scan3A_132, %mul3A_444 : i32
      %add3A_446 = arith.constant 9728 : i32
      %add3A_447 = arith.addi %add3A_446, %mul3A_445 : i32
      %swap3A_448 = arith.index_cast %add3A_447 : i32 to index
      %swap3A_449 = tpu.vector_load %arg8[%swap3A_448] {strides = array<i32>} : memref<16384xi32, #tpu.memory_space<vmem>>, vector<16xi32>,
      %swap3A_450 = vector.shape_cast %swap3A_449 : vector<16xi32> to vector<16xi32>
      %swap3A_451 = vector.shape_cast %add3A_443 : vector<16xi32> to vector<16xi32>
      tpu.vector_store %arg8[%swap3A_448], %swap3A_451 {strides = array<i32>} : memref<16384xi32, #tpu.memory_space<vmem>>, vector<16xi32>,
      %add3A_452 = arith.constant 2.187500e-01 : f32
      %add3A_453 = vector.broadcast %add3A_452 : f32 to vector<16xf32>
      %add3A_454 = arith.addf %mul3A_175, %add3A_453 : vector<16xf32>
      %convert_element_type3A_455 = arith.fptosi %add3A_454 : vector<16xf32> to vector<16xi32>
      %min3A_456 = arith.constant 511 : i32
      %min3A_457 = vector.broadcast %min3A_456 : i32 to vector<16xi32>
      %min3A_458 = arith.minsi %convert_element_type3A_455, %min3A_457 : vector<16xi32>
      %add3A_459 = arith.constant 2.187500e-01 : f32
      %add3A_460 = vector.broadcast %add3A_459 : f32 to vector<16xf32>
      %add3A_461 = arith.addf %mul3A_183, %add3A_460 : vector<16xf32>
      %convert_element_type3A_462 = arith.fptosi %add3A_461 : vector<16xf32> to vector<16xi32>
      %min3A_463 = arith.constant 511 : i32
      %min3A_464 = vector.broadcast %min3A_463 : i32 to vector<16xi32>
      %min3A_465 = arith.minsi %convert_element_type3A_462, %min3A_464 : vector<16xi32>
      %mul3A_466 = arith.constant 512 : i32
      %mul3A_467 = vector.broadcast %mul3A_466 : i32 to vector<16xi32>
      %mul3A_468 = arith.muli %min3A_458, %mul3A_467 : vector<16xi32>
      %add3A_469 = arith.addi %mul3A_468, %min3A_465 : vector<16xi32>
      %shift_right_arithmetic3A_470 = arith.constant 7 : i32
      %shift_right_arithmetic3A_471 = vector.broadcast %shift_right_arithmetic3A_470 : i32 to vector<16xi32>
      %shift_right_arithmetic3A_472 = arith.shrsi %add3A_469, %shift_right_arithmetic3A_471 : vector<16xi32>
      %shift_left3A_473 = arith.constant 10 : i32
      %shift_left3A_474 = vector.broadcast %shift_left3A_473 : i32 to vector<16xi32>
      %shift_left3A_475 = arith.shli %shift_right_arithmetic3A_472, %shift_left3A_474 : vector<16xi32>
      %and3A_476 = arith.constant 127 : i32
      %and3A_477 = vector.broadcast %and3A_476 : i32 to vector<16xi32>
      %and3A_478 = arith.andi %add3A_469, %and3A_477 : vector<16xi32>
      %add3A_479 = arith.addi %shift_left3A_475, %and3A_478 : vector<16xi32>
      %add3A_480 = arith.constant 896 : i32
      %add3A_481 = vector.broadcast %add3A_480 : i32 to vector<16xi32>
      %add3A_482 = arith.addi %add3A_479, %add3A_481 : vector<16xi32>
      %mul3A_483 = arith.constant 16 : i32
      %mul3A_484 = arith.muli %scan3A_132, %mul3A_483 : i32
      %add3A_485 = arith.constant 9984 : i32
      %add3A_486 = arith.addi %add3A_485, %mul3A_484 : i32
      %swap3A_487 = arith.index_cast %add3A_486 : i32 to index
      %swap3A_488 = tpu.vector_load %arg8[%swap3A_487] {strides = array<i32>} : memref<16384xi32, #tpu.memory_space<vmem>>, vector<16xi32>,
      %swap3A_489 = vector.shape_cast %swap3A_488 : vector<16xi32> to vector<16xi32>
      %swap3A_490 = vector.shape_cast %add3A_482 : vector<16xi32> to vector<16xi32>
      tpu.vector_store %arg8[%swap3A_487], %swap3A_490 {strides = array<i32>} : memref<16384xi32, #tpu.memory_space<vmem>>, vector<16xi32>,
      %add3A_491 = arith.constant 2.500000e-01 : f32
      %add3A_492 = vector.broadcast %add3A_491 : f32 to vector<16xf32>
      %add3A_493 = arith.addf %mul3A_175, %add3A_492 : vector<16xf32>
      %convert_element_type3A_494 = arith.fptosi %add3A_493 : vector<16xf32> to vector<16xi32>
      %min3A_495 = arith.constant 511 : i32
      %min3A_496 = vector.broadcast %min3A_495 : i32 to vector<16xi32>
      %min3A_497 = arith.minsi %convert_element_type3A_494, %min3A_496 : vector<16xi32>
      %add3A_498 = arith.constant 2.500000e-01 : f32
      %add3A_499 = vector.broadcast %add3A_498 : f32 to vector<16xf32>
      %add3A_500 = arith.addf %mul3A_183, %add3A_499 : vector<16xf32>
      %convert_element_type3A_501 = arith.fptosi %add3A_500 : vector<16xf32> to vector<16xi32>
      %min3A_502 = arith.constant 511 : i32
      %min3A_503 = vector.broadcast %min3A_502 : i32 to vector<16xi32>
      %min3A_504 = arith.minsi %convert_element_type3A_501, %min3A_503 : vector<16xi32>
      %mul3A_505 = arith.constant 512 : i32
      %mul3A_506 = vector.broadcast %mul3A_505 : i32 to vector<16xi32>
      %mul3A_507 = arith.muli %min3A_497, %mul3A_506 : vector<16xi32>
      %add3A_508 = arith.addi %mul3A_507, %min3A_504 : vector<16xi32>
      %shift_right_arithmetic3A_509 = arith.constant 7 : i32
      %shift_right_arithmetic3A_510 = vector.broadcast %shift_right_arithmetic3A_509 : i32 to vector<16xi32>
      %shift_right_arithmetic3A_511 = arith.shrsi %add3A_508, %shift_right_arithmetic3A_510 : vector<16xi32>
      %shift_left3A_512 = arith.constant 10 : i32
      %shift_left3A_513 = vector.broadcast %shift_left3A_512 : i32 to vector<16xi32>
      %shift_left3A_514 = arith.shli %shift_right_arithmetic3A_511, %shift_left3A_513 : vector<16xi32>
      %and3A_515 = arith.constant 127 : i32
      %and3A_516 = vector.broadcast %and3A_515 : i32 to vector<16xi32>
      %and3A_517 = arith.andi %add3A_508, %and3A_516 : vector<16xi32>
      %add3A_518 = arith.addi %shift_left3A_514, %and3A_517 : vector<16xi32>
      %add3A_519 = arith.constant 2097152 : i32
      %add3A_520 = vector.broadcast %add3A_519 : i32 to vector<16xi32>
      %add3A_521 = arith.addi %add3A_518, %add3A_520 : vector<16xi32>
      %mul3A_522 = arith.constant 16 : i32
      %mul3A_523 = arith.muli %scan3A_132, %mul3A_522 : i32
      %add3A_524 = arith.constant 10240 : i32
      %add3A_525 = arith.addi %add3A_524, %mul3A_523 : i32
      %swap3A_526 = arith.index_cast %add3A_525 : i32 to index
      %swap3A_527 = tpu.vector_load %arg8[%swap3A_526] {strides = array<i32>} : memref<16384xi32, #tpu.memory_space<vmem>>, vector<16xi32>,
      %swap3A_528 = vector.shape_cast %swap3A_527 : vector<16xi32> to vector<16xi32>
      %swap3A_529 = vector.shape_cast %add3A_521 : vector<16xi32> to vector<16xi32>
      tpu.vector_store %arg8[%swap3A_526], %swap3A_529 {strides = array<i32>} : memref<16384xi32, #tpu.memory_space<vmem>>, vector<16xi32>,
      %add3A_530 = arith.constant 2.812500e-01 : f32
      %add3A_531 = vector.broadcast %add3A_530 : f32 to vector<16xf32>
      %add3A_532 = arith.addf %mul3A_175, %add3A_531 : vector<16xf32>
      %convert_element_type3A_533 = arith.fptosi %add3A_532 : vector<16xf32> to vector<16xi32>
      %min3A_534 = arith.constant 511 : i32
      %min3A_535 = vector.broadcast %min3A_534 : i32 to vector<16xi32>
      %min3A_536 = arith.minsi %convert_element_type3A_533, %min3A_535 : vector<16xi32>
      %add3A_537 = arith.constant 2.812500e-01 : f32
      %add3A_538 = vector.broadcast %add3A_537 : f32 to vector<16xf32>
      %add3A_539 = arith.addf %mul3A_183, %add3A_538 : vector<16xf32>
      %convert_element_type3A_540 = arith.fptosi %add3A_539 : vector<16xf32> to vector<16xi32>
      %min3A_541 = arith.constant 511 : i32
      %min3A_542 = vector.broadcast %min3A_541 : i32 to vector<16xi32>
      %min3A_543 = arith.minsi %convert_element_type3A_540, %min3A_542 : vector<16xi32>
      %mul3A_544 = arith.constant 512 : i32
      %mul3A_545 = vector.broadcast %mul3A_544 : i32 to vector<16xi32>
      %mul3A_546 = arith.muli %min3A_536, %mul3A_545 : vector<16xi32>
      %add3A_547 = arith.addi %mul3A_546, %min3A_543 : vector<16xi32>
      %shift_right_arithmetic3A_548 = arith.constant 7 : i32
      %shift_right_arithmetic3A_549 = vector.broadcast %shift_right_arithmetic3A_548 : i32 to vector<16xi32>
      %shift_right_arithmetic3A_550 = arith.shrsi %add3A_547, %shift_right_arithmetic3A_549 : vector<16xi32>
      %shift_left3A_551 = arith.constant 10 : i32
      %shift_left3A_552 = vector.broadcast %shift_left3A_551 : i32 to vector<16xi32>
      %shift_left3A_553 = arith.shli %shift_right_arithmetic3A_550, %shift_left3A_552 : vector<16xi32>
      %and3A_554 = arith.constant 127 : i32
      %and3A_555 = vector.broadcast %and3A_554 : i32 to vector<16xi32>
      %and3A_556 = arith.andi %add3A_547, %and3A_555 : vector<16xi32>
      %add3A_557 = arith.addi %shift_left3A_553, %and3A_556 : vector<16xi32>
      %add3A_558 = arith.constant 2097280 : i32
      %add3A_559 = vector.broadcast %add3A_558 : i32 to vector<16xi32>
      %add3A_560 = arith.addi %add3A_557, %add3A_559 : vector<16xi32>
      %mul3A_561 = arith.constant 16 : i32
      %mul3A_562 = arith.muli %scan3A_132, %mul3A_561 : i32
      %add3A_563 = arith.constant 10496 : i32
      %add3A_564 = arith.addi %add3A_563, %mul3A_562 : i32
      %swap3A_565 = arith.index_cast %add3A_564 : i32 to index
      %swap3A_566 = tpu.vector_load %arg8[%swap3A_565] {strides = array<i32>} : memref<16384xi32, #tpu.memory_space<vmem>>, vector<16xi32>,
      %swap3A_567 = vector.shape_cast %swap3A_566 : vector<16xi32> to vector<16xi32>
      %swap3A_568 = vector.shape_cast %add3A_560 : vector<16xi32> to vector<16xi32>
      tpu.vector_store %arg8[%swap3A_565], %swap3A_568 {strides = array<i32>} : memref<16384xi32, #tpu.memory_space<vmem>>, vector<16xi32>,
      %add3A_569 = arith.constant 3.125000e-01 : f32
      %add3A_570 = vector.broadcast %add3A_569 : f32 to vector<16xf32>
      %add3A_571 = arith.addf %mul3A_175, %add3A_570 : vector<16xf32>
      %convert_element_type3A_572 = arith.fptosi %add3A_571 : vector<16xf32> to vector<16xi32>
      %min3A_573 = arith.constant 511 : i32
      %min3A_574 = vector.broadcast %min3A_573 : i32 to vector<16xi32>
      %min3A_575 = arith.minsi %convert_element_type3A_572, %min3A_574 : vector<16xi32>
      %add3A_576 = arith.constant 3.125000e-01 : f32
      %add3A_577 = vector.broadcast %add3A_576 : f32 to vector<16xf32>
      %add3A_578 = arith.addf %mul3A_183, %add3A_577 : vector<16xf32>
      %convert_element_type3A_579 = arith.fptosi %add3A_578 : vector<16xf32> to vector<16xi32>
      %min3A_580 = arith.constant 511 : i32
      %min3A_581 = vector.broadcast %min3A_580 : i32 to vector<16xi32>
      %min3A_582 = arith.minsi %convert_element_type3A_579, %min3A_581 : vector<16xi32>
      %mul3A_583 = arith.constant 512 : i32
      %mul3A_584 = vector.broadcast %mul3A_583 : i32 to vector<16xi32>
      %mul3A_585 = arith.muli %min3A_575, %mul3A_584 : vector<16xi32>
      %add3A_586 = arith.addi %mul3A_585, %min3A_582 : vector<16xi32>
      %shift_right_arithmetic3A_587 = arith.constant 7 : i32
      %shift_right_arithmetic3A_588 = vector.broadcast %shift_right_arithmetic3A_587 : i32 to vector<16xi32>
      %shift_right_arithmetic3A_589 = arith.shrsi %add3A_586, %shift_right_arithmetic3A_588 : vector<16xi32>
      %shift_left3A_590 = arith.constant 10 : i32
      %shift_left3A_591 = vector.broadcast %shift_left3A_590 : i32 to vector<16xi32>
      %shift_left3A_592 = arith.shli %shift_right_arithmetic3A_589, %shift_left3A_591 : vector<16xi32>
      %and3A_593 = arith.constant 127 : i32
      %and3A_594 = vector.broadcast %and3A_593 : i32 to vector<16xi32>
      %and3A_595 = arith.andi %add3A_586, %and3A_594 : vector<16xi32>
      %add3A_596 = arith.addi %shift_left3A_592, %and3A_595 : vector<16xi32>
      %add3A_597 = arith.constant 2097408 : i32
      %add3A_598 = vector.broadcast %add3A_597 : i32 to vector<16xi32>
      %add3A_599 = arith.addi %add3A_596, %add3A_598 : vector<16xi32>
      %mul3A_600 = arith.constant 16 : i32
      %mul3A_601 = arith.muli %scan3A_132, %mul3A_600 : i32
      %add3A_602 = arith.constant 10752 : i32
      %add3A_603 = arith.addi %add3A_602, %mul3A_601 : i32
      %swap3A_604 = arith.index_cast %add3A_603 : i32 to index
      %swap3A_605 = tpu.vector_load %arg8[%swap3A_604] {strides = array<i32>} : memref<16384xi32, #tpu.memory_space<vmem>>, vector<16xi32>,
      %swap3A_606 = vector.shape_cast %swap3A_605 : vector<16xi32> to vector<16xi32>
      %swap3A_607 = vector.shape_cast %add3A_599 : vector<16xi32> to vector<16xi32>
      tpu.vector_store %arg8[%swap3A_604], %swap3A_607 {strides = array<i32>} : memref<16384xi32, #tpu.memory_space<vmem>>, vector<16xi32>,
      %add3A_608 = arith.constant 3.437500e-01 : f32
      %add3A_609 = vector.broadcast %add3A_608 : f32 to vector<16xf32>
      %add3A_610 = arith.addf %mul3A_175, %add3A_609 : vector<16xf32>
      %convert_element_type3A_611 = arith.fptosi %add3A_610 : vector<16xf32> to vector<16xi32>
      %min3A_612 = arith.constant 511 : i32
      %min3A_613 = vector.broadcast %min3A_612 : i32 to vector<16xi32>
      %min3A_614 = arith.minsi %convert_element_type3A_611, %min3A_613 : vector<16xi32>
      %add3A_615 = arith.constant 3.437500e-01 : f32
      %add3A_616 = vector.broadcast %add3A_615 : f32 to vector<16xf32>
      %add3A_617 = arith.addf %mul3A_183, %add3A_616 : vector<16xf32>
      %convert_element_type3A_618 = arith.fptosi %add3A_617 : vector<16xf32> to vector<16xi32>
      %min3A_619 = arith.constant 511 : i32
      %min3A_620 = vector.broadcast %min3A_619 : i32 to vector<16xi32>
      %min3A_621 = arith.minsi %convert_element_type3A_618, %min3A_620 : vector<16xi32>
      %mul3A_622 = arith.constant 512 : i32
      %mul3A_623 = vector.broadcast %mul3A_622 : i32 to vector<16xi32>
      %mul3A_624 = arith.muli %min3A_614, %mul3A_623 : vector<16xi32>
      %add3A_625 = arith.addi %mul3A_624, %min3A_621 : vector<16xi32>
      %shift_right_arithmetic3A_626 = arith.constant 7 : i32
      %shift_right_arithmetic3A_627 = vector.broadcast %shift_right_arithmetic3A_626 : i32 to vector<16xi32>
      %shift_right_arithmetic3A_628 = arith.shrsi %add3A_625, %shift_right_arithmetic3A_627 : vector<16xi32>
      %shift_left3A_629 = arith.constant 10 : i32
      %shift_left3A_630 = vector.broadcast %shift_left3A_629 : i32 to vector<16xi32>
      %shift_left3A_631 = arith.shli %shift_right_arithmetic3A_628, %shift_left3A_630 : vector<16xi32>
      %and3A_632 = arith.constant 127 : i32
      %and3A_633 = vector.broadcast %and3A_632 : i32 to vector<16xi32>
      %and3A_634 = arith.andi %add3A_625, %and3A_633 : vector<16xi32>
      %add3A_635 = arith.addi %shift_left3A_631, %and3A_634 : vector<16xi32>
      %add3A_636 = arith.constant 2097536 : i32
      %add3A_637 = vector.broadcast %add3A_636 : i32 to vector<16xi32>
      %add3A_638 = arith.addi %add3A_635, %add3A_637 : vector<16xi32>
      %mul3A_639 = arith.constant 16 : i32
      %mul3A_640 = arith.muli %scan3A_132, %mul3A_639 : i32
      %add3A_641 = arith.constant 11008 : i32
      %add3A_642 = arith.addi %add3A_641, %mul3A_640 : i32
      %swap3A_643 = arith.index_cast %add3A_642 : i32 to index
      %swap3A_644 = tpu.vector_load %arg8[%swap3A_643] {strides = array<i32>} : memref<16384xi32, #tpu.memory_space<vmem>>, vector<16xi32>,
      %swap3A_645 = vector.shape_cast %swap3A_644 : vector<16xi32> to vector<16xi32>
      %swap3A_646 = vector.shape_cast %add3A_638 : vector<16xi32> to vector<16xi32>
      tpu.vector_store %arg8[%swap3A_643], %swap3A_646 {strides = array<i32>} : memref<16384xi32, #tpu.memory_space<vmem>>, vector<16xi32>,
      %add3A_647 = arith.constant 3.750000e-01 : f32
      %add3A_648 = vector.broadcast %add3A_647 : f32 to vector<16xf32>
      %add3A_649 = arith.addf %mul3A_175, %add3A_648 : vector<16xf32>
      %convert_element_type3A_650 = arith.fptosi %add3A_649 : vector<16xf32> to vector<16xi32>
      %min3A_651 = arith.constant 511 : i32
      %min3A_652 = vector.broadcast %min3A_651 : i32 to vector<16xi32>
      %min3A_653 = arith.minsi %convert_element_type3A_650, %min3A_652 : vector<16xi32>
      %add3A_654 = arith.constant 3.750000e-01 : f32
      %add3A_655 = vector.broadcast %add3A_654 : f32 to vector<16xf32>
      %add3A_656 = arith.addf %mul3A_183, %add3A_655 : vector<16xf32>
      %convert_element_type3A_657 = arith.fptosi %add3A_656 : vector<16xf32> to vector<16xi32>
      %min3A_658 = arith.constant 511 : i32
      %min3A_659 = vector.broadcast %min3A_658 : i32 to vector<16xi32>
      %min3A_660 = arith.minsi %convert_element_type3A_657, %min3A_659 : vector<16xi32>
      %mul3A_661 = arith.constant 512 : i32
      %mul3A_662 = vector.broadcast %mul3A_661 : i32 to vector<16xi32>
      %mul3A_663 = arith.muli %min3A_653, %mul3A_662 : vector<16xi32>
      %add3A_664 = arith.addi %mul3A_663, %min3A_660 : vector<16xi32>
      %shift_right_arithmetic3A_665 = arith.constant 7 : i32
      %shift_right_arithmetic3A_666 = vector.broadcast %shift_right_arithmetic3A_665 : i32 to vector<16xi32>
      %shift_right_arithmetic3A_667 = arith.shrsi %add3A_664, %shift_right_arithmetic3A_666 : vector<16xi32>
      %shift_left3A_668 = arith.constant 10 : i32
      %shift_left3A_669 = vector.broadcast %shift_left3A_668 : i32 to vector<16xi32>
      %shift_left3A_670 = arith.shli %shift_right_arithmetic3A_667, %shift_left3A_669 : vector<16xi32>
      %and3A_671 = arith.constant 127 : i32
      %and3A_672 = vector.broadcast %and3A_671 : i32 to vector<16xi32>
      %and3A_673 = arith.andi %add3A_664, %and3A_672 : vector<16xi32>
      %add3A_674 = arith.addi %shift_left3A_670, %and3A_673 : vector<16xi32>
      %add3A_675 = arith.constant 2097664 : i32
      %add3A_676 = vector.broadcast %add3A_675 : i32 to vector<16xi32>
      %add3A_677 = arith.addi %add3A_674, %add3A_676 : vector<16xi32>
      %mul3A_678 = arith.constant 16 : i32
      %mul3A_679 = arith.muli %scan3A_132, %mul3A_678 : i32
      %add3A_680 = arith.constant 11264 : i32
      %add3A_681 = arith.addi %add3A_680, %mul3A_679 : i32
      %swap3A_682 = arith.index_cast %add3A_681 : i32 to index
      %swap3A_683 = tpu.vector_load %arg8[%swap3A_682] {strides = array<i32>} : memref<16384xi32, #tpu.memory_space<vmem>>, vector<16xi32>,
      %swap3A_684 = vector.shape_cast %swap3A_683 : vector<16xi32> to vector<16xi32>
      %swap3A_685 = vector.shape_cast %add3A_677 : vector<16xi32> to vector<16xi32>
      tpu.vector_store %arg8[%swap3A_682], %swap3A_685 {strides = array<i32>} : memref<16384xi32, #tpu.memory_space<vmem>>, vector<16xi32>,
      %add3A_686 = arith.constant 4.062500e-01 : f32
      %add3A_687 = vector.broadcast %add3A_686 : f32 to vector<16xf32>
      %add3A_688 = arith.addf %mul3A_175, %add3A_687 : vector<16xf32>
      %convert_element_type3A_689 = arith.fptosi %add3A_688 : vector<16xf32> to vector<16xi32>
      %min3A_690 = arith.constant 511 : i32
      %min3A_691 = vector.broadcast %min3A_690 : i32 to vector<16xi32>
      %min3A_692 = arith.minsi %convert_element_type3A_689, %min3A_691 : vector<16xi32>
      %add3A_693 = arith.constant 4.062500e-01 : f32
      %add3A_694 = vector.broadcast %add3A_693 : f32 to vector<16xf32>
      %add3A_695 = arith.addf %mul3A_183, %add3A_694 : vector<16xf32>
      %convert_element_type3A_696 = arith.fptosi %add3A_695 : vector<16xf32> to vector<16xi32>
      %min3A_697 = arith.constant 511 : i32
      %min3A_698 = vector.broadcast %min3A_697 : i32 to vector<16xi32>
      %min3A_699 = arith.minsi %convert_element_type3A_696, %min3A_698 : vector<16xi32>
      %mul3A_700 = arith.constant 512 : i32
      %mul3A_701 = vector.broadcast %mul3A_700 : i32 to vector<16xi32>
      %mul3A_702 = arith.muli %min3A_692, %mul3A_701 : vector<16xi32>
      %add3A_703 = arith.addi %mul3A_702, %min3A_699 : vector<16xi32>
      %shift_right_arithmetic3A_704 = arith.constant 7 : i32
      %shift_right_arithmetic3A_705 = vector.broadcast %shift_right_arithmetic3A_704 : i32 to vector<16xi32>
      %shift_right_arithmetic3A_706 = arith.shrsi %add3A_703, %shift_right_arithmetic3A_705 : vector<16xi32>
      %shift_left3A_707 = arith.constant 10 : i32
      %shift_left3A_708 = vector.broadcast %shift_left3A_707 : i32 to vector<16xi32>
      %shift_left3A_709 = arith.shli %shift_right_arithmetic3A_706, %shift_left3A_708 : vector<16xi32>
      %and3A_710 = arith.constant 127 : i32
      %and3A_711 = vector.broadcast %and3A_710 : i32 to vector<16xi32>
      %and3A_712 = arith.andi %add3A_703, %and3A_711 : vector<16xi32>
      %add3A_713 = arith.addi %shift_left3A_709, %and3A_712 : vector<16xi32>
      %add3A_714 = arith.constant 2097792 : i32
      %add3A_715 = vector.broadcast %add3A_714 : i32 to vector<16xi32>
      %add3A_716 = arith.addi %add3A_713, %add3A_715 : vector<16xi32>
      %mul3A_717 = arith.constant 16 : i32
      %mul3A_718 = arith.muli %scan3A_132, %mul3A_717 : i32
      %add3A_719 = arith.constant 11520 : i32
      %add3A_720 = arith.addi %add3A_719, %mul3A_718 : i32
      %swap3A_721 = arith.index_cast %add3A_720 : i32 to index
      %swap3A_722 = tpu.vector_load %arg8[%swap3A_721] {strides = array<i32>} : memref<16384xi32, #tpu.memory_space<vmem>>, vector<16xi32>,
      %swap3A_723 = vector.shape_cast %swap3A_722 : vector<16xi32> to vector<16xi32>
      %swap3A_724 = vector.shape_cast %add3A_716 : vector<16xi32> to vector<16xi32>
      tpu.vector_store %arg8[%swap3A_721], %swap3A_724 {strides = array<i32>} : memref<16384xi32, #tpu.memory_space<vmem>>, vector<16xi32>,
      %add3A_725 = arith.constant 4.375000e-01 : f32
      %add3A_726 = vector.broadcast %add3A_725 : f32 to vector<16xf32>
      %add3A_727 = arith.addf %mul3A_175, %add3A_726 : vector<16xf32>
      %convert_element_type3A_728 = arith.fptosi %add3A_727 : vector<16xf32> to vector<16xi32>
      %min3A_729 = arith.constant 511 : i32
      %min3A_730 = vector.broadcast %min3A_729 : i32 to vector<16xi32>
      %min3A_731 = arith.minsi %convert_element_type3A_728, %min3A_730 : vector<16xi32>
      %add3A_732 = arith.constant 4.375000e-01 : f32
      %add3A_733 = vector.broadcast %add3A_732 : f32 to vector<16xf32>
      %add3A_734 = arith.addf %mul3A_183, %add3A_733 : vector<16xf32>
      %convert_element_type3A_735 = arith.fptosi %add3A_734 : vector<16xf32> to vector<16xi32>
      %min3A_736 = arith.constant 511 : i32
      %min3A_737 = vector.broadcast %min3A_736 : i32 to vector<16xi32>
      %min3A_738 = arith.minsi %convert_element_type3A_735, %min3A_737 : vector<16xi32>
      %mul3A_739 = arith.constant 512 : i32
      %mul3A_740 = vector.broadcast %mul3A_739 : i32 to vector<16xi32>
      %mul3A_741 = arith.muli %min3A_731, %mul3A_740 : vector<16xi32>
      %add3A_742 = arith.addi %mul3A_741, %min3A_738 : vector<16xi32>
      %shift_right_arithmetic3A_743 = arith.constant 7 : i32
      %shift_right_arithmetic3A_744 = vector.broadcast %shift_right_arithmetic3A_743 : i32 to vector<16xi32>
      %shift_right_arithmetic3A_745 = arith.shrsi %add3A_742, %shift_right_arithmetic3A_744 : vector<16xi32>
      %shift_left3A_746 = arith.constant 10 : i32
      %shift_left3A_747 = vector.broadcast %shift_left3A_746 : i32 to vector<16xi32>
      %shift_left3A_748 = arith.shli %shift_right_arithmetic3A_745, %shift_left3A_747 : vector<16xi32>
      %and3A_749 = arith.constant 127 : i32
      %and3A_750 = vector.broadcast %and3A_749 : i32 to vector<16xi32>
      %and3A_751 = arith.andi %add3A_742, %and3A_750 : vector<16xi32>
      %add3A_752 = arith.addi %shift_left3A_748, %and3A_751 : vector<16xi32>
      %add3A_753 = arith.constant 2097920 : i32
      %add3A_754 = vector.broadcast %add3A_753 : i32 to vector<16xi32>
      %add3A_755 = arith.addi %add3A_752, %add3A_754 : vector<16xi32>
      %mul3A_756 = arith.constant 16 : i32
      %mul3A_757 = arith.muli %scan3A_132, %mul3A_756 : i32
      %add3A_758 = arith.constant 11776 : i32
      %add3A_759 = arith.addi %add3A_758, %mul3A_757 : i32
      %swap3A_760 = arith.index_cast %add3A_759 : i32 to index
      %swap3A_761 = tpu.vector_load %arg8[%swap3A_760] {strides = array<i32>} : memref<16384xi32, #tpu.memory_space<vmem>>, vector<16xi32>,
      %swap3A_762 = vector.shape_cast %swap3A_761 : vector<16xi32> to vector<16xi32>
      %swap3A_763 = vector.shape_cast %add3A_755 : vector<16xi32> to vector<16xi32>
      tpu.vector_store %arg8[%swap3A_760], %swap3A_763 {strides = array<i32>} : memref<16384xi32, #tpu.memory_space<vmem>>, vector<16xi32>,
      %add3A_764 = arith.constant 4.687500e-01 : f32
      %add3A_765 = vector.broadcast %add3A_764 : f32 to vector<16xf32>
      %add3A_766 = arith.addf %mul3A_175, %add3A_765 : vector<16xf32>
      %convert_element_type3A_767 = arith.fptosi %add3A_766 : vector<16xf32> to vector<16xi32>
      %min3A_768 = arith.constant 511 : i32
      %min3A_769 = vector.broadcast %min3A_768 : i32 to vector<16xi32>
      %min3A_770 = arith.minsi %convert_element_type3A_767, %min3A_769 : vector<16xi32>
      %add3A_771 = arith.constant 4.687500e-01 : f32
      %add3A_772 = vector.broadcast %add3A_771 : f32 to vector<16xf32>
      %add3A_773 = arith.addf %mul3A_183, %add3A_772 : vector<16xf32>
      %convert_element_type3A_774 = arith.fptosi %add3A_773 : vector<16xf32> to vector<16xi32>
      %min3A_775 = arith.constant 511 : i32
      %min3A_776 = vector.broadcast %min3A_775 : i32 to vector<16xi32>
      %min3A_777 = arith.minsi %convert_element_type3A_774, %min3A_776 : vector<16xi32>
      %mul3A_778 = arith.constant 512 : i32
      %mul3A_779 = vector.broadcast %mul3A_778 : i32 to vector<16xi32>
      %mul3A_780 = arith.muli %min3A_770, %mul3A_779 : vector<16xi32>
      %add3A_781 = arith.addi %mul3A_780, %min3A_777 : vector<16xi32>
      %shift_right_arithmetic3A_782 = arith.constant 7 : i32
      %shift_right_arithmetic3A_783 = vector.broadcast %shift_right_arithmetic3A_782 : i32 to vector<16xi32>
      %shift_right_arithmetic3A_784 = arith.shrsi %add3A_781, %shift_right_arithmetic3A_783 : vector<16xi32>
      %shift_left3A_785 = arith.constant 10 : i32
      %shift_left3A_786 = vector.broadcast %shift_left3A_785 : i32 to vector<16xi32>
      %shift_left3A_787 = arith.shli %shift_right_arithmetic3A_784, %shift_left3A_786 : vector<16xi32>
      %and3A_788 = arith.constant 127 : i32
      %and3A_789 = vector.broadcast %and3A_788 : i32 to vector<16xi32>
      %and3A_790 = arith.andi %add3A_781, %and3A_789 : vector<16xi32>
      %add3A_791 = arith.addi %shift_left3A_787, %and3A_790 : vector<16xi32>
      %add3A_792 = arith.constant 2098048 : i32
      %add3A_793 = vector.broadcast %add3A_792 : i32 to vector<16xi32>
      %add3A_794 = arith.addi %add3A_791, %add3A_793 : vector<16xi32>
      %mul3A_795 = arith.constant 16 : i32
      %mul3A_796 = arith.muli %scan3A_132, %mul3A_795 : i32
      %add3A_797 = arith.constant 12032 : i32
      %add3A_798 = arith.addi %add3A_797, %mul3A_796 : i32
      %swap3A_799 = arith.index_cast %add3A_798 : i32 to index
      %swap3A_800 = tpu.vector_load %arg8[%swap3A_799] {strides = array<i32>} : memref<16384xi32, #tpu.memory_space<vmem>>, vector<16xi32>,
      %swap3A_801 = vector.shape_cast %swap3A_800 : vector<16xi32> to vector<16xi32>
      %swap3A_802 = vector.shape_cast %add3A_794 : vector<16xi32> to vector<16xi32>
      tpu.vector_store %arg8[%swap3A_799], %swap3A_802 {strides = array<i32>} : memref<16384xi32, #tpu.memory_space<vmem>>, vector<16xi32>,
      %add3A_803 = arith.constant 5.000000e-01 : f32
      %add3A_804 = vector.broadcast %add3A_803 : f32 to vector<16xf32>
      %add3A_805 = arith.addf %mul3A_175, %add3A_804 : vector<16xf32>
      %convert_element_type3A_806 = arith.fptosi %add3A_805 : vector<16xf32> to vector<16xi32>
      %min3A_807 = arith.constant 511 : i32
      %min3A_808 = vector.broadcast %min3A_807 : i32 to vector<16xi32>
      %min3A_809 = arith.minsi %convert_element_type3A_806, %min3A_808 : vector<16xi32>
      %add3A_810 = arith.constant 5.000000e-01 : f32
      %add3A_811 = vector.broadcast %add3A_810 : f32 to vector<16xf32>
      %add3A_812 = arith.addf %mul3A_183, %add3A_811 : vector<16xf32>
      %convert_element_type3A_813 = arith.fptosi %add3A_812 : vector<16xf32> to vector<16xi32>
      %min3A_814 = arith.constant 511 : i32
      %min3A_815 = vector.broadcast %min3A_814 : i32 to vector<16xi32>
      %min3A_816 = arith.minsi %convert_element_type3A_813, %min3A_815 : vector<16xi32>
      %mul3A_817 = arith.constant 512 : i32
      %mul3A_818 = vector.broadcast %mul3A_817 : i32 to vector<16xi32>
      %mul3A_819 = arith.muli %min3A_809, %mul3A_818 : vector<16xi32>
      %add3A_820 = arith.addi %mul3A_819, %min3A_816 : vector<16xi32>
      %shift_right_arithmetic3A_821 = arith.constant 7 : i32
      %shift_right_arithmetic3A_822 = vector.broadcast %shift_right_arithmetic3A_821 : i32 to vector<16xi32>
      %shift_right_arithmetic3A_823 = arith.shrsi %add3A_820, %shift_right_arithmetic3A_822 : vector<16xi32>
      %shift_left3A_824 = arith.constant 10 : i32
      %shift_left3A_825 = vector.broadcast %shift_left3A_824 : i32 to vector<16xi32>
      %shift_left3A_826 = arith.shli %shift_right_arithmetic3A_823, %shift_left3A_825 : vector<16xi32>
      %and3A_827 = arith.constant 127 : i32
      %and3A_828 = vector.broadcast %and3A_827 : i32 to vector<16xi32>
      %and3A_829 = arith.andi %add3A_820, %and3A_828 : vector<16xi32>
      %add3A_830 = arith.addi %shift_left3A_826, %and3A_829 : vector<16xi32>
      %add3A_831 = arith.constant 4194304 : i32
      %add3A_832 = vector.broadcast %add3A_831 : i32 to vector<16xi32>
      %add3A_833 = arith.addi %add3A_830, %add3A_832 : vector<16xi32>
      %mul3A_834 = arith.constant 16 : i32
      %mul3A_835 = arith.muli %scan3A_132, %mul3A_834 : i32
      %add3A_836 = arith.constant 12288 : i32
      %add3A_837 = arith.addi %add3A_836, %mul3A_835 : i32
      %swap3A_838 = arith.index_cast %add3A_837 : i32 to index
      %swap3A_839 = tpu.vector_load %arg8[%swap3A_838] {strides = array<i32>} : memref<16384xi32, #tpu.memory_space<vmem>>, vector<16xi32>,
      %swap3A_840 = vector.shape_cast %swap3A_839 : vector<16xi32> to vector<16xi32>
      %swap3A_841 = vector.shape_cast %add3A_833 : vector<16xi32> to vector<16xi32>
      tpu.vector_store %arg8[%swap3A_838], %swap3A_841 {strides = array<i32>} : memref<16384xi32, #tpu.memory_space<vmem>>, vector<16xi32>,
      %add3A_842 = arith.constant 5.312500e-01 : f32
      %add3A_843 = vector.broadcast %add3A_842 : f32 to vector<16xf32>
      %add3A_844 = arith.addf %mul3A_175, %add3A_843 : vector<16xf32>
      %convert_element_type3A_845 = arith.fptosi %add3A_844 : vector<16xf32> to vector<16xi32>
      %min3A_846 = arith.constant 511 : i32
      %min3A_847 = vector.broadcast %min3A_846 : i32 to vector<16xi32>
      %min3A_848 = arith.minsi %convert_element_type3A_845, %min3A_847 : vector<16xi32>
      %add3A_849 = arith.constant 5.312500e-01 : f32
      %add3A_850 = vector.broadcast %add3A_849 : f32 to vector<16xf32>
      %add3A_851 = arith.addf %mul3A_183, %add3A_850 : vector<16xf32>
      %convert_element_type3A_852 = arith.fptosi %add3A_851 : vector<16xf32> to vector<16xi32>
      %min3A_853 = arith.constant 511 : i32
      %min3A_854 = vector.broadcast %min3A_853 : i32 to vector<16xi32>
      %min3A_855 = arith.minsi %convert_element_type3A_852, %min3A_854 : vector<16xi32>
      %mul3A_856 = arith.constant 512 : i32
      %mul3A_857 = vector.broadcast %mul3A_856 : i32 to vector<16xi32>
      %mul3A_858 = arith.muli %min3A_848, %mul3A_857 : vector<16xi32>
      %add3A_859 = arith.addi %mul3A_858, %min3A_855 : vector<16xi32>
      %shift_right_arithmetic3A_860 = arith.constant 7 : i32
      %shift_right_arithmetic3A_861 = vector.broadcast %shift_right_arithmetic3A_860 : i32 to vector<16xi32>
      %shift_right_arithmetic3A_862 = arith.shrsi %add3A_859, %shift_right_arithmetic3A_861 : vector<16xi32>
      %shift_left3A_863 = arith.constant 10 : i32
      %shift_left3A_864 = vector.broadcast %shift_left3A_863 : i32 to vector<16xi32>
      %shift_left3A_865 = arith.shli %shift_right_arithmetic3A_862, %shift_left3A_864 : vector<16xi32>
      %and3A_866 = arith.constant 127 : i32
      %and3A_867 = vector.broadcast %and3A_866 : i32 to vector<16xi32>
      %and3A_868 = arith.andi %add3A_859, %and3A_867 : vector<16xi32>
      %add3A_869 = arith.addi %shift_left3A_865, %and3A_868 : vector<16xi32>
      %add3A_870 = arith.constant 4194432 : i32
      %add3A_871 = vector.broadcast %add3A_870 : i32 to vector<16xi32>
      %add3A_872 = arith.addi %add3A_869, %add3A_871 : vector<16xi32>
      %mul3A_873 = arith.constant 16 : i32
      %mul3A_874 = arith.muli %scan3A_132, %mul3A_873 : i32
      %add3A_875 = arith.constant 12544 : i32
      %add3A_876 = arith.addi %add3A_875, %mul3A_874 : i32
      %swap3A_877 = arith.index_cast %add3A_876 : i32 to index
      %swap3A_878 = tpu.vector_load %arg8[%swap3A_877] {strides = array<i32>} : memref<16384xi32, #tpu.memory_space<vmem>>, vector<16xi32>,
      %swap3A_879 = vector.shape_cast %swap3A_878 : vector<16xi32> to vector<16xi32>
      %swap3A_880 = vector.shape_cast %add3A_872 : vector<16xi32> to vector<16xi32>
      tpu.vector_store %arg8[%swap3A_877], %swap3A_880 {strides = array<i32>} : memref<16384xi32, #tpu.memory_space<vmem>>, vector<16xi32>,
      %add3A_881 = arith.constant 5.625000e-01 : f32
      %add3A_882 = vector.broadcast %add3A_881 : f32 to vector<16xf32>
      %add3A_883 = arith.addf %mul3A_175, %add3A_882 : vector<16xf32>
      %convert_element_type3A_884 = arith.fptosi %add3A_883 : vector<16xf32> to vector<16xi32>
      %min3A_885 = arith.constant 511 : i32
      %min3A_886 = vector.broadcast %min3A_885 : i32 to vector<16xi32>
      %min3A_887 = arith.minsi %convert_element_type3A_884, %min3A_886 : vector<16xi32>
      %add3A_888 = arith.constant 5.625000e-01 : f32
      %add3A_889 = vector.broadcast %add3A_888 : f32 to vector<16xf32>
      %add3A_890 = arith.addf %mul3A_183, %add3A_889 : vector<16xf32>
      %convert_element_type3A_891 = arith.fptosi %add3A_890 : vector<16xf32> to vector<16xi32>
      %min3A_892 = arith.constant 511 : i32
      %min3A_893 = vector.broadcast %min3A_892 : i32 to vector<16xi32>
      %min3A_894 = arith.minsi %convert_element_type3A_891, %min3A_893 : vector<16xi32>
      %mul3A_895 = arith.constant 512 : i32
      %mul3A_896 = vector.broadcast %mul3A_895 : i32 to vector<16xi32>
      %mul3A_897 = arith.muli %min3A_887, %mul3A_896 : vector<16xi32>
      %add3A_898 = arith.addi %mul3A_897, %min3A_894 : vector<16xi32>
      %shift_right_arithmetic3A_899 = arith.constant 7 : i32
      %shift_right_arithmetic3A_900 = vector.broadcast %shift_right_arithmetic3A_899 : i32 to vector<16xi32>
      %shift_right_arithmetic3A_901 = arith.shrsi %add3A_898, %shift_right_arithmetic3A_900 : vector<16xi32>
      %shift_left3A_902 = arith.constant 10 : i32
      %shift_left3A_903 = vector.broadcast %shift_left3A_902 : i32 to vector<16xi32>
      %shift_left3A_904 = arith.shli %shift_right_arithmetic3A_901, %shift_left3A_903 : vector<16xi32>
      %and3A_905 = arith.constant 127 : i32
      %and3A_906 = vector.broadcast %and3A_905 : i32 to vector<16xi32>
      %and3A_907 = arith.andi %add3A_898, %and3A_906 : vector<16xi32>
      %add3A_908 = arith.addi %shift_left3A_904, %and3A_907 : vector<16xi32>
      %add3A_909 = arith.constant 4194560 : i32
      %add3A_910 = vector.broadcast %add3A_909 : i32 to vector<16xi32>
      %add3A_911 = arith.addi %add3A_908, %add3A_910 : vector<16xi32>
      %mul3A_912 = arith.constant 16 : i32
      %mul3A_913 = arith.muli %scan3A_132, %mul3A_912 : i32
      %add3A_914 = arith.constant 12800 : i32
      %add3A_915 = arith.addi %add3A_914, %mul3A_913 : i32
      %swap3A_916 = arith.index_cast %add3A_915 : i32 to index
      %swap3A_917 = tpu.vector_load %arg8[%swap3A_916] {strides = array<i32>} : memref<16384xi32, #tpu.memory_space<vmem>>, vector<16xi32>,
      %swap3A_918 = vector.shape_cast %swap3A_917 : vector<16xi32> to vector<16xi32>
      %swap3A_919 = vector.shape_cast %add3A_911 : vector<16xi32> to vector<16xi32>
      tpu.vector_store %arg8[%swap3A_916], %swap3A_919 {strides = array<i32>} : memref<16384xi32, #tpu.memory_space<vmem>>, vector<16xi32>,
      %add3A_920 = arith.constant 5.937500e-01 : f32
      %add3A_921 = vector.broadcast %add3A_920 : f32 to vector<16xf32>
      %add3A_922 = arith.addf %mul3A_175, %add3A_921 : vector<16xf32>
      %convert_element_type3A_923 = arith.fptosi %add3A_922 : vector<16xf32> to vector<16xi32>
      %min3A_924 = arith.constant 511 : i32
      %min3A_925 = vector.broadcast %min3A_924 : i32 to vector<16xi32>
      %min3A_926 = arith.minsi %convert_element_type3A_923, %min3A_925 : vector<16xi32>
      %add3A_927 = arith.constant 5.937500e-01 : f32
      %add3A_928 = vector.broadcast %add3A_927 : f32 to vector<16xf32>
      %add3A_929 = arith.addf %mul3A_183, %add3A_928 : vector<16xf32>
      %convert_element_type3A_930 = arith.fptosi %add3A_929 : vector<16xf32> to vector<16xi32>
      %min3A_931 = arith.constant 511 : i32
      %min3A_932 = vector.broadcast %min3A_931 : i32 to vector<16xi32>
      %min3A_933 = arith.minsi %convert_element_type3A_930, %min3A_932 : vector<16xi32>
      %mul3A_934 = arith.constant 512 : i32
      %mul3A_935 = vector.broadcast %mul3A_934 : i32 to vector<16xi32>
      %mul3A_936 = arith.muli %min3A_926, %mul3A_935 : vector<16xi32>
      %add3A_937 = arith.addi %mul3A_936, %min3A_933 : vector<16xi32>
      %shift_right_arithmetic3A_938 = arith.constant 7 : i32
      %shift_right_arithmetic3A_939 = vector.broadcast %shift_right_arithmetic3A_938 : i32 to vector<16xi32>
      %shift_right_arithmetic3A_940 = arith.shrsi %add3A_937, %shift_right_arithmetic3A_939 : vector<16xi32>
      %shift_left3A_941 = arith.constant 10 : i32
      %shift_left3A_942 = vector.broadcast %shift_left3A_941 : i32 to vector<16xi32>
      %shift_left3A_943 = arith.shli %shift_right_arithmetic3A_940, %shift_left3A_942 : vector<16xi32>
      %and3A_944 = arith.constant 127 : i32
      %and3A_945 = vector.broadcast %and3A_944 : i32 to vector<16xi32>
      %and3A_946 = arith.andi %add3A_937, %and3A_945 : vector<16xi32>
      %add3A_947 = arith.addi %shift_left3A_943, %and3A_946 : vector<16xi32>
      %add3A_948 = arith.constant 4194688 : i32
      %add3A_949 = vector.broadcast %add3A_948 : i32 to vector<16xi32>
      %add3A_950 = arith.addi %add3A_947, %add3A_949 : vector<16xi32>
      %mul3A_951 = arith.constant 16 : i32
      %mul3A_952 = arith.muli %scan3A_132, %mul3A_951 : i32
      %add3A_953 = arith.constant 13056 : i32
      %add3A_954 = arith.addi %add3A_953, %mul3A_952 : i32
      %swap3A_955 = arith.index_cast %add3A_954 : i32 to index
      %swap3A_956 = tpu.vector_load %arg8[%swap3A_955] {strides = array<i32>} : memref<16384xi32, #tpu.memory_space<vmem>>, vector<16xi32>,
      %swap3A_957 = vector.shape_cast %swap3A_956 : vector<16xi32> to vector<16xi32>
      %swap3A_958 = vector.shape_cast %add3A_950 : vector<16xi32> to vector<16xi32>
      tpu.vector_store %arg8[%swap3A_955], %swap3A_958 {strides = array<i32>} : memref<16384xi32, #tpu.memory_space<vmem>>, vector<16xi32>,
      %add3A_959 = arith.constant 6.250000e-01 : f32
      %add3A_960 = vector.broadcast %add3A_959 : f32 to vector<16xf32>
      %add3A_961 = arith.addf %mul3A_175, %add3A_960 : vector<16xf32>
      %convert_element_type3A_962 = arith.fptosi %add3A_961 : vector<16xf32> to vector<16xi32>
      %min3A_963 = arith.constant 511 : i32
      %min3A_964 = vector.broadcast %min3A_963 : i32 to vector<16xi32>
      %min3A_965 = arith.minsi %convert_element_type3A_962, %min3A_964 : vector<16xi32>
      %add3A_966 = arith.constant 6.250000e-01 : f32
      %add3A_967 = vector.broadcast %add3A_966 : f32 to vector<16xf32>
      %add3A_968 = arith.addf %mul3A_183, %add3A_967 : vector<16xf32>
      %convert_element_type3A_969 = arith.fptosi %add3A_968 : vector<16xf32> to vector<16xi32>
      %min3A_970 = arith.constant 511 : i32
      %min3A_971 = vector.broadcast %min3A_970 : i32 to vector<16xi32>
      %min3A_972 = arith.minsi %convert_element_type3A_969, %min3A_971 : vector<16xi32>
      %mul3A_973 = arith.constant 512 : i32
      %mul3A_974 = vector.broadcast %mul3A_973 : i32 to vector<16xi32>
      %mul3A_975 = arith.muli %min3A_965, %mul3A_974 : vector<16xi32>
      %add3A_976 = arith.addi %mul3A_975, %min3A_972 : vector<16xi32>
      %shift_right_arithmetic3A_977 = arith.constant 7 : i32
      %shift_right_arithmetic3A_978 = vector.broadcast %shift_right_arithmetic3A_977 : i32 to vector<16xi32>
      %shift_right_arithmetic3A_979 = arith.shrsi %add3A_976, %shift_right_arithmetic3A_978 : vector<16xi32>
      %shift_left3A_980 = arith.constant 10 : i32
      %shift_left3A_981 = vector.broadcast %shift_left3A_980 : i32 to vector<16xi32>
      %shift_left3A_982 = arith.shli %shift_right_arithmetic3A_979, %shift_left3A_981 : vector<16xi32>
      %and3A_983 = arith.constant 127 : i32
      %and3A_984 = vector.broadcast %and3A_983 : i32 to vector<16xi32>
      %and3A_985 = arith.andi %add3A_976, %and3A_984 : vector<16xi32>
      %add3A_986 = arith.addi %shift_left3A_982, %and3A_985 : vector<16xi32>
      %add3A_987 = arith.constant 4194816 : i32
      %add3A_988 = vector.broadcast %add3A_987 : i32 to vector<16xi32>
      %add3A_989 = arith.addi %add3A_986, %add3A_988 : vector<16xi32>
      %mul3A_990 = arith.constant 16 : i32
      %mul3A_991 = arith.muli %scan3A_132, %mul3A_990 : i32
      %add3A_992 = arith.constant 13312 : i32
      %add3A_993 = arith.addi %add3A_992, %mul3A_991 : i32
      %swap3A_994 = arith.index_cast %add3A_993 : i32 to index
      %swap3A_995 = tpu.vector_load %arg8[%swap3A_994] {strides = array<i32>} : memref<16384xi32, #tpu.memory_space<vmem>>, vector<16xi32>,
      %swap3A_996 = vector.shape_cast %swap3A_995 : vector<16xi32> to vector<16xi32>
      %swap3A_997 = vector.shape_cast %add3A_989 : vector<16xi32> to vector<16xi32>
      tpu.vector_store %arg8[%swap3A_994], %swap3A_997 {strides = array<i32>} : memref<16384xi32, #tpu.memory_space<vmem>>, vector<16xi32>,
      %add3A_998 = arith.constant 6.562500e-01 : f32
      %add3A_999 = vector.broadcast %add3A_998 : f32 to vector<16xf32>
      %add3A_1000 = arith.addf %mul3A_175, %add3A_999 : vector<16xf32>
      %convert_element_type3A_1001 = arith.fptosi %add3A_1000 : vector<16xf32> to vector<16xi32>
      %min3A_1002 = arith.constant 511 : i32
      %min3A_1003 = vector.broadcast %min3A_1002 : i32 to vector<16xi32>
      %min3A_1004 = arith.minsi %convert_element_type3A_1001, %min3A_1003 : vector<16xi32>
      %add3A_1005 = arith.constant 6.562500e-01 : f32
      %add3A_1006 = vector.broadcast %add3A_1005 : f32 to vector<16xf32>
      %add3A_1007 = arith.addf %mul3A_183, %add3A_1006 : vector<16xf32>
      %convert_element_type3A_1008 = arith.fptosi %add3A_1007 : vector<16xf32> to vector<16xi32>
      %min3A_1009 = arith.constant 511 : i32
      %min3A_1010 = vector.broadcast %min3A_1009 : i32 to vector<16xi32>
      %min3A_1011 = arith.minsi %convert_element_type3A_1008, %min3A_1010 : vector<16xi32>
      %mul3A_1012 = arith.constant 512 : i32
      %mul3A_1013 = vector.broadcast %mul3A_1012 : i32 to vector<16xi32>
      %mul3A_1014 = arith.muli %min3A_1004, %mul3A_1013 : vector<16xi32>
      %add3A_1015 = arith.addi %mul3A_1014, %min3A_1011 : vector<16xi32>
      %shift_right_arithmetic3A_1016 = arith.constant 7 : i32
      %shift_right_arithmetic3A_1017 = vector.broadcast %shift_right_arithmetic3A_1016 : i32 to vector<16xi32>
      %shift_right_arithmetic3A_1018 = arith.shrsi %add3A_1015, %shift_right_arithmetic3A_1017 : vector<16xi32>
      %shift_left3A_1019 = arith.constant 10 : i32
      %shift_left3A_1020 = vector.broadcast %shift_left3A_1019 : i32 to vector<16xi32>
      %shift_left3A_1021 = arith.shli %shift_right_arithmetic3A_1018, %shift_left3A_1020 : vector<16xi32>
      %and3A_1022 = arith.constant 127 : i32
      %and3A_1023 = vector.broadcast %and3A_1022 : i32 to vector<16xi32>
      %and3A_1024 = arith.andi %add3A_1015, %and3A_1023 : vector<16xi32>
      %add3A_1025 = arith.addi %shift_left3A_1021, %and3A_1024 : vector<16xi32>
      %add3A_1026 = arith.constant 4194944 : i32
      %add3A_1027 = vector.broadcast %add3A_1026 : i32 to vector<16xi32>
      %add3A_1028 = arith.addi %add3A_1025, %add3A_1027 : vector<16xi32>
      %mul3A_1029 = arith.constant 16 : i32
      %mul3A_1030 = arith.muli %scan3A_132, %mul3A_1029 : i32
      %add3A_1031 = arith.constant 13568 : i32
      %add3A_1032 = arith.addi %add3A_1031, %mul3A_1030 : i32
      %swap3A_1033 = arith.index_cast %add3A_1032 : i32 to index
      %swap3A_1034 = tpu.vector_load %arg8[%swap3A_1033] {strides = array<i32>} : memref<16384xi32, #tpu.memory_space<vmem>>, vector<16xi32>,
      %swap3A_1035 = vector.shape_cast %swap3A_1034 : vector<16xi32> to vector<16xi32>
      %swap3A_1036 = vector.shape_cast %add3A_1028 : vector<16xi32> to vector<16xi32>
      tpu.vector_store %arg8[%swap3A_1033], %swap3A_1036 {strides = array<i32>} : memref<16384xi32, #tpu.memory_space<vmem>>, vector<16xi32>,
      %add3A_1037 = arith.constant 6.875000e-01 : f32
      %add3A_1038 = vector.broadcast %add3A_1037 : f32 to vector<16xf32>
      %add3A_1039 = arith.addf %mul3A_175, %add3A_1038 : vector<16xf32>
      %convert_element_type3A_1040 = arith.fptosi %add3A_1039 : vector<16xf32> to vector<16xi32>
      %min3A_1041 = arith.constant 511 : i32
      %min3A_1042 = vector.broadcast %min3A_1041 : i32 to vector<16xi32>
      %min3A_1043 = arith.minsi %convert_element_type3A_1040, %min3A_1042 : vector<16xi32>
      %add3A_1044 = arith.constant 6.875000e-01 : f32
      %add3A_1045 = vector.broadcast %add3A_1044 : f32 to vector<16xf32>
      %add3A_1046 = arith.addf %mul3A_183, %add3A_1045 : vector<16xf32>
      %convert_element_type3A_1047 = arith.fptosi %add3A_1046 : vector<16xf32> to vector<16xi32>
      %min3A_1048 = arith.constant 511 : i32
      %min3A_1049 = vector.broadcast %min3A_1048 : i32 to vector<16xi32>
      %min3A_1050 = arith.minsi %convert_element_type3A_1047, %min3A_1049 : vector<16xi32>
      %mul3A_1051 = arith.constant 512 : i32
      %mul3A_1052 = vector.broadcast %mul3A_1051 : i32 to vector<16xi32>
      %mul3A_1053 = arith.muli %min3A_1043, %mul3A_1052 : vector<16xi32>
      %add3A_1054 = arith.addi %mul3A_1053, %min3A_1050 : vector<16xi32>
      %shift_right_arithmetic3A_1055 = arith.constant 7 : i32
      %shift_right_arithmetic3A_1056 = vector.broadcast %shift_right_arithmetic3A_1055 : i32 to vector<16xi32>
      %shift_right_arithmetic3A_1057 = arith.shrsi %add3A_1054, %shift_right_arithmetic3A_1056 : vector<16xi32>
      %shift_left3A_1058 = arith.constant 10 : i32
      %shift_left3A_1059 = vector.broadcast %shift_left3A_1058 : i32 to vector<16xi32>
      %shift_left3A_1060 = arith.shli %shift_right_arithmetic3A_1057, %shift_left3A_1059 : vector<16xi32>
      %and3A_1061 = arith.constant 127 : i32
      %and3A_1062 = vector.broadcast %and3A_1061 : i32 to vector<16xi32>
      %and3A_1063 = arith.andi %add3A_1054, %and3A_1062 : vector<16xi32>
      %add3A_1064 = arith.addi %shift_left3A_1060, %and3A_1063 : vector<16xi32>
      %add3A_1065 = arith.constant 4195072 : i32
      %add3A_1066 = vector.broadcast %add3A_1065 : i32 to vector<16xi32>
      %add3A_1067 = arith.addi %add3A_1064, %add3A_1066 : vector<16xi32>
      %mul3A_1068 = arith.constant 16 : i32
      %mul3A_1069 = arith.muli %scan3A_132, %mul3A_1068 : i32
      %add3A_1070 = arith.constant 13824 : i32
      %add3A_1071 = arith.addi %add3A_1070, %mul3A_1069 : i32
      %swap3A_1072 = arith.index_cast %add3A_1071 : i32 to index
      %swap3A_1073 = tpu.vector_load %arg8[%swap3A_1072] {strides = array<i32>} : memref<16384xi32, #tpu.memory_space<vmem>>, vector<16xi32>,
      %swap3A_1074 = vector.shape_cast %swap3A_1073 : vector<16xi32> to vector<16xi32>
      %swap3A_1075 = vector.shape_cast %add3A_1067 : vector<16xi32> to vector<16xi32>
      tpu.vector_store %arg8[%swap3A_1072], %swap3A_1075 {strides = array<i32>} : memref<16384xi32, #tpu.memory_space<vmem>>, vector<16xi32>,
      %add3A_1076 = arith.constant 7.187500e-01 : f32
      %add3A_1077 = vector.broadcast %add3A_1076 : f32 to vector<16xf32>
      %add3A_1078 = arith.addf %mul3A_175, %add3A_1077 : vector<16xf32>
      %convert_element_type3A_1079 = arith.fptosi %add3A_1078 : vector<16xf32> to vector<16xi32>
      %min3A_1080 = arith.constant 511 : i32
      %min3A_1081 = vector.broadcast %min3A_1080 : i32 to vector<16xi32>
      %min3A_1082 = arith.minsi %convert_element_type3A_1079, %min3A_1081 : vector<16xi32>
      %add3A_1083 = arith.constant 7.187500e-01 : f32
      %add3A_1084 = vector.broadcast %add3A_1083 : f32 to vector<16xf32>
      %add3A_1085 = arith.addf %mul3A_183, %add3A_1084 : vector<16xf32>
      %convert_element_type3A_1086 = arith.fptosi %add3A_1085 : vector<16xf32> to vector<16xi32>
      %min3A_1087 = arith.constant 511 : i32
      %min3A_1088 = vector.broadcast %min3A_1087 : i32 to vector<16xi32>
      %min3A_1089 = arith.minsi %convert_element_type3A_1086, %min3A_1088 : vector<16xi32>
      %mul3A_1090 = arith.constant 512 : i32
      %mul3A_1091 = vector.broadcast %mul3A_1090 : i32 to vector<16xi32>
      %mul3A_1092 = arith.muli %min3A_1082, %mul3A_1091 : vector<16xi32>
      %add3A_1093 = arith.addi %mul3A_1092, %min3A_1089 : vector<16xi32>
      %shift_right_arithmetic3A_1094 = arith.constant 7 : i32
      %shift_right_arithmetic3A_1095 = vector.broadcast %shift_right_arithmetic3A_1094 : i32 to vector<16xi32>
      %shift_right_arithmetic3A_1096 = arith.shrsi %add3A_1093, %shift_right_arithmetic3A_1095 : vector<16xi32>
      %shift_left3A_1097 = arith.constant 10 : i32
      %shift_left3A_1098 = vector.broadcast %shift_left3A_1097 : i32 to vector<16xi32>
      %shift_left3A_1099 = arith.shli %shift_right_arithmetic3A_1096, %shift_left3A_1098 : vector<16xi32>
      %and3A_1100 = arith.constant 127 : i32
      %and3A_1101 = vector.broadcast %and3A_1100 : i32 to vector<16xi32>
      %and3A_1102 = arith.andi %add3A_1093, %and3A_1101 : vector<16xi32>
      %add3A_1103 = arith.addi %shift_left3A_1099, %and3A_1102 : vector<16xi32>
      %add3A_1104 = arith.constant 4195200 : i32
      %add3A_1105 = vector.broadcast %add3A_1104 : i32 to vector<16xi32>
      %add3A_1106 = arith.addi %add3A_1103, %add3A_1105 : vector<16xi32>
      %mul3A_1107 = arith.constant 16 : i32
      %mul3A_1108 = arith.muli %scan3A_132, %mul3A_1107 : i32
      %add3A_1109 = arith.constant 14080 : i32
      %add3A_1110 = arith.addi %add3A_1109, %mul3A_1108 : i32
      %swap3A_1111 = arith.index_cast %add3A_1110 : i32 to index
      %swap3A_1112 = tpu.vector_load %arg8[%swap3A_1111] {strides = array<i32>} : memref<16384xi32, #tpu.memory_space<vmem>>, vector<16xi32>,
      %swap3A_1113 = vector.shape_cast %swap3A_1112 : vector<16xi32> to vector<16xi32>
      %swap3A_1114 = vector.shape_cast %add3A_1106 : vector<16xi32> to vector<16xi32>
      tpu.vector_store %arg8[%swap3A_1111], %swap3A_1114 {strides = array<i32>} : memref<16384xi32, #tpu.memory_space<vmem>>, vector<16xi32>,
      %add3A_1115 = arith.constant 7.500000e-01 : f32
      %add3A_1116 = vector.broadcast %add3A_1115 : f32 to vector<16xf32>
      %add3A_1117 = arith.addf %mul3A_175, %add3A_1116 : vector<16xf32>
      %convert_element_type3A_1118 = arith.fptosi %add3A_1117 : vector<16xf32> to vector<16xi32>
      %min3A_1119 = arith.constant 511 : i32
      %min3A_1120 = vector.broadcast %min3A_1119 : i32 to vector<16xi32>
      %min3A_1121 = arith.minsi %convert_element_type3A_1118, %min3A_1120 : vector<16xi32>
      %add3A_1122 = arith.constant 7.500000e-01 : f32
      %add3A_1123 = vector.broadcast %add3A_1122 : f32 to vector<16xf32>
      %add3A_1124 = arith.addf %mul3A_183, %add3A_1123 : vector<16xf32>
      %convert_element_type3A_1125 = arith.fptosi %add3A_1124 : vector<16xf32> to vector<16xi32>
      %min3A_1126 = arith.constant 511 : i32
      %min3A_1127 = vector.broadcast %min3A_1126 : i32 to vector<16xi32>
      %min3A_1128 = arith.minsi %convert_element_type3A_1125, %min3A_1127 : vector<16xi32>
      %mul3A_1129 = arith.constant 512 : i32
      %mul3A_1130 = vector.broadcast %mul3A_1129 : i32 to vector<16xi32>
      %mul3A_1131 = arith.muli %min3A_1121, %mul3A_1130 : vector<16xi32>
      %add3A_1132 = arith.addi %mul3A_1131, %min3A_1128 : vector<16xi32>
      %shift_right_arithmetic3A_1133 = arith.constant 7 : i32
      %shift_right_arithmetic3A_1134 = vector.broadcast %shift_right_arithmetic3A_1133 : i32 to vector<16xi32>
      %shift_right_arithmetic3A_1135 = arith.shrsi %add3A_1132, %shift_right_arithmetic3A_1134 : vector<16xi32>
      %shift_left3A_1136 = arith.constant 10 : i32
      %shift_left3A_1137 = vector.broadcast %shift_left3A_1136 : i32 to vector<16xi32>
      %shift_left3A_1138 = arith.shli %shift_right_arithmetic3A_1135, %shift_left3A_1137 : vector<16xi32>
      %and3A_1139 = arith.constant 127 : i32
      %and3A_1140 = vector.broadcast %and3A_1139 : i32 to vector<16xi32>
      %and3A_1141 = arith.andi %add3A_1132, %and3A_1140 : vector<16xi32>
      %add3A_1142 = arith.addi %shift_left3A_1138, %and3A_1141 : vector<16xi32>
      %add3A_1143 = arith.constant 6291456 : i32
      %add3A_1144 = vector.broadcast %add3A_1143 : i32 to vector<16xi32>
      %add3A_1145 = arith.addi %add3A_1142, %add3A_1144 : vector<16xi32>
      %mul3A_1146 = arith.constant 16 : i32
      %mul3A_1147 = arith.muli %scan3A_132, %mul3A_1146 : i32
      %add3A_1148 = arith.constant 14336 : i32
      %add3A_1149 = arith.addi %add3A_1148, %mul3A_1147 : i32
      %swap3A_1150 = arith.index_cast %add3A_1149 : i32 to index
      %swap3A_1151 = tpu.vector_load %arg8[%swap3A_1150] {strides = array<i32>} : memref<16384xi32, #tpu.memory_space<vmem>>, vector<16xi32>,
      %swap3A_1152 = vector.shape_cast %swap3A_1151 : vector<16xi32> to vector<16xi32>
      %swap3A_1153 = vector.shape_cast %add3A_1145 : vector<16xi32> to vector<16xi32>
      tpu.vector_store %arg8[%swap3A_1150], %swap3A_1153 {strides = array<i32>} : memref<16384xi32, #tpu.memory_space<vmem>>, vector<16xi32>,
      %add3A_1154 = arith.constant 7.812500e-01 : f32
      %add3A_1155 = vector.broadcast %add3A_1154 : f32 to vector<16xf32>
      %add3A_1156 = arith.addf %mul3A_175, %add3A_1155 : vector<16xf32>
      %convert_element_type3A_1157 = arith.fptosi %add3A_1156 : vector<16xf32> to vector<16xi32>
      %min3A_1158 = arith.constant 511 : i32
      %min3A_1159 = vector.broadcast %min3A_1158 : i32 to vector<16xi32>
      %min3A_1160 = arith.minsi %convert_element_type3A_1157, %min3A_1159 : vector<16xi32>
      %add3A_1161 = arith.constant 7.812500e-01 : f32
      %add3A_1162 = vector.broadcast %add3A_1161 : f32 to vector<16xf32>
      %add3A_1163 = arith.addf %mul3A_183, %add3A_1162 : vector<16xf32>
      %convert_element_type3A_1164 = arith.fptosi %add3A_1163 : vector<16xf32> to vector<16xi32>
      %min3A_1165 = arith.constant 511 : i32
      %min3A_1166 = vector.broadcast %min3A_1165 : i32 to vector<16xi32>
      %min3A_1167 = arith.minsi %convert_element_type3A_1164, %min3A_1166 : vector<16xi32>
      %mul3A_1168 = arith.constant 512 : i32
      %mul3A_1169 = vector.broadcast %mul3A_1168 : i32 to vector<16xi32>
      %mul3A_1170 = arith.muli %min3A_1160, %mul3A_1169 : vector<16xi32>
      %add3A_1171 = arith.addi %mul3A_1170, %min3A_1167 : vector<16xi32>
      %shift_right_arithmetic3A_1172 = arith.constant 7 : i32
      %shift_right_arithmetic3A_1173 = vector.broadcast %shift_right_arithmetic3A_1172 : i32 to vector<16xi32>
      %shift_right_arithmetic3A_1174 = arith.shrsi %add3A_1171, %shift_right_arithmetic3A_1173 : vector<16xi32>
      %shift_left3A_1175 = arith.constant 10 : i32
      %shift_left3A_1176 = vector.broadcast %shift_left3A_1175 : i32 to vector<16xi32>
      %shift_left3A_1177 = arith.shli %shift_right_arithmetic3A_1174, %shift_left3A_1176 : vector<16xi32>
      %and3A_1178 = arith.constant 127 : i32
      %and3A_1179 = vector.broadcast %and3A_1178 : i32 to vector<16xi32>
      %and3A_1180 = arith.andi %add3A_1171, %and3A_1179 : vector<16xi32>
      %add3A_1181 = arith.addi %shift_left3A_1177, %and3A_1180 : vector<16xi32>
      %add3A_1182 = arith.constant 6291584 : i32
      %add3A_1183 = vector.broadcast %add3A_1182 : i32 to vector<16xi32>
      %add3A_1184 = arith.addi %add3A_1181, %add3A_1183 : vector<16xi32>
      %mul3A_1185 = arith.constant 16 : i32
      %mul3A_1186 = arith.muli %scan3A_132, %mul3A_1185 : i32
      %add3A_1187 = arith.constant 14592 : i32
      %add3A_1188 = arith.addi %add3A_1187, %mul3A_1186 : i32
      %swap3A_1189 = arith.index_cast %add3A_1188 : i32 to index
      %swap3A_1190 = tpu.vector_load %arg8[%swap3A_1189] {strides = array<i32>} : memref<16384xi32, #tpu.memory_space<vmem>>, vector<16xi32>,
      %swap3A_1191 = vector.shape_cast %swap3A_1190 : vector<16xi32> to vector<16xi32>
      %swap3A_1192 = vector.shape_cast %add3A_1184 : vector<16xi32> to vector<16xi32>
      tpu.vector_store %arg8[%swap3A_1189], %swap3A_1192 {strides = array<i32>} : memref<16384xi32, #tpu.memory_space<vmem>>, vector<16xi32>,
      %add3A_1193 = arith.constant 8.125000e-01 : f32
      %add3A_1194 = vector.broadcast %add3A_1193 : f32 to vector<16xf32>
      %add3A_1195 = arith.addf %mul3A_175, %add3A_1194 : vector<16xf32>
      %convert_element_type3A_1196 = arith.fptosi %add3A_1195 : vector<16xf32> to vector<16xi32>
      %min3A_1197 = arith.constant 511 : i32
      %min3A_1198 = vector.broadcast %min3A_1197 : i32 to vector<16xi32>
      %min3A_1199 = arith.minsi %convert_element_type3A_1196, %min3A_1198 : vector<16xi32>
      %add3A_1200 = arith.constant 8.125000e-01 : f32
      %add3A_1201 = vector.broadcast %add3A_1200 : f32 to vector<16xf32>
      %add3A_1202 = arith.addf %mul3A_183, %add3A_1201 : vector<16xf32>
      %convert_element_type3A_1203 = arith.fptosi %add3A_1202 : vector<16xf32> to vector<16xi32>
      %min3A_1204 = arith.constant 511 : i32
      %min3A_1205 = vector.broadcast %min3A_1204 : i32 to vector<16xi32>
      %min3A_1206 = arith.minsi %convert_element_type3A_1203, %min3A_1205 : vector<16xi32>
      %mul3A_1207 = arith.constant 512 : i32
      %mul3A_1208 = vector.broadcast %mul3A_1207 : i32 to vector<16xi32>
      %mul3A_1209 = arith.muli %min3A_1199, %mul3A_1208 : vector<16xi32>
      %add3A_1210 = arith.addi %mul3A_1209, %min3A_1206 : vector<16xi32>
      %shift_right_arithmetic3A_1211 = arith.constant 7 : i32
      %shift_right_arithmetic3A_1212 = vector.broadcast %shift_right_arithmetic3A_1211 : i32 to vector<16xi32>
      %shift_right_arithmetic3A_1213 = arith.shrsi %add3A_1210, %shift_right_arithmetic3A_1212 : vector<16xi32>
      %shift_left3A_1214 = arith.constant 10 : i32
      %shift_left3A_1215 = vector.broadcast %shift_left3A_1214 : i32 to vector<16xi32>
      %shift_left3A_1216 = arith.shli %shift_right_arithmetic3A_1213, %shift_left3A_1215 : vector<16xi32>
      %and3A_1217 = arith.constant 127 : i32
      %and3A_1218 = vector.broadcast %and3A_1217 : i32 to vector<16xi32>
      %and3A_1219 = arith.andi %add3A_1210, %and3A_1218 : vector<16xi32>
      %add3A_1220 = arith.addi %shift_left3A_1216, %and3A_1219 : vector<16xi32>
      %add3A_1221 = arith.constant 6291712 : i32
      %add3A_1222 = vector.broadcast %add3A_1221 : i32 to vector<16xi32>
      %add3A_1223 = arith.addi %add3A_1220, %add3A_1222 : vector<16xi32>
      %mul3A_1224 = arith.constant 16 : i32
      %mul3A_1225 = arith.muli %scan3A_132, %mul3A_1224 : i32
      %add3A_1226 = arith.constant 14848 : i32
      %add3A_1227 = arith.addi %add3A_1226, %mul3A_1225 : i32
      %swap3A_1228 = arith.index_cast %add3A_1227 : i32 to index
      %swap3A_1229 = tpu.vector_load %arg8[%swap3A_1228] {strides = array<i32>} : memref<16384xi32, #tpu.memory_space<vmem>>, vector<16xi32>,
      %swap3A_1230 = vector.shape_cast %swap3A_1229 : vector<16xi32> to vector<16xi32>
      %swap3A_1231 = vector.shape_cast %add3A_1223 : vector<16xi32> to vector<16xi32>
      tpu.vector_store %arg8[%swap3A_1228], %swap3A_1231 {strides = array<i32>} : memref<16384xi32, #tpu.memory_space<vmem>>, vector<16xi32>,
      %add3A_1232 = arith.constant 8.437500e-01 : f32
      %add3A_1233 = vector.broadcast %add3A_1232 : f32 to vector<16xf32>
      %add3A_1234 = arith.addf %mul3A_175, %add3A_1233 : vector<16xf32>
      %convert_element_type3A_1235 = arith.fptosi %add3A_1234 : vector<16xf32> to vector<16xi32>
      %min3A_1236 = arith.constant 511 : i32
      %min3A_1237 = vector.broadcast %min3A_1236 : i32 to vector<16xi32>
      %min3A_1238 = arith.minsi %convert_element_type3A_1235, %min3A_1237 : vector<16xi32>
      %add3A_1239 = arith.constant 8.437500e-01 : f32
      %add3A_1240 = vector.broadcast %add3A_1239 : f32 to vector<16xf32>
      %add3A_1241 = arith.addf %mul3A_183, %add3A_1240 : vector<16xf32>
      %convert_element_type3A_1242 = arith.fptosi %add3A_1241 : vector<16xf32> to vector<16xi32>
      %min3A_1243 = arith.constant 511 : i32
      %min3A_1244 = vector.broadcast %min3A_1243 : i32 to vector<16xi32>
      %min3A_1245 = arith.minsi %convert_element_type3A_1242, %min3A_1244 : vector<16xi32>
      %mul3A_1246 = arith.constant 512 : i32
      %mul3A_1247 = vector.broadcast %mul3A_1246 : i32 to vector<16xi32>
      %mul3A_1248 = arith.muli %min3A_1238, %mul3A_1247 : vector<16xi32>
      %add3A_1249 = arith.addi %mul3A_1248, %min3A_1245 : vector<16xi32>
      %shift_right_arithmetic3A_1250 = arith.constant 7 : i32
      %shift_right_arithmetic3A_1251 = vector.broadcast %shift_right_arithmetic3A_1250 : i32 to vector<16xi32>
      %shift_right_arithmetic3A_1252 = arith.shrsi %add3A_1249, %shift_right_arithmetic3A_1251 : vector<16xi32>
      %shift_left3A_1253 = arith.constant 10 : i32
      %shift_left3A_1254 = vector.broadcast %shift_left3A_1253 : i32 to vector<16xi32>
      %shift_left3A_1255 = arith.shli %shift_right_arithmetic3A_1252, %shift_left3A_1254 : vector<16xi32>
      %and3A_1256 = arith.constant 127 : i32
      %and3A_1257 = vector.broadcast %and3A_1256 : i32 to vector<16xi32>
      %and3A_1258 = arith.andi %add3A_1249, %and3A_1257 : vector<16xi32>
      %add3A_1259 = arith.addi %shift_left3A_1255, %and3A_1258 : vector<16xi32>
      %add3A_1260 = arith.constant 6291840 : i32
      %add3A_1261 = vector.broadcast %add3A_1260 : i32 to vector<16xi32>
      %add3A_1262 = arith.addi %add3A_1259, %add3A_1261 : vector<16xi32>
      %mul3A_1263 = arith.constant 16 : i32
      %mul3A_1264 = arith.muli %scan3A_132, %mul3A_1263 : i32
      %add3A_1265 = arith.constant 15104 : i32
      %add3A_1266 = arith.addi %add3A_1265, %mul3A_1264 : i32
      %swap3A_1267 = arith.index_cast %add3A_1266 : i32 to index
      %swap3A_1268 = tpu.vector_load %arg8[%swap3A_1267] {strides = array<i32>} : memref<16384xi32, #tpu.memory_space<vmem>>, vector<16xi32>,
      %swap3A_1269 = vector.shape_cast %swap3A_1268 : vector<16xi32> to vector<16xi32>
      %swap3A_1270 = vector.shape_cast %add3A_1262 : vector<16xi32> to vector<16xi32>
      tpu.vector_store %arg8[%swap3A_1267], %swap3A_1270 {strides = array<i32>} : memref<16384xi32, #tpu.memory_space<vmem>>, vector<16xi32>,
      %add3A_1271 = arith.constant 8.750000e-01 : f32
      %add3A_1272 = vector.broadcast %add3A_1271 : f32 to vector<16xf32>
      %add3A_1273 = arith.addf %mul3A_175, %add3A_1272 : vector<16xf32>
      %convert_element_type3A_1274 = arith.fptosi %add3A_1273 : vector<16xf32> to vector<16xi32>
      %min3A_1275 = arith.constant 511 : i32
      %min3A_1276 = vector.broadcast %min3A_1275 : i32 to vector<16xi32>
      %min3A_1277 = arith.minsi %convert_element_type3A_1274, %min3A_1276 : vector<16xi32>
      %add3A_1278 = arith.constant 8.750000e-01 : f32
      %add3A_1279 = vector.broadcast %add3A_1278 : f32 to vector<16xf32>
      %add3A_1280 = arith.addf %mul3A_183, %add3A_1279 : vector<16xf32>
      %convert_element_type3A_1281 = arith.fptosi %add3A_1280 : vector<16xf32> to vector<16xi32>
      %min3A_1282 = arith.constant 511 : i32
      %min3A_1283 = vector.broadcast %min3A_1282 : i32 to vector<16xi32>
      %min3A_1284 = arith.minsi %convert_element_type3A_1281, %min3A_1283 : vector<16xi32>
      %mul3A_1285 = arith.constant 512 : i32
      %mul3A_1286 = vector.broadcast %mul3A_1285 : i32 to vector<16xi32>
      %mul3A_1287 = arith.muli %min3A_1277, %mul3A_1286 : vector<16xi32>
      %add3A_1288 = arith.addi %mul3A_1287, %min3A_1284 : vector<16xi32>
      %shift_right_arithmetic3A_1289 = arith.constant 7 : i32
      %shift_right_arithmetic3A_1290 = vector.broadcast %shift_right_arithmetic3A_1289 : i32 to vector<16xi32>
      %shift_right_arithmetic3A_1291 = arith.shrsi %add3A_1288, %shift_right_arithmetic3A_1290 : vector<16xi32>
      %shift_left3A_1292 = arith.constant 10 : i32
      %shift_left3A_1293 = vector.broadcast %shift_left3A_1292 : i32 to vector<16xi32>
      %shift_left3A_1294 = arith.shli %shift_right_arithmetic3A_1291, %shift_left3A_1293 : vector<16xi32>
      %and3A_1295 = arith.constant 127 : i32
      %and3A_1296 = vector.broadcast %and3A_1295 : i32 to vector<16xi32>
      %and3A_1297 = arith.andi %add3A_1288, %and3A_1296 : vector<16xi32>
      %add3A_1298 = arith.addi %shift_left3A_1294, %and3A_1297 : vector<16xi32>
      %add3A_1299 = arith.constant 6291968 : i32
      %add3A_1300 = vector.broadcast %add3A_1299 : i32 to vector<16xi32>
      %add3A_1301 = arith.addi %add3A_1298, %add3A_1300 : vector<16xi32>
      %mul3A_1302 = arith.constant 16 : i32
      %mul3A_1303 = arith.muli %scan3A_132, %mul3A_1302 : i32
      %add3A_1304 = arith.constant 15360 : i32
      %add3A_1305 = arith.addi %add3A_1304, %mul3A_1303 : i32
      %swap3A_1306 = arith.index_cast %add3A_1305 : i32 to index
      %swap3A_1307 = tpu.vector_load %arg8[%swap3A_1306] {strides = array<i32>} : memref<16384xi32, #tpu.memory_space<vmem>>, vector<16xi32>,
      %swap3A_1308 = vector.shape_cast %swap3A_1307 : vector<16xi32> to vector<16xi32>
      %swap3A_1309 = vector.shape_cast %add3A_1301 : vector<16xi32> to vector<16xi32>
      tpu.vector_store %arg8[%swap3A_1306], %swap3A_1309 {strides = array<i32>} : memref<16384xi32, #tpu.memory_space<vmem>>, vector<16xi32>,
      %add3A_1310 = arith.constant 9.062500e-01 : f32
      %add3A_1311 = vector.broadcast %add3A_1310 : f32 to vector<16xf32>
      %add3A_1312 = arith.addf %mul3A_175, %add3A_1311 : vector<16xf32>
      %convert_element_type3A_1313 = arith.fptosi %add3A_1312 : vector<16xf32> to vector<16xi32>
      %min3A_1314 = arith.constant 511 : i32
      %min3A_1315 = vector.broadcast %min3A_1314 : i32 to vector<16xi32>
      %min3A_1316 = arith.minsi %convert_element_type3A_1313, %min3A_1315 : vector<16xi32>
      %add3A_1317 = arith.constant 9.062500e-01 : f32
      %add3A_1318 = vector.broadcast %add3A_1317 : f32 to vector<16xf32>
      %add3A_1319 = arith.addf %mul3A_183, %add3A_1318 : vector<16xf32>
      %convert_element_type3A_1320 = arith.fptosi %add3A_1319 : vector<16xf32> to vector<16xi32>
      %min3A_1321 = arith.constant 511 : i32
      %min3A_1322 = vector.broadcast %min3A_1321 : i32 to vector<16xi32>
      %min3A_1323 = arith.minsi %convert_element_type3A_1320, %min3A_1322 : vector<16xi32>
      %mul3A_1324 = arith.constant 512 : i32
      %mul3A_1325 = vector.broadcast %mul3A_1324 : i32 to vector<16xi32>
      %mul3A_1326 = arith.muli %min3A_1316, %mul3A_1325 : vector<16xi32>
      %add3A_1327 = arith.addi %mul3A_1326, %min3A_1323 : vector<16xi32>
      %shift_right_arithmetic3A_1328 = arith.constant 7 : i32
      %shift_right_arithmetic3A_1329 = vector.broadcast %shift_right_arithmetic3A_1328 : i32 to vector<16xi32>
      %shift_right_arithmetic3A_1330 = arith.shrsi %add3A_1327, %shift_right_arithmetic3A_1329 : vector<16xi32>
      %shift_left3A_1331 = arith.constant 10 : i32
      %shift_left3A_1332 = vector.broadcast %shift_left3A_1331 : i32 to vector<16xi32>
      %shift_left3A_1333 = arith.shli %shift_right_arithmetic3A_1330, %shift_left3A_1332 : vector<16xi32>
      %and3A_1334 = arith.constant 127 : i32
      %and3A_1335 = vector.broadcast %and3A_1334 : i32 to vector<16xi32>
      %and3A_1336 = arith.andi %add3A_1327, %and3A_1335 : vector<16xi32>
      %add3A_1337 = arith.addi %shift_left3A_1333, %and3A_1336 : vector<16xi32>
      %add3A_1338 = arith.constant 6292096 : i32
      %add3A_1339 = vector.broadcast %add3A_1338 : i32 to vector<16xi32>
      %add3A_1340 = arith.addi %add3A_1337, %add3A_1339 : vector<16xi32>
      %mul3A_1341 = arith.constant 16 : i32
      %mul3A_1342 = arith.muli %scan3A_132, %mul3A_1341 : i32
      %add3A_1343 = arith.constant 15616 : i32
      %add3A_1344 = arith.addi %add3A_1343, %mul3A_1342 : i32
      %swap3A_1345 = arith.index_cast %add3A_1344 : i32 to index
      %swap3A_1346 = tpu.vector_load %arg8[%swap3A_1345] {strides = array<i32>} : memref<16384xi32, #tpu.memory_space<vmem>>, vector<16xi32>,
      %swap3A_1347 = vector.shape_cast %swap3A_1346 : vector<16xi32> to vector<16xi32>
      %swap3A_1348 = vector.shape_cast %add3A_1340 : vector<16xi32> to vector<16xi32>
      tpu.vector_store %arg8[%swap3A_1345], %swap3A_1348 {strides = array<i32>} : memref<16384xi32, #tpu.memory_space<vmem>>, vector<16xi32>,
      %add3A_1349 = arith.constant 9.375000e-01 : f32
      %add3A_1350 = vector.broadcast %add3A_1349 : f32 to vector<16xf32>
      %add3A_1351 = arith.addf %mul3A_175, %add3A_1350 : vector<16xf32>
      %convert_element_type3A_1352 = arith.fptosi %add3A_1351 : vector<16xf32> to vector<16xi32>
      %min3A_1353 = arith.constant 511 : i32
      %min3A_1354 = vector.broadcast %min3A_1353 : i32 to vector<16xi32>
      %min3A_1355 = arith.minsi %convert_element_type3A_1352, %min3A_1354 : vector<16xi32>
      %add3A_1356 = arith.constant 9.375000e-01 : f32
      %add3A_1357 = vector.broadcast %add3A_1356 : f32 to vector<16xf32>
      %add3A_1358 = arith.addf %mul3A_183, %add3A_1357 : vector<16xf32>
      %convert_element_type3A_1359 = arith.fptosi %add3A_1358 : vector<16xf32> to vector<16xi32>
      %min3A_1360 = arith.constant 511 : i32
      %min3A_1361 = vector.broadcast %min3A_1360 : i32 to vector<16xi32>
      %min3A_1362 = arith.minsi %convert_element_type3A_1359, %min3A_1361 : vector<16xi32>
      %mul3A_1363 = arith.constant 512 : i32
      %mul3A_1364 = vector.broadcast %mul3A_1363 : i32 to vector<16xi32>
      %mul3A_1365 = arith.muli %min3A_1355, %mul3A_1364 : vector<16xi32>
      %add3A_1366 = arith.addi %mul3A_1365, %min3A_1362 : vector<16xi32>
      %shift_right_arithmetic3A_1367 = arith.constant 7 : i32
      %shift_right_arithmetic3A_1368 = vector.broadcast %shift_right_arithmetic3A_1367 : i32 to vector<16xi32>
      %shift_right_arithmetic3A_1369 = arith.shrsi %add3A_1366, %shift_right_arithmetic3A_1368 : vector<16xi32>
      %shift_left3A_1370 = arith.constant 10 : i32
      %shift_left3A_1371 = vector.broadcast %shift_left3A_1370 : i32 to vector<16xi32>
      %shift_left3A_1372 = arith.shli %shift_right_arithmetic3A_1369, %shift_left3A_1371 : vector<16xi32>
      %and3A_1373 = arith.constant 127 : i32
      %and3A_1374 = vector.broadcast %and3A_1373 : i32 to vector<16xi32>
      %and3A_1375 = arith.andi %add3A_1366, %and3A_1374 : vector<16xi32>
      %add3A_1376 = arith.addi %shift_left3A_1372, %and3A_1375 : vector<16xi32>
      %add3A_1377 = arith.constant 6292224 : i32
      %add3A_1378 = vector.broadcast %add3A_1377 : i32 to vector<16xi32>
      %add3A_1379 = arith.addi %add3A_1376, %add3A_1378 : vector<16xi32>
      %mul3A_1380 = arith.constant 16 : i32
      %mul3A_1381 = arith.muli %scan3A_132, %mul3A_1380 : i32
      %add3A_1382 = arith.constant 15872 : i32
      %add3A_1383 = arith.addi %add3A_1382, %mul3A_1381 : i32
      %swap3A_1384 = arith.index_cast %add3A_1383 : i32 to index
      %swap3A_1385 = tpu.vector_load %arg8[%swap3A_1384] {strides = array<i32>} : memref<16384xi32, #tpu.memory_space<vmem>>, vector<16xi32>,
      %swap3A_1386 = vector.shape_cast %swap3A_1385 : vector<16xi32> to vector<16xi32>
      %swap3A_1387 = vector.shape_cast %add3A_1379 : vector<16xi32> to vector<16xi32>
      tpu.vector_store %arg8[%swap3A_1384], %swap3A_1387 {strides = array<i32>} : memref<16384xi32, #tpu.memory_space<vmem>>, vector<16xi32>,
      %add3A_1388 = arith.constant 9.687500e-01 : f32
      %add3A_1389 = vector.broadcast %add3A_1388 : f32 to vector<16xf32>
      %add3A_1390 = arith.addf %mul3A_175, %add3A_1389 : vector<16xf32>
      %convert_element_type3A_1391 = arith.fptosi %add3A_1390 : vector<16xf32> to vector<16xi32>
      %min3A_1392 = arith.constant 511 : i32
      %min3A_1393 = vector.broadcast %min3A_1392 : i32 to vector<16xi32>
      %min3A_1394 = arith.minsi %convert_element_type3A_1391, %min3A_1393 : vector<16xi32>
      %add3A_1395 = arith.constant 9.687500e-01 : f32
      %add3A_1396 = vector.broadcast %add3A_1395 : f32 to vector<16xf32>
      %add3A_1397 = arith.addf %mul3A_183, %add3A_1396 : vector<16xf32>
      %convert_element_type3A_1398 = arith.fptosi %add3A_1397 : vector<16xf32> to vector<16xi32>
      %min3A_1399 = arith.constant 511 : i32
      %min3A_1400 = vector.broadcast %min3A_1399 : i32 to vector<16xi32>
      %min3A_1401 = arith.minsi %convert_element_type3A_1398, %min3A_1400 : vector<16xi32>
      %mul3A_1402 = arith.constant 512 : i32
      %mul3A_1403 = vector.broadcast %mul3A_1402 : i32 to vector<16xi32>
      %mul3A_1404 = arith.muli %min3A_1394, %mul3A_1403 : vector<16xi32>
      %add3A_1405 = arith.addi %mul3A_1404, %min3A_1401 : vector<16xi32>
      %shift_right_arithmetic3A_1406 = arith.constant 7 : i32
      %shift_right_arithmetic3A_1407 = vector.broadcast %shift_right_arithmetic3A_1406 : i32 to vector<16xi32>
      %shift_right_arithmetic3A_1408 = arith.shrsi %add3A_1405, %shift_right_arithmetic3A_1407 : vector<16xi32>
      %shift_left3A_1409 = arith.constant 10 : i32
      %shift_left3A_1410 = vector.broadcast %shift_left3A_1409 : i32 to vector<16xi32>
      %shift_left3A_1411 = arith.shli %shift_right_arithmetic3A_1408, %shift_left3A_1410 : vector<16xi32>
      %and3A_1412 = arith.constant 127 : i32
      %and3A_1413 = vector.broadcast %and3A_1412 : i32 to vector<16xi32>
      %and3A_1414 = arith.andi %add3A_1405, %and3A_1413 : vector<16xi32>
      %add3A_1415 = arith.addi %shift_left3A_1411, %and3A_1414 : vector<16xi32>
      %add3A_1416 = arith.constant 6292352 : i32
      %add3A_1417 = vector.broadcast %add3A_1416 : i32 to vector<16xi32>
      %add3A_1418 = arith.addi %add3A_1415, %add3A_1417 : vector<16xi32>
      %mul3A_1419 = arith.constant 16 : i32
      %mul3A_1420 = arith.muli %scan3A_132, %mul3A_1419 : i32
      %add3A_1421 = arith.constant 16128 : i32
      %add3A_1422 = arith.addi %add3A_1421, %mul3A_1420 : i32
      %swap3A_1423 = arith.index_cast %add3A_1422 : i32 to index
      %swap3A_1424 = tpu.vector_load %arg8[%swap3A_1423] {strides = array<i32>} : memref<16384xi32, #tpu.memory_space<vmem>>, vector<16xi32>,
      %swap3A_1425 = vector.shape_cast %swap3A_1424 : vector<16xi32> to vector<16xi32>
      %swap3A_1426 = vector.shape_cast %add3A_1418 : vector<16xi32> to vector<16xi32>
      tpu.vector_store %arg8[%swap3A_1423], %swap3A_1426 {strides = array<i32>} : memref<16384xi32, #tpu.memory_space<vmem>>, vector<16xi32>,
      %scan3A_1427 = arith.constant 0 : i32
      scf.yield %scan3A_1427 : i32
    }
    %scan3A_32 = arith.constant 16 : i32
    %dma_start3A_33 = arith.constant 8192 : i32
    %dma_start3A_34 = tpu.memref_slice %arg9[%dma_start3A_33] : memref<16384xf32, #tpu.memory_space<vmem>> -> memref<8192xf32, #tpu.memory_space<vmem>>
    %dma_start3A_35 = arith.constant 8192 : i32
    %dma_start3A_36 = tpu.memref_slice %arg8[%dma_start3A_35] : memref<16384xi32, #tpu.memory_space<vmem>> -> memref<8192xi32, #tpu.memory_space<vmem>>
    %dma_start3A_37 = arith.constant 0 : i32
    %dma_start3A_38 = tpu.memref_slice %arg3[%dma_start3A_37] : memref<8388608xf32, #tpu.memory_space<hbm>> -> memref<8388608xf32, #tpu.memory_space<hbm>>
    tpu.enqueue_indirect_dma source(%dma_start3A_38 : memref<8388608xf32, #tpu.memory_space<hbm>>) target(%dma_start3A_34 : memref<8192xf32, #tpu.memory_space<vmem>>) offsets(%dma_start3A_36 : memref<8192xi32, #tpu.memory_space<vmem>>) semaphore(%arg16 : memref<!tpu.dma_semaphore, #tpu.memory_space<semaphore_mem>>)
    %dma_start3A_39 = arith.constant 8192 : i32
    %dma_start3A_40 = tpu.memref_slice %arg10[%dma_start3A_39] : memref<16384xf32, #tpu.memory_space<vmem>> -> memref<8192xf32, #tpu.memory_space<vmem>>
    %dma_start3A_41 = arith.constant 8192 : i32
    %dma_start3A_42 = tpu.memref_slice %arg8[%dma_start3A_41] : memref<16384xi32, #tpu.memory_space<vmem>> -> memref<8192xi32, #tpu.memory_space<vmem>>
    %dma_start3A_43 = arith.constant 0 : i32
    %dma_start3A_44 = tpu.memref_slice %arg4[%dma_start3A_43] : memref<8388608xf32, #tpu.memory_space<hbm>> -> memref<8388608xf32, #tpu.memory_space<hbm>>
    tpu.enqueue_indirect_dma source(%dma_start3A_44 : memref<8388608xf32, #tpu.memory_space<hbm>>) target(%dma_start3A_40 : memref<8192xf32, #tpu.memory_space<vmem>>) offsets(%dma_start3A_42 : memref<8192xi32, #tpu.memory_space<vmem>>) semaphore(%arg17 : memref<!tpu.dma_semaphore, #tpu.memory_space<semaphore_mem>>)
    %dma_start3A_45 = arith.constant 8192 : i32
    %dma_start3A_46 = tpu.memref_slice %arg11[%dma_start3A_45] : memref<16384xf32, #tpu.memory_space<vmem>> -> memref<8192xf32, #tpu.memory_space<vmem>>
    %dma_start3A_47 = arith.constant 8192 : i32
    %dma_start3A_48 = tpu.memref_slice %arg8[%dma_start3A_47] : memref<16384xi32, #tpu.memory_space<vmem>> -> memref<8192xi32, #tpu.memory_space<vmem>>
    %dma_start3A_49 = arith.constant 0 : i32
    %dma_start3A_50 = tpu.memref_slice %arg5[%dma_start3A_49] : memref<8388608xf32, #tpu.memory_space<hbm>> -> memref<8388608xf32, #tpu.memory_space<hbm>>
    tpu.enqueue_indirect_dma source(%dma_start3A_50 : memref<8388608xf32, #tpu.memory_space<hbm>>) target(%dma_start3A_46 : memref<8192xf32, #tpu.memory_space<vmem>>) offsets(%dma_start3A_48 : memref<8192xi32, #tpu.memory_space<vmem>>) semaphore(%arg18 : memref<!tpu.dma_semaphore, #tpu.memory_space<semaphore_mem>>)
    %dma_wait3A = arith.constant 0 : i32
    %dma_wait3A_51 = tpu.memref_slice %arg9[%dma_wait3A] : memref<16384xf32, #tpu.memory_space<vmem>> -> memref<8192xf32, #tpu.memory_space<vmem>>
    %dma_wait3A_52 = arith.constant 0 : i32
    %dma_wait3A_53 = tpu.memref_slice %arg8[%dma_wait3A_52] : memref<16384xi32, #tpu.memory_space<vmem>> -> memref<8192xi32, #tpu.memory_space<vmem>>
    %dma_wait3A_54 = arith.constant 0 : i32
    %dma_wait3A_55 = tpu.memref_slice %arg3[%dma_wait3A_54] : memref<8388608xf32, #tpu.memory_space<hbm>> -> memref<8388608xf32, #tpu.memory_space<hbm>>
    tpu.wait_indirect_dma semaphore(%arg13 : memref<!tpu.dma_semaphore, #tpu.memory_space<semaphore_mem>>) src(%dma_wait3A_55 : memref<8388608xf32, #tpu.memory_space<hbm>>) dst(%dma_wait3A_51 : memref<8192xf32, #tpu.memory_space<vmem>>)
    %dma_wait3A_56 = arith.constant 0 : i32
    %dma_wait3A_57 = tpu.memref_slice %arg10[%dma_wait3A_56] : memref<16384xf32, #tpu.memory_space<vmem>> -> memref<8192xf32, #tpu.memory_space<vmem>>
    %dma_wait3A_58 = arith.constant 0 : i32
    %dma_wait3A_59 = tpu.memref_slice %arg8[%dma_wait3A_58] : memref<16384xi32, #tpu.memory_space<vmem>> -> memref<8192xi32, #tpu.memory_space<vmem>>
    %dma_wait3A_60 = arith.constant 0 : i32
    %dma_wait3A_61 = tpu.memref_slice %arg4[%dma_wait3A_60] : memref<8388608xf32, #tpu.memory_space<hbm>> -> memref<8388608xf32, #tpu.memory_space<hbm>>
    tpu.wait_indirect_dma semaphore(%arg14 : memref<!tpu.dma_semaphore, #tpu.memory_space<semaphore_mem>>) src(%dma_wait3A_61 : memref<8388608xf32, #tpu.memory_space<hbm>>) dst(%dma_wait3A_57 : memref<8192xf32, #tpu.memory_space<vmem>>)
    %dma_wait3A_62 = arith.constant 0 : i32
    %dma_wait3A_63 = tpu.memref_slice %arg11[%dma_wait3A_62] : memref<16384xf32, #tpu.memory_space<vmem>> -> memref<8192xf32, #tpu.memory_space<vmem>>
    %dma_wait3A_64 = arith.constant 0 : i32
    %dma_wait3A_65 = tpu.memref_slice %arg8[%dma_wait3A_64] : memref<16384xi32, #tpu.memory_space<vmem>> -> memref<8192xi32, #tpu.memory_space<vmem>>
    %dma_wait3A_66 = arith.constant 0 : i32
    %dma_wait3A_67 = tpu.memref_slice %arg5[%dma_wait3A_66] : memref<8388608xf32, #tpu.memory_space<hbm>> -> memref<8388608xf32, #tpu.memory_space<hbm>>
    tpu.wait_indirect_dma semaphore(%arg15 : memref<!tpu.dma_semaphore, #tpu.memory_space<semaphore_mem>>) src(%dma_wait3A_67 : memref<8388608xf32, #tpu.memory_space<hbm>>) dst(%dma_wait3A_63 : memref<8192xf32, #tpu.memory_space<vmem>>)
    %scan3A_68 = arith.constant 0 : i32
    %scan3A_69 = arith.constant 0 : i32
    %scan3A_70 = arith.constant 16 : i32
    %scan3A_71 = arith.addi %scan3A_69, %scan3A_70 : i32
    %scan3A_72 = arith.constant 1 : i32
    %scan3A_73 = scf.for %scan3A_132 = %scan3A_69 to %scan3A_71 step %scan3A_72 iter_args(%scan3A_133 = %scan3A_68) -> (i32)  : i32 {
      %mul3A_134 = arith.constant 16 : i32
      %mul3A_135 = arith.muli %scan3A_132, %mul3A_134 : i32
      %add3A_136 = arith.constant 0 : i32
      %add3A_137 = arith.addi %add3A_136, %mul3A_135 : i32
      %jit3A = arith.constant 128 : i32
      %div3A = arith.divsi %add3A_137, %jit3A : i32
      %sign3A = arith.constant 0 : i32
      %sign3A_138 = arith.cmpi sgt, %add3A_137, %sign3A : i32
      %sign3A_139 = arith.extui %sign3A_138 : i1 to i32
      %sign3A_140 = arith.constant 0 : i32
      %sign3A_141 = arith.cmpi slt, %add3A_137, %sign3A_140 : i32
      %sign3A_142 = arith.extui %sign3A_141 : i1 to i32
      %sign3A_143 = arith.subi %sign3A_139, %sign3A_142 : i32
      %sign3A_144 = arith.constant 0 : i32
      %sign3A_145 = arith.cmpi sgt, %jit3A, %sign3A_144 : i32
      %sign3A_146 = arith.extui %sign3A_145 : i1 to i32
      %sign3A_147 = arith.constant 0 : i32
      %sign3A_148 = arith.cmpi slt, %jit3A, %sign3A_147 : i32
      %sign3A_149 = arith.extui %sign3A_148 : i1 to i32
      %sign3A_150 = arith.subi %sign3A_146, %sign3A_149 : i32
      %ne3A = arith.cmpi ne, %sign3A_143, %sign3A_150 : i32
      %rem3A = arith.remsi %add3A_137, %jit3A : i32
      %ne3A_151 = arith.constant 0 : i32
      %ne3A_152 = arith.cmpi ne, %rem3A, %ne3A_151 : i32
      %and3A = arith.andi %ne3A, %ne3A_152 : i1
      %sub3A = arith.constant 1 : i32
      %sub3A_153 = arith.subi %div3A, %sub3A : i32
      %select_n3A = arith.select %and3A, %sub3A_153, %div3A : i32
      %mul3A_154 = arith.constant 256 : i32
      %mul3A_155 = arith.muli %select_n3A, %mul3A_154 : i32
      %jit3A_156 = arith.constant 128 : i32
      %eq3A = arith.constant 0 : i32
      %eq3A_157 = arith.cmpi eq, %jit3A_156, %eq3A : i32
      %jit3A_158 = arith.constant 1 : i32
      %select_n3A_159 = arith.select %eq3A_157, %jit3A_158, %jit3A_156 : i32
      %rem3A_160 = arith.remsi %add3A_137, %select_n3A_159 : i32
      %ne3A_161 = arith.constant 0 : i32
      %ne3A_162 = arith.cmpi ne, %rem3A_160, %ne3A_161 : i32
      %lt3A = arith.constant 0 : i32
      %lt3A_163 = arith.cmpi slt, %rem3A_160, %lt3A : i32
      %lt3A_164 = arith.constant 0 : i32
      %lt3A_165 = arith.cmpi slt, %select_n3A_159, %lt3A_164 : i32
      %ne3A_166 = arith.xori %lt3A_163, %lt3A_165 : i1
      %and3A_167 = arith.andi %ne3A_166, %ne3A_162 : i1
      %add3A_168 = arith.addi %rem3A_160, %select_n3A_159 : i32
      %select_n3A_169 = arith.select %and3A_167, %add3A_168, %rem3A_160 : i32
      %add3A_170 = arith.addi %mul3A_155, %select_n3A_169 : i32
      %jit3A_171 = arith.constant 128 : i32
      %div3A_172 = arith.divsi %add3A_137, %jit3A_171 : i32
      %sign3A_173 = arith.constant 0 : i32
      %sign3A_174 = arith.cmpi sgt, %add3A_137, %sign3A_173 : i32
      %sign3A_175 = arith.extui %sign3A_174 : i1 to i32
      %sign3A_176 = arith.constant 0 : i32
      %sign3A_177 = arith.cmpi slt, %add3A_137, %sign3A_176 : i32
      %sign3A_178 = arith.extui %sign3A_177 : i1 to i32
      %sign3A_179 = arith.subi %sign3A_175, %sign3A_178 : i32
      %sign3A_180 = arith.constant 0 : i32
      %sign3A_181 = arith.cmpi sgt, %jit3A_171, %sign3A_180 : i32
      %sign3A_182 = arith.extui %sign3A_181 : i1 to i32
      %sign3A_183 = arith.constant 0 : i32
      %sign3A_184 = arith.cmpi slt, %jit3A_171, %sign3A_183 : i32
      %sign3A_185 = arith.extui %sign3A_184 : i1 to i32
      %sign3A_186 = arith.subi %sign3A_182, %sign3A_185 : i32
      %ne3A_187 = arith.cmpi ne, %sign3A_179, %sign3A_186 : i32
      %rem3A_188 = arith.remsi %add3A_137, %jit3A_171 : i32
      %ne3A_189 = arith.constant 0 : i32
      %ne3A_190 = arith.cmpi ne, %rem3A_188, %ne3A_189 : i32
      %and3A_191 = arith.andi %ne3A_187, %ne3A_190 : i1
      %sub3A_192 = arith.constant 1 : i32
      %sub3A_193 = arith.subi %div3A_172, %sub3A_192 : i32
      %select_n3A_194 = arith.select %and3A_191, %sub3A_193, %div3A_172 : i32
      %mul3A_195 = arith.constant 512 : i32
      %mul3A_196 = arith.muli %select_n3A_194, %mul3A_195 : i32
      %jit3A_197 = arith.constant 128 : i32
      %eq3A_198 = arith.constant 0 : i32
      %eq3A_199 = arith.cmpi eq, %jit3A_197, %eq3A_198 : i32
      %jit3A_200 = arith.constant 1 : i32
      %select_n3A_201 = arith.select %eq3A_199, %jit3A_200, %jit3A_197 : i32
      %rem3A_202 = arith.remsi %add3A_137, %select_n3A_201 : i32
      %ne3A_203 = arith.constant 0 : i32
      %ne3A_204 = arith.cmpi ne, %rem3A_202, %ne3A_203 : i32
      %lt3A_205 = arith.constant 0 : i32
      %lt3A_206 = arith.cmpi slt, %rem3A_202, %lt3A_205 : i32
      %lt3A_207 = arith.constant 0 : i32
      %lt3A_208 = arith.cmpi slt, %select_n3A_201, %lt3A_207 : i32
      %ne3A_209 = arith.xori %lt3A_206, %lt3A_208 : i1
      %and3A_210 = arith.andi %ne3A_209, %ne3A_204 : i1
      %add3A_211 = arith.addi %rem3A_202, %select_n3A_201 : i32
      %select_n3A_212 = arith.select %and3A_210, %add3A_211, %rem3A_202 : i32
      %add3A_213 = arith.addi %mul3A_196, %select_n3A_212 : i32
      %broadcast_in_dim3A = arith.constant 0.000000e+00 : f32
      %broadcast_in_dim3A_214 = vector.broadcast %broadcast_in_dim3A : f32 to vector<16xf32>
      %broadcast_in_dim3A_215 = arith.constant 0.000000e+00 : f32
      %broadcast_in_dim3A_216 = vector.broadcast %broadcast_in_dim3A_215 : f32 to vector<16xf32>
      %broadcast_in_dim3A_217 = arith.constant 0.000000e+00 : f32
      %broadcast_in_dim3A_218 = vector.broadcast %broadcast_in_dim3A_217 : f32 to vector<16xf32>
      %mul3A_219 = arith.constant 16 : i32
      %mul3A_220 = arith.muli %scan3A_132, %mul3A_219 : i32
      %add3A_221 = arith.constant 0 : i32
      %add3A_222 = arith.addi %add3A_221, %mul3A_220 : i32
      %get3A = arith.index_cast %add3A_222 : i32 to index
      %get3A_223 = tpu.vector_load %arg9[%get3A] {strides = array<i32>} : memref<16384xf32, #tpu.memory_space<vmem>>, vector<16xf32>,
      %get3A_224 = vector.shape_cast %get3A_223 : vector<16xf32> to vector<16xf32>
      %add3A_225 = arith.addf %broadcast_in_dim3A_214, %get3A_224 : vector<16xf32>
      %get3A_226 = arith.index_cast %add3A_222 : i32 to index
      %get3A_227 = tpu.vector_load %arg10[%get3A_226] {strides = array<i32>} : memref<16384xf32, #tpu.memory_space<vmem>>, vector<16xf32>,
      %get3A_228 = vector.shape_cast %get3A_227 : vector<16xf32> to vector<16xf32>
      %add3A_229 = arith.addf %broadcast_in_dim3A_216, %get3A_228 : vector<16xf32>
      %get3A_230 = arith.index_cast %add3A_222 : i32 to index
      %get3A_231 = tpu.vector_load %arg11[%get3A_230] {strides = array<i32>} : memref<16384xf32, #tpu.memory_space<vmem>>, vector<16xf32>,
      %get3A_232 = vector.shape_cast %get3A_231 : vector<16xf32> to vector<16xf32>
      %add3A_233 = arith.addf %broadcast_in_dim3A_218, %get3A_232 : vector<16xf32>
      %mul3A_234 = arith.constant 16 : i32
      %mul3A_235 = arith.muli %scan3A_132, %mul3A_234 : i32
      %add3A_236 = arith.constant 256 : i32
      %add3A_237 = arith.addi %add3A_236, %mul3A_235 : i32
      %get3A_238 = arith.index_cast %add3A_237 : i32 to index
      %get3A_239 = tpu.vector_load %arg9[%get3A_238] {strides = array<i32>} : memref<16384xf32, #tpu.memory_space<vmem>>, vector<16xf32>,
      %get3A_240 = vector.shape_cast %get3A_239 : vector<16xf32> to vector<16xf32>
      %add3A_241 = arith.addf %add3A_225, %get3A_240 : vector<16xf32>
      %get3A_242 = arith.index_cast %add3A_237 : i32 to index
      %get3A_243 = tpu.vector_load %arg10[%get3A_242] {strides = array<i32>} : memref<16384xf32, #tpu.memory_space<vmem>>, vector<16xf32>,
      %get3A_244 = vector.shape_cast %get3A_243 : vector<16xf32> to vector<16xf32>
      %add3A_245 = arith.addf %add3A_229, %get3A_244 : vector<16xf32>
      %get3A_246 = arith.index_cast %add3A_237 : i32 to index
      %get3A_247 = tpu.vector_load %arg11[%get3A_246] {strides = array<i32>} : memref<16384xf32, #tpu.memory_space<vmem>>, vector<16xf32>,
      %get3A_248 = vector.shape_cast %get3A_247 : vector<16xf32> to vector<16xf32>
      %add3A_249 = arith.addf %add3A_233, %get3A_248 : vector<16xf32>
      %mul3A_250 = arith.constant 16 : i32
      %mul3A_251 = arith.muli %scan3A_132, %mul3A_250 : i32
      %add3A_252 = arith.constant 512 : i32
      %add3A_253 = arith.addi %add3A_252, %mul3A_251 : i32
      %get3A_254 = arith.index_cast %add3A_253 : i32 to index
      %get3A_255 = tpu.vector_load %arg9[%get3A_254] {strides = array<i32>} : memref<16384xf32, #tpu.memory_space<vmem>>, vector<16xf32>,
      %get3A_256 = vector.shape_cast %get3A_255 : vector<16xf32> to vector<16xf32>
      %add3A_257 = arith.addf %add3A_241, %get3A_256 : vector<16xf32>
      %get3A_258 = arith.index_cast %add3A_253 : i32 to index
      %get3A_259 = tpu.vector_load %arg10[%get3A_258] {strides = array<i32>} : memref<16384xf32, #tpu.memory_space<vmem>>, vector<16xf32>,
      %get3A_260 = vector.shape_cast %get3A_259 : vector<16xf32> to vector<16xf32>
      %add3A_261 = arith.addf %add3A_245, %get3A_260 : vector<16xf32>
      %get3A_262 = arith.index_cast %add3A_253 : i32 to index
      %get3A_263 = tpu.vector_load %arg11[%get3A_262] {strides = array<i32>} : memref<16384xf32, #tpu.memory_space<vmem>>, vector<16xf32>,
      %get3A_264 = vector.shape_cast %get3A_263 : vector<16xf32> to vector<16xf32>
      %add3A_265 = arith.addf %add3A_249, %get3A_264 : vector<16xf32>
      %mul3A_266 = arith.constant 16 : i32
      %mul3A_267 = arith.muli %scan3A_132, %mul3A_266 : i32
      %add3A_268 = arith.constant 768 : i32
      %add3A_269 = arith.addi %add3A_268, %mul3A_267 : i32
      %get3A_270 = arith.index_cast %add3A_269 : i32 to index
      %get3A_271 = tpu.vector_load %arg9[%get3A_270] {strides = array<i32>} : memref<16384xf32, #tpu.memory_space<vmem>>, vector<16xf32>,
      %get3A_272 = vector.shape_cast %get3A_271 : vector<16xf32> to vector<16xf32>
      %add3A_273 = arith.addf %add3A_257, %get3A_272 : vector<16xf32>
      %get3A_274 = arith.index_cast %add3A_269 : i32 to index
      %get3A_275 = tpu.vector_load %arg10[%get3A_274] {strides = array<i32>} : memref<16384xf32, #tpu.memory_space<vmem>>, vector<16xf32>,
      %get3A_276 = vector.shape_cast %get3A_275 : vector<16xf32> to vector<16xf32>
      %add3A_277 = arith.addf %add3A_261, %get3A_276 : vector<16xf32>
      %get3A_278 = arith.index_cast %add3A_269 : i32 to index
      %get3A_279 = tpu.vector_load %arg11[%get3A_278] {strides = array<i32>} : memref<16384xf32, #tpu.memory_space<vmem>>, vector<16xf32>,
      %get3A_280 = vector.shape_cast %get3A_279 : vector<16xf32> to vector<16xf32>
      %add3A_281 = arith.addf %add3A_265, %get3A_280 : vector<16xf32>
      %mul3A_282 = arith.constant 16 : i32
      %mul3A_283 = arith.muli %scan3A_132, %mul3A_282 : i32
      %add3A_284 = arith.constant 1024 : i32
      %add3A_285 = arith.addi %add3A_284, %mul3A_283 : i32
      %get3A_286 = arith.index_cast %add3A_285 : i32 to index
      %get3A_287 = tpu.vector_load %arg9[%get3A_286] {strides = array<i32>} : memref<16384xf32, #tpu.memory_space<vmem>>, vector<16xf32>,
      %get3A_288 = vector.shape_cast %get3A_287 : vector<16xf32> to vector<16xf32>
      %add3A_289 = arith.addf %add3A_273, %get3A_288 : vector<16xf32>
      %get3A_290 = arith.index_cast %add3A_285 : i32 to index
      %get3A_291 = tpu.vector_load %arg10[%get3A_290] {strides = array<i32>} : memref<16384xf32, #tpu.memory_space<vmem>>, vector<16xf32>,
      %get3A_292 = vector.shape_cast %get3A_291 : vector<16xf32> to vector<16xf32>
      %add3A_293 = arith.addf %add3A_277, %get3A_292 : vector<16xf32>
      %get3A_294 = arith.index_cast %add3A_285 : i32 to index
      %get3A_295 = tpu.vector_load %arg11[%get3A_294] {strides = array<i32>} : memref<16384xf32, #tpu.memory_space<vmem>>, vector<16xf32>,
      %get3A_296 = vector.shape_cast %get3A_295 : vector<16xf32> to vector<16xf32>
      %add3A_297 = arith.addf %add3A_281, %get3A_296 : vector<16xf32>
      %mul3A_298 = arith.constant 16 : i32
      %mul3A_299 = arith.muli %scan3A_132, %mul3A_298 : i32
      %add3A_300 = arith.constant 1280 : i32
      %add3A_301 = arith.addi %add3A_300, %mul3A_299 : i32
      %get3A_302 = arith.index_cast %add3A_301 : i32 to index
      %get3A_303 = tpu.vector_load %arg9[%get3A_302] {strides = array<i32>} : memref<16384xf32, #tpu.memory_space<vmem>>, vector<16xf32>,
      %get3A_304 = vector.shape_cast %get3A_303 : vector<16xf32> to vector<16xf32>
      %add3A_305 = arith.addf %add3A_289, %get3A_304 : vector<16xf32>
      %get3A_306 = arith.index_cast %add3A_301 : i32 to index
      %get3A_307 = tpu.vector_load %arg10[%get3A_306] {strides = array<i32>} : memref<16384xf32, #tpu.memory_space<vmem>>, vector<16xf32>,
      %get3A_308 = vector.shape_cast %get3A_307 : vector<16xf32> to vector<16xf32>
      %add3A_309 = arith.addf %add3A_293, %get3A_308 : vector<16xf32>
      %get3A_310 = arith.index_cast %add3A_301 : i32 to index
      %get3A_311 = tpu.vector_load %arg11[%get3A_310] {strides = array<i32>} : memref<16384xf32, #tpu.memory_space<vmem>>, vector<16xf32>,
      %get3A_312 = vector.shape_cast %get3A_311 : vector<16xf32> to vector<16xf32>
      %add3A_313 = arith.addf %add3A_297, %get3A_312 : vector<16xf32>
      %mul3A_314 = arith.constant 16 : i32
      %mul3A_315 = arith.muli %scan3A_132, %mul3A_314 : i32
      %add3A_316 = arith.constant 1536 : i32
      %add3A_317 = arith.addi %add3A_316, %mul3A_315 : i32
      %get3A_318 = arith.index_cast %add3A_317 : i32 to index
      %get3A_319 = tpu.vector_load %arg9[%get3A_318] {strides = array<i32>} : memref<16384xf32, #tpu.memory_space<vmem>>, vector<16xf32>,
      %get3A_320 = vector.shape_cast %get3A_319 : vector<16xf32> to vector<16xf32>
      %add3A_321 = arith.addf %add3A_305, %get3A_320 : vector<16xf32>
      %get3A_322 = arith.index_cast %add3A_317 : i32 to index
      %get3A_323 = tpu.vector_load %arg10[%get3A_322] {strides = array<i32>} : memref<16384xf32, #tpu.memory_space<vmem>>, vector<16xf32>,
      %get3A_324 = vector.shape_cast %get3A_323 : vector<16xf32> to vector<16xf32>
      %add3A_325 = arith.addf %add3A_309, %get3A_324 : vector<16xf32>
      %get3A_326 = arith.index_cast %add3A_317 : i32 to index
      %get3A_327 = tpu.vector_load %arg11[%get3A_326] {strides = array<i32>} : memref<16384xf32, #tpu.memory_space<vmem>>, vector<16xf32>,
      %get3A_328 = vector.shape_cast %get3A_327 : vector<16xf32> to vector<16xf32>
      %add3A_329 = arith.addf %add3A_313, %get3A_328 : vector<16xf32>
      %mul3A_330 = arith.constant 16 : i32
      %mul3A_331 = arith.muli %scan3A_132, %mul3A_330 : i32
      %add3A_332 = arith.constant 1792 : i32
      %add3A_333 = arith.addi %add3A_332, %mul3A_331 : i32
      %get3A_334 = arith.index_cast %add3A_333 : i32 to index
      %get3A_335 = tpu.vector_load %arg9[%get3A_334] {strides = array<i32>} : memref<16384xf32, #tpu.memory_space<vmem>>, vector<16xf32>,
      %get3A_336 = vector.shape_cast %get3A_335 : vector<16xf32> to vector<16xf32>
      %add3A_337 = arith.addf %add3A_321, %get3A_336 : vector<16xf32>
      %get3A_338 = arith.index_cast %add3A_333 : i32 to index
      %get3A_339 = tpu.vector_load %arg10[%get3A_338] {strides = array<i32>} : memref<16384xf32, #tpu.memory_space<vmem>>, vector<16xf32>,
      %get3A_340 = vector.shape_cast %get3A_339 : vector<16xf32> to vector<16xf32>
      %add3A_341 = arith.addf %add3A_325, %get3A_340 : vector<16xf32>
      %get3A_342 = arith.index_cast %add3A_333 : i32 to index
      %get3A_343 = tpu.vector_load %arg11[%get3A_342] {strides = array<i32>} : memref<16384xf32, #tpu.memory_space<vmem>>, vector<16xf32>,
      %get3A_344 = vector.shape_cast %get3A_343 : vector<16xf32> to vector<16xf32>
      %add3A_345 = arith.addf %add3A_329, %get3A_344 : vector<16xf32>
      %mul3A_346 = arith.constant 16 : i32
      %mul3A_347 = arith.muli %scan3A_132, %mul3A_346 : i32
      %add3A_348 = arith.constant 2048 : i32
      %add3A_349 = arith.addi %add3A_348, %mul3A_347 : i32
      %get3A_350 = arith.index_cast %add3A_349 : i32 to index
      %get3A_351 = tpu.vector_load %arg9[%get3A_350] {strides = array<i32>} : memref<16384xf32, #tpu.memory_space<vmem>>, vector<16xf32>,
      %get3A_352 = vector.shape_cast %get3A_351 : vector<16xf32> to vector<16xf32>
      %add3A_353 = arith.addf %add3A_337, %get3A_352 : vector<16xf32>
      %get3A_354 = arith.index_cast %add3A_349 : i32 to index
      %get3A_355 = tpu.vector_load %arg10[%get3A_354] {strides = array<i32>} : memref<16384xf32, #tpu.memory_space<vmem>>, vector<16xf32>,
      %get3A_356 = vector.shape_cast %get3A_355 : vector<16xf32> to vector<16xf32>
      %add3A_357 = arith.addf %add3A_341, %get3A_356 : vector<16xf32>
      %get3A_358 = arith.index_cast %add3A_349 : i32 to index
      %get3A_359 = tpu.vector_load %arg11[%get3A_358] {strides = array<i32>} : memref<16384xf32, #tpu.memory_space<vmem>>, vector<16xf32>,
      %get3A_360 = vector.shape_cast %get3A_359 : vector<16xf32> to vector<16xf32>
      %add3A_361 = arith.addf %add3A_345, %get3A_360 : vector<16xf32>
      %mul3A_362 = arith.constant 16 : i32
      %mul3A_363 = arith.muli %scan3A_132, %mul3A_362 : i32
      %add3A_364 = arith.constant 2304 : i32
      %add3A_365 = arith.addi %add3A_364, %mul3A_363 : i32
      %get3A_366 = arith.index_cast %add3A_365 : i32 to index
      %get3A_367 = tpu.vector_load %arg9[%get3A_366] {strides = array<i32>} : memref<16384xf32, #tpu.memory_space<vmem>>, vector<16xf32>,
      %get3A_368 = vector.shape_cast %get3A_367 : vector<16xf32> to vector<16xf32>
      %add3A_369 = arith.addf %add3A_353, %get3A_368 : vector<16xf32>
      %get3A_370 = arith.index_cast %add3A_365 : i32 to index
      %get3A_371 = tpu.vector_load %arg10[%get3A_370] {strides = array<i32>} : memref<16384xf32, #tpu.memory_space<vmem>>, vector<16xf32>,
      %get3A_372 = vector.shape_cast %get3A_371 : vector<16xf32> to vector<16xf32>
      %add3A_373 = arith.addf %add3A_357, %get3A_372 : vector<16xf32>
      %get3A_374 = arith.index_cast %add3A_365 : i32 to index
      %get3A_375 = tpu.vector_load %arg11[%get3A_374] {strides = array<i32>} : memref<16384xf32, #tpu.memory_space<vmem>>, vector<16xf32>,
      %get3A_376 = vector.shape_cast %get3A_375 : vector<16xf32> to vector<16xf32>
      %add3A_377 = arith.addf %add3A_361, %get3A_376 : vector<16xf32>
      %mul3A_378 = arith.constant 16 : i32
      %mul3A_379 = arith.muli %scan3A_132, %mul3A_378 : i32
      %add3A_380 = arith.constant 2560 : i32
      %add3A_381 = arith.addi %add3A_380, %mul3A_379 : i32
      %get3A_382 = arith.index_cast %add3A_381 : i32 to index
      %get3A_383 = tpu.vector_load %arg9[%get3A_382] {strides = array<i32>} : memref<16384xf32, #tpu.memory_space<vmem>>, vector<16xf32>,
      %get3A_384 = vector.shape_cast %get3A_383 : vector<16xf32> to vector<16xf32>
      %add3A_385 = arith.addf %add3A_369, %get3A_384 : vector<16xf32>
      %get3A_386 = arith.index_cast %add3A_381 : i32 to index
      %get3A_387 = tpu.vector_load %arg10[%get3A_386] {strides = array<i32>} : memref<16384xf32, #tpu.memory_space<vmem>>, vector<16xf32>,
      %get3A_388 = vector.shape_cast %get3A_387 : vector<16xf32> to vector<16xf32>
      %add3A_389 = arith.addf %add3A_373, %get3A_388 : vector<16xf32>
      %get3A_390 = arith.index_cast %add3A_381 : i32 to index
      %get3A_391 = tpu.vector_load %arg11[%get3A_390] {strides = array<i32>} : memref<16384xf32, #tpu.memory_space<vmem>>, vector<16xf32>,
      %get3A_392 = vector.shape_cast %get3A_391 : vector<16xf32> to vector<16xf32>
      %add3A_393 = arith.addf %add3A_377, %get3A_392 : vector<16xf32>
      %mul3A_394 = arith.constant 16 : i32
      %mul3A_395 = arith.muli %scan3A_132, %mul3A_394 : i32
      %add3A_396 = arith.constant 2816 : i32
      %add3A_397 = arith.addi %add3A_396, %mul3A_395 : i32
      %get3A_398 = arith.index_cast %add3A_397 : i32 to index
      %get3A_399 = tpu.vector_load %arg9[%get3A_398] {strides = array<i32>} : memref<16384xf32, #tpu.memory_space<vmem>>, vector<16xf32>,
      %get3A_400 = vector.shape_cast %get3A_399 : vector<16xf32> to vector<16xf32>
      %add3A_401 = arith.addf %add3A_385, %get3A_400 : vector<16xf32>
      %get3A_402 = arith.index_cast %add3A_397 : i32 to index
      %get3A_403 = tpu.vector_load %arg10[%get3A_402] {strides = array<i32>} : memref<16384xf32, #tpu.memory_space<vmem>>, vector<16xf32>,
      %get3A_404 = vector.shape_cast %get3A_403 : vector<16xf32> to vector<16xf32>
      %add3A_405 = arith.addf %add3A_389, %get3A_404 : vector<16xf32>
      %get3A_406 = arith.index_cast %add3A_397 : i32 to index
      %get3A_407 = tpu.vector_load %arg11[%get3A_406] {strides = array<i32>} : memref<16384xf32, #tpu.memory_space<vmem>>, vector<16xf32>,
      %get3A_408 = vector.shape_cast %get3A_407 : vector<16xf32> to vector<16xf32>
      %add3A_409 = arith.addf %add3A_393, %get3A_408 : vector<16xf32>
      %mul3A_410 = arith.constant 16 : i32
      %mul3A_411 = arith.muli %scan3A_132, %mul3A_410 : i32
      %add3A_412 = arith.constant 3072 : i32
      %add3A_413 = arith.addi %add3A_412, %mul3A_411 : i32
      %get3A_414 = arith.index_cast %add3A_413 : i32 to index
      %get3A_415 = tpu.vector_load %arg9[%get3A_414] {strides = array<i32>} : memref<16384xf32, #tpu.memory_space<vmem>>, vector<16xf32>,
      %get3A_416 = vector.shape_cast %get3A_415 : vector<16xf32> to vector<16xf32>
      %add3A_417 = arith.addf %add3A_401, %get3A_416 : vector<16xf32>
      %get3A_418 = arith.index_cast %add3A_413 : i32 to index
      %get3A_419 = tpu.vector_load %arg10[%get3A_418] {strides = array<i32>} : memref<16384xf32, #tpu.memory_space<vmem>>, vector<16xf32>,
      %get3A_420 = vector.shape_cast %get3A_419 : vector<16xf32> to vector<16xf32>
      %add3A_421 = arith.addf %add3A_405, %get3A_420 : vector<16xf32>
      %get3A_422 = arith.index_cast %add3A_413 : i32 to index
      %get3A_423 = tpu.vector_load %arg11[%get3A_422] {strides = array<i32>} : memref<16384xf32, #tpu.memory_space<vmem>>, vector<16xf32>,
      %get3A_424 = vector.shape_cast %get3A_423 : vector<16xf32> to vector<16xf32>
      %add3A_425 = arith.addf %add3A_409, %get3A_424 : vector<16xf32>
      %mul3A_426 = arith.constant 16 : i32
      %mul3A_427 = arith.muli %scan3A_132, %mul3A_426 : i32
      %add3A_428 = arith.constant 3328 : i32
      %add3A_429 = arith.addi %add3A_428, %mul3A_427 : i32
      %get3A_430 = arith.index_cast %add3A_429 : i32 to index
      %get3A_431 = tpu.vector_load %arg9[%get3A_430] {strides = array<i32>} : memref<16384xf32, #tpu.memory_space<vmem>>, vector<16xf32>,
      %get3A_432 = vector.shape_cast %get3A_431 : vector<16xf32> to vector<16xf32>
      %add3A_433 = arith.addf %add3A_417, %get3A_432 : vector<16xf32>
      %get3A_434 = arith.index_cast %add3A_429 : i32 to index
      %get3A_435 = tpu.vector_load %arg10[%get3A_434] {strides = array<i32>} : memref<16384xf32, #tpu.memory_space<vmem>>, vector<16xf32>,
      %get3A_436 = vector.shape_cast %get3A_435 : vector<16xf32> to vector<16xf32>
      %add3A_437 = arith.addf %add3A_421, %get3A_436 : vector<16xf32>
      %get3A_438 = arith.index_cast %add3A_429 : i32 to index
      %get3A_439 = tpu.vector_load %arg11[%get3A_438] {strides = array<i32>} : memref<16384xf32, #tpu.memory_space<vmem>>, vector<16xf32>,
      %get3A_440 = vector.shape_cast %get3A_439 : vector<16xf32> to vector<16xf32>
      %add3A_441 = arith.addf %add3A_425, %get3A_440 : vector<16xf32>
      %mul3A_442 = arith.constant 16 : i32
      %mul3A_443 = arith.muli %scan3A_132, %mul3A_442 : i32
      %add3A_444 = arith.constant 3584 : i32
      %add3A_445 = arith.addi %add3A_444, %mul3A_443 : i32
      %get3A_446 = arith.index_cast %add3A_445 : i32 to index
      %get3A_447 = tpu.vector_load %arg9[%get3A_446] {strides = array<i32>} : memref<16384xf32, #tpu.memory_space<vmem>>, vector<16xf32>,
      %get3A_448 = vector.shape_cast %get3A_447 : vector<16xf32> to vector<16xf32>
      %add3A_449 = arith.addf %add3A_433, %get3A_448 : vector<16xf32>
      %get3A_450 = arith.index_cast %add3A_445 : i32 to index
      %get3A_451 = tpu.vector_load %arg10[%get3A_450] {strides = array<i32>} : memref<16384xf32, #tpu.memory_space<vmem>>, vector<16xf32>,
      %get3A_452 = vector.shape_cast %get3A_451 : vector<16xf32> to vector<16xf32>
      %add3A_453 = arith.addf %add3A_437, %get3A_452 : vector<16xf32>
      %get3A_454 = arith.index_cast %add3A_445 : i32 to index
      %get3A_455 = tpu.vector_load %arg11[%get3A_454] {strides = array<i32>} : memref<16384xf32, #tpu.memory_space<vmem>>, vector<16xf32>,
      %get3A_456 = vector.shape_cast %get3A_455 : vector<16xf32> to vector<16xf32>
      %add3A_457 = arith.addf %add3A_441, %get3A_456 : vector<16xf32>
      %mul3A_458 = arith.constant 16 : i32
      %mul3A_459 = arith.muli %scan3A_132, %mul3A_458 : i32
      %add3A_460 = arith.constant 3840 : i32
      %add3A_461 = arith.addi %add3A_460, %mul3A_459 : i32
      %get3A_462 = arith.index_cast %add3A_461 : i32 to index
      %get3A_463 = tpu.vector_load %arg9[%get3A_462] {strides = array<i32>} : memref<16384xf32, #tpu.memory_space<vmem>>, vector<16xf32>,
      %get3A_464 = vector.shape_cast %get3A_463 : vector<16xf32> to vector<16xf32>
      %add3A_465 = arith.addf %add3A_449, %get3A_464 : vector<16xf32>
      %get3A_466 = arith.index_cast %add3A_461 : i32 to index
      %get3A_467 = tpu.vector_load %arg10[%get3A_466] {strides = array<i32>} : memref<16384xf32, #tpu.memory_space<vmem>>, vector<16xf32>,
      %get3A_468 = vector.shape_cast %get3A_467 : vector<16xf32> to vector<16xf32>
      %add3A_469 = arith.addf %add3A_453, %get3A_468 : vector<16xf32>
      %get3A_470 = arith.index_cast %add3A_461 : i32 to index
      %get3A_471 = tpu.vector_load %arg11[%get3A_470] {strides = array<i32>} : memref<16384xf32, #tpu.memory_space<vmem>>, vector<16xf32>,
      %get3A_472 = vector.shape_cast %get3A_471 : vector<16xf32> to vector<16xf32>
      %add3A_473 = arith.addf %add3A_457, %get3A_472 : vector<16xf32>
      %mul3A_474 = arith.constant 16 : i32
      %mul3A_475 = arith.muli %scan3A_132, %mul3A_474 : i32
      %add3A_476 = arith.constant 4096 : i32
      %add3A_477 = arith.addi %add3A_476, %mul3A_475 : i32
      %get3A_478 = arith.index_cast %add3A_477 : i32 to index
      %get3A_479 = tpu.vector_load %arg9[%get3A_478] {strides = array<i32>} : memref<16384xf32, #tpu.memory_space<vmem>>, vector<16xf32>,
      %get3A_480 = vector.shape_cast %get3A_479 : vector<16xf32> to vector<16xf32>
      %add3A_481 = arith.addf %add3A_465, %get3A_480 : vector<16xf32>
      %get3A_482 = arith.index_cast %add3A_477 : i32 to index
      %get3A_483 = tpu.vector_load %arg10[%get3A_482] {strides = array<i32>} : memref<16384xf32, #tpu.memory_space<vmem>>, vector<16xf32>,
      %get3A_484 = vector.shape_cast %get3A_483 : vector<16xf32> to vector<16xf32>
      %add3A_485 = arith.addf %add3A_469, %get3A_484 : vector<16xf32>
      %get3A_486 = arith.index_cast %add3A_477 : i32 to index
      %get3A_487 = tpu.vector_load %arg11[%get3A_486] {strides = array<i32>} : memref<16384xf32, #tpu.memory_space<vmem>>, vector<16xf32>,
      %get3A_488 = vector.shape_cast %get3A_487 : vector<16xf32> to vector<16xf32>
      %add3A_489 = arith.addf %add3A_473, %get3A_488 : vector<16xf32>
      %mul3A_490 = arith.constant 16 : i32
      %mul3A_491 = arith.muli %scan3A_132, %mul3A_490 : i32
      %add3A_492 = arith.constant 4352 : i32
      %add3A_493 = arith.addi %add3A_492, %mul3A_491 : i32
      %get3A_494 = arith.index_cast %add3A_493 : i32 to index
      %get3A_495 = tpu.vector_load %arg9[%get3A_494] {strides = array<i32>} : memref<16384xf32, #tpu.memory_space<vmem>>, vector<16xf32>,
      %get3A_496 = vector.shape_cast %get3A_495 : vector<16xf32> to vector<16xf32>
      %add3A_497 = arith.addf %add3A_481, %get3A_496 : vector<16xf32>
      %get3A_498 = arith.index_cast %add3A_493 : i32 to index
      %get3A_499 = tpu.vector_load %arg10[%get3A_498] {strides = array<i32>} : memref<16384xf32, #tpu.memory_space<vmem>>, vector<16xf32>,
      %get3A_500 = vector.shape_cast %get3A_499 : vector<16xf32> to vector<16xf32>
      %add3A_501 = arith.addf %add3A_485, %get3A_500 : vector<16xf32>
      %get3A_502 = arith.index_cast %add3A_493 : i32 to index
      %get3A_503 = tpu.vector_load %arg11[%get3A_502] {strides = array<i32>} : memref<16384xf32, #tpu.memory_space<vmem>>, vector<16xf32>,
      %get3A_504 = vector.shape_cast %get3A_503 : vector<16xf32> to vector<16xf32>
      %add3A_505 = arith.addf %add3A_489, %get3A_504 : vector<16xf32>
      %mul3A_506 = arith.constant 16 : i32
      %mul3A_507 = arith.muli %scan3A_132, %mul3A_506 : i32
      %add3A_508 = arith.constant 4608 : i32
      %add3A_509 = arith.addi %add3A_508, %mul3A_507 : i32
      %get3A_510 = arith.index_cast %add3A_509 : i32 to index
      %get3A_511 = tpu.vector_load %arg9[%get3A_510] {strides = array<i32>} : memref<16384xf32, #tpu.memory_space<vmem>>, vector<16xf32>,
      %get3A_512 = vector.shape_cast %get3A_511 : vector<16xf32> to vector<16xf32>
      %add3A_513 = arith.addf %add3A_497, %get3A_512 : vector<16xf32>
      %get3A_514 = arith.index_cast %add3A_509 : i32 to index
      %get3A_515 = tpu.vector_load %arg10[%get3A_514] {strides = array<i32>} : memref<16384xf32, #tpu.memory_space<vmem>>, vector<16xf32>,
      %get3A_516 = vector.shape_cast %get3A_515 : vector<16xf32> to vector<16xf32>
      %add3A_517 = arith.addf %add3A_501, %get3A_516 : vector<16xf32>
      %get3A_518 = arith.index_cast %add3A_509 : i32 to index
      %get3A_519 = tpu.vector_load %arg11[%get3A_518] {strides = array<i32>} : memref<16384xf32, #tpu.memory_space<vmem>>, vector<16xf32>,
      %get3A_520 = vector.shape_cast %get3A_519 : vector<16xf32> to vector<16xf32>
      %add3A_521 = arith.addf %add3A_505, %get3A_520 : vector<16xf32>
      %mul3A_522 = arith.constant 16 : i32
      %mul3A_523 = arith.muli %scan3A_132, %mul3A_522 : i32
      %add3A_524 = arith.constant 4864 : i32
      %add3A_525 = arith.addi %add3A_524, %mul3A_523 : i32
      %get3A_526 = arith.index_cast %add3A_525 : i32 to index
      %get3A_527 = tpu.vector_load %arg9[%get3A_526] {strides = array<i32>} : memref<16384xf32, #tpu.memory_space<vmem>>, vector<16xf32>,
      %get3A_528 = vector.shape_cast %get3A_527 : vector<16xf32> to vector<16xf32>
      %add3A_529 = arith.addf %add3A_513, %get3A_528 : vector<16xf32>
      %get3A_530 = arith.index_cast %add3A_525 : i32 to index
      %get3A_531 = tpu.vector_load %arg10[%get3A_530] {strides = array<i32>} : memref<16384xf32, #tpu.memory_space<vmem>>, vector<16xf32>,
      %get3A_532 = vector.shape_cast %get3A_531 : vector<16xf32> to vector<16xf32>
      %add3A_533 = arith.addf %add3A_517, %get3A_532 : vector<16xf32>
      %get3A_534 = arith.index_cast %add3A_525 : i32 to index
      %get3A_535 = tpu.vector_load %arg11[%get3A_534] {strides = array<i32>} : memref<16384xf32, #tpu.memory_space<vmem>>, vector<16xf32>,
      %get3A_536 = vector.shape_cast %get3A_535 : vector<16xf32> to vector<16xf32>
      %add3A_537 = arith.addf %add3A_521, %get3A_536 : vector<16xf32>
      %mul3A_538 = arith.constant 16 : i32
      %mul3A_539 = arith.muli %scan3A_132, %mul3A_538 : i32
      %add3A_540 = arith.constant 5120 : i32
      %add3A_541 = arith.addi %add3A_540, %mul3A_539 : i32
      %get3A_542 = arith.index_cast %add3A_541 : i32 to index
      %get3A_543 = tpu.vector_load %arg9[%get3A_542] {strides = array<i32>} : memref<16384xf32, #tpu.memory_space<vmem>>, vector<16xf32>,
      %get3A_544 = vector.shape_cast %get3A_543 : vector<16xf32> to vector<16xf32>
      %add3A_545 = arith.addf %add3A_529, %get3A_544 : vector<16xf32>
      %get3A_546 = arith.index_cast %add3A_541 : i32 to index
      %get3A_547 = tpu.vector_load %arg10[%get3A_546] {strides = array<i32>} : memref<16384xf32, #tpu.memory_space<vmem>>, vector<16xf32>,
      %get3A_548 = vector.shape_cast %get3A_547 : vector<16xf32> to vector<16xf32>
      %add3A_549 = arith.addf %add3A_533, %get3A_548 : vector<16xf32>
      %get3A_550 = arith.index_cast %add3A_541 : i32 to index
      %get3A_551 = tpu.vector_load %arg11[%get3A_550] {strides = array<i32>} : memref<16384xf32, #tpu.memory_space<vmem>>, vector<16xf32>,
      %get3A_552 = vector.shape_cast %get3A_551 : vector<16xf32> to vector<16xf32>
      %add3A_553 = arith.addf %add3A_537, %get3A_552 : vector<16xf32>
      %mul3A_554 = arith.constant 16 : i32
      %mul3A_555 = arith.muli %scan3A_132, %mul3A_554 : i32
      %add3A_556 = arith.constant 5376 : i32
      %add3A_557 = arith.addi %add3A_556, %mul3A_555 : i32
      %get3A_558 = arith.index_cast %add3A_557 : i32 to index
      %get3A_559 = tpu.vector_load %arg9[%get3A_558] {strides = array<i32>} : memref<16384xf32, #tpu.memory_space<vmem>>, vector<16xf32>,
      %get3A_560 = vector.shape_cast %get3A_559 : vector<16xf32> to vector<16xf32>
      %add3A_561 = arith.addf %add3A_545, %get3A_560 : vector<16xf32>
      %get3A_562 = arith.index_cast %add3A_557 : i32 to index
      %get3A_563 = tpu.vector_load %arg10[%get3A_562] {strides = array<i32>} : memref<16384xf32, #tpu.memory_space<vmem>>, vector<16xf32>,
      %get3A_564 = vector.shape_cast %get3A_563 : vector<16xf32> to vector<16xf32>
      %add3A_565 = arith.addf %add3A_549, %get3A_564 : vector<16xf32>
      %get3A_566 = arith.index_cast %add3A_557 : i32 to index
      %get3A_567 = tpu.vector_load %arg11[%get3A_566] {strides = array<i32>} : memref<16384xf32, #tpu.memory_space<vmem>>, vector<16xf32>,
      %get3A_568 = vector.shape_cast %get3A_567 : vector<16xf32> to vector<16xf32>
      %add3A_569 = arith.addf %add3A_553, %get3A_568 : vector<16xf32>
      %mul3A_570 = arith.constant 16 : i32
      %mul3A_571 = arith.muli %scan3A_132, %mul3A_570 : i32
      %add3A_572 = arith.constant 5632 : i32
      %add3A_573 = arith.addi %add3A_572, %mul3A_571 : i32
      %get3A_574 = arith.index_cast %add3A_573 : i32 to index
      %get3A_575 = tpu.vector_load %arg9[%get3A_574] {strides = array<i32>} : memref<16384xf32, #tpu.memory_space<vmem>>, vector<16xf32>,
      %get3A_576 = vector.shape_cast %get3A_575 : vector<16xf32> to vector<16xf32>
      %add3A_577 = arith.addf %add3A_561, %get3A_576 : vector<16xf32>
      %get3A_578 = arith.index_cast %add3A_573 : i32 to index
      %get3A_579 = tpu.vector_load %arg10[%get3A_578] {strides = array<i32>} : memref<16384xf32, #tpu.memory_space<vmem>>, vector<16xf32>,
      %get3A_580 = vector.shape_cast %get3A_579 : vector<16xf32> to vector<16xf32>
      %add3A_581 = arith.addf %add3A_565, %get3A_580 : vector<16xf32>
      %get3A_582 = arith.index_cast %add3A_573 : i32 to index
      %get3A_583 = tpu.vector_load %arg11[%get3A_582] {strides = array<i32>} : memref<16384xf32, #tpu.memory_space<vmem>>, vector<16xf32>,
      %get3A_584 = vector.shape_cast %get3A_583 : vector<16xf32> to vector<16xf32>
      %add3A_585 = arith.addf %add3A_569, %get3A_584 : vector<16xf32>
      %mul3A_586 = arith.constant 16 : i32
      %mul3A_587 = arith.muli %scan3A_132, %mul3A_586 : i32
      %add3A_588 = arith.constant 5888 : i32
      %add3A_589 = arith.addi %add3A_588, %mul3A_587 : i32
      %get3A_590 = arith.index_cast %add3A_589 : i32 to index
      %get3A_591 = tpu.vector_load %arg9[%get3A_590] {strides = array<i32>} : memref<16384xf32, #tpu.memory_space<vmem>>, vector<16xf32>,
      %get3A_592 = vector.shape_cast %get3A_591 : vector<16xf32> to vector<16xf32>
      %add3A_593 = arith.addf %add3A_577, %get3A_592 : vector<16xf32>
      %get3A_594 = arith.index_cast %add3A_589 : i32 to index
      %get3A_595 = tpu.vector_load %arg10[%get3A_594] {strides = array<i32>} : memref<16384xf32, #tpu.memory_space<vmem>>, vector<16xf32>,
      %get3A_596 = vector.shape_cast %get3A_595 : vector<16xf32> to vector<16xf32>
      %add3A_597 = arith.addf %add3A_581, %get3A_596 : vector<16xf32>
      %get3A_598 = arith.index_cast %add3A_589 : i32 to index
      %get3A_599 = tpu.vector_load %arg11[%get3A_598] {strides = array<i32>} : memref<16384xf32, #tpu.memory_space<vmem>>, vector<16xf32>,
      %get3A_600 = vector.shape_cast %get3A_599 : vector<16xf32> to vector<16xf32>
      %add3A_601 = arith.addf %add3A_585, %get3A_600 : vector<16xf32>
      %mul3A_602 = arith.constant 16 : i32
      %mul3A_603 = arith.muli %scan3A_132, %mul3A_602 : i32
      %add3A_604 = arith.constant 6144 : i32
      %add3A_605 = arith.addi %add3A_604, %mul3A_603 : i32
      %get3A_606 = arith.index_cast %add3A_605 : i32 to index
      %get3A_607 = tpu.vector_load %arg9[%get3A_606] {strides = array<i32>} : memref<16384xf32, #tpu.memory_space<vmem>>, vector<16xf32>,
      %get3A_608 = vector.shape_cast %get3A_607 : vector<16xf32> to vector<16xf32>
      %add3A_609 = arith.addf %add3A_593, %get3A_608 : vector<16xf32>
      %get3A_610 = arith.index_cast %add3A_605 : i32 to index
      %get3A_611 = tpu.vector_load %arg10[%get3A_610] {strides = array<i32>} : memref<16384xf32, #tpu.memory_space<vmem>>, vector<16xf32>,
      %get3A_612 = vector.shape_cast %get3A_611 : vector<16xf32> to vector<16xf32>
      %add3A_613 = arith.addf %add3A_597, %get3A_612 : vector<16xf32>
      %get3A_614 = arith.index_cast %add3A_605 : i32 to index
      %get3A_615 = tpu.vector_load %arg11[%get3A_614] {strides = array<i32>} : memref<16384xf32, #tpu.memory_space<vmem>>, vector<16xf32>,
      %get3A_616 = vector.shape_cast %get3A_615 : vector<16xf32> to vector<16xf32>
      %add3A_617 = arith.addf %add3A_601, %get3A_616 : vector<16xf32>
      %mul3A_618 = arith.constant 16 : i32
      %mul3A_619 = arith.muli %scan3A_132, %mul3A_618 : i32
      %add3A_620 = arith.constant 6400 : i32
      %add3A_621 = arith.addi %add3A_620, %mul3A_619 : i32
      %get3A_622 = arith.index_cast %add3A_621 : i32 to index
      %get3A_623 = tpu.vector_load %arg9[%get3A_622] {strides = array<i32>} : memref<16384xf32, #tpu.memory_space<vmem>>, vector<16xf32>,
      %get3A_624 = vector.shape_cast %get3A_623 : vector<16xf32> to vector<16xf32>
      %add3A_625 = arith.addf %add3A_609, %get3A_624 : vector<16xf32>
      %get3A_626 = arith.index_cast %add3A_621 : i32 to index
      %get3A_627 = tpu.vector_load %arg10[%get3A_626] {strides = array<i32>} : memref<16384xf32, #tpu.memory_space<vmem>>, vector<16xf32>,
      %get3A_628 = vector.shape_cast %get3A_627 : vector<16xf32> to vector<16xf32>
      %add3A_629 = arith.addf %add3A_613, %get3A_628 : vector<16xf32>
      %get3A_630 = arith.index_cast %add3A_621 : i32 to index
      %get3A_631 = tpu.vector_load %arg11[%get3A_630] {strides = array<i32>} : memref<16384xf32, #tpu.memory_space<vmem>>, vector<16xf32>,
      %get3A_632 = vector.shape_cast %get3A_631 : vector<16xf32> to vector<16xf32>
      %add3A_633 = arith.addf %add3A_617, %get3A_632 : vector<16xf32>
      %mul3A_634 = arith.constant 16 : i32
      %mul3A_635 = arith.muli %scan3A_132, %mul3A_634 : i32
      %add3A_636 = arith.constant 6656 : i32
      %add3A_637 = arith.addi %add3A_636, %mul3A_635 : i32
      %get3A_638 = arith.index_cast %add3A_637 : i32 to index
      %get3A_639 = tpu.vector_load %arg9[%get3A_638] {strides = array<i32>} : memref<16384xf32, #tpu.memory_space<vmem>>, vector<16xf32>,
      %get3A_640 = vector.shape_cast %get3A_639 : vector<16xf32> to vector<16xf32>
      %add3A_641 = arith.addf %add3A_625, %get3A_640 : vector<16xf32>
      %get3A_642 = arith.index_cast %add3A_637 : i32 to index
      %get3A_643 = tpu.vector_load %arg10[%get3A_642] {strides = array<i32>} : memref<16384xf32, #tpu.memory_space<vmem>>, vector<16xf32>,
      %get3A_644 = vector.shape_cast %get3A_643 : vector<16xf32> to vector<16xf32>
      %add3A_645 = arith.addf %add3A_629, %get3A_644 : vector<16xf32>
      %get3A_646 = arith.index_cast %add3A_637 : i32 to index
      %get3A_647 = tpu.vector_load %arg11[%get3A_646] {strides = array<i32>} : memref<16384xf32, #tpu.memory_space<vmem>>, vector<16xf32>,
      %get3A_648 = vector.shape_cast %get3A_647 : vector<16xf32> to vector<16xf32>
      %add3A_649 = arith.addf %add3A_633, %get3A_648 : vector<16xf32>
      %mul3A_650 = arith.constant 16 : i32
      %mul3A_651 = arith.muli %scan3A_132, %mul3A_650 : i32
      %add3A_652 = arith.constant 6912 : i32
      %add3A_653 = arith.addi %add3A_652, %mul3A_651 : i32
      %get3A_654 = arith.index_cast %add3A_653 : i32 to index
      %get3A_655 = tpu.vector_load %arg9[%get3A_654] {strides = array<i32>} : memref<16384xf32, #tpu.memory_space<vmem>>, vector<16xf32>,
      %get3A_656 = vector.shape_cast %get3A_655 : vector<16xf32> to vector<16xf32>
      %add3A_657 = arith.addf %add3A_641, %get3A_656 : vector<16xf32>
      %get3A_658 = arith.index_cast %add3A_653 : i32 to index
      %get3A_659 = tpu.vector_load %arg10[%get3A_658] {strides = array<i32>} : memref<16384xf32, #tpu.memory_space<vmem>>, vector<16xf32>,
      %get3A_660 = vector.shape_cast %get3A_659 : vector<16xf32> to vector<16xf32>
      %add3A_661 = arith.addf %add3A_645, %get3A_660 : vector<16xf32>
      %get3A_662 = arith.index_cast %add3A_653 : i32 to index
      %get3A_663 = tpu.vector_load %arg11[%get3A_662] {strides = array<i32>} : memref<16384xf32, #tpu.memory_space<vmem>>, vector<16xf32>,
      %get3A_664 = vector.shape_cast %get3A_663 : vector<16xf32> to vector<16xf32>
      %add3A_665 = arith.addf %add3A_649, %get3A_664 : vector<16xf32>
      %mul3A_666 = arith.constant 16 : i32
      %mul3A_667 = arith.muli %scan3A_132, %mul3A_666 : i32
      %add3A_668 = arith.constant 7168 : i32
      %add3A_669 = arith.addi %add3A_668, %mul3A_667 : i32
      %get3A_670 = arith.index_cast %add3A_669 : i32 to index
      %get3A_671 = tpu.vector_load %arg9[%get3A_670] {strides = array<i32>} : memref<16384xf32, #tpu.memory_space<vmem>>, vector<16xf32>,
      %get3A_672 = vector.shape_cast %get3A_671 : vector<16xf32> to vector<16xf32>
      %add3A_673 = arith.addf %add3A_657, %get3A_672 : vector<16xf32>
      %get3A_674 = arith.index_cast %add3A_669 : i32 to index
      %get3A_675 = tpu.vector_load %arg10[%get3A_674] {strides = array<i32>} : memref<16384xf32, #tpu.memory_space<vmem>>, vector<16xf32>,
      %get3A_676 = vector.shape_cast %get3A_675 : vector<16xf32> to vector<16xf32>
      %add3A_677 = arith.addf %add3A_661, %get3A_676 : vector<16xf32>
      %get3A_678 = arith.index_cast %add3A_669 : i32 to index
      %get3A_679 = tpu.vector_load %arg11[%get3A_678] {strides = array<i32>} : memref<16384xf32, #tpu.memory_space<vmem>>, vector<16xf32>,
      %get3A_680 = vector.shape_cast %get3A_679 : vector<16xf32> to vector<16xf32>
      %add3A_681 = arith.addf %add3A_665, %get3A_680 : vector<16xf32>
      %mul3A_682 = arith.constant 16 : i32
      %mul3A_683 = arith.muli %scan3A_132, %mul3A_682 : i32
      %add3A_684 = arith.constant 7424 : i32
      %add3A_685 = arith.addi %add3A_684, %mul3A_683 : i32
      %get3A_686 = arith.index_cast %add3A_685 : i32 to index
      %get3A_687 = tpu.vector_load %arg9[%get3A_686] {strides = array<i32>} : memref<16384xf32, #tpu.memory_space<vmem>>, vector<16xf32>,
      %get3A_688 = vector.shape_cast %get3A_687 : vector<16xf32> to vector<16xf32>
      %add3A_689 = arith.addf %add3A_673, %get3A_688 : vector<16xf32>
      %get3A_690 = arith.index_cast %add3A_685 : i32 to index
      %get3A_691 = tpu.vector_load %arg10[%get3A_690] {strides = array<i32>} : memref<16384xf32, #tpu.memory_space<vmem>>, vector<16xf32>,
      %get3A_692 = vector.shape_cast %get3A_691 : vector<16xf32> to vector<16xf32>
      %add3A_693 = arith.addf %add3A_677, %get3A_692 : vector<16xf32>
      %get3A_694 = arith.index_cast %add3A_685 : i32 to index
      %get3A_695 = tpu.vector_load %arg11[%get3A_694] {strides = array<i32>} : memref<16384xf32, #tpu.memory_space<vmem>>, vector<16xf32>,
      %get3A_696 = vector.shape_cast %get3A_695 : vector<16xf32> to vector<16xf32>
      %add3A_697 = arith.addf %add3A_681, %get3A_696 : vector<16xf32>
      %mul3A_698 = arith.constant 16 : i32
      %mul3A_699 = arith.muli %scan3A_132, %mul3A_698 : i32
      %add3A_700 = arith.constant 7680 : i32
      %add3A_701 = arith.addi %add3A_700, %mul3A_699 : i32
      %get3A_702 = arith.index_cast %add3A_701 : i32 to index
      %get3A_703 = tpu.vector_load %arg9[%get3A_702] {strides = array<i32>} : memref<16384xf32, #tpu.memory_space<vmem>>, vector<16xf32>,
      %get3A_704 = vector.shape_cast %get3A_703 : vector<16xf32> to vector<16xf32>
      %add3A_705 = arith.addf %add3A_689, %get3A_704 : vector<16xf32>
      %get3A_706 = arith.index_cast %add3A_701 : i32 to index
      %get3A_707 = tpu.vector_load %arg10[%get3A_706] {strides = array<i32>} : memref<16384xf32, #tpu.memory_space<vmem>>, vector<16xf32>,
      %get3A_708 = vector.shape_cast %get3A_707 : vector<16xf32> to vector<16xf32>
      %add3A_709 = arith.addf %add3A_693, %get3A_708 : vector<16xf32>
      %get3A_710 = arith.index_cast %add3A_701 : i32 to index
      %get3A_711 = tpu.vector_load %arg11[%get3A_710] {strides = array<i32>} : memref<16384xf32, #tpu.memory_space<vmem>>, vector<16xf32>,
      %get3A_712 = vector.shape_cast %get3A_711 : vector<16xf32> to vector<16xf32>
      %add3A_713 = arith.addf %add3A_697, %get3A_712 : vector<16xf32>
      %mul3A_714 = arith.constant 16 : i32
      %mul3A_715 = arith.muli %scan3A_132, %mul3A_714 : i32
      %add3A_716 = arith.constant 7936 : i32
      %add3A_717 = arith.addi %add3A_716, %mul3A_715 : i32
      %get3A_718 = arith.index_cast %add3A_717 : i32 to index
      %get3A_719 = tpu.vector_load %arg9[%get3A_718] {strides = array<i32>} : memref<16384xf32, #tpu.memory_space<vmem>>, vector<16xf32>,
      %get3A_720 = vector.shape_cast %get3A_719 : vector<16xf32> to vector<16xf32>
      %add3A_721 = arith.addf %add3A_705, %get3A_720 : vector<16xf32>
      %get3A_722 = arith.index_cast %add3A_717 : i32 to index
      %get3A_723 = tpu.vector_load %arg10[%get3A_722] {strides = array<i32>} : memref<16384xf32, #tpu.memory_space<vmem>>, vector<16xf32>,
      %get3A_724 = vector.shape_cast %get3A_723 : vector<16xf32> to vector<16xf32>
      %add3A_725 = arith.addf %add3A_709, %get3A_724 : vector<16xf32>
      %get3A_726 = arith.index_cast %add3A_717 : i32 to index
      %get3A_727 = tpu.vector_load %arg11[%get3A_726] {strides = array<i32>} : memref<16384xf32, #tpu.memory_space<vmem>>, vector<16xf32>,
      %get3A_728 = vector.shape_cast %get3A_727 : vector<16xf32> to vector<16xf32>
      %add3A_729 = arith.addf %add3A_713, %get3A_728 : vector<16xf32>
      %get3A_730 = arith.index_cast %add3A_170 : i32 to index
      %get3A_731 = tpu.vector_load %arg7[%get3A_730] {strides = array<i32>} : memref<1024xf32, #tpu.memory_space<vmem>>, vector<16xf32>,
      %get3A_732 = vector.shape_cast %get3A_731 : vector<16xf32> to vector<16xf32>
      %add3A_733 = arith.constant 128 : i32
      %add3A_734 = arith.addi %add3A_170, %add3A_733 : i32
      %get3A_735 = arith.index_cast %add3A_734 : i32 to index
      %get3A_736 = tpu.vector_load %arg7[%get3A_735] {strides = array<i32>} : memref<1024xf32, #tpu.memory_space<vmem>>, vector<16xf32>,
      %get3A_737 = vector.shape_cast %get3A_736 : vector<16xf32> to vector<16xf32>
      %add3A_738 = arith.addf %get3A_732, %add3A_721 : vector<16xf32>
      %jit3A_739 = arith.constant 0.000000e+00 : f32
      %jit3A_740 = arith.constant 1.000000e+00 : f32
      %max3A = vector.broadcast %jit3A_739 : f32 to vector<16xf32>
      %max3A_741 = arith.maximumf %max3A, %add3A_738 : vector<16xf32>
      %min3A = vector.broadcast %jit3A_740 : f32 to vector<16xf32>
      %min3A_742 = arith.minimumf %min3A, %max3A_741 : vector<16xf32>
      %swap3A = arith.index_cast %add3A_213 : i32 to index
      %swap3A_743 = tpu.vector_load %arg12[%swap3A] {strides = array<i32>} : memref<2048xf32, #tpu.memory_space<vmem>>, vector<16xf32>,
      %swap3A_744 = vector.shape_cast %swap3A_743 : vector<16xf32> to vector<16xf32>
      %swap3A_745 = vector.shape_cast %min3A_742 : vector<16xf32> to vector<16xf32>
      tpu.vector_store %arg12[%swap3A], %swap3A_745 {strides = array<i32>} : memref<2048xf32, #tpu.memory_space<vmem>>, vector<16xf32>,
      %add3A_746 = arith.addf %get3A_737, %add3A_725 : vector<16xf32>
      %jit3A_747 = arith.constant 0.000000e+00 : f32
      %jit3A_748 = arith.constant 1.000000e+00 : f32
      %max3A_749 = vector.broadcast %jit3A_747 : f32 to vector<16xf32>
      %max3A_750 = arith.maximumf %max3A_749, %add3A_746 : vector<16xf32>
      %min3A_751 = vector.broadcast %jit3A_748 : f32 to vector<16xf32>
      %min3A_752 = arith.minimumf %min3A_751, %max3A_750 : vector<16xf32>
      %add3A_753 = arith.constant 128 : i32
      %add3A_754 = arith.addi %add3A_213, %add3A_753 : i32
      %swap3A_755 = arith.index_cast %add3A_754 : i32 to index
      %swap3A_756 = tpu.vector_load %arg12[%swap3A_755] {strides = array<i32>} : memref<2048xf32, #tpu.memory_space<vmem>>, vector<16xf32>,
      %swap3A_757 = vector.shape_cast %swap3A_756 : vector<16xf32> to vector<16xf32>
      %swap3A_758 = vector.shape_cast %min3A_752 : vector<16xf32> to vector<16xf32>
      tpu.vector_store %arg12[%swap3A_755], %swap3A_758 {strides = array<i32>} : memref<2048xf32, #tpu.memory_space<vmem>>, vector<16xf32>,
      %add3A_759 = arith.constant 256 : i32
      %add3A_760 = arith.addi %add3A_213, %add3A_759 : i32
      %swap3A_761 = arith.index_cast %add3A_760 : i32 to index
      %swap3A_762 = tpu.vector_load %arg12[%swap3A_761] {strides = array<i32>} : memref<2048xf32, #tpu.memory_space<vmem>>, vector<16xf32>,
      %swap3A_763 = vector.shape_cast %swap3A_762 : vector<16xf32> to vector<16xf32>
      %swap3A_764 = vector.shape_cast %add3A_729 : vector<16xf32> to vector<16xf32>
      tpu.vector_store %arg12[%swap3A_761], %swap3A_764 {strides = array<i32>} : memref<2048xf32, #tpu.memory_space<vmem>>, vector<16xf32>,
      %scan3A_765 = arith.constant 0 : i32
      scf.yield %scan3A_765 : i32
    }
    %scan3A_74 = arith.constant 16 : i32
    %mul3A_75 = arith.constant 2048 : i32
    %mul3A_76 = arith.muli %add3A, %mul3A_75 : i32
    %add3A_77 = arith.constant 0 : i32
    %add3A_78 = arith.addi %mul3A_76, %add3A_77 : i32
    %dma_start3A_79 = arith.constant 0 : i32
    %dma_start3A_80 = tpu.memref_slice %arg12[%dma_start3A_79] : memref<2048xf32, #tpu.memory_space<vmem>> -> memref<1024xf32, #tpu.memory_space<vmem>>
    %dma_start3A_81 = tpu.memref_slice %arg6[%add3A_78] : memref<65536xf32, #tpu.memory_space<hbm>> -> memref<1024xf32, #tpu.memory_space<hbm>>
    %dma_start3A_82 = tpu.memref_slice %arg6[%add3A_78] : memref<65536xf32, #tpu.memory_space<hbm>> -> memref<1024xf32, #tpu.memory_space<hbm>>
    %dma_start3A_83 = arith.constant 0 : i32
    %dma_start3A_84 = tpu.memref_slice %arg12[%dma_start3A_83] : memref<2048xf32, #tpu.memory_space<vmem>> -> memref<1024xf32, #tpu.memory_space<vmem>>
    tpu.enqueue_dma source(%dma_start3A_84 : memref<1024xf32, #tpu.memory_space<vmem>>) target(%dma_start3A_82 : memref<1024xf32, #tpu.memory_space<hbm>>) target_semaphore(%arg19 : memref<!tpu.dma_semaphore, #tpu.memory_space<semaphore_mem>>)
    %dma_wait3A_85 = arith.constant 8192 : i32
    %dma_wait3A_86 = tpu.memref_slice %arg9[%dma_wait3A_85] : memref<16384xf32, #tpu.memory_space<vmem>> -> memref<8192xf32, #tpu.memory_space<vmem>>
    %dma_wait3A_87 = arith.constant 8192 : i32
    %dma_wait3A_88 = tpu.memref_slice %arg8[%dma_wait3A_87] : memref<16384xi32, #tpu.memory_space<vmem>> -> memref<8192xi32, #tpu.memory_space<vmem>>
    %dma_wait3A_89 = arith.constant 0 : i32
    %dma_wait3A_90 = tpu.memref_slice %arg3[%dma_wait3A_89] : memref<8388608xf32, #tpu.memory_space<hbm>> -> memref<8388608xf32, #tpu.memory_space<hbm>>
    tpu.wait_indirect_dma semaphore(%arg16 : memref<!tpu.dma_semaphore, #tpu.memory_space<semaphore_mem>>) src(%dma_wait3A_90 : memref<8388608xf32, #tpu.memory_space<hbm>>) dst(%dma_wait3A_86 : memref<8192xf32, #tpu.memory_space<vmem>>)
    %dma_wait3A_91 = arith.constant 8192 : i32
    %dma_wait3A_92 = tpu.memref_slice %arg10[%dma_wait3A_91] : memref<16384xf32, #tpu.memory_space<vmem>> -> memref<8192xf32, #tpu.memory_space<vmem>>
    %dma_wait3A_93 = arith.constant 8192 : i32
    %dma_wait3A_94 = tpu.memref_slice %arg8[%dma_wait3A_93] : memref<16384xi32, #tpu.memory_space<vmem>> -> memref<8192xi32, #tpu.memory_space<vmem>>
    %dma_wait3A_95 = arith.constant 0 : i32
    %dma_wait3A_96 = tpu.memref_slice %arg4[%dma_wait3A_95] : memref<8388608xf32, #tpu.memory_space<hbm>> -> memref<8388608xf32, #tpu.memory_space<hbm>>
    tpu.wait_indirect_dma semaphore(%arg17 : memref<!tpu.dma_semaphore, #tpu.memory_space<semaphore_mem>>) src(%dma_wait3A_96 : memref<8388608xf32, #tpu.memory_space<hbm>>) dst(%dma_wait3A_92 : memref<8192xf32, #tpu.memory_space<vmem>>)
    %dma_wait3A_97 = arith.constant 8192 : i32
    %dma_wait3A_98 = tpu.memref_slice %arg11[%dma_wait3A_97] : memref<16384xf32, #tpu.memory_space<vmem>> -> memref<8192xf32, #tpu.memory_space<vmem>>
    %dma_wait3A_99 = arith.constant 8192 : i32
    %dma_wait3A_100 = tpu.memref_slice %arg8[%dma_wait3A_99] : memref<16384xi32, #tpu.memory_space<vmem>> -> memref<8192xi32, #tpu.memory_space<vmem>>
    %dma_wait3A_101 = arith.constant 0 : i32
    %dma_wait3A_102 = tpu.memref_slice %arg5[%dma_wait3A_101] : memref<8388608xf32, #tpu.memory_space<hbm>> -> memref<8388608xf32, #tpu.memory_space<hbm>>
    tpu.wait_indirect_dma semaphore(%arg18 : memref<!tpu.dma_semaphore, #tpu.memory_space<semaphore_mem>>) src(%dma_wait3A_102 : memref<8388608xf32, #tpu.memory_space<hbm>>) dst(%dma_wait3A_98 : memref<8192xf32, #tpu.memory_space<vmem>>)
    %scan3A_103 = arith.constant 0 : i32
    %scan3A_104 = arith.constant 0 : i32
    %scan3A_105 = arith.constant 16 : i32
    %scan3A_106 = arith.addi %scan3A_104, %scan3A_105 : i32
    %scan3A_107 = arith.constant 1 : i32
    %scan3A_108 = scf.for %scan3A_132 = %scan3A_104 to %scan3A_106 step %scan3A_107 iter_args(%scan3A_133 = %scan3A_103) -> (i32)  : i32 {
      %mul3A_134 = arith.constant 16 : i32
      %mul3A_135 = arith.muli %scan3A_132, %mul3A_134 : i32
      %add3A_136 = arith.constant 256 : i32
      %add3A_137 = arith.addi %add3A_136, %mul3A_135 : i32
      %jit3A = arith.constant 128 : i32
      %div3A = arith.divsi %add3A_137, %jit3A : i32
      %sign3A = arith.constant 0 : i32
      %sign3A_138 = arith.cmpi sgt, %add3A_137, %sign3A : i32
      %sign3A_139 = arith.extui %sign3A_138 : i1 to i32
      %sign3A_140 = arith.constant 0 : i32
      %sign3A_141 = arith.cmpi slt, %add3A_137, %sign3A_140 : i32
      %sign3A_142 = arith.extui %sign3A_141 : i1 to i32
      %sign3A_143 = arith.subi %sign3A_139, %sign3A_142 : i32
      %sign3A_144 = arith.constant 0 : i32
      %sign3A_145 = arith.cmpi sgt, %jit3A, %sign3A_144 : i32
      %sign3A_146 = arith.extui %sign3A_145 : i1 to i32
      %sign3A_147 = arith.constant 0 : i32
      %sign3A_148 = arith.cmpi slt, %jit3A, %sign3A_147 : i32
      %sign3A_149 = arith.extui %sign3A_148 : i1 to i32
      %sign3A_150 = arith.subi %sign3A_146, %sign3A_149 : i32
      %ne3A = arith.cmpi ne, %sign3A_143, %sign3A_150 : i32
      %rem3A = arith.remsi %add3A_137, %jit3A : i32
      %ne3A_151 = arith.constant 0 : i32
      %ne3A_152 = arith.cmpi ne, %rem3A, %ne3A_151 : i32
      %and3A = arith.andi %ne3A, %ne3A_152 : i1
      %sub3A = arith.constant 1 : i32
      %sub3A_153 = arith.subi %div3A, %sub3A : i32
      %select_n3A = arith.select %and3A, %sub3A_153, %div3A : i32
      %mul3A_154 = arith.constant 256 : i32
      %mul3A_155 = arith.muli %select_n3A, %mul3A_154 : i32
      %jit3A_156 = arith.constant 128 : i32
      %eq3A = arith.constant 0 : i32
      %eq3A_157 = arith.cmpi eq, %jit3A_156, %eq3A : i32
      %jit3A_158 = arith.constant 1 : i32
      %select_n3A_159 = arith.select %eq3A_157, %jit3A_158, %jit3A_156 : i32
      %rem3A_160 = arith.remsi %add3A_137, %select_n3A_159 : i32
      %ne3A_161 = arith.constant 0 : i32
      %ne3A_162 = arith.cmpi ne, %rem3A_160, %ne3A_161 : i32
      %lt3A = arith.constant 0 : i32
      %lt3A_163 = arith.cmpi slt, %rem3A_160, %lt3A : i32
      %lt3A_164 = arith.constant 0 : i32
      %lt3A_165 = arith.cmpi slt, %select_n3A_159, %lt3A_164 : i32
      %ne3A_166 = arith.xori %lt3A_163, %lt3A_165 : i1
      %and3A_167 = arith.andi %ne3A_166, %ne3A_162 : i1
      %add3A_168 = arith.addi %rem3A_160, %select_n3A_159 : i32
      %select_n3A_169 = arith.select %and3A_167, %add3A_168, %rem3A_160 : i32
      %add3A_170 = arith.addi %mul3A_155, %select_n3A_169 : i32
      %jit3A_171 = arith.constant 128 : i32
      %div3A_172 = arith.divsi %add3A_137, %jit3A_171 : i32
      %sign3A_173 = arith.constant 0 : i32
      %sign3A_174 = arith.cmpi sgt, %add3A_137, %sign3A_173 : i32
      %sign3A_175 = arith.extui %sign3A_174 : i1 to i32
      %sign3A_176 = arith.constant 0 : i32
      %sign3A_177 = arith.cmpi slt, %add3A_137, %sign3A_176 : i32
      %sign3A_178 = arith.extui %sign3A_177 : i1 to i32
      %sign3A_179 = arith.subi %sign3A_175, %sign3A_178 : i32
      %sign3A_180 = arith.constant 0 : i32
      %sign3A_181 = arith.cmpi sgt, %jit3A_171, %sign3A_180 : i32
      %sign3A_182 = arith.extui %sign3A_181 : i1 to i32
      %sign3A_183 = arith.constant 0 : i32
      %sign3A_184 = arith.cmpi slt, %jit3A_171, %sign3A_183 : i32
      %sign3A_185 = arith.extui %sign3A_184 : i1 to i32
      %sign3A_186 = arith.subi %sign3A_182, %sign3A_185 : i32
      %ne3A_187 = arith.cmpi ne, %sign3A_179, %sign3A_186 : i32
      %rem3A_188 = arith.remsi %add3A_137, %jit3A_171 : i32
      %ne3A_189 = arith.constant 0 : i32
      %ne3A_190 = arith.cmpi ne, %rem3A_188, %ne3A_189 : i32
      %and3A_191 = arith.andi %ne3A_187, %ne3A_190 : i1
      %sub3A_192 = arith.constant 1 : i32
      %sub3A_193 = arith.subi %div3A_172, %sub3A_192 : i32
      %select_n3A_194 = arith.select %and3A_191, %sub3A_193, %div3A_172 : i32
      %mul3A_195 = arith.constant 512 : i32
      %mul3A_196 = arith.muli %select_n3A_194, %mul3A_195 : i32
      %jit3A_197 = arith.constant 128 : i32
      %eq3A_198 = arith.constant 0 : i32
      %eq3A_199 = arith.cmpi eq, %jit3A_197, %eq3A_198 : i32
      %jit3A_200 = arith.constant 1 : i32
      %select_n3A_201 = arith.select %eq3A_199, %jit3A_200, %jit3A_197 : i32
      %rem3A_202 = arith.remsi %add3A_137, %select_n3A_201 : i32
      %ne3A_203 = arith.constant 0 : i32
      %ne3A_204 = arith.cmpi ne, %rem3A_202, %ne3A_203 : i32
      %lt3A_205 = arith.constant 0 : i32
      %lt3A_206 = arith.cmpi slt, %rem3A_202, %lt3A_205 : i32
      %lt3A_207 = arith.constant 0 : i32
      %lt3A_208 = arith.cmpi slt, %select_n3A_201, %lt3A_207 : i32
      %ne3A_209 = arith.xori %lt3A_206, %lt3A_208 : i1
      %and3A_210 = arith.andi %ne3A_209, %ne3A_204 : i1
      %add3A_211 = arith.addi %rem3A_202, %select_n3A_201 : i32
      %select_n3A_212 = arith.select %and3A_210, %add3A_211, %rem3A_202 : i32
      %add3A_213 = arith.addi %mul3A_196, %select_n3A_212 : i32
      %broadcast_in_dim3A = arith.constant 0.000000e+00 : f32
      %broadcast_in_dim3A_214 = vector.broadcast %broadcast_in_dim3A : f32 to vector<16xf32>
      %broadcast_in_dim3A_215 = arith.constant 0.000000e+00 : f32
      %broadcast_in_dim3A_216 = vector.broadcast %broadcast_in_dim3A_215 : f32 to vector<16xf32>
      %broadcast_in_dim3A_217 = arith.constant 0.000000e+00 : f32
      %broadcast_in_dim3A_218 = vector.broadcast %broadcast_in_dim3A_217 : f32 to vector<16xf32>
      %mul3A_219 = arith.constant 16 : i32
      %mul3A_220 = arith.muli %scan3A_132, %mul3A_219 : i32
      %add3A_221 = arith.constant 8192 : i32
      %add3A_222 = arith.addi %add3A_221, %mul3A_220 : i32
      %get3A = arith.index_cast %add3A_222 : i32 to index
      %get3A_223 = tpu.vector_load %arg9[%get3A] {strides = array<i32>} : memref<16384xf32, #tpu.memory_space<vmem>>, vector<16xf32>,
      %get3A_224 = vector.shape_cast %get3A_223 : vector<16xf32> to vector<16xf32>
      %add3A_225 = arith.addf %broadcast_in_dim3A_214, %get3A_224 : vector<16xf32>
      %get3A_226 = arith.index_cast %add3A_222 : i32 to index
      %get3A_227 = tpu.vector_load %arg10[%get3A_226] {strides = array<i32>} : memref<16384xf32, #tpu.memory_space<vmem>>, vector<16xf32>,
      %get3A_228 = vector.shape_cast %get3A_227 : vector<16xf32> to vector<16xf32>
      %add3A_229 = arith.addf %broadcast_in_dim3A_216, %get3A_228 : vector<16xf32>
      %get3A_230 = arith.index_cast %add3A_222 : i32 to index
      %get3A_231 = tpu.vector_load %arg11[%get3A_230] {strides = array<i32>} : memref<16384xf32, #tpu.memory_space<vmem>>, vector<16xf32>,
      %get3A_232 = vector.shape_cast %get3A_231 : vector<16xf32> to vector<16xf32>
      %add3A_233 = arith.addf %broadcast_in_dim3A_218, %get3A_232 : vector<16xf32>
      %mul3A_234 = arith.constant 16 : i32
      %mul3A_235 = arith.muli %scan3A_132, %mul3A_234 : i32
      %add3A_236 = arith.constant 8448 : i32
      %add3A_237 = arith.addi %add3A_236, %mul3A_235 : i32
      %get3A_238 = arith.index_cast %add3A_237 : i32 to index
      %get3A_239 = tpu.vector_load %arg9[%get3A_238] {strides = array<i32>} : memref<16384xf32, #tpu.memory_space<vmem>>, vector<16xf32>,
      %get3A_240 = vector.shape_cast %get3A_239 : vector<16xf32> to vector<16xf32>
      %add3A_241 = arith.addf %add3A_225, %get3A_240 : vector<16xf32>
      %get3A_242 = arith.index_cast %add3A_237 : i32 to index
      %get3A_243 = tpu.vector_load %arg10[%get3A_242] {strides = array<i32>} : memref<16384xf32, #tpu.memory_space<vmem>>, vector<16xf32>,
      %get3A_244 = vector.shape_cast %get3A_243 : vector<16xf32> to vector<16xf32>
      %add3A_245 = arith.addf %add3A_229, %get3A_244 : vector<16xf32>
      %get3A_246 = arith.index_cast %add3A_237 : i32 to index
      %get3A_247 = tpu.vector_load %arg11[%get3A_246] {strides = array<i32>} : memref<16384xf32, #tpu.memory_space<vmem>>, vector<16xf32>,
      %get3A_248 = vector.shape_cast %get3A_247 : vector<16xf32> to vector<16xf32>
      %add3A_249 = arith.addf %add3A_233, %get3A_248 : vector<16xf32>
      %mul3A_250 = arith.constant 16 : i32
      %mul3A_251 = arith.muli %scan3A_132, %mul3A_250 : i32
      %add3A_252 = arith.constant 8704 : i32
      %add3A_253 = arith.addi %add3A_252, %mul3A_251 : i32
      %get3A_254 = arith.index_cast %add3A_253 : i32 to index
      %get3A_255 = tpu.vector_load %arg9[%get3A_254] {strides = array<i32>} : memref<16384xf32, #tpu.memory_space<vmem>>, vector<16xf32>,
      %get3A_256 = vector.shape_cast %get3A_255 : vector<16xf32> to vector<16xf32>
      %add3A_257 = arith.addf %add3A_241, %get3A_256 : vector<16xf32>
      %get3A_258 = arith.index_cast %add3A_253 : i32 to index
      %get3A_259 = tpu.vector_load %arg10[%get3A_258] {strides = array<i32>} : memref<16384xf32, #tpu.memory_space<vmem>>, vector<16xf32>,
      %get3A_260 = vector.shape_cast %get3A_259 : vector<16xf32> to vector<16xf32>
      %add3A_261 = arith.addf %add3A_245, %get3A_260 : vector<16xf32>
      %get3A_262 = arith.index_cast %add3A_253 : i32 to index
      %get3A_263 = tpu.vector_load %arg11[%get3A_262] {strides = array<i32>} : memref<16384xf32, #tpu.memory_space<vmem>>, vector<16xf32>,
      %get3A_264 = vector.shape_cast %get3A_263 : vector<16xf32> to vector<16xf32>
      %add3A_265 = arith.addf %add3A_249, %get3A_264 : vector<16xf32>
      %mul3A_266 = arith.constant 16 : i32
      %mul3A_267 = arith.muli %scan3A_132, %mul3A_266 : i32
      %add3A_268 = arith.constant 8960 : i32
      %add3A_269 = arith.addi %add3A_268, %mul3A_267 : i32
      %get3A_270 = arith.index_cast %add3A_269 : i32 to index
      %get3A_271 = tpu.vector_load %arg9[%get3A_270] {strides = array<i32>} : memref<16384xf32, #tpu.memory_space<vmem>>, vector<16xf32>,
      %get3A_272 = vector.shape_cast %get3A_271 : vector<16xf32> to vector<16xf32>
      %add3A_273 = arith.addf %add3A_257, %get3A_272 : vector<16xf32>
      %get3A_274 = arith.index_cast %add3A_269 : i32 to index
      %get3A_275 = tpu.vector_load %arg10[%get3A_274] {strides = array<i32>} : memref<16384xf32, #tpu.memory_space<vmem>>, vector<16xf32>,
      %get3A_276 = vector.shape_cast %get3A_275 : vector<16xf32> to vector<16xf32>
      %add3A_277 = arith.addf %add3A_261, %get3A_276 : vector<16xf32>
      %get3A_278 = arith.index_cast %add3A_269 : i32 to index
      %get3A_279 = tpu.vector_load %arg11[%get3A_278] {strides = array<i32>} : memref<16384xf32, #tpu.memory_space<vmem>>, vector<16xf32>,
      %get3A_280 = vector.shape_cast %get3A_279 : vector<16xf32> to vector<16xf32>
      %add3A_281 = arith.addf %add3A_265, %get3A_280 : vector<16xf32>
      %mul3A_282 = arith.constant 16 : i32
      %mul3A_283 = arith.muli %scan3A_132, %mul3A_282 : i32
      %add3A_284 = arith.constant 9216 : i32
      %add3A_285 = arith.addi %add3A_284, %mul3A_283 : i32
      %get3A_286 = arith.index_cast %add3A_285 : i32 to index
      %get3A_287 = tpu.vector_load %arg9[%get3A_286] {strides = array<i32>} : memref<16384xf32, #tpu.memory_space<vmem>>, vector<16xf32>,
      %get3A_288 = vector.shape_cast %get3A_287 : vector<16xf32> to vector<16xf32>
      %add3A_289 = arith.addf %add3A_273, %get3A_288 : vector<16xf32>
      %get3A_290 = arith.index_cast %add3A_285 : i32 to index
      %get3A_291 = tpu.vector_load %arg10[%get3A_290] {strides = array<i32>} : memref<16384xf32, #tpu.memory_space<vmem>>, vector<16xf32>,
      %get3A_292 = vector.shape_cast %get3A_291 : vector<16xf32> to vector<16xf32>
      %add3A_293 = arith.addf %add3A_277, %get3A_292 : vector<16xf32>
      %get3A_294 = arith.index_cast %add3A_285 : i32 to index
      %get3A_295 = tpu.vector_load %arg11[%get3A_294] {strides = array<i32>} : memref<16384xf32, #tpu.memory_space<vmem>>, vector<16xf32>,
      %get3A_296 = vector.shape_cast %get3A_295 : vector<16xf32> to vector<16xf32>
      %add3A_297 = arith.addf %add3A_281, %get3A_296 : vector<16xf32>
      %mul3A_298 = arith.constant 16 : i32
      %mul3A_299 = arith.muli %scan3A_132, %mul3A_298 : i32
      %add3A_300 = arith.constant 9472 : i32
      %add3A_301 = arith.addi %add3A_300, %mul3A_299 : i32
      %get3A_302 = arith.index_cast %add3A_301 : i32 to index
      %get3A_303 = tpu.vector_load %arg9[%get3A_302] {strides = array<i32>} : memref<16384xf32, #tpu.memory_space<vmem>>, vector<16xf32>,
      %get3A_304 = vector.shape_cast %get3A_303 : vector<16xf32> to vector<16xf32>
      %add3A_305 = arith.addf %add3A_289, %get3A_304 : vector<16xf32>
      %get3A_306 = arith.index_cast %add3A_301 : i32 to index
      %get3A_307 = tpu.vector_load %arg10[%get3A_306] {strides = array<i32>} : memref<16384xf32, #tpu.memory_space<vmem>>, vector<16xf32>,
      %get3A_308 = vector.shape_cast %get3A_307 : vector<16xf32> to vector<16xf32>
      %add3A_309 = arith.addf %add3A_293, %get3A_308 : vector<16xf32>
      %get3A_310 = arith.index_cast %add3A_301 : i32 to index
      %get3A_311 = tpu.vector_load %arg11[%get3A_310] {strides = array<i32>} : memref<16384xf32, #tpu.memory_space<vmem>>, vector<16xf32>,
      %get3A_312 = vector.shape_cast %get3A_311 : vector<16xf32> to vector<16xf32>
      %add3A_313 = arith.addf %add3A_297, %get3A_312 : vector<16xf32>
      %mul3A_314 = arith.constant 16 : i32
      %mul3A_315 = arith.muli %scan3A_132, %mul3A_314 : i32
      %add3A_316 = arith.constant 9728 : i32
      %add3A_317 = arith.addi %add3A_316, %mul3A_315 : i32
      %get3A_318 = arith.index_cast %add3A_317 : i32 to index
      %get3A_319 = tpu.vector_load %arg9[%get3A_318] {strides = array<i32>} : memref<16384xf32, #tpu.memory_space<vmem>>, vector<16xf32>,
      %get3A_320 = vector.shape_cast %get3A_319 : vector<16xf32> to vector<16xf32>
      %add3A_321 = arith.addf %add3A_305, %get3A_320 : vector<16xf32>
      %get3A_322 = arith.index_cast %add3A_317 : i32 to index
      %get3A_323 = tpu.vector_load %arg10[%get3A_322] {strides = array<i32>} : memref<16384xf32, #tpu.memory_space<vmem>>, vector<16xf32>,
      %get3A_324 = vector.shape_cast %get3A_323 : vector<16xf32> to vector<16xf32>
      %add3A_325 = arith.addf %add3A_309, %get3A_324 : vector<16xf32>
      %get3A_326 = arith.index_cast %add3A_317 : i32 to index
      %get3A_327 = tpu.vector_load %arg11[%get3A_326] {strides = array<i32>} : memref<16384xf32, #tpu.memory_space<vmem>>, vector<16xf32>,
      %get3A_328 = vector.shape_cast %get3A_327 : vector<16xf32> to vector<16xf32>
      %add3A_329 = arith.addf %add3A_313, %get3A_328 : vector<16xf32>
      %mul3A_330 = arith.constant 16 : i32
      %mul3A_331 = arith.muli %scan3A_132, %mul3A_330 : i32
      %add3A_332 = arith.constant 9984 : i32
      %add3A_333 = arith.addi %add3A_332, %mul3A_331 : i32
      %get3A_334 = arith.index_cast %add3A_333 : i32 to index
      %get3A_335 = tpu.vector_load %arg9[%get3A_334] {strides = array<i32>} : memref<16384xf32, #tpu.memory_space<vmem>>, vector<16xf32>,
      %get3A_336 = vector.shape_cast %get3A_335 : vector<16xf32> to vector<16xf32>
      %add3A_337 = arith.addf %add3A_321, %get3A_336 : vector<16xf32>
      %get3A_338 = arith.index_cast %add3A_333 : i32 to index
      %get3A_339 = tpu.vector_load %arg10[%get3A_338] {strides = array<i32>} : memref<16384xf32, #tpu.memory_space<vmem>>, vector<16xf32>,
      %get3A_340 = vector.shape_cast %get3A_339 : vector<16xf32> to vector<16xf32>
      %add3A_341 = arith.addf %add3A_325, %get3A_340 : vector<16xf32>
      %get3A_342 = arith.index_cast %add3A_333 : i32 to index
      %get3A_343 = tpu.vector_load %arg11[%get3A_342] {strides = array<i32>} : memref<16384xf32, #tpu.memory_space<vmem>>, vector<16xf32>,
      %get3A_344 = vector.shape_cast %get3A_343 : vector<16xf32> to vector<16xf32>
      %add3A_345 = arith.addf %add3A_329, %get3A_344 : vector<16xf32>
      %mul3A_346 = arith.constant 16 : i32
      %mul3A_347 = arith.muli %scan3A_132, %mul3A_346 : i32
      %add3A_348 = arith.constant 10240 : i32
      %add3A_349 = arith.addi %add3A_348, %mul3A_347 : i32
      %get3A_350 = arith.index_cast %add3A_349 : i32 to index
      %get3A_351 = tpu.vector_load %arg9[%get3A_350] {strides = array<i32>} : memref<16384xf32, #tpu.memory_space<vmem>>, vector<16xf32>,
      %get3A_352 = vector.shape_cast %get3A_351 : vector<16xf32> to vector<16xf32>
      %add3A_353 = arith.addf %add3A_337, %get3A_352 : vector<16xf32>
      %get3A_354 = arith.index_cast %add3A_349 : i32 to index
      %get3A_355 = tpu.vector_load %arg10[%get3A_354] {strides = array<i32>} : memref<16384xf32, #tpu.memory_space<vmem>>, vector<16xf32>,
      %get3A_356 = vector.shape_cast %get3A_355 : vector<16xf32> to vector<16xf32>
      %add3A_357 = arith.addf %add3A_341, %get3A_356 : vector<16xf32>
      %get3A_358 = arith.index_cast %add3A_349 : i32 to index
      %get3A_359 = tpu.vector_load %arg11[%get3A_358] {strides = array<i32>} : memref<16384xf32, #tpu.memory_space<vmem>>, vector<16xf32>,
      %get3A_360 = vector.shape_cast %get3A_359 : vector<16xf32> to vector<16xf32>
      %add3A_361 = arith.addf %add3A_345, %get3A_360 : vector<16xf32>
      %mul3A_362 = arith.constant 16 : i32
      %mul3A_363 = arith.muli %scan3A_132, %mul3A_362 : i32
      %add3A_364 = arith.constant 10496 : i32
      %add3A_365 = arith.addi %add3A_364, %mul3A_363 : i32
      %get3A_366 = arith.index_cast %add3A_365 : i32 to index
      %get3A_367 = tpu.vector_load %arg9[%get3A_366] {strides = array<i32>} : memref<16384xf32, #tpu.memory_space<vmem>>, vector<16xf32>,
      %get3A_368 = vector.shape_cast %get3A_367 : vector<16xf32> to vector<16xf32>
      %add3A_369 = arith.addf %add3A_353, %get3A_368 : vector<16xf32>
      %get3A_370 = arith.index_cast %add3A_365 : i32 to index
      %get3A_371 = tpu.vector_load %arg10[%get3A_370] {strides = array<i32>} : memref<16384xf32, #tpu.memory_space<vmem>>, vector<16xf32>,
      %get3A_372 = vector.shape_cast %get3A_371 : vector<16xf32> to vector<16xf32>
      %add3A_373 = arith.addf %add3A_357, %get3A_372 : vector<16xf32>
      %get3A_374 = arith.index_cast %add3A_365 : i32 to index
      %get3A_375 = tpu.vector_load %arg11[%get3A_374] {strides = array<i32>} : memref<16384xf32, #tpu.memory_space<vmem>>, vector<16xf32>,
      %get3A_376 = vector.shape_cast %get3A_375 : vector<16xf32> to vector<16xf32>
      %add3A_377 = arith.addf %add3A_361, %get3A_376 : vector<16xf32>
      %mul3A_378 = arith.constant 16 : i32
      %mul3A_379 = arith.muli %scan3A_132, %mul3A_378 : i32
      %add3A_380 = arith.constant 10752 : i32
      %add3A_381 = arith.addi %add3A_380, %mul3A_379 : i32
      %get3A_382 = arith.index_cast %add3A_381 : i32 to index
      %get3A_383 = tpu.vector_load %arg9[%get3A_382] {strides = array<i32>} : memref<16384xf32, #tpu.memory_space<vmem>>, vector<16xf32>,
      %get3A_384 = vector.shape_cast %get3A_383 : vector<16xf32> to vector<16xf32>
      %add3A_385 = arith.addf %add3A_369, %get3A_384 : vector<16xf32>
      %get3A_386 = arith.index_cast %add3A_381 : i32 to index
      %get3A_387 = tpu.vector_load %arg10[%get3A_386] {strides = array<i32>} : memref<16384xf32, #tpu.memory_space<vmem>>, vector<16xf32>,
      %get3A_388 = vector.shape_cast %get3A_387 : vector<16xf32> to vector<16xf32>
      %add3A_389 = arith.addf %add3A_373, %get3A_388 : vector<16xf32>
      %get3A_390 = arith.index_cast %add3A_381 : i32 to index
      %get3A_391 = tpu.vector_load %arg11[%get3A_390] {strides = array<i32>} : memref<16384xf32, #tpu.memory_space<vmem>>, vector<16xf32>,
      %get3A_392 = vector.shape_cast %get3A_391 : vector<16xf32> to vector<16xf32>
      %add3A_393 = arith.addf %add3A_377, %get3A_392 : vector<16xf32>
      %mul3A_394 = arith.constant 16 : i32
      %mul3A_395 = arith.muli %scan3A_132, %mul3A_394 : i32
      %add3A_396 = arith.constant 11008 : i32
      %add3A_397 = arith.addi %add3A_396, %mul3A_395 : i32
      %get3A_398 = arith.index_cast %add3A_397 : i32 to index
      %get3A_399 = tpu.vector_load %arg9[%get3A_398] {strides = array<i32>} : memref<16384xf32, #tpu.memory_space<vmem>>, vector<16xf32>,
      %get3A_400 = vector.shape_cast %get3A_399 : vector<16xf32> to vector<16xf32>
      %add3A_401 = arith.addf %add3A_385, %get3A_400 : vector<16xf32>
      %get3A_402 = arith.index_cast %add3A_397 : i32 to index
      %get3A_403 = tpu.vector_load %arg10[%get3A_402] {strides = array<i32>} : memref<16384xf32, #tpu.memory_space<vmem>>, vector<16xf32>,
      %get3A_404 = vector.shape_cast %get3A_403 : vector<16xf32> to vector<16xf32>
      %add3A_405 = arith.addf %add3A_389, %get3A_404 : vector<16xf32>
      %get3A_406 = arith.index_cast %add3A_397 : i32 to index
      %get3A_407 = tpu.vector_load %arg11[%get3A_406] {strides = array<i32>} : memref<16384xf32, #tpu.memory_space<vmem>>, vector<16xf32>,
      %get3A_408 = vector.shape_cast %get3A_407 : vector<16xf32> to vector<16xf32>
      %add3A_409 = arith.addf %add3A_393, %get3A_408 : vector<16xf32>
      %mul3A_410 = arith.constant 16 : i32
      %mul3A_411 = arith.muli %scan3A_132, %mul3A_410 : i32
      %add3A_412 = arith.constant 11264 : i32
      %add3A_413 = arith.addi %add3A_412, %mul3A_411 : i32
      %get3A_414 = arith.index_cast %add3A_413 : i32 to index
      %get3A_415 = tpu.vector_load %arg9[%get3A_414] {strides = array<i32>} : memref<16384xf32, #tpu.memory_space<vmem>>, vector<16xf32>,
      %get3A_416 = vector.shape_cast %get3A_415 : vector<16xf32> to vector<16xf32>
      %add3A_417 = arith.addf %add3A_401, %get3A_416 : vector<16xf32>
      %get3A_418 = arith.index_cast %add3A_413 : i32 to index
      %get3A_419 = tpu.vector_load %arg10[%get3A_418] {strides = array<i32>} : memref<16384xf32, #tpu.memory_space<vmem>>, vector<16xf32>,
      %get3A_420 = vector.shape_cast %get3A_419 : vector<16xf32> to vector<16xf32>
      %add3A_421 = arith.addf %add3A_405, %get3A_420 : vector<16xf32>
      %get3A_422 = arith.index_cast %add3A_413 : i32 to index
      %get3A_423 = tpu.vector_load %arg11[%get3A_422] {strides = array<i32>} : memref<16384xf32, #tpu.memory_space<vmem>>, vector<16xf32>,
      %get3A_424 = vector.shape_cast %get3A_423 : vector<16xf32> to vector<16xf32>
      %add3A_425 = arith.addf %add3A_409, %get3A_424 : vector<16xf32>
      %mul3A_426 = arith.constant 16 : i32
      %mul3A_427 = arith.muli %scan3A_132, %mul3A_426 : i32
      %add3A_428 = arith.constant 11520 : i32
      %add3A_429 = arith.addi %add3A_428, %mul3A_427 : i32
      %get3A_430 = arith.index_cast %add3A_429 : i32 to index
      %get3A_431 = tpu.vector_load %arg9[%get3A_430] {strides = array<i32>} : memref<16384xf32, #tpu.memory_space<vmem>>, vector<16xf32>,
      %get3A_432 = vector.shape_cast %get3A_431 : vector<16xf32> to vector<16xf32>
      %add3A_433 = arith.addf %add3A_417, %get3A_432 : vector<16xf32>
      %get3A_434 = arith.index_cast %add3A_429 : i32 to index
      %get3A_435 = tpu.vector_load %arg10[%get3A_434] {strides = array<i32>} : memref<16384xf32, #tpu.memory_space<vmem>>, vector<16xf32>,
      %get3A_436 = vector.shape_cast %get3A_435 : vector<16xf32> to vector<16xf32>
      %add3A_437 = arith.addf %add3A_421, %get3A_436 : vector<16xf32>
      %get3A_438 = arith.index_cast %add3A_429 : i32 to index
      %get3A_439 = tpu.vector_load %arg11[%get3A_438] {strides = array<i32>} : memref<16384xf32, #tpu.memory_space<vmem>>, vector<16xf32>,
      %get3A_440 = vector.shape_cast %get3A_439 : vector<16xf32> to vector<16xf32>
      %add3A_441 = arith.addf %add3A_425, %get3A_440 : vector<16xf32>
      %mul3A_442 = arith.constant 16 : i32
      %mul3A_443 = arith.muli %scan3A_132, %mul3A_442 : i32
      %add3A_444 = arith.constant 11776 : i32
      %add3A_445 = arith.addi %add3A_444, %mul3A_443 : i32
      %get3A_446 = arith.index_cast %add3A_445 : i32 to index
      %get3A_447 = tpu.vector_load %arg9[%get3A_446] {strides = array<i32>} : memref<16384xf32, #tpu.memory_space<vmem>>, vector<16xf32>,
      %get3A_448 = vector.shape_cast %get3A_447 : vector<16xf32> to vector<16xf32>
      %add3A_449 = arith.addf %add3A_433, %get3A_448 : vector<16xf32>
      %get3A_450 = arith.index_cast %add3A_445 : i32 to index
      %get3A_451 = tpu.vector_load %arg10[%get3A_450] {strides = array<i32>} : memref<16384xf32, #tpu.memory_space<vmem>>, vector<16xf32>,
      %get3A_452 = vector.shape_cast %get3A_451 : vector<16xf32> to vector<16xf32>
      %add3A_453 = arith.addf %add3A_437, %get3A_452 : vector<16xf32>
      %get3A_454 = arith.index_cast %add3A_445 : i32 to index
      %get3A_455 = tpu.vector_load %arg11[%get3A_454] {strides = array<i32>} : memref<16384xf32, #tpu.memory_space<vmem>>, vector<16xf32>,
      %get3A_456 = vector.shape_cast %get3A_455 : vector<16xf32> to vector<16xf32>
      %add3A_457 = arith.addf %add3A_441, %get3A_456 : vector<16xf32>
      %mul3A_458 = arith.constant 16 : i32
      %mul3A_459 = arith.muli %scan3A_132, %mul3A_458 : i32
      %add3A_460 = arith.constant 12032 : i32
      %add3A_461 = arith.addi %add3A_460, %mul3A_459 : i32
      %get3A_462 = arith.index_cast %add3A_461 : i32 to index
      %get3A_463 = tpu.vector_load %arg9[%get3A_462] {strides = array<i32>} : memref<16384xf32, #tpu.memory_space<vmem>>, vector<16xf32>,
      %get3A_464 = vector.shape_cast %get3A_463 : vector<16xf32> to vector<16xf32>
      %add3A_465 = arith.addf %add3A_449, %get3A_464 : vector<16xf32>
      %get3A_466 = arith.index_cast %add3A_461 : i32 to index
      %get3A_467 = tpu.vector_load %arg10[%get3A_466] {strides = array<i32>} : memref<16384xf32, #tpu.memory_space<vmem>>, vector<16xf32>,
      %get3A_468 = vector.shape_cast %get3A_467 : vector<16xf32> to vector<16xf32>
      %add3A_469 = arith.addf %add3A_453, %get3A_468 : vector<16xf32>
      %get3A_470 = arith.index_cast %add3A_461 : i32 to index
      %get3A_471 = tpu.vector_load %arg11[%get3A_470] {strides = array<i32>} : memref<16384xf32, #tpu.memory_space<vmem>>, vector<16xf32>,
      %get3A_472 = vector.shape_cast %get3A_471 : vector<16xf32> to vector<16xf32>
      %add3A_473 = arith.addf %add3A_457, %get3A_472 : vector<16xf32>
      %mul3A_474 = arith.constant 16 : i32
      %mul3A_475 = arith.muli %scan3A_132, %mul3A_474 : i32
      %add3A_476 = arith.constant 12288 : i32
      %add3A_477 = arith.addi %add3A_476, %mul3A_475 : i32
      %get3A_478 = arith.index_cast %add3A_477 : i32 to index
      %get3A_479 = tpu.vector_load %arg9[%get3A_478] {strides = array<i32>} : memref<16384xf32, #tpu.memory_space<vmem>>, vector<16xf32>,
      %get3A_480 = vector.shape_cast %get3A_479 : vector<16xf32> to vector<16xf32>
      %add3A_481 = arith.addf %add3A_465, %get3A_480 : vector<16xf32>
      %get3A_482 = arith.index_cast %add3A_477 : i32 to index
      %get3A_483 = tpu.vector_load %arg10[%get3A_482] {strides = array<i32>} : memref<16384xf32, #tpu.memory_space<vmem>>, vector<16xf32>,
      %get3A_484 = vector.shape_cast %get3A_483 : vector<16xf32> to vector<16xf32>
      %add3A_485 = arith.addf %add3A_469, %get3A_484 : vector<16xf32>
      %get3A_486 = arith.index_cast %add3A_477 : i32 to index
      %get3A_487 = tpu.vector_load %arg11[%get3A_486] {strides = array<i32>} : memref<16384xf32, #tpu.memory_space<vmem>>, vector<16xf32>,
      %get3A_488 = vector.shape_cast %get3A_487 : vector<16xf32> to vector<16xf32>
      %add3A_489 = arith.addf %add3A_473, %get3A_488 : vector<16xf32>
      %mul3A_490 = arith.constant 16 : i32
      %mul3A_491 = arith.muli %scan3A_132, %mul3A_490 : i32
      %add3A_492 = arith.constant 12544 : i32
      %add3A_493 = arith.addi %add3A_492, %mul3A_491 : i32
      %get3A_494 = arith.index_cast %add3A_493 : i32 to index
      %get3A_495 = tpu.vector_load %arg9[%get3A_494] {strides = array<i32>} : memref<16384xf32, #tpu.memory_space<vmem>>, vector<16xf32>,
      %get3A_496 = vector.shape_cast %get3A_495 : vector<16xf32> to vector<16xf32>
      %add3A_497 = arith.addf %add3A_481, %get3A_496 : vector<16xf32>
      %get3A_498 = arith.index_cast %add3A_493 : i32 to index
      %get3A_499 = tpu.vector_load %arg10[%get3A_498] {strides = array<i32>} : memref<16384xf32, #tpu.memory_space<vmem>>, vector<16xf32>,
      %get3A_500 = vector.shape_cast %get3A_499 : vector<16xf32> to vector<16xf32>
      %add3A_501 = arith.addf %add3A_485, %get3A_500 : vector<16xf32>
      %get3A_502 = arith.index_cast %add3A_493 : i32 to index
      %get3A_503 = tpu.vector_load %arg11[%get3A_502] {strides = array<i32>} : memref<16384xf32, #tpu.memory_space<vmem>>, vector<16xf32>,
      %get3A_504 = vector.shape_cast %get3A_503 : vector<16xf32> to vector<16xf32>
      %add3A_505 = arith.addf %add3A_489, %get3A_504 : vector<16xf32>
      %mul3A_506 = arith.constant 16 : i32
      %mul3A_507 = arith.muli %scan3A_132, %mul3A_506 : i32
      %add3A_508 = arith.constant 12800 : i32
      %add3A_509 = arith.addi %add3A_508, %mul3A_507 : i32
      %get3A_510 = arith.index_cast %add3A_509 : i32 to index
      %get3A_511 = tpu.vector_load %arg9[%get3A_510] {strides = array<i32>} : memref<16384xf32, #tpu.memory_space<vmem>>, vector<16xf32>,
      %get3A_512 = vector.shape_cast %get3A_511 : vector<16xf32> to vector<16xf32>
      %add3A_513 = arith.addf %add3A_497, %get3A_512 : vector<16xf32>
      %get3A_514 = arith.index_cast %add3A_509 : i32 to index
      %get3A_515 = tpu.vector_load %arg10[%get3A_514] {strides = array<i32>} : memref<16384xf32, #tpu.memory_space<vmem>>, vector<16xf32>,
      %get3A_516 = vector.shape_cast %get3A_515 : vector<16xf32> to vector<16xf32>
      %add3A_517 = arith.addf %add3A_501, %get3A_516 : vector<16xf32>
      %get3A_518 = arith.index_cast %add3A_509 : i32 to index
      %get3A_519 = tpu.vector_load %arg11[%get3A_518] {strides = array<i32>} : memref<16384xf32, #tpu.memory_space<vmem>>, vector<16xf32>,
      %get3A_520 = vector.shape_cast %get3A_519 : vector<16xf32> to vector<16xf32>
      %add3A_521 = arith.addf %add3A_505, %get3A_520 : vector<16xf32>
      %mul3A_522 = arith.constant 16 : i32
      %mul3A_523 = arith.muli %scan3A_132, %mul3A_522 : i32
      %add3A_524 = arith.constant 13056 : i32
      %add3A_525 = arith.addi %add3A_524, %mul3A_523 : i32
      %get3A_526 = arith.index_cast %add3A_525 : i32 to index
      %get3A_527 = tpu.vector_load %arg9[%get3A_526] {strides = array<i32>} : memref<16384xf32, #tpu.memory_space<vmem>>, vector<16xf32>,
      %get3A_528 = vector.shape_cast %get3A_527 : vector<16xf32> to vector<16xf32>
      %add3A_529 = arith.addf %add3A_513, %get3A_528 : vector<16xf32>
      %get3A_530 = arith.index_cast %add3A_525 : i32 to index
      %get3A_531 = tpu.vector_load %arg10[%get3A_530] {strides = array<i32>} : memref<16384xf32, #tpu.memory_space<vmem>>, vector<16xf32>,
      %get3A_532 = vector.shape_cast %get3A_531 : vector<16xf32> to vector<16xf32>
      %add3A_533 = arith.addf %add3A_517, %get3A_532 : vector<16xf32>
      %get3A_534 = arith.index_cast %add3A_525 : i32 to index
      %get3A_535 = tpu.vector_load %arg11[%get3A_534] {strides = array<i32>} : memref<16384xf32, #tpu.memory_space<vmem>>, vector<16xf32>,
      %get3A_536 = vector.shape_cast %get3A_535 : vector<16xf32> to vector<16xf32>
      %add3A_537 = arith.addf %add3A_521, %get3A_536 : vector<16xf32>
      %mul3A_538 = arith.constant 16 : i32
      %mul3A_539 = arith.muli %scan3A_132, %mul3A_538 : i32
      %add3A_540 = arith.constant 13312 : i32
      %add3A_541 = arith.addi %add3A_540, %mul3A_539 : i32
      %get3A_542 = arith.index_cast %add3A_541 : i32 to index
      %get3A_543 = tpu.vector_load %arg9[%get3A_542] {strides = array<i32>} : memref<16384xf32, #tpu.memory_space<vmem>>, vector<16xf32>,
      %get3A_544 = vector.shape_cast %get3A_543 : vector<16xf32> to vector<16xf32>
      %add3A_545 = arith.addf %add3A_529, %get3A_544 : vector<16xf32>
      %get3A_546 = arith.index_cast %add3A_541 : i32 to index
      %get3A_547 = tpu.vector_load %arg10[%get3A_546] {strides = array<i32>} : memref<16384xf32, #tpu.memory_space<vmem>>, vector<16xf32>,
      %get3A_548 = vector.shape_cast %get3A_547 : vector<16xf32> to vector<16xf32>
      %add3A_549 = arith.addf %add3A_533, %get3A_548 : vector<16xf32>
      %get3A_550 = arith.index_cast %add3A_541 : i32 to index
      %get3A_551 = tpu.vector_load %arg11[%get3A_550] {strides = array<i32>} : memref<16384xf32, #tpu.memory_space<vmem>>, vector<16xf32>,
      %get3A_552 = vector.shape_cast %get3A_551 : vector<16xf32> to vector<16xf32>
      %add3A_553 = arith.addf %add3A_537, %get3A_552 : vector<16xf32>
      %mul3A_554 = arith.constant 16 : i32
      %mul3A_555 = arith.muli %scan3A_132, %mul3A_554 : i32
      %add3A_556 = arith.constant 13568 : i32
      %add3A_557 = arith.addi %add3A_556, %mul3A_555 : i32
      %get3A_558 = arith.index_cast %add3A_557 : i32 to index
      %get3A_559 = tpu.vector_load %arg9[%get3A_558] {strides = array<i32>} : memref<16384xf32, #tpu.memory_space<vmem>>, vector<16xf32>,
      %get3A_560 = vector.shape_cast %get3A_559 : vector<16xf32> to vector<16xf32>
      %add3A_561 = arith.addf %add3A_545, %get3A_560 : vector<16xf32>
      %get3A_562 = arith.index_cast %add3A_557 : i32 to index
      %get3A_563 = tpu.vector_load %arg10[%get3A_562] {strides = array<i32>} : memref<16384xf32, #tpu.memory_space<vmem>>, vector<16xf32>,
      %get3A_564 = vector.shape_cast %get3A_563 : vector<16xf32> to vector<16xf32>
      %add3A_565 = arith.addf %add3A_549, %get3A_564 : vector<16xf32>
      %get3A_566 = arith.index_cast %add3A_557 : i32 to index
      %get3A_567 = tpu.vector_load %arg11[%get3A_566] {strides = array<i32>} : memref<16384xf32, #tpu.memory_space<vmem>>, vector<16xf32>,
      %get3A_568 = vector.shape_cast %get3A_567 : vector<16xf32> to vector<16xf32>
      %add3A_569 = arith.addf %add3A_553, %get3A_568 : vector<16xf32>
      %mul3A_570 = arith.constant 16 : i32
      %mul3A_571 = arith.muli %scan3A_132, %mul3A_570 : i32
      %add3A_572 = arith.constant 13824 : i32
      %add3A_573 = arith.addi %add3A_572, %mul3A_571 : i32
      %get3A_574 = arith.index_cast %add3A_573 : i32 to index
      %get3A_575 = tpu.vector_load %arg9[%get3A_574] {strides = array<i32>} : memref<16384xf32, #tpu.memory_space<vmem>>, vector<16xf32>,
      %get3A_576 = vector.shape_cast %get3A_575 : vector<16xf32> to vector<16xf32>
      %add3A_577 = arith.addf %add3A_561, %get3A_576 : vector<16xf32>
      %get3A_578 = arith.index_cast %add3A_573 : i32 to index
      %get3A_579 = tpu.vector_load %arg10[%get3A_578] {strides = array<i32>} : memref<16384xf32, #tpu.memory_space<vmem>>, vector<16xf32>,
      %get3A_580 = vector.shape_cast %get3A_579 : vector<16xf32> to vector<16xf32>
      %add3A_581 = arith.addf %add3A_565, %get3A_580 : vector<16xf32>
      %get3A_582 = arith.index_cast %add3A_573 : i32 to index
      %get3A_583 = tpu.vector_load %arg11[%get3A_582] {strides = array<i32>} : memref<16384xf32, #tpu.memory_space<vmem>>, vector<16xf32>,
      %get3A_584 = vector.shape_cast %get3A_583 : vector<16xf32> to vector<16xf32>
      %add3A_585 = arith.addf %add3A_569, %get3A_584 : vector<16xf32>
      %mul3A_586 = arith.constant 16 : i32
      %mul3A_587 = arith.muli %scan3A_132, %mul3A_586 : i32
      %add3A_588 = arith.constant 14080 : i32
      %add3A_589 = arith.addi %add3A_588, %mul3A_587 : i32
      %get3A_590 = arith.index_cast %add3A_589 : i32 to index
      %get3A_591 = tpu.vector_load %arg9[%get3A_590] {strides = array<i32>} : memref<16384xf32, #tpu.memory_space<vmem>>, vector<16xf32>,
      %get3A_592 = vector.shape_cast %get3A_591 : vector<16xf32> to vector<16xf32>
      %add3A_593 = arith.addf %add3A_577, %get3A_592 : vector<16xf32>
      %get3A_594 = arith.index_cast %add3A_589 : i32 to index
      %get3A_595 = tpu.vector_load %arg10[%get3A_594] {strides = array<i32>} : memref<16384xf32, #tpu.memory_space<vmem>>, vector<16xf32>,
      %get3A_596 = vector.shape_cast %get3A_595 : vector<16xf32> to vector<16xf32>
      %add3A_597 = arith.addf %add3A_581, %get3A_596 : vector<16xf32>
      %get3A_598 = arith.index_cast %add3A_589 : i32 to index
      %get3A_599 = tpu.vector_load %arg11[%get3A_598] {strides = array<i32>} : memref<16384xf32, #tpu.memory_space<vmem>>, vector<16xf32>,
      %get3A_600 = vector.shape_cast %get3A_599 : vector<16xf32> to vector<16xf32>
      %add3A_601 = arith.addf %add3A_585, %get3A_600 : vector<16xf32>
      %mul3A_602 = arith.constant 16 : i32
      %mul3A_603 = arith.muli %scan3A_132, %mul3A_602 : i32
      %add3A_604 = arith.constant 14336 : i32
      %add3A_605 = arith.addi %add3A_604, %mul3A_603 : i32
      %get3A_606 = arith.index_cast %add3A_605 : i32 to index
      %get3A_607 = tpu.vector_load %arg9[%get3A_606] {strides = array<i32>} : memref<16384xf32, #tpu.memory_space<vmem>>, vector<16xf32>,
      %get3A_608 = vector.shape_cast %get3A_607 : vector<16xf32> to vector<16xf32>
      %add3A_609 = arith.addf %add3A_593, %get3A_608 : vector<16xf32>
      %get3A_610 = arith.index_cast %add3A_605 : i32 to index
      %get3A_611 = tpu.vector_load %arg10[%get3A_610] {strides = array<i32>} : memref<16384xf32, #tpu.memory_space<vmem>>, vector<16xf32>,
      %get3A_612 = vector.shape_cast %get3A_611 : vector<16xf32> to vector<16xf32>
      %add3A_613 = arith.addf %add3A_597, %get3A_612 : vector<16xf32>
      %get3A_614 = arith.index_cast %add3A_605 : i32 to index
      %get3A_615 = tpu.vector_load %arg11[%get3A_614] {strides = array<i32>} : memref<16384xf32, #tpu.memory_space<vmem>>, vector<16xf32>,
      %get3A_616 = vector.shape_cast %get3A_615 : vector<16xf32> to vector<16xf32>
      %add3A_617 = arith.addf %add3A_601, %get3A_616 : vector<16xf32>
      %mul3A_618 = arith.constant 16 : i32
      %mul3A_619 = arith.muli %scan3A_132, %mul3A_618 : i32
      %add3A_620 = arith.constant 14592 : i32
      %add3A_621 = arith.addi %add3A_620, %mul3A_619 : i32
      %get3A_622 = arith.index_cast %add3A_621 : i32 to index
      %get3A_623 = tpu.vector_load %arg9[%get3A_622] {strides = array<i32>} : memref<16384xf32, #tpu.memory_space<vmem>>, vector<16xf32>,
      %get3A_624 = vector.shape_cast %get3A_623 : vector<16xf32> to vector<16xf32>
      %add3A_625 = arith.addf %add3A_609, %get3A_624 : vector<16xf32>
      %get3A_626 = arith.index_cast %add3A_621 : i32 to index
      %get3A_627 = tpu.vector_load %arg10[%get3A_626] {strides = array<i32>} : memref<16384xf32, #tpu.memory_space<vmem>>, vector<16xf32>,
      %get3A_628 = vector.shape_cast %get3A_627 : vector<16xf32> to vector<16xf32>
      %add3A_629 = arith.addf %add3A_613, %get3A_628 : vector<16xf32>
      %get3A_630 = arith.index_cast %add3A_621 : i32 to index
      %get3A_631 = tpu.vector_load %arg11[%get3A_630] {strides = array<i32>} : memref<16384xf32, #tpu.memory_space<vmem>>, vector<16xf32>,
      %get3A_632 = vector.shape_cast %get3A_631 : vector<16xf32> to vector<16xf32>
      %add3A_633 = arith.addf %add3A_617, %get3A_632 : vector<16xf32>
      %mul3A_634 = arith.constant 16 : i32
      %mul3A_635 = arith.muli %scan3A_132, %mul3A_634 : i32
      %add3A_636 = arith.constant 14848 : i32
      %add3A_637 = arith.addi %add3A_636, %mul3A_635 : i32
      %get3A_638 = arith.index_cast %add3A_637 : i32 to index
      %get3A_639 = tpu.vector_load %arg9[%get3A_638] {strides = array<i32>} : memref<16384xf32, #tpu.memory_space<vmem>>, vector<16xf32>,
      %get3A_640 = vector.shape_cast %get3A_639 : vector<16xf32> to vector<16xf32>
      %add3A_641 = arith.addf %add3A_625, %get3A_640 : vector<16xf32>
      %get3A_642 = arith.index_cast %add3A_637 : i32 to index
      %get3A_643 = tpu.vector_load %arg10[%get3A_642] {strides = array<i32>} : memref<16384xf32, #tpu.memory_space<vmem>>, vector<16xf32>,
      %get3A_644 = vector.shape_cast %get3A_643 : vector<16xf32> to vector<16xf32>
      %add3A_645 = arith.addf %add3A_629, %get3A_644 : vector<16xf32>
      %get3A_646 = arith.index_cast %add3A_637 : i32 to index
      %get3A_647 = tpu.vector_load %arg11[%get3A_646] {strides = array<i32>} : memref<16384xf32, #tpu.memory_space<vmem>>, vector<16xf32>,
      %get3A_648 = vector.shape_cast %get3A_647 : vector<16xf32> to vector<16xf32>
      %add3A_649 = arith.addf %add3A_633, %get3A_648 : vector<16xf32>
      %mul3A_650 = arith.constant 16 : i32
      %mul3A_651 = arith.muli %scan3A_132, %mul3A_650 : i32
      %add3A_652 = arith.constant 15104 : i32
      %add3A_653 = arith.addi %add3A_652, %mul3A_651 : i32
      %get3A_654 = arith.index_cast %add3A_653 : i32 to index
      %get3A_655 = tpu.vector_load %arg9[%get3A_654] {strides = array<i32>} : memref<16384xf32, #tpu.memory_space<vmem>>, vector<16xf32>,
      %get3A_656 = vector.shape_cast %get3A_655 : vector<16xf32> to vector<16xf32>
      %add3A_657 = arith.addf %add3A_641, %get3A_656 : vector<16xf32>
      %get3A_658 = arith.index_cast %add3A_653 : i32 to index
      %get3A_659 = tpu.vector_load %arg10[%get3A_658] {strides = array<i32>} : memref<16384xf32, #tpu.memory_space<vmem>>, vector<16xf32>,
      %get3A_660 = vector.shape_cast %get3A_659 : vector<16xf32> to vector<16xf32>
      %add3A_661 = arith.addf %add3A_645, %get3A_660 : vector<16xf32>
      %get3A_662 = arith.index_cast %add3A_653 : i32 to index
      %get3A_663 = tpu.vector_load %arg11[%get3A_662] {strides = array<i32>} : memref<16384xf32, #tpu.memory_space<vmem>>, vector<16xf32>,
      %get3A_664 = vector.shape_cast %get3A_663 : vector<16xf32> to vector<16xf32>
      %add3A_665 = arith.addf %add3A_649, %get3A_664 : vector<16xf32>
      %mul3A_666 = arith.constant 16 : i32
      %mul3A_667 = arith.muli %scan3A_132, %mul3A_666 : i32
      %add3A_668 = arith.constant 15360 : i32
      %add3A_669 = arith.addi %add3A_668, %mul3A_667 : i32
      %get3A_670 = arith.index_cast %add3A_669 : i32 to index
      %get3A_671 = tpu.vector_load %arg9[%get3A_670] {strides = array<i32>} : memref<16384xf32, #tpu.memory_space<vmem>>, vector<16xf32>,
      %get3A_672 = vector.shape_cast %get3A_671 : vector<16xf32> to vector<16xf32>
      %add3A_673 = arith.addf %add3A_657, %get3A_672 : vector<16xf32>
      %get3A_674 = arith.index_cast %add3A_669 : i32 to index
      %get3A_675 = tpu.vector_load %arg10[%get3A_674] {strides = array<i32>} : memref<16384xf32, #tpu.memory_space<vmem>>, vector<16xf32>,
      %get3A_676 = vector.shape_cast %get3A_675 : vector<16xf32> to vector<16xf32>
      %add3A_677 = arith.addf %add3A_661, %get3A_676 : vector<16xf32>
      %get3A_678 = arith.index_cast %add3A_669 : i32 to index
      %get3A_679 = tpu.vector_load %arg11[%get3A_678] {strides = array<i32>} : memref<16384xf32, #tpu.memory_space<vmem>>, vector<16xf32>,
      %get3A_680 = vector.shape_cast %get3A_679 : vector<16xf32> to vector<16xf32>
      %add3A_681 = arith.addf %add3A_665, %get3A_680 : vector<16xf32>
      %mul3A_682 = arith.constant 16 : i32
      %mul3A_683 = arith.muli %scan3A_132, %mul3A_682 : i32
      %add3A_684 = arith.constant 15616 : i32
      %add3A_685 = arith.addi %add3A_684, %mul3A_683 : i32
      %get3A_686 = arith.index_cast %add3A_685 : i32 to index
      %get3A_687 = tpu.vector_load %arg9[%get3A_686] {strides = array<i32>} : memref<16384xf32, #tpu.memory_space<vmem>>, vector<16xf32>,
      %get3A_688 = vector.shape_cast %get3A_687 : vector<16xf32> to vector<16xf32>
      %add3A_689 = arith.addf %add3A_673, %get3A_688 : vector<16xf32>
      %get3A_690 = arith.index_cast %add3A_685 : i32 to index
      %get3A_691 = tpu.vector_load %arg10[%get3A_690] {strides = array<i32>} : memref<16384xf32, #tpu.memory_space<vmem>>, vector<16xf32>,
      %get3A_692 = vector.shape_cast %get3A_691 : vector<16xf32> to vector<16xf32>
      %add3A_693 = arith.addf %add3A_677, %get3A_692 : vector<16xf32>
      %get3A_694 = arith.index_cast %add3A_685 : i32 to index
      %get3A_695 = tpu.vector_load %arg11[%get3A_694] {strides = array<i32>} : memref<16384xf32, #tpu.memory_space<vmem>>, vector<16xf32>,
      %get3A_696 = vector.shape_cast %get3A_695 : vector<16xf32> to vector<16xf32>
      %add3A_697 = arith.addf %add3A_681, %get3A_696 : vector<16xf32>
      %mul3A_698 = arith.constant 16 : i32
      %mul3A_699 = arith.muli %scan3A_132, %mul3A_698 : i32
      %add3A_700 = arith.constant 15872 : i32
      %add3A_701 = arith.addi %add3A_700, %mul3A_699 : i32
      %get3A_702 = arith.index_cast %add3A_701 : i32 to index
      %get3A_703 = tpu.vector_load %arg9[%get3A_702] {strides = array<i32>} : memref<16384xf32, #tpu.memory_space<vmem>>, vector<16xf32>,
      %get3A_704 = vector.shape_cast %get3A_703 : vector<16xf32> to vector<16xf32>
      %add3A_705 = arith.addf %add3A_689, %get3A_704 : vector<16xf32>
      %get3A_706 = arith.index_cast %add3A_701 : i32 to index
      %get3A_707 = tpu.vector_load %arg10[%get3A_706] {strides = array<i32>} : memref<16384xf32, #tpu.memory_space<vmem>>, vector<16xf32>,
      %get3A_708 = vector.shape_cast %get3A_707 : vector<16xf32> to vector<16xf32>
      %add3A_709 = arith.addf %add3A_693, %get3A_708 : vector<16xf32>
      %get3A_710 = arith.index_cast %add3A_701 : i32 to index
      %get3A_711 = tpu.vector_load %arg11[%get3A_710] {strides = array<i32>} : memref<16384xf32, #tpu.memory_space<vmem>>, vector<16xf32>,
      %get3A_712 = vector.shape_cast %get3A_711 : vector<16xf32> to vector<16xf32>
      %add3A_713 = arith.addf %add3A_697, %get3A_712 : vector<16xf32>
      %mul3A_714 = arith.constant 16 : i32
      %mul3A_715 = arith.muli %scan3A_132, %mul3A_714 : i32
      %add3A_716 = arith.constant 16128 : i32
      %add3A_717 = arith.addi %add3A_716, %mul3A_715 : i32
      %get3A_718 = arith.index_cast %add3A_717 : i32 to index
      %get3A_719 = tpu.vector_load %arg9[%get3A_718] {strides = array<i32>} : memref<16384xf32, #tpu.memory_space<vmem>>, vector<16xf32>,
      %get3A_720 = vector.shape_cast %get3A_719 : vector<16xf32> to vector<16xf32>
      %add3A_721 = arith.addf %add3A_705, %get3A_720 : vector<16xf32>
      %get3A_722 = arith.index_cast %add3A_717 : i32 to index
      %get3A_723 = tpu.vector_load %arg10[%get3A_722] {strides = array<i32>} : memref<16384xf32, #tpu.memory_space<vmem>>, vector<16xf32>,
      %get3A_724 = vector.shape_cast %get3A_723 : vector<16xf32> to vector<16xf32>
      %add3A_725 = arith.addf %add3A_709, %get3A_724 : vector<16xf32>
      %get3A_726 = arith.index_cast %add3A_717 : i32 to index
      %get3A_727 = tpu.vector_load %arg11[%get3A_726] {strides = array<i32>} : memref<16384xf32, #tpu.memory_space<vmem>>, vector<16xf32>,
      %get3A_728 = vector.shape_cast %get3A_727 : vector<16xf32> to vector<16xf32>
      %add3A_729 = arith.addf %add3A_713, %get3A_728 : vector<16xf32>
      %get3A_730 = arith.index_cast %add3A_170 : i32 to index
      %get3A_731 = tpu.vector_load %arg7[%get3A_730] {strides = array<i32>} : memref<1024xf32, #tpu.memory_space<vmem>>, vector<16xf32>,
      %get3A_732 = vector.shape_cast %get3A_731 : vector<16xf32> to vector<16xf32>
      %add3A_733 = arith.constant 128 : i32
      %add3A_734 = arith.addi %add3A_170, %add3A_733 : i32
      %get3A_735 = arith.index_cast %add3A_734 : i32 to index
      %get3A_736 = tpu.vector_load %arg7[%get3A_735] {strides = array<i32>} : memref<1024xf32, #tpu.memory_space<vmem>>, vector<16xf32>,
      %get3A_737 = vector.shape_cast %get3A_736 : vector<16xf32> to vector<16xf32>
      %add3A_738 = arith.addf %get3A_732, %add3A_721 : vector<16xf32>
      %jit3A_739 = arith.constant 0.000000e+00 : f32
      %jit3A_740 = arith.constant 1.000000e+00 : f32
      %max3A = vector.broadcast %jit3A_739 : f32 to vector<16xf32>
      %max3A_741 = arith.maximumf %max3A, %add3A_738 : vector<16xf32>
      %min3A = vector.broadcast %jit3A_740 : f32 to vector<16xf32>
      %min3A_742 = arith.minimumf %min3A, %max3A_741 : vector<16xf32>
      %swap3A = arith.index_cast %add3A_213 : i32 to index
      %swap3A_743 = tpu.vector_load %arg12[%swap3A] {strides = array<i32>} : memref<2048xf32, #tpu.memory_space<vmem>>, vector<16xf32>,
      %swap3A_744 = vector.shape_cast %swap3A_743 : vector<16xf32> to vector<16xf32>
      %swap3A_745 = vector.shape_cast %min3A_742 : vector<16xf32> to vector<16xf32>
      tpu.vector_store %arg12[%swap3A], %swap3A_745 {strides = array<i32>} : memref<2048xf32, #tpu.memory_space<vmem>>, vector<16xf32>,
      %add3A_746 = arith.addf %get3A_737, %add3A_725 : vector<16xf32>
      %jit3A_747 = arith.constant 0.000000e+00 : f32
      %jit3A_748 = arith.constant 1.000000e+00 : f32
      %max3A_749 = vector.broadcast %jit3A_747 : f32 to vector<16xf32>
      %max3A_750 = arith.maximumf %max3A_749, %add3A_746 : vector<16xf32>
      %min3A_751 = vector.broadcast %jit3A_748 : f32 to vector<16xf32>
      %min3A_752 = arith.minimumf %min3A_751, %max3A_750 : vector<16xf32>
      %add3A_753 = arith.constant 128 : i32
      %add3A_754 = arith.addi %add3A_213, %add3A_753 : i32
      %swap3A_755 = arith.index_cast %add3A_754 : i32 to index
      %swap3A_756 = tpu.vector_load %arg12[%swap3A_755] {strides = array<i32>} : memref<2048xf32, #tpu.memory_space<vmem>>, vector<16xf32>,
      %swap3A_757 = vector.shape_cast %swap3A_756 : vector<16xf32> to vector<16xf32>
      %swap3A_758 = vector.shape_cast %min3A_752 : vector<16xf32> to vector<16xf32>
      tpu.vector_store %arg12[%swap3A_755], %swap3A_758 {strides = array<i32>} : memref<2048xf32, #tpu.memory_space<vmem>>, vector<16xf32>,
      %add3A_759 = arith.constant 256 : i32
      %add3A_760 = arith.addi %add3A_213, %add3A_759 : i32
      %swap3A_761 = arith.index_cast %add3A_760 : i32 to index
      %swap3A_762 = tpu.vector_load %arg12[%swap3A_761] {strides = array<i32>} : memref<2048xf32, #tpu.memory_space<vmem>>, vector<16xf32>,
      %swap3A_763 = vector.shape_cast %swap3A_762 : vector<16xf32> to vector<16xf32>
      %swap3A_764 = vector.shape_cast %add3A_729 : vector<16xf32> to vector<16xf32>
      tpu.vector_store %arg12[%swap3A_761], %swap3A_764 {strides = array<i32>} : memref<2048xf32, #tpu.memory_space<vmem>>, vector<16xf32>,
      %scan3A_765 = arith.constant 0 : i32
      scf.yield %scan3A_765 : i32
    }
    %scan3A_109 = arith.constant 16 : i32
    %mul3A_110 = arith.constant 2048 : i32
    %mul3A_111 = arith.muli %add3A, %mul3A_110 : i32
    %add3A_112 = arith.constant 1024 : i32
    %add3A_113 = arith.addi %mul3A_111, %add3A_112 : i32
    %dma_start3A_114 = arith.constant 1024 : i32
    %dma_start3A_115 = tpu.memref_slice %arg12[%dma_start3A_114] : memref<2048xf32, #tpu.memory_space<vmem>> -> memref<1024xf32, #tpu.memory_space<vmem>>
    %dma_start3A_116 = tpu.memref_slice %arg6[%add3A_113] : memref<65536xf32, #tpu.memory_space<hbm>> -> memref<1024xf32, #tpu.memory_space<hbm>>
    %dma_start3A_117 = tpu.memref_slice %arg6[%add3A_113] : memref<65536xf32, #tpu.memory_space<hbm>> -> memref<1024xf32, #tpu.memory_space<hbm>>
    %dma_start3A_118 = arith.constant 1024 : i32
    %dma_start3A_119 = tpu.memref_slice %arg12[%dma_start3A_118] : memref<2048xf32, #tpu.memory_space<vmem>> -> memref<1024xf32, #tpu.memory_space<vmem>>
    tpu.enqueue_dma source(%dma_start3A_119 : memref<1024xf32, #tpu.memory_space<vmem>>) target(%dma_start3A_117 : memref<1024xf32, #tpu.memory_space<hbm>>) target_semaphore(%arg19 : memref<!tpu.dma_semaphore, #tpu.memory_space<semaphore_mem>>)
    %dma_wait3A_120 = arith.constant 0 : i32
    %dma_wait3A_121 = tpu.memref_slice %arg12[%dma_wait3A_120] : memref<2048xf32, #tpu.memory_space<vmem>> -> memref<1024xf32, #tpu.memory_space<vmem>>
    %dma_wait3A_122 = tpu.memref_slice %arg6[%add3A_78] : memref<65536xf32, #tpu.memory_space<hbm>> -> memref<1024xf32, #tpu.memory_space<hbm>>
    %dma_wait3A_123 = tpu.memref_slice %arg6[%add3A_78] : memref<65536xf32, #tpu.memory_space<hbm>> -> memref<1024xf32, #tpu.memory_space<hbm>>
    %dma_wait3A_124 = arith.constant 0 : i32
    %dma_wait3A_125 = tpu.memref_slice %arg12[%dma_wait3A_124] : memref<2048xf32, #tpu.memory_space<vmem>> -> memref<1024xf32, #tpu.memory_space<vmem>>
    tpu.wait_dma2 semaphore(%arg19 : memref<!tpu.dma_semaphore, #tpu.memory_space<semaphore_mem>>) src(%dma_wait3A_125 : memref<1024xf32, #tpu.memory_space<vmem>>) dst(%dma_wait3A_123 : memref<1024xf32, #tpu.memory_space<hbm>>)
    %dma_wait3A_126 = arith.constant 1024 : i32
    %dma_wait3A_127 = tpu.memref_slice %arg12[%dma_wait3A_126] : memref<2048xf32, #tpu.memory_space<vmem>> -> memref<1024xf32, #tpu.memory_space<vmem>>
    %dma_wait3A_128 = tpu.memref_slice %arg6[%add3A_113] : memref<65536xf32, #tpu.memory_space<hbm>> -> memref<1024xf32, #tpu.memory_space<hbm>>
    %dma_wait3A_129 = tpu.memref_slice %arg6[%add3A_113] : memref<65536xf32, #tpu.memory_space<hbm>> -> memref<1024xf32, #tpu.memory_space<hbm>>
    %dma_wait3A_130 = arith.constant 1024 : i32
    %dma_wait3A_131 = tpu.memref_slice %arg12[%dma_wait3A_130] : memref<2048xf32, #tpu.memory_space<vmem>> -> memref<1024xf32, #tpu.memory_space<vmem>>
    tpu.wait_dma2 semaphore(%arg19 : memref<!tpu.dma_semaphore, #tpu.memory_space<semaphore_mem>>) src(%dma_wait3A_131 : memref<1024xf32, #tpu.memory_space<vmem>>) dst(%dma_wait3A_129 : memref<1024xf32, #tpu.memory_space<hbm>>)
    return
  }
}

</mosaic_0001>

<sc_bundles>
// kernel: kernel.3.cloned.1.call-start
scs
__scs_entry_jumppad:
0x0: {  	(pc) =	sbr.rel $0x88, $3  }
0x1: {  	(tag) =	ssettag $0x0;
	lr =	simm.s32 $0x1  }
0x2: {  	[smem:$0x3F9D] =	sst lr;
	_ =	strace $0xD0000000  }
0x3: {  	_ = 	snop  }
0x4: {  	_ = 	snop  }
0x5: {  	_ = 	snop  }
0x6: {  	_ = 	snop  }
0x7: {  	_ = 	snop  }
__scs_overlays_trampoline_lowered:
0x8: {  	[smem:$0x3FAC] =	sst s0  }
0x9: {  	[smem:$0x3FAD] =	sst s1  }
0xa: {  	[smem:$0x3FAE] =	sst s2  }
0xb: {  	[smem:$0x3FAF] =	sst s3  }
0xc: {  	[smem:$0x3FB0] =	sst s4  }
0xd: {  	[smem:$0x3FB1] =	sst s5  }
0xe: {  	[smem:$0x3FB2] =	sst s6  }
0xf: {  	[smem:$0x3FB3] =	sst s7  }
0x10: {  	[smem:$0x3FB4] =	sst s8  }
0x11: {  	[smem:$0x3FB5] =	sst s9;
	s0 =	simm.s32 @!p0 $0x0  }
0x12: {  	s1 =	sld [smem:$0x3F9B];
	s0 =	simm.s32 @p0 $0x1  }
0x13: {  	[smem:$0x3FB6] =	sst s0;
	s0 =	simm.s32 @!p1 $0x0  }
0x14: {  	s2 =	sld [smem:$0x3F9A];
	s0 =	simm.s32 @p1 $0x1  }
0x15: {  	[smem:$0x3FB7] =	sst s0;
	s0 =	simm.s32 @!p2 $0x0  }
0x16: {  	s3 =	sld [smem:$0x3FDB];
	s0 =	simm.s32 @p2 $0x1  }
0x17: {  	s4 =	simm.s32 $0x1BF5;
	[smem:$0x3FB9] =	sst s0  }
0x18: {  	s0 =	sld [smem:$0x3F9C];
	_ =	swait.ge [sflag:s4], $0x0  }
0x19: {  	s7 =	sld [smem:$0x3F9D]  }
0x1a: {  	s8 =	sadd.s32 $0xFFFFE003, lr  }
0x1b: {  	s9 =	sadd.s32 $0xFFFFFEF7, lr;
	s5 =	simm.s32 $0xFFFFFFFF;
	p2 =	slt.u32 s8, $0xFFFFF086  }
0x1c: {  	p1 =	slt.u32 s9, $0xF7A;
	s5 =	simm.s32 @!p2 $0x0  }
0x1d: {  	s5 =	simm.s32 @p1 $0x1;
	p0 =	seq.s32 s7, s2  }
0x1e: {  	s7 =	smul.u32 @!p0 $0xF7A, s2;
	p2 =	seq.s32 @!p0 s5, $0x0  }
0x1f: {  	s9 =	smul.u32 $0xF7A, s1;
	s8 =	simm.s32 @!p0 $0x1BF5;
	p2 =	por !p2, p0  }
0x20: {  	[sflag:s8] =	ssyncset.s32 @!p0 $0xFFFFF086;
	s6 =	sadd.s32 @!p0 s3, s7;
	s7 =	simm.s32 @!p0 $0x108  }
0x21: {  	s3 =	sadd.s32 s3, s9;
	s6 =	sadd.s32 @!p0 $0x88, s6;
	s7 =	simm.s32 @p2 $0x1082  }
0x22: {  	[simem:s7], [sflag:s8] =	dma.local @!p0 [hbm:s6], $0xF7A  }
0x23: {  	s9 =	sor.u32 $0xD0000000, s2;
	s6 =	simm.s32 $0x108;
	_ =	swait.ge @!p0 [sflag:s8], $0x0  }
0x24: {  	s3 =	sadd.s32 $0x88, s3;
	s6 =	simm.s32 @!p1 $0x1082;
	[sflag:s4] =	ssyncset.s32 $0xFFFFF086  }
0x25: {  	[simem:s6], [sflag:s4] =	dma.local [hbm:s3], $0xF7A  }
0x26: {  	[smem:$0x3F9D] =	sst s1;
	(tag) =	ssettag s2;
	_ =	strace s9  }
0x27: {  	s1 =	sld [smem:$0x3FAD]  }
0x28: {  	s2 =	sld [smem:$0x3FAE]  }
0x29: {  	s4 =	sld [smem:$0x3FB0]  }
0x2a: {  	p0 =	seq.s32 s5, $0x0;
	s5 =	sld [smem:$0x3FB1]  }
0x2b: {  	s6 =	sld [smem:$0x3FB2]  }
0x2c: {  	s7 =	sld [smem:$0x3FB3]  }
0x2d: {  	s3 =	simm.s32 $0x108;
	s8 =	sld [smem:$0x3FB4]  }
0x2e: {  	s3 =	simm.s32 @!p0 $0x1082;
	s9 =	sld [smem:$0x3FB5]  }
0x2f: {  	lr =	sadd.s32 s0, s3;
	s0 =	sld [smem:$0x3FAC]  }
0x30: {  	s3 =	sld [smem:$0x3FAF]  }
0x31: {  	[smem:$0x3FB8] =	sst s10  }
0x32: {  	s10 =	sld [smem:$0x3FB6];
	_ =	sdelay $0x3  }
0x33: {  	p0 =	seq.s32 s10, $0x1;
	s10 =	sld [smem:$0x3FB8];
	_ =	sdelay $0x3  }
0x34: {  	[smem:$0x3FB8] =	sst s10  }
0x35: {  	s10 =	sld [smem:$0x3FB7];
	_ =	sdelay $0x3  }
0x36: {  	p1 =	seq.s32 s10, $0x1;
	s10 =	sld [smem:$0x3FB8];
	_ =	sdelay $0x3  }
0x37: {  	[smem:$0x3FB8] =	sst s10  }
0x38: {  	s10 =	sld [smem:$0x3FB9]  }
0x39: {  	_ = 	snop;
	(pc) =	sbr.ind lr, $3  }
0x3a: {  	_ = 	snop  }
0x3b: {  	_ = 	snop  }
0x3c: {  	p2 =	seq.s32 s10, $0x1;
	s10 =	sld [smem:$0x3FB8]  }
0x3d: {  	_ =	shalt  }
0x3e: {  	_ =	shalt  }
0x3f: {  	_ =	shalt  }
0x40: {  	_ =	shalt  }
0x41: {  	_ =	shalt  }
0x42: {  	_ =	shalt  }
0x43: {  	_ =	shalt  }
0x44: {  	_ =	shalt  }
0x45: {  	_ =	shalt  }
0x46: {  	_ =	shalt  }
0x47: {  	_ =	shalt  }
0x48: {  	_ =	shalt  }
0x49: {  	_ =	shalt  }
0x4a: {  	_ =	shalt  }
0x4b: {  	_ =	shalt  }
0x4c: {  	_ =	shalt  }
0x4d: {  	_ =	shalt  }
0x4e: {  	_ =	shalt  }
0x4f: {  	_ =	shalt  }
0x50: {  	_ =	shalt  }
0x51: {  	_ =	shalt  }
0x52: {  	_ =	shalt  }
0x53: {  	_ =	shalt  }
0x54: {  	_ =	shalt  }
0x55: {  	_ =	shalt  }
0x56: {  	_ =	shalt  }
0x57: {  	_ =	shalt  }
0x58: {  	_ =	shalt  }
0x59: {  	_ =	shalt  }
0x5a: {  	_ =	shalt  }
0x5b: {  	_ =	shalt  }
0x5c: {  	_ =	shalt  }
0x5d: {  	_ =	shalt  }
0x5e: {  	_ =	shalt  }
0x5f: {  	_ =	shalt  }
0x60: {  	_ =	shalt  }
0x61: {  	_ =	shalt  }
0x62: {  	_ =	shalt  }
0x63: {  	_ =	shalt  }
0x64: {  	_ =	shalt  }
0x65: {  	_ =	shalt  }
0x66: {  	_ =	shalt  }
0x67: {  	_ =	shalt  }
0x68: {  	_ =	shalt  }
0x69: {  	_ =	shalt  }
0x6a: {  	_ =	shalt  }
0x6b: {  	_ =	shalt  }
0x6c: {  	_ =	shalt  }
0x6d: {  	_ =	shalt  }
0x6e: {  	_ =	shalt  }
0x6f: {  	_ =	shalt  }
0x70: {  	_ =	shalt  }
0x71: {  	_ =	shalt  }
0x72: {  	_ =	shalt  }
0x73: {  	_ =	shalt  }
0x74: {  	_ =	shalt  }
0x75: {  	_ =	shalt  }
0x76: {  	_ =	shalt  }
0x77: {  	_ =	shalt  }
0x78: {  	_ =	shalt  }
0x79: {  	_ =	shalt  }
0x7a: {  	_ =	shalt  }
0x7b: {  	_ =	shalt  }
0x7c: {  	_ =	shalt  }
0x7d: {  	_ =	shalt  }
0x7e: {  	_ =	shalt  }
0x7f: {  	_ =	shalt  }
0x80: {  	_ =	shalt  }
0x81: {  	_ =	shalt  }
0x82: {  	_ =	shalt  }
0x83: {  	_ =	shalt  }
0x84: {  	_ =	shalt  }
0x85: {  	_ =	shalt  }
0x86: {  	_ =	shalt  }
0x87: {  	_ =	shalt  }
.Lfunc_end0:
.L_simem_size_0:
called_computation_lowered:
.L_overlay_start_0:
0x88: {  	s2 =	sld [smem:$0x3FD9]  }
0x89: {  	s3 =	sld [smem:$0x3FFE];
	_ =	sdelay $0x1  }
0x8a: {  	s1 =	srdreg.scid  }
0x8b: {  	s0 =	sand.u32 $0x1, s1  }
0x8c: {  	s18 =	sshll.u32 s0, $0xA;
	s2 =	sadd.s32 s3, s2  }
0x8d: {  	s2 =	sadd.s32 s2, s18  }
0x8e: {  	[smem:$0x3FC4] =	sst s2  }
0x8f: {  	_ = 	snop  }
0x90: {  	s2 =	sld [smem:$0x3FC9]  }
0x91: {  	s19 =	sld [smem:$0x3FC8]  }
0x92: {  	s4 =	sld [smem:$0x3FC7]  }
0x93: {  	s5 =	sld [smem:$0x3FC6]  }
0x94: {  	s6 =	sld [smem:$0x3FD0];
	(tm) =	ssettm $0x1  }
0x95: {  	s7 =	sld [smem:$0x3FFB];
	_ =	sdelay $0x3  }
0x96: {  	_ =	strace s7  }
0x97: {  	s7 =	sld [smem:$0x3FFC];
	_ =	sdelay $0x3  }
0x98: {  	_ =	strace s7  }
0x99: {  	s7 =	sld [smem:$0x3FFD];
	_ =	sdelay $0x3  }
0x9a: {  	_ =	strace s7  }
0x9b: {  	_ =	strace $0x8FFFFFFF  }
0x9c: {  	s20 =	sld [smem:$0x3FDB];
	_ =	sdelay $0x1  }
0x9d: {  	s8 =	simm.s32 $_scs_section_size  }
0x9e: {  	s9 =	simm.s32 $_size__tile_overlayer_lowered;
	s10 =	simm.s32 $_tile_overlayer_lowered  }
0x9f: {  	s23 =	simm.s32 $0x1BFF;
	s22 =	sshll.u32 s10, $0x1;
	s7 =	sadd.s32 s8, s20  }
0xa0: {  	s11 =	simm.s32 $0x0;
	s21 =	sshll.u32 s9, $0x1;
	s9 =	sadd.s32 s22, s7  }
0xa1: {  	[timem:s11], [sflag:s23] =	dma.local [hbm:s9], s21  }
0xa2: {  	_ =	swait.ge [sflag:s23], s21  }
0xa3: {  	s8 =	ssub.s32 $0x0, s21;
	[sflag:s23] =	ssyncset.done $0x0  }
0xa4: {  	[sflag:s23] =	ssyncadd.s32 s8;
	_ =	sdelay $0x1  }
0xa5: {  	s24 =	simm.s32 $0x1B8B  }
0xa6: {  	_ =	swait.ge [sflag:s24], $0x1  }
0xa7: {  	[sflag:s24] =	ssyncset.done $0x0  }
0xa8: {  	s25 =	simm.s32 $0x1B8E;
	[sflag:s24] =	ssyncadd.s32 $0xFFFFFFFF  }
0xa9: {  	s26 =	simm.s32 $execute0_lowered;
	[smem:$0x3FD2] =	sst s25  }
0xaa: {  	s8 =	sshll.u32 s26, $0x1;
	_ =	strace $0x80000046;
	[dreg:$0x1] =	wrdreg $0xFFFFFFFF  }
0xab: {  	s28 =	simm.s32 $_size_execute0_lowered;
	s7 =	sadd.s32 s7, s8;
	[dreg:$0x0] =	wrdreg $0x0  }
0xac: {  	s8 =	sshll.u32 s28, $0x1;
	[dreg:$0x2] =	wrdreg s7  }
0xad: {  	[dreg:$0x3] =	wrdreg s8  }
0xae: {  	[dreg:$0x4] =	wrdreg $0xC0  }
0xaf: {  	_ =	task [dreg:s11], $0x5FFFF  }
0xb0: {  	[dreg:$0x1] =	wrdreg $0xFFFFFFFF  }
0xb1: {  	[dreg:$0x0] =	wrdreg $0x60  }
0xb2: {  	[dreg:$0x2] =	wrdreg s2  }
0xb3: {  	[dreg:$0x3] =	wrdreg s19  }
0xb4: {  	[dreg:$0x4] =	wrdreg s4  }
0xb5: {  	[dreg:$0x5] =	wrdreg s5  }
0xb6: {  	[dreg:$0x6] =	wrdreg s6  }
0xb7: {  	[dreg:$0x7] =	wrdreg $0x9  }
0xb8: {  	_ =	task.clear_ibuf [dreg:s11], $0x8FFFF;
	_ =	strace $0x90000046  }
0xb9: {  	s29 =	simm.s32 $0x9;
	_ =	strace $0x80000048  }
0xba: {  	_ =	swait.ge [sflag:s29], $0x1  }
0xbb: {  	[sflag:s29] =	ssyncadd.s32 $0xFFFFFFFF  }
0xbc: {  	_ =	strace $0x90000048  }
0xbd: {  	_ =	sfence  }
0xbe: {  	s30 =	sld [smem:$0x0];
	_ =	sdelay $0x2  }
0xbf: {  	s31 =	sshll.u32 s1, $0xD;
	s1 =	sshrl.u32 s1, $0x2  }
0xc0: {  	s3 =	sand.u32 $0x4000, s31;
	s1 =	sadd.s32 s1, s30  }
0xc1: {  	s0 =	sor.u32 s3, s0;
	s1 =	sshll.u32 s1, $0x11  }
0xc2: {  	s0 =	sor.u32 s1, s0  }
0xc3: {  	s0 =	sadd.s32 $0x8F2B, s0  }
0xc4: {  	[sflag:s0] =	ssyncadd.remote.s32 $0x1  }
0xc5: {  	_ =	sfence.sel $0xFFFF  }
0xc6: {  	[dreg:$0x0] =	wrdreg $0xFFFFFFFF;
	(pc) =	sbr.abs _section_cstart, $3  }
0xc7: {  	[dreg:$0x1] =	wrdreg $0xFFFFFFFF  }
0xc8: {  	_ =	task.clear_ibuf [dreg:s11], $0x2FFFF;
	_ =	strace $0x9FFFFFFF  }
0xc9: {  	(tm) =	ssettm $0x7FFFFFFF  }
tec
execute0_lowered:
.L_overlay_start_1:
0x0: {  	(tag) =	ssettag $0x1  }
0x1: {  	s0 =	rddreg [dreg:$0x0]  }
0x2: {  	s1 =	rddreg [dreg:$0x1]  }
0x3: {  	s2 =	rddreg [dreg:$0x2]  }
0x4: {  	s4 =	rddreg [dreg:$0x3]  }
0x5: {  	s3 =	rddreg [dreg:$0x4]  }
0x6: {  	s6 =	srdreg.scid;
	s7 =	stileid.u32  }
0x7: {  	s5 =	simm.s32 $0x0;
	s10 =	simm.s32 $0x8;
	s11 =	simm.s32 $0x2000  }
0x8: {  	s12 =	simm.s32 $0x400;
	s16 =	simm.s32 $0x2400;
	s19 =	simm.s32 $0xE400  }
0x9: {  	s20 =	simm.s32 $0x1;
	s21 =	simm.s32 $0x2;
	s22 =	simm.s32 $0x3  }
0xa: {  	s23 =	simm.s32 $0x10400;
	s24 =	simm.s32 $0x4;
	s25 =	simm.s32 $0x5  }
0xb: {  	s28 =	simm.s32 $0x10800;
	s29 =	simm.s32 $0x7;
	s30 =	simm.s32 $0x0  }
0xc: {  	s6 =	sand.u32 $0x1, s6;
	s7 =	sshll.u32 s7, $0x1;
	[smem:$0x7FF] =	sst s5  }
0xd: {  	s7 =	sor.u32 s6, s7;
	_ =	strace $0x80000047;
	s8 =	ssub.s32 $0x2, s6  }
0xe: {  	s26 =	sshll.u32 s7, $0x8;
	s9 =	sshrl.u32 s8, $0x1;
	s7 =	sshll.u32 s7, $0x7  }
0xf: {  	s6 =	sadd.s32 s3, s26;
	s31 =	ssub.s32 s8, s9;
	s7 =	sadd.s32 s0, s7  }
0x10: {  	s26 =	simm.s32 $0x6;
	s8 =	sadd.s32 $0x80, s6;
	s9 =	smax.u32 s31, $0x1  }
.LBB2_1:
0x11: {  	[tilespmem:s5], [sflag:$0x8] =	stream.linear.gather [hbm4b:s7+s5], $0x400, $0x38;
	[tilespmem:$0x10C00] =	vst v63  }
0x12: {  	_ =	swait.ge [sflag:s10], $0x400  }
0x13: {  	s0 =	simm.s32 $0x400;
	[sflag:s10] =	ssyncset.done $0x0  }
0x14: {  	s3 =	simm.s32 $0x0;
	s31 =	simm.s32 $0x0;
	[sflag:s10] =	ssyncadd.s32 $0xFFFFFC00  }
.LBB2_2:
0x15: {  	s13 =	sand.u32 $0x70, s3;
	s14 =	sand.u32 $0x100, s31  }
0x16: {  	s13 =	sor.u32 s13, s14  }
0x17: {  	v0 =	vld [tilespmem:s13+$0x0]  }
0x18: {  	v2 =	vld [tilespmem:s13+$0x80];
	_ =	sdelay $0x3  }
0x19: {  	v1 =	vmul.f32 $5.120000000e+02, v0  }
0x1a: {  	v0 =	vmul.f32 $5.120000000e+02, v2  }
0x1b: {  	v4 =	vadd.f32 $3.125000000e-02, v1  }
0x1c: {  	v5 =	vadd.f32 $3.125000000e-02, v0;
	v30 =	vadd.f32 $6.250000000e-02, v1  }
0x1d: {  	v7 =	vadd.f32 $6.250000000e-02, v0;
	v33 =	vadd.f32 $9.375000000e-02, v1  }
0x1e: {  	v34 =	vadd.f32 $9.375000000e-02, v0;
	v37 =	vadd.f32 $1.250000000e-01, v1  }
0x1f: {  	v38 =	vadd.f32 $1.250000000e-01, v0;
	v41 =	vadd.f32 $1.562500000e-01, v1  }
0x20: {  	v42 =	vadd.f32 $1.562500000e-01, v0;
	v45 =	vadd.f32 $1.875000000e-01, v1  }
0x21: {  	v46 =	vadd.f32 $1.875000000e-01, v0;
	v48 =	vadd.f32 $2.187500000e-01, v1  }
0x22: {  	v49 =	vadd.f32 $2.187500000e-01, v0;
	v52 =	vadd.f32 $2.500000000e-01, v1  }
0x23: {  	v53 =	vadd.f32 $2.500000000e-01, v0;
	v56 =	vadd.f32 $2.812500000e-01, v1  }
0x24: {  	v57 =	vadd.f32 $2.812500000e-01, v0;
	v59 =	vadd.f32 $3.125000000e-01, v1  }
0x25: {  	v29 =	vtrunc.f32 v1;
	v60 =	vadd.f32 $3.125000000e-01, v0;
	v63 =	vadd.f32 $3.437500000e-01, v1  }
0x26: {  	v3 =	vtrunc.f32 v0;
	v20 =	vadd.f32 $3.437500000e-01, v0;
	v23 =	vadd.f32 $3.750000000e-01, v1  }
0x27: {  	v24 =	vadd.f32 $3.750000000e-01, v0;
	v26 =	vadd.f32 $4.062500000e-01, v1;
	v2 =	vcvt.f32.s32 v29  }
0x28: {  	v27 =	vadd.f32 $4.062500000e-01, v0;
	v3 =	vcvt.f32.s32 v3;
	v4 =	vtrunc.f32 v4  }
0x29: {  	v5 =	vtrunc.f32 v5;
	v7 =	vtrunc.f32 v7;
	vm0 =	vlt.s32 v2, $0x1FF  }
0x2a: {  	vm13 =	vlt.s32 v3, $0x1FF;
	v4 =	vcvt.f32.s32 v4;
	v5 =	vcvt.f32.s32 v5  }
0x2b: {  	v32 =	vcvt.f32.s32 v7;
	v7 =	vtrunc.f32 v33;
	v2 =	vnsel vm0, $0x1FF, v2  }
0x2c: {  	v3 =	vnsel vm13, $0x1FF, v3;
	v7 =	vcvt.f32.s32 v7;
	v2 =	vshll.u32 v2, $0xC  }
0x2d: {  	v6 =	vshll.u32 v3, $0x3;
	vm14 =	vlt.s32 v4, $0x1FF;
	vm15 =	vlt.s32 v5, $0x1FF  }
0x2e: {  	v3 =	vand.u32 $0x7F, v3;
	vm5 =	vlt.s32 v32, $0x1FF;
	v2 =	vadd.s32 v2, v6  }
0x2f: {  	v4 =	vnsel vm14, $0x1FF, v4;
	v5 =	vnsel vm15, $0x1FF, v5;
	v6 =	vtrunc.f32 v30  }
0x30: {  	vm6 =	vlt.s32 v7, $0x1FF;
	v30 =	vadd.f32 $4.375000000e-01, v1;
	v2 =	vand.u32 $0xFFFFFC00, v2  }
0x31: {  	v4 =	vshll.u32 v4, $0xC;
	v8 =	vshll.u32 v5, $0x3;
	v6 =	vcvt.f32.s32 v6  }
0x32: {  	v5 =	vand.u32 $0x7F, v5;
	v7 =	vnsel vm6, $0x1FF, v7;
	v4 =	vadd.s32 v4, v8  }
0x33: {  	v2 =	vor.u32 v3, v2;
	v8 =	vtrunc.f32 v34;
	v7 =	vshll.u32 v7, $0xC  }
0x34: {  	v34 =	vadd.f32 $4.687500000e-01, v1;
	v31 =	vand.u32 $0xFFFFFC00, v4;
	vm4 =	vlt.s32 v6, $0x1FF  }
0x35: {  	v4 =	vnsel vm5, $0x1FF, v32;
	v36 =	vcvt.f32.s32 v8;
	v8 =	vtrunc.f32 v37  }
0x36: {  	v37 =	vadd.f32 $5.000000000e-01, v1;
	v6 =	vnsel vm4, $0x1FF, v6;
	v9 =	vshll.u32 v4, $0x3  }
0x37: {  	v3 =	vor.u32 v31, v5;
	v8 =	vcvt.f32.s32 v8;
	v4 =	vand.u32 $0x7F, v4  }
0x38: {  	v31 =	vadd.f32 $4.375000000e-01, v0;
	v6 =	vshll.u32 v6, $0xC;
	vm7 =	vlt.s32 v36, $0x1FF  }
0x39: {  	v3 =	vor.u32 $0x80, v3;
	v35 =	vadd.s32 v6, v9;
	v6 =	vnsel vm7, $0x1FF, v36  }
0x3a: {  	v9 =	vtrunc.f32 v38;
	vm8 =	vlt.s32 v8, $0x1FF;
	v38 =	vadd.f32 $5.000000000e-01, v0  }
0x3b: {  	v5 =	vand.u32 $0xFFFFFC00, v35;
	v10 =	vshll.u32 v6, $0x3;
	v9 =	vcvt.f32.s32 v9  }
0x3c: {  	v40 =	vnsel vm8, $0x1FF, v8;
	v6 =	vand.u32 $0x7F, v6;
	v8 =	vtrunc.f32 v41  }
0x3d: {  	v35 =	vadd.f32 $4.687500000e-01, v0;
	v41 =	vadd.f32 $5.312500000e-01, v1;
	v7 =	vadd.s32 v7, v10  }
0x3e: {  	v4 =	vor.u32 v5, v4;
	v8 =	vcvt.f32.s32 v8;
	v10 =	vtrunc.f32 v42  }
0x3f: {  	v42 =	vadd.f32 $5.312500000e-01, v0;
	v39 =	vand.u32 $0xFFFFFC00, v7;
	vm9 =	vlt.s32 v9, $0x1FF  }
0x40: {  	v7 =	vshll.u32 v40, $0xC;
	v44 =	vcvt.f32.s32 v10;
	v10 =	vtrunc.f32 v45  }
0x41: {  	v45 =	vadd.f32 $5.625000000e-01, v1;
	v9 =	vnsel vm9, $0x1FF, v9;
	v5 =	vor.u32 v39, v6  }
0x42: {  	vm10 =	vlt.s32 v8, $0x1FF;
	v10 =	vcvt.f32.s32 v10;
	v11 =	vshll.u32 v9, $0x3  }
0x43: {  	v9 =	vand.u32 $0x7F, v9;
	v8 =	vnsel vm10, $0x1FF, v8;
	vm11 =	vlt.s32 v44, $0x1FF  }
0x44: {  	v7 =	vadd.s32 v7, v11;
	v8 =	vshll.u32 v8, $0xC;
	v11 =	vtrunc.f32 v46  }
0x45: {  	vm12 =	vlt.s32 v10, $0x1FF;
	v46 =	vadd.f32 $5.625000000e-01, v0;
	v43 =	vand.u32 $0xFFFFFC00, v7  }
0x46: {  	v7 =	vnsel vm11, $0x1FF, v44;
	v47 =	vcvt.f32.s32 v11;
	v10 =	vnsel vm12, $0x1FF, v10  }
0x47: {  	v11 =	vtrunc.f32 v48;
	v48 =	vadd.f32 $5.937500000e-01, v1;
	v12 =	vshll.u32 v7, $0x3  }
0x48: {  	v6 =	vor.u32 v43, v9;
	v10 =	vshll.u32 v10, $0xC;
	v11 =	vcvt.f32.s32 v11  }
0x49: {  	v7 =	vand.u32 $0x7F, v7;
	v8 =	vadd.s32 v8, v12;
	vm13 =	vlt.s32 v47, $0x1FF  }
0x4a: {  	v12 =	vtrunc.f32 v49;
	v49 =	vadd.f32 $5.937500000e-01, v0;
	v8 =	vand.u32 $0xFFFFFC00, v8  }
0x4b: {  	v9 =	vnsel vm13, $0x1FF, v47;
	v12 =	vcvt.f32.s32 v12;
	vm14 =	vlt.s32 v11, $0x1FF  }
0x4c: {  	v13 =	vshll.u32 v9, $0x3;
	v7 =	vor.u32 v8, v7;
	v51 =	vnsel vm14, $0x1FF, v11  }
0x4d: {  	v9 =	vand.u32 $0x7F, v9;
	v11 =	vtrunc.f32 v52;
	v52 =	vadd.f32 $6.250000000e-01, v1  }
0x4e: {  	v10 =	vadd.s32 v10, v13;
	vm15 =	vlt.s32 v12, $0x1FF;
	v11 =	vcvt.f32.s32 v11  }
0x4f: {  	v13 =	vtrunc.f32 v53;
	v53 =	vadd.f32 $6.250000000e-01, v0;
	v50 =	vand.u32 $0xFFFFFC00, v10  }
0x50: {  	v12 =	vnsel vm15, $0x1FF, v12;
	v10 =	vshll.u32 v51, $0xC;
	v55 =	vcvt.f32.s32 v13  }
0x51: {  	v13 =	vtrunc.f32 v56;
	v56 =	vadd.f32 $6.562500000e-01, v1;
	v14 =	vshll.u32 v12, $0x3  }
0x52: {  	v8 =	vor.u32 v50, v9;
	v12 =	vand.u32 $0x7F, v12;
	vm4 =	vlt.s32 v11, $0x1FF  }
0x53: {  	v13 =	vcvt.f32.s32 v13;
	v10 =	vadd.s32 v10, v14;
	v11 =	vnsel vm4, $0x1FF, v11  }
0x54: {  	vm5 =	vlt.s32 v55, $0x1FF;
	v14 =	vtrunc.f32 v57;
	v57 =	vadd.f32 $6.562500000e-01, v0  }
0x55: {  	v54 =	vand.u32 $0xFFFFFC00, v10;
	v10 =	vnsel vm5, $0x1FF, v55;
	v11 =	vshll.u32 v11, $0xC  }
0x56: {  	v58 =	vcvt.f32.s32 v14;
	vm6 =	vlt.s32 v13, $0x1FF;
	v14 =	vtrunc.f32 v59  }
0x57: {  	v59 =	vadd.f32 $6.875000000e-01, v1;
	v15 =	vshll.u32 v10, $0x3;
	v9 =	vor.u32 v54, v12  }
0x58: {  	v13 =	vnsel vm6, $0x1FF, v13;
	v14 =	vcvt.f32.s32 v14;
	v10 =	vand.u32 $0x7F, v10  }
0x59: {  	v11 =	vadd.s32 v11, v15;
	vm7 =	vlt.s32 v58, $0x1FF;
	v13 =	vshll.u32 v13, $0xC  }
0x5a: {  	v15 =	vtrunc.f32 v60;
	v60 =	vadd.f32 $6.875000000e-01, v0;
	v11 =	vand.u32 $0xFFFFFC00, v11  }
0x5b: {  	v12 =	vnsel vm7, $0x1FF, v58;
	v15 =	vcvt.f32.s32 v15;
	vm8 =	vlt.s32 v14, $0x1FF  }
0x5c: {  	v16 =	vshll.u32 v12, $0x3;
	v10 =	vor.u32 v10, v11;
	v62 =	vnsel vm8, $0x1FF, v14  }
0x5d: {  	v12 =	vand.u32 $0x7F, v12;
	v14 =	vtrunc.f32 v63;
	v63 =	vadd.f32 $7.187500000e-01, v1  }
0x5e: {  	v13 =	vadd.s32 v13, v16;
	vm9 =	vlt.s32 v15, $0x1FF;
	v14 =	vcvt.f32.s32 v14  }
0x5f: {  	v16 =	vtrunc.f32 v20;
	v61 =	vand.u32 $0xFFFFFC00, v13;
	v15 =	vnsel vm9, $0x1FF, v15  }
0x60: {  	v13 =	vshll.u32 v62, $0xC;
	v22 =	vcvt.f32.s32 v16;
	v16 =	vtrunc.f32 v23  }
0x61: {  	v17 =	vshll.u32 v15, $0x3;
	v11 =	vor.u32 v12, v61;
	v15 =	vand.u32 $0x7F, v15  }
0x62: {  	vm10 =	vlt.s32 v14, $0x1FF;
	v16 =	vcvt.f32.s32 v16;
	v13 =	vadd.s32 v13, v17  }
0x63: {  	v14 =	vnsel vm10, $0x1FF, v14;
	vm11 =	vlt.s32 v22, $0x1FF;
	v17 =	vtrunc.f32 v24  }
0x64: {  	v21 =	vand.u32 $0xFFFFFC00, v13;
	v13 =	vnsel vm11, $0x1FF, v22;
	v14 =	vshll.u32 v14, $0xC  }
0x65: {  	v25 =	vcvt.f32.s32 v17;
	vm12 =	vlt.s32 v16, $0x1FF;
	v17 =	vtrunc.f32 v26  }
0x66: {  	v18 =	vshll.u32 v13, $0x3;
	v12 =	vor.u32 v15, v21;
	v16 =	vnsel vm12, $0x1FF, v16  }
0x67: {  	v17 =	vcvt.f32.s32 v17;
	v13 =	vand.u32 $0x7F, v13;
	v14 =	vadd.s32 v14, v18  }
0x68: {  	vm13 =	vlt.s32 v25, $0x1FF;
	v16 =	vshll.u32 v16, $0xC;
	v18 =	vtrunc.f32 v27  }
0x69: {  	v14 =	vand.u32 $0xFFFFFC00, v14;
	v15 =	vnsel vm13, $0x1FF, v25;
	v18 =	vcvt.f32.s32 v18  }
0x6a: {  	vm14 =	vlt.s32 v17, $0x1FF;
	v19 =	vshll.u32 v15, $0x3;
	v13 =	vor.u32 v13, v14  }
0x6b: {  	v29 =	vnsel vm14, $0x1FF, v17;
	v15 =	vand.u32 $0x7F, v15;
	v17 =	vtrunc.f32 v30  }
0x6c: {  	v16 =	vadd.s32 v16, v19;
	vm15 =	vlt.s32 v18, $0x1FF;
	v17 =	vcvt.f32.s32 v17  }
0x6d: {  	v19 =	vtrunc.f32 v31;
	v28 =	vand.u32 $0xFFFFFC00, v16;
	v18 =	vnsel vm15, $0x1FF, v18  }
0x6e: {  	v16 =	vshll.u32 v29, $0xC;
	v33 =	vcvt.f32.s32 v19;
	v19 =	vtrunc.f32 v34  }
0x6f: {  	v20 =	vshll.u32 v18, $0x3;
	v14 =	vor.u32 v15, v28;
	v18 =	vand.u32 $0x7F, v18  }
0x70: {  	vm4 =	vlt.s32 v17, $0x1FF;
	v19 =	vcvt.f32.s32 v19;
	v16 =	vadd.s32 v16, v20  }
0x71: {  	v17 =	vnsel vm4, $0x1FF, v17;
	vm5 =	vlt.s32 v33, $0x1FF;
	v20 =	vtrunc.f32 v35  }
0x72: {  	v35 =	vadd.f32 $7.500000000e-01, v1;
	v32 =	vand.u32 $0xFFFFFC00, v16;
	v16 =	vnsel vm5, $0x1FF, v33  }
0x73: {  	v17 =	vshll.u32 v17, $0xC;
	v36 =	vcvt.f32.s32 v20;
	vm6 =	vlt.s32 v19, $0x1FF  }
0x74: {  	v20 =	vtrunc.f32 v37;
	v21 =	vshll.u32 v16, $0x3;
	v15 =	vor.u32 v18, v32  }
0x75: {  	v19 =	vnsel vm6, $0x1FF, v19;
	v20 =	vcvt.f32.s32 v20;
	v16 =	vand.u32 $0x7F, v16  }
0x76: {  	v32 =	vadd.f32 $7.187500000e-01, v0;
	v17 =	vadd.s32 v17, v21;
	vm7 =	vlt.s32 v36, $0x1FF  }
0x77: {  	v19 =	vshll.u32 v19, $0xC;
	v21 =	vtrunc.f32 v38;
	v38 =	vadd.f32 $7.812500000e-01, v1  }
0x78: {  	v17 =	vand.u32 $0xFFFFFC00, v17;
	v18 =	vnsel vm7, $0x1FF, v36;
	v21 =	vcvt.f32.s32 v21  }
0x79: {  	vm8 =	vlt.s32 v20, $0x1FF;
	v36 =	vadd.f32 $7.500000000e-01, v0;
	v22 =	vshll.u32 v18, $0x3  }
0x7a: {  	v16 =	vor.u32 v16, v17;
	v40 =	vnsel vm8, $0x1FF, v20;
	v18 =	vand.u32 $0x7F, v18  }
0x7b: {  	v20 =	vtrunc.f32 v41;
	v19 =	vadd.s32 v19, v22;
	vm9 =	vlt.s32 v21, $0x1FF  }
0x7c: {  	v20 =	vcvt.f32.s32 v20;
	v22 =	vtrunc.f32 v42;
	v42 =	vadd.f32 $8.125000000e-01, v1  }
0x7d: {  	v39 =	vand.u32 $0xFFFFFC00, v19;
	v21 =	vnsel vm9, $0x1FF, v21;
	v19 =	vshll.u32 v40, $0xC  }
0x7e: {  	v44 =	vcvt.f32.s32 v22;
	v22 =	vtrunc.f32 v45;
	v23 =	vshll.u32 v21, $0x3  }
0x7f: {  	v17 =	vor.u32 v18, v39;
	v21 =	vand.u32 $0x7F, v21;
	vm10 =	vlt.s32 v20, $0x1FF  }
0x80: {  	v22 =	vcvt.f32.s32 v22;
	v39 =	vadd.f32 $7.812500000e-01, v0;
	v19 =	vadd.s32 v19, v23  }
0x81: {  	v20 =	vnsel vm10, $0x1FF, v20;
	vm11 =	vlt.s32 v44, $0x1FF;
	v23 =	vtrunc.f32 v46  }
0x82: {  	v43 =	vand.u32 $0xFFFFFC00, v19;
	v19 =	vnsel vm11, $0x1FF, v44;
	v20 =	vshll.u32 v20, $0xC  }
0x83: {  	v47 =	vcvt.f32.s32 v23;
	vm12 =	vlt.s32 v22, $0x1FF;
	v23 =	vtrunc.f32 v48  }
0x84: {  	v48 =	vadd.f32 $8.437500000e-01, v0;
	v24 =	vshll.u32 v19, $0x3;
	v18 =	vor.u32 v21, v43  }
0x85: {  	v22 =	vnsel vm12, $0x1FF, v22;
	v23 =	vcvt.f32.s32 v23;
	v19 =	vand.u32 $0x7F, v19  }
0x86: {  	v20 =	vadd.s32 v20, v24;
	vm13 =	vlt.s32 v47, $0x1FF;
	v22 =	vshll.u32 v22, $0xC  }
0x87: {  	v24 =	vtrunc.f32 v49;
	v20 =	vand.u32 $0xFFFFFC00, v20;
	v21 =	vnsel vm13, $0x1FF, v47  }
0x88: {  	v24 =	vcvt.f32.s32 v24;
	vm14 =	vlt.s32 v23, $0x1FF;
	v47 =	vadd.f32 $8.437500000e-01, v1  }
0x89: {  	v25 =	vshll.u32 v21, $0x3;
	v19 =	vor.u32 v19, v20;
	v51 =	vnsel vm14, $0x1FF, v23  }
0x8a: {  	v21 =	vand.u32 $0x7F, v21;
	v23 =	vtrunc.f32 v52;
	v22 =	vadd.s32 v22, v25  }
0x8b: {  	vm15 =	vlt.s32 v24, $0x1FF;
	v23 =	vcvt.f32.s32 v23;
	v25 =	vtrunc.f32 v53  }
0x8c: {  	v53 =	vadd.f32 $8.750000000e-01, v0;
	v50 =	vand.u32 $0xFFFFFC00, v22;
	v24 =	vnsel vm15, $0x1FF, v24  }
0x8d: {  	v22 =	vshll.u32 v51, $0xC;
	v55 =	vcvt.f32.s32 v25;
	v25 =	vtrunc.f32 v56  }
0x8e: {  	v26 =	vshll.u32 v24, $0x3;
	v20 =	vor.u32 v21, v50;
	v24 =	vand.u32 $0x7F, v24  }
0x8f: {  	vm4 =	vlt.s32 v23, $0x1FF;
	v25 =	vcvt.f32.s32 v25;
	v22 =	vadd.s32 v22, v26  }
0x90: {  	v23 =	vnsel vm4, $0x1FF, v23;
	vm5 =	vlt.s32 v55, $0x1FF;
	v26 =	vtrunc.f32 v57  }
0x91: {  	v57 =	vor.u32 $0x100, v4;
	v54 =	vand.u32 $0xFFFFFC00, v22;
	v22 =	vnsel vm5, $0x1FF, v55  }
0x92: {  	v23 =	vshll.u32 v23, $0xC;
	v58 =	vcvt.f32.s32 v26;
	vm6 =	vlt.s32 v25, $0x1FF  }
0x93: {  	v26 =	vtrunc.f32 v59;
	v59 =	vor.u32 $0x180, v5;
	v27 =	vshll.u32 v22, $0x3  }
0x94: {  	v21 =	vor.u32 v24, v54;
	v25 =	vnsel vm6, $0x1FF, v25;
	v26 =	vcvt.f32.s32 v26  }
0x95: {  	v22 =	vand.u32 $0x7F, v22;
	v23 =	vadd.s32 v23, v27;
	vm7 =	vlt.s32 v58, $0x1FF  }
0x96: {  	v25 =	vshll.u32 v25, $0xC;
	v27 =	vtrunc.f32 v60;
	v60 =	vor.u32 $0x200, v6  }
0x97: {  	v23 =	vand.u32 $0xFFFFFC00, v23;
	v24 =	vnsel vm7, $0x1FF, v58;
	v27 =	vcvt.f32.s32 v27  }
0x98: {  	vm8 =	vlt.s32 v26, $0x1FF;
	v28 =	vshll.u32 v24, $0x3;
	v22 =	vor.u32 v22, v23  }
0x99: {  	v62 =	vnsel vm8, $0x1FF, v26;
	v24 =	vand.u32 $0x7F, v24;
	v26 =	vtrunc.f32 v63  }
0x9a: {  	v63 =	vor.u32 $0x280, v7;
	v25 =	vadd.s32 v25, v28;
	vm9 =	vlt.s32 v27, $0x1FF  }
0x9b: {  	v26 =	vcvt.f32.s32 v26;
	v28 =	vtrunc.f32 v32;
	v32 =	vadd.f32 $8.125000000e-01, v0  }
0x9c: {  	v61 =	vand.u32 $0xFFFFFC00, v25;
	v27 =	vnsel vm9, $0x1FF, v27;
	v25 =	vshll.u32 v62, $0xC  }
0x9d: {  	v34 =	vcvt.f32.s32 v28;
	v28 =	vtrunc.f32 v35;
	v62 =	vadd.f32 $9.062500000e-01, v1  }
0x9e: {  	v35 =	vadd.s32 $0x200100, v12;
	v29 =	vshll.u32 v27, $0x3;
	v23 =	vor.u32 v24, v61  }
0x9f: {  	v27 =	vand.u32 $0x7F, v27;
	vm10 =	vlt.s32 v26, $0x1FF;
	v28 =	vcvt.f32.s32 v28  }
0xa0: {  	v46 =	vtrunc.f32 v32;
	v32 =	vtrunc.f32 v48;
	v48 =	vadd.s32 $0x400200, v22  }
0xa1: {  	v25 =	vadd.s32 v25, v29;
	v26 =	vnsel vm10, $0x1FF, v26;
	v29 =	vtrunc.f32 v36  }
0xa2: {  	vm11 =	vlt.s32 v34, $0x1FF;
	v49 =	vcvt.f32.s32 v32;
	v6 =	vtrunc.f32 v62  }
0xa3: {  	v32 =	vadd.s32 $0x200000, v10;
	v33 =	vand.u32 $0xFFFFFC00, v25;
	v25 =	vnsel vm11, $0x1FF, v34  }
0xa4: {  	v26 =	vshll.u32 v26, $0xC;
	v37 =	vcvt.f32.s32 v29;
	vm12 =	vlt.s32 v28, $0x1FF  }
0xa5: {  	v29 =	vtrunc.f32 v38;
	v6 =	vcvt.f32.s32 v6;
	v34 =	vadd.s32 $0x200080, v11  }
0xa6: {  	v38 =	vadd.s32 $0x200200, v14;
	v30 =	vshll.u32 v25, $0x3;
	v24 =	vor.u32 v27, v33  }
0xa7: {  	v28 =	vnsel vm12, $0x1FF, v28;
	v29 =	vcvt.f32.s32 v29;
	v25 =	vand.u32 $0x7F, v25  }
0xa8: {  	vm7 =	vlt.s32 v49, $0x1FF;
	v33 =	vadd.f32 $8.750000000e-01, v1;
	v26 =	vadd.s32 v26, v30  }
0xa9: {  	vm13 =	vlt.s32 v37, $0x1FF;
	v28 =	vshll.u32 v28, $0xC;
	v30 =	vtrunc.f32 v39  }
0xaa: {  	vm10 =	vlt.s32 v6, $0x1FF;
	v39 =	vadd.s32 $0x200280, v15;
	v26 =	vand.u32 $0xFFFFFC00, v26  }
0xab: {  	v27 =	vnsel vm13, $0x1FF, v37;
	v30 =	vcvt.f32.s32 v30;
	vm14 =	vlt.s32 v29, $0x1FF  }
0xac: {  	v54 =	vtrunc.f32 v33;
	v6 =	vnsel vm10, $0x1FF, v6;
	v37 =	vadd.s32 $0x200180, v13  }
0xad: {  	v31 =	vshll.u32 v27, $0x3;
	v25 =	vor.u32 v25, v26;
	v41 =	vnsel vm14, $0x1FF, v29  }
0xae: {  	v27 =	vand.u32 $0x7F, v27;
	v29 =	vtrunc.f32 v42;
	v56 =	vcvt.f32.s32 v54  }
0xaf: {  	v42 =	vadd.s32 $0x200300, v16;
	v28 =	vadd.s32 v28, v31;
	v45 =	vcvt.f32.s32 v29  }
0xb0: {  	vm15 =	vlt.s32 v30, $0x1FF;
	v29 =	vcvt.f32.s32 v46;
	v31 =	vtrunc.f32 v47  }
0xb1: {  	v46 =	vadd.s32 $0x400100, v20;
	v47 =	vadd.s32 $0x400180, v21;
	v40 =	vand.u32 $0xFFFFFC00, v28  }
0xb2: {  	v30 =	vnsel vm15, $0x1FF, v30;
	v28 =	vshll.u32 v41, $0xC;
	v31 =	vcvt.f32.s32 v31  }
0xb3: {  	vm8 =	vlt.s32 v56, $0x1FF;
	v43 =	vshll.u32 v30, $0x3;
	v26 =	vor.u32 v27, v40  }
0xb4: {  	vm4 =	vlt.s32 v45, $0x1FF;
	v30 =	vand.u32 $0x7F, v30;
	vm5 =	vlt.s32 v29, $0x1FF  }
0xb5: {  	s18 =	sand.u32 $0xF0, s3;
	[tilespmem:s0+$0x0] =	vst v2;
	v61 =	vnsel vm8, $0x1FF, v56;
	v40 =	vshll.u32 v6, $0xC;
	v44 =	vadd.s32 v28, v43  }
0xb6: {  	[tilespmem:s18+$0x500] =	vst v3;
	v28 =	vnsel vm4, $0x1FF, v45;
	v29 =	vnsel vm5, $0x1FF, v29;
	vm6 =	vlt.s32 v31, $0x1FF  }
0xb7: {  	[tilespmem:s18+$0x600] =	vst v57;
	v3 =	vshll.u32 v61, $0xC;
	v43 =	vadd.s32 $0x200380, v17;
	v45 =	vadd.s32 $0x400080, v19  }
0xb8: {  	[tilespmem:s18+$0x700] =	vst v59;
	v54 =	vadd.s32 $0x600000, v26;
	v27 =	vand.u32 $0xFFFFFC00, v44;
	v28 =	vshll.u32 v28, $0xC  }
0xb9: {  	[tilespmem:s18+$0x800] =	vst v60;
	v50 =	vshll.u32 v29, $0x3;
	v31 =	vnsel vm6, $0x1FF, v31;
	v29 =	vand.u32 $0x7F, v29  }
0xba: {  	[tilespmem:s18+$0x900] =	vst v63;
	v44 =	vadd.s32 $0x400000, v18;
	v27 =	vor.u32 v30, v27;
	v28 =	vadd.s32 v28, v50  }
0xbb: {  	[tilespmem:s18+$0xE00] =	vst v35;
	v30 =	vnsel vm7, $0x1FF, v49;
	v31 =	vshll.u32 v31, $0xC;
	v49 =	vadd.s32 $0x400280, v23  }
0xbc: {  	[tilespmem:s18+$0x1800] =	vst v48;
	v50 =	vadd.f32 $9.375000000e-01, v1;
	v1 =	vadd.f32 $9.687500000e-01, v1;
	v28 =	vand.u32 $0xFFFFFC00, v28  }
0xbd: {  	[tilespmem:s18+$0xC00] =	vst v32;
	v51 =	vshll.u32 v30, $0x3;
	v55 =	vand.u32 $0x7F, v30;
	v30 =	vor.u32 $0x300, v8  }
0xbe: {  	[tilespmem:s18+$0xD00] =	vst v34;
	v28 =	vor.u32 v29, v28;
	v52 =	vadd.s32 v31, v51;
	v31 =	vtrunc.f32 v53  }
0xbf: {  	[tilespmem:s18+$0x1000] =	vst v38;
	v51 =	vadd.s32 $0x400300, v24;
	v53 =	vadd.s32 $0x400380, v25;
	v29 =	vand.u32 $0xFFFFFC00, v52  }
0xc0: {  	[tilespmem:s18+$0x1100] =	vst v39;
	v1 =	vtrunc.f32 v1;
	v2 =	vor.u32 v55, v29;
	v29 =	vadd.f32 $9.062500000e-01, v0  }
0xc1: {  	[tilespmem:s18+$0xF00] =	vst v37;
	v58 =	vcvt.f32.s32 v31;
	v31 =	vor.u32 $0x380, v9;
	v52 =	vadd.f32 $9.375000000e-01, v0  }
0xc2: {  	[tilespmem:s18+$0x1200] =	vst v42;
	v1 =	vcvt.f32.s32 v1;
	v56 =	vadd.s32 $0x600100, v28;
	v7 =	vtrunc.f32 v29  }
0xc3: {  	[tilespmem:s18+$0x1600] =	vst v46;
	v0 =	vadd.f32 $9.687500000e-01, v0;
	vm9 =	vlt.s32 v58, $0x1FF;
	v7 =	vcvt.f32.s32 v7  }
0xc4: {  	[tilespmem:s18+$0x1700] =	vst v47;
	v55 =	vadd.s32 $0x600080, v27;
	vm14 =	vlt.s32 v1, $0x1FF;
	v4 =	vnsel vm9, $0x1FF, v58  }
0xc5: {  	[tilespmem:s18+$0x1300] =	vst v43;
	v0 =	vtrunc.f32 v0;
	v33 =	vshll.u32 v4, $0x3;
	vm11 =	vlt.s32 v7, $0x1FF  }
0xc6: {  	[tilespmem:s18+$0x1500] =	vst v45;
	v4 =	vand.u32 $0x7F, v4;
	v3 =	vadd.s32 v3, v33;
	v36 =	vnsel vm11, $0x1FF, v7  }
0xc7: {  	[tilespmem:s18+$0x1C00] =	vst v54;
	v0 =	vcvt.f32.s32 v0;
	v3 =	vand.u32 $0xFFFFFC00, v3;
	v41 =	vshll.u32 v36, $0x3  }
0xc8: {  	[tilespmem:s18+$0x1400] =	vst v44;
	v1 =	vnsel vm14, $0x1FF, v1;
	v3 =	vor.u32 v4, v3;
	v4 =	vadd.s32 v40, v41  }
0xc9: {  	[tilespmem:s18+$0x1900] =	vst v49;
	vm15 =	vlt.s32 v0, $0x1FF;
	v5 =	vand.u32 $0x7F, v36;
	v4 =	vand.u32 $0xFFFFFC00, v4  }
0xca: {  	[tilespmem:s18+$0xA00] =	vst v30;
	v7 =	vtrunc.f32 v50;
	v4 =	vor.u32 v5, v4;
	v5 =	vtrunc.f32 v52  }
0xcb: {  	[tilespmem:s18+$0x1A00] =	vst v51;
	v0 =	vnsel vm15, $0x1FF, v0;
	v7 =	vcvt.f32.s32 v7;
	v5 =	vcvt.f32.s32 v5  }
0xcc: {  	[tilespmem:s18+$0x1B00] =	vst v53;
	v2 =	vadd.s32 $0x600180, v2;
	v1 =	vshll.u32 v1, $0xC;
	v59 =	vshll.u32 v0, $0x3  }
0xcd: {  	[tilespmem:s18+$0xB00] =	vst v31;
	v0 =	vand.u32 $0x7F, v0;
	vm12 =	vlt.s32 v7, $0x1FF;
	vm13 =	vlt.s32 v5, $0x1FF  }
0xce: {  	[tilespmem:s18+$0x1E00] =	vst v56;
	v1 =	vadd.s32 v1, v59;
	v7 =	vnsel vm12, $0x1FF, v7;
	v5 =	vnsel vm13, $0x1FF, v5  }
0xcf: {  	p0 =	sne.s32 s31, $0x1E0;
	[tilespmem:s18+$0x1D00] =	vst v55;
	v1 =	vand.u32 $0xFFFFFC00, v1;
	v7 =	vshll.u32 v7, $0xC;
	v57 =	vshll.u32 v5, $0x3  }
.Ltmp0:
0xd0: {  	[tilespmem:s18+$0x1F00] =	vst v2;
	v3 =	vadd.s32 $0x600200, v3;
	v0 =	vor.u32 v0, v1;
	v58 =	vadd.s32 v7, v57;
	(pc) =	sbr.rel @p0 .LBB2_2-.Ltmp0, $4  }
0xd1: {  	[tilespmem:s18+$0x2000] =	vst v3;
	v60 =	vadd.s32 $0x600280, v4;
	v5 =	vand.u32 $0x7F, v5;
	v61 =	vand.u32 $0xFFFFFC00, v58  }
0xd2: {  	v0 =	vadd.s32 $0x600380, v0;
	[tilespmem:s18+$0x2100] =	vst v60;
	v62 =	vor.u32 v5, v61  }
0xd3: {  	[tilespmem:s18+$0x2300] =	vst v0;
	v63 =	vadd.s32 $0x600300, v62  }
0xd4: {  	s3 =	sadd.s32 $0x10, s3;
	s31 =	sadd.s32 $0x20, s31;
	s0 =	sadd.s32 $0x10, s0;
	[tilespmem:s18+$0x2200] =	vst v63  }
0xd5: {  	s0 =	simm.s32 $0x4400;
	s31 =	simm.s32 $0x0  }
0xd6: {  	[tilespmem:s0], [sflag:$0x1] =	stream.indirect.gather [hbm4b:s1+s11], $0x1, s12, s11, $0xb8;
	[tilespmem:$0x10C00] =	vst v63  }
0xd7: {  	s15 =	simm.s32 $0x8400;
	s18 =	sand.u32 $0x70, s31;
	s3 =	sand.u32 $0x100, s31  }
0xd8: {  	[tilespmem:s15], [sflag:$0x2] =	stream.indirect.gather [hbm4b:s2+s11], $0x1, s12, s11, $0xb8;
	[tilespmem:$0x10C00] =	vst v63  }
0xd9: {  	s17 =	simm.s32 $0xC400;
	s0 =	simm.s32 $0x20;
	s13 =	sor.u32 s18, s3  }
0xda: {  	[tilespmem:s17], [sflag:$0x3] =	stream.indirect.gather [hbm4b:s4+s11], $0x1, s12, s11, $0xb8;
	[tilespmem:$0x10C00] =	vst v63  }
.LBB2_4:
0xdb: {  	p0 =	sne.s32 s0, $0x1E0;
	v0 =	vld [tilespmem:s13+$0x200]  }
0xdc: {  	v1 =	vld [tilespmem:s13+$0x280];
	_ =	sdelay $0x4  }
0xdd: {  	v2 =	vmul.f32 $5.120000000e+02, v0;
	v3 =	vmul.f32 $5.120000000e+02, v1;
	_ =	sdelay $0x1  }
0xde: {  	v0 =	vtrunc.f32 v2;
	v4 =	vadd.f32 $9.062500000e-01, v2;
	v5 =	vadd.f32 $9.062500000e-01, v3  }
0xdf: {  	v6 =	vadd.f32 $8.750000000e-01, v2;
	v1 =	vtrunc.f32 v3;
	v7 =	vadd.f32 $8.750000000e-01, v3  }
0xe0: {  	v8 =	vadd.f32 $8.437500000e-01, v2;
	v4 =	vtrunc.f32 v4;
	v5 =	vtrunc.f32 v5  }
0xe1: {  	v9 =	vadd.f32 $8.437500000e-01, v3;
	v4 =	vcvt.f32.s32 v4;
	v5 =	vcvt.f32.s32 v5  }
0xe2: {  	v10 =	vadd.f32 $8.125000000e-01, v2;
	v6 =	vtrunc.f32 v6;
	v7 =	vtrunc.f32 v7  }
0xe3: {  	v6 =	vcvt.f32.s32 v6;
	vm0 =	vlt.s32 v4, $0x1FF;
	vm1 =	vlt.s32 v5, $0x1FF  }
0xe4: {  	v7 =	vcvt.f32.s32 v7;
	v4 =	vnsel vm0, $0x1FF, v4;
	v5 =	vnsel vm1, $0x1FF, v5  }
0xe5: {  	vm0 =	vlt.s32 v6, $0x1FF;
	v4 =	vshll.u32 v4, $0xC;
	v11 =	vshll.u32 v5, $0x3  }
0xe6: {  	v6 =	vnsel vm0, $0x1FF, v6;
	vm0 =	vlt.s32 v7, $0x1FF;
	v4 =	vadd.s32 v4, v11  }
0xe7: {  	v7 =	vnsel vm0, $0x1FF, v7;
	v5 =	vand.u32 $0x7F, v5;
	v4 =	vand.u32 $0xFFFFFC00, v4  }
0xe8: {  	v6 =	vshll.u32 v6, $0xC;
	v11 =	vshll.u32 v7, $0x3;
	v4 =	vor.u32 v5, v4  }
0xe9: {  	s3 =	sand.u32 $0xF0, s31;
	v5 =	vadd.s32 v6, v11;
	v6 =	vand.u32 $0x7F, v7;
	v4 =	vadd.s32 $0x600280, v4  }
0xea: {  	v7 =	vtrunc.f32 v8;
	v8 =	vtrunc.f32 v9;
	v5 =	vand.u32 $0xFFFFFC00, v5;
	[tilespmem:s3+$0x4100] =	vst v4  }
0xeb: {  	v4 =	vcvt.f32.s32 v7;
	v7 =	vcvt.f32.s32 v8;
	v5 =	vor.u32 v6, v5  }
0xec: {  	v6 =	vtrunc.f32 v10;
	v8 =	vadd.f32 $8.125000000e-01, v3;
	v5 =	vadd.s32 $0x600200, v5  }
0xed: {  	v6 =	vcvt.f32.s32 v6;
	vm0 =	vlt.s32 v4, $0x1FF;
	vm1 =	vlt.s32 v7, $0x1FF;
	[tilespmem:s3+$0x4000] =	vst v5  }
0xee: {  	v5 =	vtrunc.f32 v8;
	v4 =	vnsel vm0, $0x1FF, v4;
	v7 =	vnsel vm1, $0x1FF, v7  }
0xef: {  	v4 =	vshll.u32 v4, $0xC;
	v8 =	vshll.u32 v7, $0x3;
	v7 =	vand.u32 $0x7F, v7  }
0xf0: {  	vm0 =	vlt.s32 v6, $0x1FF;
	v5 =	vcvt.f32.s32 v5;
	v4 =	vadd.s32 v4, v8  }
0xf1: {  	v6 =	vnsel vm0, $0x1FF, v6;
	v8 =	vadd.f32 $7.812500000e-01, v2;
	v4 =	vand.u32 $0xFFFFFC00, v4  }
0xf2: {  	v6 =	vshll.u32 v6, $0xC;
	vm0 =	vlt.s32 v5, $0x1FF;
	v4 =	vor.u32 v7, v4  }
0xf3: {  	v7 =	vadd.f32 $7.812500000e-01, v3;
	v5 =	vnsel vm0, $0x1FF, v5;
	v4 =	vadd.s32 $0x600180, v4  }
0xf4: {  	v8 =	vtrunc.f32 v8;
	v9 =	vshll.u32 v5, $0x3;
	v5 =	vand.u32 $0x7F, v5;
	[tilespmem:s3+$0x3F00] =	vst v4  }
0xf5: {  	v7 =	vtrunc.f32 v7;
	v6 =	vadd.s32 v6, v9;
	v4 =	vcvt.f32.s32 v8  }
0xf6: {  	v8 =	vadd.f32 $7.500000000e-01, v2;
	v7 =	vcvt.f32.s32 v7;
	v6 =	vand.u32 $0xFFFFFC00, v6  }
0xf7: {  	v9 =	vadd.f32 $7.500000000e-01, v3;
	v5 =	vor.u32 v5, v6;
	vm0 =	vlt.s32 v4, $0x1FF  }
0xf8: {  	v5 =	vadd.s32 $0x600100, v5;
	v4 =	vnsel vm0, $0x1FF, v4;
	vm0 =	vlt.s32 v7, $0x1FF  }
0xf9: {  	v6 =	vtrunc.f32 v8;
	v7 =	vnsel vm0, $0x1FF, v7;
	v4 =	vshll.u32 v4, $0xC;
	[tilespmem:s3+$0x3E00] =	vst v5  }
0xfa: {  	v5 =	vtrunc.f32 v9;
	v8 =	vshll.u32 v7, $0x3;
	v7 =	vand.u32 $0x7F, v7  }
0xfb: {  	v6 =	vcvt.f32.s32 v6;
	v5 =	vcvt.f32.s32 v5;
	v4 =	vadd.s32 v4, v8  }
0xfc: {  	v9 =	vadd.f32 $7.187500000e-01, v3;
	v8 =	vadd.f32 $7.187500000e-01, v2;
	v4 =	vand.u32 $0xFFFFFC00, v4  }
0xfd: {  	vm0 =	vlt.s32 v6, $0x1FF;
	vm1 =	vlt.s32 v5, $0x1FF;
	v4 =	vor.u32 v7, v4  }
0xfe: {  	v6 =	vnsel vm0, $0x1FF, v6;
	v5 =	vnsel vm1, $0x1FF, v5;
	v4 =	vadd.s32 $0x600080, v4  }
0xff: {  	v6 =	vshll.u32 v6, $0xC;
	v7 =	vshll.u32 v5, $0x3;
	v5 =	vand.u32 $0x7F, v5;
	[tilespmem:s3+$0x3D00] =	vst v4  }
0x100: {  	v4 =	vtrunc.f32 v8;
	v8 =	vtrunc.f32 v9;
	v6 =	vadd.s32 v6, v7  }
0x101: {  	v4 =	vcvt.f32.s32 v4;
	v7 =	vcvt.f32.s32 v8;
	v6 =	vand.u32 $0xFFFFFC00, v6  }
0x102: {  	v9 =	vadd.f32 $6.875000000e-01, v3;
	v8 =	vadd.f32 $6.875000000e-01, v2;
	v5 =	vor.u32 v5, v6  }
0x103: {  	vm0 =	vlt.s32 v4, $0x1FF;
	vm1 =	vlt.s32 v7, $0x1FF;
	v5 =	vadd.s32 $0x600000, v5  }
0x104: {  	v6 =	vtrunc.f32 v8;
	v4 =	vnsel vm0, $0x1FF, v4;
	v7 =	vnsel vm1, $0x1FF, v7;
	[tilespmem:s3+$0x3C00] =	vst v5  }
0x105: {  	v4 =	vshll.u32 v4, $0xC;
	v5 =	vshll.u32 v7, $0x3;
	v7 =	vand.u32 $0x7F, v7  }
0x106: {  	v8 =	vtrunc.f32 v9;
	v6 =	vcvt.f32.s32 v6;
	v4 =	vadd.s32 v4, v5  }
0x107: {  	v8 =	vcvt.f32.s32 v8;
	v5 =	vadd.f32 $6.562500000e-01, v2;
	v4 =	vand.u32 $0xFFFFFC00, v4  }
0x108: {  	v9 =	vadd.f32 $6.562500000e-01, v3;
	vm0 =	vlt.s32 v6, $0x1FF;
	v4 =	vor.u32 v7, v4  }
0x109: {  	v6 =	vnsel vm0, $0x1FF, v6;
	vm0 =	vlt.s32 v8, $0x1FF;
	v4 =	vadd.s32 $0x400380, v4  }
0x10a: {  	v5 =	vtrunc.f32 v5;
	v7 =	vnsel vm0, $0x1FF, v8;
	v6 =	vshll.u32 v6, $0xC;
	[tilespmem:s3+$0x3B00] =	vst v4  }
0x10b: {  	v8 =	vshll.u32 v7, $0x3;
	v7 =	vand.u32 $0x7F, v7;
	v4 =	vtrunc.f32 v9  }
0x10c: {  	v5 =	vcvt.f32.s32 v5;
	v6 =	vadd.s32 v6, v8;
	v4 =	vcvt.f32.s32 v4  }
0x10d: {  	v8 =	vadd.f32 $6.250000000e-01, v2;
	v9 =	vadd.f32 $6.250000000e-01, v3;
	v6 =	vand.u32 $0xFFFFFC00, v6  }
0x10e: {  	vm0 =	vlt.s32 v5, $0x1FF;
	v6 =	vor.u32 v7, v6;
	vm1 =	vlt.s32 v4, $0x1FF  }
0x10f: {  	v5 =	vnsel vm0, $0x1FF, v5;
	v6 =	vadd.s32 $0x400300, v6;
	v4 =	vnsel vm1, $0x1FF, v4  }
0x110: {  	v5 =	vshll.u32 v5, $0xC;
	v7 =	vshll.u32 v4, $0x3;
	v4 =	vand.u32 $0x7F, v4;
	[tilespmem:s3+$0x3A00] =	vst v6  }
0x111: {  	v6 =	vtrunc.f32 v8;
	v8 =	vtrunc.f32 v9;
	v5 =	vadd.s32 v5, v7  }
0x112: {  	v6 =	vcvt.f32.s32 v6;
	v7 =	vcvt.f32.s32 v8;
	v5 =	vand.u32 $0xFFFFFC00, v5  }
0x113: {  	v9 =	vadd.f32 $5.937500000e-01, v3;
	v8 =	vadd.f32 $5.937500000e-01, v2;
	v4 =	vor.u32 v4, v5  }
0x114: {  	vm0 =	vlt.s32 v6, $0x1FF;
	vm1 =	vlt.s32 v7, $0x1FF;
	v4 =	vadd.s32 $0x400280, v4  }
0x115: {  	v5 =	vtrunc.f32 v8;
	v6 =	vnsel vm0, $0x1FF, v6;
	v7 =	vnsel vm1, $0x1FF, v7;
	[tilespmem:s3+$0x3900] =	vst v4  }
0x116: {  	v4 =	vshll.u32 v6, $0xC;
	v6 =	vshll.u32 v7, $0x3;
	v7 =	vand.u32 $0x7F, v7  }
0x117: {  	v8 =	vtrunc.f32 v9;
	v5 =	vcvt.f32.s32 v5;
	v4 =	vadd.s32 v4, v6  }
0x118: {  	v8 =	vcvt.f32.s32 v8;
	v6 =	vadd.f32 $5.625000000e-01, v2;
	v4 =	vand.u32 $0xFFFFFC00, v4  }
0x119: {  	v9 =	vadd.f32 $5.625000000e-01, v3;
	vm0 =	vlt.s32 v5, $0x1FF;
	v4 =	vor.u32 v7, v4  }
0x11a: {  	v5 =	vnsel vm0, $0x1FF, v5;
	vm0 =	vlt.s32 v8, $0x1FF;
	v4 =	vadd.s32 $0x400200, v4  }
0x11b: {  	v6 =	vtrunc.f32 v6;
	v7 =	vnsel vm0, $0x1FF, v8;
	v5 =	vshll.u32 v5, $0xC;
	[tilespmem:s3+$0x3800] =	vst v4  }
0x11c: {  	v8 =	vshll.u32 v7, $0x3;
	v7 =	vand.u32 $0x7F, v7;
	v4 =	vtrunc.f32 v9  }
0x11d: {  	v6 =	vcvt.f32.s32 v6;
	v5 =	vadd.s32 v5, v8;
	v4 =	vcvt.f32.s32 v4  }
0x11e: {  	v8 =	vadd.f32 $5.312500000e-01, v2;
	v9 =	vadd.f32 $5.312500000e-01, v3;
	v5 =	vand.u32 $0xFFFFFC00, v5  }
0x11f: {  	vm0 =	vlt.s32 v6, $0x1FF;
	v5 =	vor.u32 v7, v5;
	vm1 =	vlt.s32 v4, $0x1FF  }
0x120: {  	v6 =	vnsel vm0, $0x1FF, v6;
	v5 =	vadd.s32 $0x400180, v5;
	v4 =	vnsel vm1, $0x1FF, v4  }
0x121: {  	v6 =	vshll.u32 v6, $0xC;
	v7 =	vshll.u32 v4, $0x3;
	v4 =	vand.u32 $0x7F, v4;
	[tilespmem:s3+$0x3700] =	vst v5  }
0x122: {  	v5 =	vtrunc.f32 v8;
	v8 =	vtrunc.f32 v9;
	v6 =	vadd.s32 v6, v7  }
0x123: {  	v5 =	vcvt.f32.s32 v5;
	v7 =	vcvt.f32.s32 v8;
	v6 =	vand.u32 $0xFFFFFC00, v6  }
0x124: {  	v9 =	vadd.f32 $5.000000000e-01, v3;
	v8 =	vadd.f32 $5.000000000e-01, v2;
	v4 =	vor.u32 v4, v6  }
0x125: {  	vm0 =	vlt.s32 v5, $0x1FF;
	vm1 =	vlt.s32 v7, $0x1FF;
	v4 =	vadd.s32 $0x400100, v4  }
0x126: {  	v6 =	vtrunc.f32 v8;
	v5 =	vnsel vm0, $0x1FF, v5;
	v7 =	vnsel vm1, $0x1FF, v7;
	[tilespmem:s3+$0x3600] =	vst v4  }
0x127: {  	v4 =	vshll.u32 v5, $0xC;
	v5 =	vshll.u32 v7, $0x3;
	v7 =	vand.u32 $0x7F, v7  }
0x128: {  	v8 =	vtrunc.f32 v9;
	v6 =	vcvt.f32.s32 v6;
	v4 =	vadd.s32 v4, v5  }
0x129: {  	v8 =	vcvt.f32.s32 v8;
	v5 =	vadd.f32 $4.687500000e-01, v2;
	v4 =	vand.u32 $0xFFFFFC00, v4  }
0x12a: {  	v9 =	vadd.f32 $4.687500000e-01, v3;
	vm0 =	vlt.s32 v6, $0x1FF;
	v4 =	vor.u32 v7, v4  }
0x12b: {  	v6 =	vnsel vm0, $0x1FF, v6;
	vm0 =	vlt.s32 v8, $0x1FF;
	v4 =	vadd.s32 $0x400080, v4  }
0x12c: {  	v5 =	vtrunc.f32 v5;
	v7 =	vnsel vm0, $0x1FF, v8;
	v6 =	vshll.u32 v6, $0xC;
	[tilespmem:s3+$0x3500] =	vst v4  }
0x12d: {  	v8 =	vshll.u32 v7, $0x3;
	v7 =	vand.u32 $0x7F, v7;
	v4 =	vtrunc.f32 v9  }
0x12e: {  	v5 =	vcvt.f32.s32 v5;
	v6 =	vadd.s32 v6, v8;
	v4 =	vcvt.f32.s32 v4  }
0x12f: {  	v8 =	vadd.f32 $4.375000000e-01, v2;
	v9 =	vadd.f32 $4.375000000e-01, v3;
	v6 =	vand.u32 $0xFFFFFC00, v6  }
0x130: {  	vm0 =	vlt.s32 v5, $0x1FF;
	v6 =	vor.u32 v7, v6;
	vm1 =	vlt.s32 v4, $0x1FF  }
0x131: {  	v5 =	vnsel vm0, $0x1FF, v5;
	v6 =	vadd.s32 $0x400000, v6;
	v4 =	vnsel vm1, $0x1FF, v4  }
0x132: {  	v5 =	vshll.u32 v5, $0xC;
	v7 =	vshll.u32 v4, $0x3;
	v4 =	vand.u32 $0x7F, v4;
	[tilespmem:s3+$0x3400] =	vst v6  }
0x133: {  	v6 =	vtrunc.f32 v8;
	v8 =	vtrunc.f32 v9;
	v5 =	vadd.s32 v5, v7  }
0x134: {  	v6 =	vcvt.f32.s32 v6;
	v7 =	vcvt.f32.s32 v8;
	v5 =	vand.u32 $0xFFFFFC00, v5  }
0x135: {  	v9 =	vadd.f32 $4.062500000e-01, v3;
	v8 =	vadd.f32 $4.062500000e-01, v2;
	v4 =	vor.u32 v4, v5  }
0x136: {  	vm0 =	vlt.s32 v6, $0x1FF;
	vm1 =	vlt.s32 v7, $0x1FF;
	v4 =	vadd.s32 $0x200380, v4  }
0x137: {  	v5 =	vtrunc.f32 v8;
	v6 =	vnsel vm0, $0x1FF, v6;
	v7 =	vnsel vm1, $0x1FF, v7;
	[tilespmem:s3+$0x3300] =	vst v4  }
0x138: {  	v4 =	vshll.u32 v6, $0xC;
	v6 =	vshll.u32 v7, $0x3;
	v7 =	vand.u32 $0x7F, v7  }
0x139: {  	v8 =	vtrunc.f32 v9;
	v5 =	vcvt.f32.s32 v5;
	v4 =	vadd.s32 v4, v6  }
0x13a: {  	v8 =	vcvt.f32.s32 v8;
	v6 =	vadd.f32 $3.750000000e-01, v2;
	v4 =	vand.u32 $0xFFFFFC00, v4  }
0x13b: {  	v9 =	vadd.f32 $3.750000000e-01, v3;
	vm0 =	vlt.s32 v5, $0x1FF;
	v4 =	vor.u32 v7, v4  }
0x13c: {  	v5 =	vnsel vm0, $0x1FF, v5;
	vm0 =	vlt.s32 v8, $0x1FF;
	v4 =	vadd.s32 $0x200300, v4  }
0x13d: {  	v6 =	vtrunc.f32 v6;
	v7 =	vnsel vm0, $0x1FF, v8;
	v5 =	vshll.u32 v5, $0xC;
	[tilespmem:s3+$0x3200] =	vst v4  }
0x13e: {  	v8 =	vshll.u32 v7, $0x3;
	v7 =	vand.u32 $0x7F, v7;
	v4 =	vtrunc.f32 v9  }
0x13f: {  	v6 =	vcvt.f32.s32 v6;
	v5 =	vadd.s32 v5, v8;
	v4 =	vcvt.f32.s32 v4  }
0x140: {  	v8 =	vadd.f32 $3.437500000e-01, v2;
	v9 =	vadd.f32 $3.437500000e-01, v3;
	v5 =	vand.u32 $0xFFFFFC00, v5  }
0x141: {  	vm0 =	vlt.s32 v6, $0x1FF;
	v5 =	vor.u32 v7, v5;
	vm1 =	vlt.s32 v4, $0x1FF  }
0x142: {  	v6 =	vnsel vm0, $0x1FF, v6;
	v5 =	vadd.s32 $0x200280, v5;
	v4 =	vnsel vm1, $0x1FF, v4  }
0x143: {  	v6 =	vshll.u32 v6, $0xC;
	v7 =	vshll.u32 v4, $0x3;
	v4 =	vand.u32 $0x7F, v4;
	[tilespmem:s3+$0x3100] =	vst v5  }
0x144: {  	v5 =	vtrunc.f32 v8;
	v8 =	vtrunc.f32 v9;
	v6 =	vadd.s32 v6, v7  }
0x145: {  	v5 =	vcvt.f32.s32 v5;
	v7 =	vcvt.f32.s32 v8;
	v6 =	vand.u32 $0xFFFFFC00, v6  }
0x146: {  	v9 =	vadd.f32 $3.125000000e-01, v3;
	v8 =	vadd.f32 $3.125000000e-01, v2;
	v4 =	vor.u32 v4, v6  }
0x147: {  	vm0 =	vlt.s32 v5, $0x1FF;
	vm1 =	vlt.s32 v7, $0x1FF;
	v4 =	vadd.s32 $0x200200, v4  }
0x148: {  	v6 =	vtrunc.f32 v8;
	v5 =	vnsel vm0, $0x1FF, v5;
	v7 =	vnsel vm1, $0x1FF, v7;
	[tilespmem:s3+$0x3000] =	vst v4  }
0x149: {  	v4 =	vshll.u32 v5, $0xC;
	v5 =	vshll.u32 v7, $0x3;
	v7 =	vand.u32 $0x7F, v7  }
0x14a: {  	v8 =	vtrunc.f32 v9;
	v6 =	vcvt.f32.s32 v6;
	v4 =	vadd.s32 v4, v5  }
0x14b: {  	v8 =	vcvt.f32.s32 v8;
	v5 =	vadd.f32 $2.812500000e-01, v2;
	v4 =	vand.u32 $0xFFFFFC00, v4  }
0x14c: {  	v9 =	vadd.f32 $2.812500000e-01, v3;
	vm0 =	vlt.s32 v6, $0x1FF;
	v4 =	vor.u32 v7, v4  }
0x14d: {  	v6 =	vnsel vm0, $0x1FF, v6;
	vm0 =	vlt.s32 v8, $0x1FF;
	v4 =	vadd.s32 $0x200180, v4  }
0x14e: {  	v5 =	vtrunc.f32 v5;
	v7 =	vnsel vm0, $0x1FF, v8;
	v6 =	vshll.u32 v6, $0xC;
	[tilespmem:s3+$0x2F00] =	vst v4  }
0x14f: {  	v8 =	vshll.u32 v7, $0x3;
	v7 =	vand.u32 $0x7F, v7;
	v4 =	vtrunc.f32 v9  }
0x150: {  	v5 =	vcvt.f32.s32 v5;
	v6 =	vadd.s32 v6, v8;
	v4 =	vcvt.f32.s32 v4  }
0x151: {  	v8 =	vadd.f32 $2.500000000e-01, v2;
	v9 =	vadd.f32 $2.500000000e-01, v3;
	v6 =	vand.u32 $0xFFFFFC00, v6  }
0x152: {  	vm0 =	vlt.s32 v5, $0x1FF;
	v6 =	vor.u32 v7, v6;
	vm1 =	vlt.s32 v4, $0x1FF  }
0x153: {  	v5 =	vnsel vm0, $0x1FF, v5;
	v6 =	vadd.s32 $0x200100, v6;
	v4 =	vnsel vm1, $0x1FF, v4  }
0x154: {  	v5 =	vshll.u32 v5, $0xC;
	v7 =	vshll.u32 v4, $0x3;
	v4 =	vand.u32 $0x7F, v4;
	[tilespmem:s3+$0x2E00] =	vst v6  }
0x155: {  	v6 =	vtrunc.f32 v8;
	v8 =	vtrunc.f32 v9;
	v5 =	vadd.s32 v5, v7  }
0x156: {  	v6 =	vcvt.f32.s32 v6;
	v7 =	vcvt.f32.s32 v8;
	v5 =	vand.u32 $0xFFFFFC00, v5  }
0x157: {  	v9 =	vadd.f32 $2.187500000e-01, v3;
	v8 =	vadd.f32 $2.187500000e-01, v2;
	v4 =	vor.u32 v4, v5  }
0x158: {  	vm0 =	vlt.s32 v6, $0x1FF;
	vm1 =	vlt.s32 v7, $0x1FF;
	v4 =	vadd.s32 $0x200080, v4  }
0x159: {  	v5 =	vtrunc.f32 v8;
	v6 =	vnsel vm0, $0x1FF, v6;
	v7 =	vnsel vm1, $0x1FF, v7;
	[tilespmem:s3+$0x2D00] =	vst v4  }
0x15a: {  	v4 =	vshll.u32 v6, $0xC;
	v6 =	vshll.u32 v7, $0x3;
	v7 =	vand.u32 $0x7F, v7  }
0x15b: {  	v8 =	vtrunc.f32 v9;
	v5 =	vcvt.f32.s32 v5;
	v4 =	vadd.s32 v4, v6  }
0x15c: {  	v8 =	vcvt.f32.s32 v8;
	v6 =	vadd.f32 $1.875000000e-01, v2;
	v4 =	vand.u32 $0xFFFFFC00, v4  }
0x15d: {  	v9 =	vadd.f32 $1.875000000e-01, v3;
	vm0 =	vlt.s32 v5, $0x1FF;
	v4 =	vor.u32 v7, v4  }
0x15e: {  	v5 =	vnsel vm0, $0x1FF, v5;
	vm0 =	vlt.s32 v8, $0x1FF;
	v4 =	vadd.s32 $0x200000, v4  }
0x15f: {  	v6 =	vtrunc.f32 v6;
	v7 =	vnsel vm0, $0x1FF, v8;
	v5 =	vshll.u32 v5, $0xC;
	[tilespmem:s3+$0x2C00] =	vst v4  }
0x160: {  	v8 =	vshll.u32 v7, $0x3;
	v7 =	vand.u32 $0x7F, v7;
	v4 =	vtrunc.f32 v9  }
0x161: {  	v6 =	vcvt.f32.s32 v6;
	v5 =	vadd.s32 v5, v8;
	v4 =	vcvt.f32.s32 v4  }
0x162: {  	v8 =	vadd.f32 $1.562500000e-01, v2;
	v9 =	vadd.f32 $1.562500000e-01, v3;
	v5 =	vand.u32 $0xFFFFFC00, v5  }
0x163: {  	vm0 =	vlt.s32 v6, $0x1FF;
	v5 =	vor.u32 v5, v7;
	vm1 =	vlt.s32 v4, $0x1FF  }
0x164: {  	v6 =	vnsel vm0, $0x1FF, v6;
	v5 =	vor.u32 $0x380, v5;
	v4 =	vnsel vm1, $0x1FF, v4  }
0x165: {  	v6 =	vshll.u32 v6, $0xC;
	v7 =	vshll.u32 v4, $0x3;
	v4 =	vand.u32 $0x7F, v4;
	[tilespmem:s3+$0x2B00] =	vst v5  }
0x166: {  	v5 =	vtrunc.f32 v8;
	v8 =	vtrunc.f32 v9;
	v6 =	vadd.s32 v6, v7  }
0x167: {  	v5 =	vcvt.f32.s32 v5;
	v7 =	vcvt.f32.s32 v8;
	v6 =	vand.u32 $0xFFFFFC00, v6  }
0x168: {  	v9 =	vadd.f32 $1.250000000e-01, v3;
	v8 =	vadd.f32 $1.250000000e-01, v2;
	v4 =	vor.u32 v6, v4  }
0x169: {  	vm0 =	vlt.s32 v5, $0x1FF;
	vm1 =	vlt.s32 v7, $0x1FF;
	v4 =	vor.u32 $0x300, v4  }
0x16a: {  	v6 =	vtrunc.f32 v8;
	v5 =	vnsel vm0, $0x1FF, v5;
	v7 =	vnsel vm1, $0x1FF, v7;
	[tilespmem:s3+$0x2A00] =	vst v4  }
0x16b: {  	v4 =	vshll.u32 v5, $0xC;
	v5 =	vshll.u32 v7, $0x3;
	v7 =	vand.u32 $0x7F, v7  }
0x16c: {  	v8 =	vtrunc.f32 v9;
	v6 =	vcvt.f32.s32 v6;
	v4 =	vadd.s32 v4, v5  }
0x16d: {  	v8 =	vcvt.f32.s32 v8;
	v5 =	vadd.f32 $9.375000000e-02, v2;
	v4 =	vand.u32 $0xFFFFFC00, v4  }
0x16e: {  	v9 =	vadd.f32 $9.375000000e-02, v3;
	vm0 =	vlt.s32 v6, $0x1FF;
	v4 =	vor.u32 v4, v7  }
0x16f: {  	v6 =	vnsel vm0, $0x1FF, v6;
	vm0 =	vlt.s32 v8, $0x1FF;
	v4 =	vor.u32 $0x280, v4  }
0x170: {  	v5 =	vtrunc.f32 v5;
	v7 =	vnsel vm0, $0x1FF, v8;
	v6 =	vshll.u32 v6, $0xC;
	[tilespmem:s3+$0x2900] =	vst v4  }
0x171: {  	v8 =	vshll.u32 v7, $0x3;
	v7 =	vand.u32 $0x7F, v7;
	v4 =	vtrunc.f32 v9  }
0x172: {  	v5 =	vcvt.f32.s32 v5;
	v6 =	vadd.s32 v6, v8;
	v4 =	vcvt.f32.s32 v4  }
0x173: {  	v8 =	vadd.f32 $6.250000000e-02, v2;
	v9 =	vadd.f32 $6.250000000e-02, v3;
	v6 =	vand.u32 $0xFFFFFC00, v6  }
0x174: {  	vm0 =	vlt.s32 v5, $0x1FF;
	v6 =	vor.u32 v6, v7;
	vm1 =	vlt.s32 v4, $0x1FF  }
0x175: {  	v5 =	vnsel vm0, $0x1FF, v5;
	v6 =	vor.u32 $0x200, v6;
	v4 =	vnsel vm1, $0x1FF, v4  }
0x176: {  	v5 =	vshll.u32 v5, $0xC;
	v7 =	vshll.u32 v4, $0x3;
	v4 =	vand.u32 $0x7F, v4;
	[tilespmem:s3+$0x2800] =	vst v6  }
0x177: {  	v6 =	vtrunc.f32 v8;
	v8 =	vtrunc.f32 v9;
	v5 =	vadd.s32 v5, v7  }
0x178: {  	v6 =	vcvt.f32.s32 v6;
	v7 =	vcvt.f32.s32 v8;
	v5 =	vand.u32 $0xFFFFFC00, v5  }
0x179: {  	v9 =	vadd.f32 $3.125000000e-02, v3;
	v8 =	vadd.f32 $3.125000000e-02, v2;
	v4 =	vor.u32 v5, v4  }
0x17a: {  	vm0 =	vlt.s32 v6, $0x1FF;
	vm1 =	vlt.s32 v7, $0x1FF;
	v4 =	vor.u32 $0x180, v4  }
0x17b: {  	v5 =	vtrunc.f32 v8;
	v6 =	vnsel vm0, $0x1FF, v6;
	v7 =	vnsel vm1, $0x1FF, v7;
	[tilespmem:s3+$0x2700] =	vst v4  }
0x17c: {  	v4 =	vshll.u32 v6, $0xC;
	v6 =	vshll.u32 v7, $0x3;
	v7 =	vand.u32 $0x7F, v7  }
0x17d: {  	v8 =	vtrunc.f32 v9;
	v5 =	vcvt.f32.s32 v5;
	v4 =	vadd.s32 v4, v6  }
0x17e: {  	v6 =	vcvt.f32.s32 v8;
	v8 =	vadd.f32 $9.375000000e-01, v2;
	v4 =	vand.u32 $0xFFFFFC00, v4  }
0x17f: {  	vm0 =	vlt.s32 v5, $0x1FF;
	v4 =	vor.u32 v4, v7;
	v7 =	vadd.f32 $9.375000000e-01, v3  }
0x180: {  	v5 =	vnsel vm0, $0x1FF, v5;
	vm0 =	vlt.s32 v6, $0x1FF;
	v4 =	vor.u32 $0x100, v4  }
0x181: {  	v5 =	vshll.u32 v5, $0xC;
	v6 =	vnsel vm0, $0x1FF, v6;
	[tilespmem:s3+$0x2600] =	vst v4;
	v4 =	vtrunc.f32 v8  }
0x182: {  	v7 =	vtrunc.f32 v7;
	v8 =	vshll.u32 v6, $0x3;
	v6 =	vand.u32 $0x7F, v6  }
0x183: {  	v7 =	vcvt.f32.s32 v7;
	v5 =	vadd.s32 v5, v8;
	v4 =	vcvt.f32.s32 v4  }
0x184: {  	v2 =	vadd.f32 $9.687500000e-01, v2;
	v3 =	vadd.f32 $9.687500000e-01, v3;
	v5 =	vand.u32 $0xFFFFFC00, v5  }
0x185: {  	vm1 =	vlt.s32 v7, $0x1FF;
	v5 =	vor.u32 v5, v6;
	vm0 =	vlt.s32 v4, $0x1FF  }
0x186: {  	v6 =	vnsel vm1, $0x1FF, v7;
	v5 =	vor.u32 $0x80, v5;
	v4 =	vnsel vm0, $0x1FF, v4  }
0x187: {  	v4 =	vshll.u32 v4, $0xC;
	[tilespmem:s3+$0x2500] =	vst v5;
	v5 =	vshll.u32 v6, $0x3;
	v6 =	vand.u32 $0x7F, v6  }
0x188: {  	v2 =	vtrunc.f32 v2;
	v3 =	vtrunc.f32 v3;
	v4 =	vadd.s32 v4, v5  }
0x189: {  	v2 =	vcvt.f32.s32 v2;
	v3 =	vcvt.f32.s32 v3;
	v4 =	vand.u32 $0xFFFFFC00, v4  }
0x18a: {  	v0 =	vcvt.f32.s32 v0;
	v1 =	vcvt.f32.s32 v1;
	v4 =	vor.u32 v6, v4  }
0x18b: {  	vm1 =	vlt.s32 v3, $0x1FF;
	vm0 =	vlt.s32 v2, $0x1FF;
	v4 =	vadd.s32 $0x600300, v4  }
0x18c: {  	vm2 =	vlt.s32 v0, $0x1FF;
	v3 =	vnsel vm1, $0x1FF, v3;
	v2 =	vnsel vm0, $0x1FF, v2;
	[tilespmem:s3+$0x4200] =	vst v4  }
0x18d: {  	v2 =	vshll.u32 v2, $0xC;
	v4 =	vshll.u32 v3, $0x3;
	v3 =	vand.u32 $0x7F, v3  }
0x18e: {  	v0 =	vnsel vm2, $0x1FF, v0;
	vm0 =	vlt.s32 v1, $0x1FF;
	v2 =	vadd.s32 v2, v4  }
0x18f: {  	v0 =	vshll.u32 v0, $0xC;
	v1 =	vnsel vm0, $0x1FF, v1;
	v2 =	vand.u32 $0xFFFFFC00, v2  }
.Ltmp1:
0x190: {  	v4 =	vshll.u32 v1, $0x3;
	v1 =	vand.u32 $0x7F, v1;
	v2 =	vor.u32 v3, v2;
	(pc) =	sbr.rel @p0 .LBB2_4-.Ltmp1, $4  }
0x191: {  	v0 =	vadd.s32 v0, v4;
	v2 =	vadd.s32 $0x600380, v2  }
0x192: {  	s31 =	sadd.s32 $0x10, s31;
	v0 =	vand.u32 $0xFFFFFC00, v0;
	[tilespmem:s3+$0x4300] =	vst v2  }
0x193: {  	s14 =	sand.u32 $0x100, s0;
	s13 =	sand.u32 $0x70, s31;
	v0 =	vor.u32 v1, v0  }
0x194: {  	s0 =	sadd.s32 $0x20, s0;
	s13 =	sor.u32 s13, s14;
	[tilespmem:s3+$0x2400] =	vst v0  }
0x195: {  	v0 =	vld [tilespmem:s13+$0x200]  }
0x196: {  	v1 =	vld [tilespmem:s13+$0x280];
	_ =	sdelay $0x3  }
0x197: {  	v2 =	vmul.f32 $5.120000000e+02, v0  }
0x198: {  	v3 =	vmul.f32 $5.120000000e+02, v1  }
0x199: {  	v4 =	vadd.f32 $9.062500000e-01, v2  }
0x19a: {  	v5 =	vadd.f32 $9.062500000e-01, v3;
	v6 =	vadd.f32 $8.750000000e-01, v2  }
0x19b: {  	v7 =	vadd.f32 $8.750000000e-01, v3;
	v8 =	vadd.f32 $8.437500000e-01, v2  }
0x19c: {  	v9 =	vadd.f32 $8.437500000e-01, v3;
	v10 =	vadd.f32 $8.125000000e-01, v2  }
0x19d: {  	v0 =	vtrunc.f32 v2;
	v35 =	vadd.f32 $8.125000000e-01, v3;
	v37 =	vadd.f32 $7.812500000e-01, v2  }
0x19e: {  	v1 =	vtrunc.f32 v3;
	v44 =	vadd.f32 $7.500000000e-01, v2;
	v13 =	vadd.f32 $7.187500000e-01, v3  }
0x19f: {  	v54 =	vadd.f32 $6.875000000e-01, v2;
	v0 =	vcvt.f32.s32 v0;
	v1 =	vcvt.f32.s32 v1  }
0x1a0: {  	v14 =	vadd.f32 $6.875000000e-01, v3;
	v4 =	vtrunc.f32 v4;
	v5 =	vtrunc.f32 v5  }
0x1a1: {  	v57 =	vadd.f32 $6.562500000e-01, v2;
	v6 =	vtrunc.f32 v6;
	v7 =	vtrunc.f32 v7  }
0x1a2: {  	v15 =	vadd.f32 $6.562500000e-01, v3;
	v32 =	vtrunc.f32 v8;
	v33 =	vtrunc.f32 v9  }
0x1a3: {  	v63 =	vadd.f32 $6.250000000e-01, v2;
	v34 =	vtrunc.f32 v10;
	v9 =	vtrunc.f32 v35  }
0x1a4: {  	v16 =	vadd.f32 $6.250000000e-01, v3;
	v42 =	vtrunc.f32 v37;
	v48 =	vtrunc.f32 v44  }
0x1a5: {  	v25 =	vadd.f32 $5.937500000e-01, v2;
	v13 =	vtrunc.f32 v13;
	v55 =	vtrunc.f32 v54  }
0x1a6: {  	v17 =	vadd.f32 $5.937500000e-01, v3;
	v14 =	vtrunc.f32 v14;
	v59 =	vtrunc.f32 v57  }
0x1a7: {  	v19 =	vadd.f32 $5.312500000e-01, v3;
	v61 =	vtrunc.f32 v15;
	v15 =	vtrunc.f32 v63  }
0x1a8: {  	v40 =	vadd.f32 $7.812500000e-01, v3;
	v16 =	vtrunc.f32 v16;
	v26 =	vtrunc.f32 v25  }
0x1a9: {  	v46 =	vadd.f32 $7.500000000e-01, v3;
	v17 =	vtrunc.f32 v17;
	v19 =	vtrunc.f32 v19  }
0x1aa: {  	v50 =	vadd.f32 $7.187500000e-01, v2;
	v4 =	vcvt.f32.s32 v4;
	v5 =	vcvt.f32.s32 v5  }
0x1ab: {  	v28 =	vadd.f32 $5.625000000e-01, v2;
	v6 =	vcvt.f32.s32 v6;
	v7 =	vcvt.f32.s32 v7  }
0x1ac: {  	v18 =	vadd.f32 $5.625000000e-01, v3;
	v8 =	vcvt.f32.s32 v33;
	v9 =	vcvt.f32.s32 v9  }
0x1ad: {  	v25 =	vadd.f32 $3.437500000e-01, v3;
	v53 =	vcvt.f32.s32 v13;
	v14 =	vcvt.f32.s32 v14  }
0x1ae: {  	v37 =	vadd.f32 $5.000000000e-01, v2;
	v23 =	vcvt.f32.s32 v15;
	v24 =	vcvt.f32.s32 v16  }
0x1af: {  	v17 =	vcvt.f32.s32 v17;
	v33 =	vadd.f32 $5.312500000e-01, v2;
	v25 =	vtrunc.f32 v25  }
0x1b0: {  	vm0 =	vlt.s32 v4, $0x1FF;
	vm1 =	vlt.s32 v5, $0x1FF;
	vm14 =	vlt.s32 v6, $0x1FF  }
0x1b1: {  	vm15 =	vlt.s32 v7, $0x1FF;
	vm5 =	vlt.s32 v8, $0x1FF;
	vm7 =	vlt.s32 v9, $0x1FF  }
0x1b2: {  	vm13 =	vlt.s32 v53, $0x1FF;
	v63 =	vcvt.f32.s32 v25;
	v4 =	vnsel vm0, $0x1FF, v4  }
0x1b3: {  	v5 =	vnsel vm1, $0x1FF, v5;
	v6 =	vnsel vm14, $0x1FF, v6;
	v7 =	vnsel vm15, $0x1FF, v7  }
0x1b4: {  	v8 =	vnsel vm5, $0x1FF, v8;
	v41 =	vnsel vm7, $0x1FF, v9;
	v9 =	vcvt.f32.s32 v42  }
0x1b5: {  	vm15 =	vlt.s32 v14, $0x1FF;
	vm7 =	vlt.s32 v24, $0x1FF;
	v4 =	vshll.u32 v4, $0xC  }
0x1b6: {  	v11 =	vshll.u32 v5, $0x3;
	v5 =	vand.u32 $0x7F, v5;
	v6 =	vshll.u32 v6, $0xC  }
0x1b7: {  	v29 =	vshll.u32 v7, $0x3;
	v31 =	vand.u32 $0x7F, v7;
	v7 =	vcvt.f32.s32 v32  }
0x1b8: {  	v36 =	vshll.u32 v8, $0x3;
	v8 =	vand.u32 $0x7F, v8;
	v43 =	vshll.u32 v41, $0x3  }
0x1b9: {  	v60 =	vnsel vm15, $0x1FF, v14;
	v14 =	vcvt.f32.s32 v61;
	v15 =	vnsel vm7, $0x1FF, v24  }
0x1ba: {  	v24 =	vadd.f32 $3.750000000e-01, v3;
	v4 =	vadd.s32 v4, v11;
	v30 =	vadd.s32 v6, v29  }
0x1bb: {  	v6 =	vcvt.f32.s32 v34;
	vm8 =	vlt.s32 v9, $0x1FF;
	v62 =	vshll.u32 v60, $0x3  }
0x1bc: {  	v13 =	vand.u32 $0x7F, v60;
	v27 =	vshll.u32 v15, $0x3;
	v15 =	vand.u32 $0x7F, v15  }
0x1bd: {  	v29 =	vtrunc.f32 v28;
	v60 =	vadd.f32 $3.437500000e-01, v2;
	v28 =	vadd.f32 $3.125000000e-01, v2  }
0x1be: {  	v4 =	vand.u32 $0xFFFFFC00, v4;
	vm4 =	vlt.s32 v7, $0x1FF;
	v47 =	vnsel vm8, $0x1FF, v9  }
0x1bf: {  	v9 =	vcvt.f32.s32 v48;
	vm5 =	vlt.s32 v14, $0x1FF;
	v4 =	vor.u32 v5, v4  }
0x1c0: {  	v5 =	vand.u32 $0xFFFFFC00, v30;
	v7 =	vnsel vm4, $0x1FF, v7;
	vm6 =	vlt.s32 v6, $0x1FF  }
0x1c1: {  	v14 =	vnsel vm5, $0x1FF, v14;
	v4 =	vadd.s32 $0x600280, v4;
	v5 =	vor.u32 v31, v5  }
0x1c2: {  	v7 =	vshll.u32 v7, $0xC;
	v6 =	vnsel vm6, $0x1FF, v6;
	vm10 =	vlt.s32 v9, $0x1FF  }
0x1c3: {  	v22 =	vshll.u32 v14, $0x3;
	v14 =	vand.u32 $0x7F, v14;
	vm6 =	vlt.s32 v23, $0x1FF  }
0x1c4: {  	v31 =	vtrunc.f32 v18;
	v18 =	vtrunc.f32 v33;
	v5 =	vadd.s32 $0x600200, v5  }
0x1c5: {  	v7 =	vadd.s32 v7, v36;
	v38 =	vshll.u32 v6, $0xC;
	v9 =	vnsel vm10, $0x1FF, v9  }
0x1c6: {  	v35 =	vcvt.f32.s32 v18;
	v36 =	vcvt.f32.s32 v19;
	v7 =	vand.u32 $0xFFFFFC00, v7  }
0x1c7: {  	v10 =	vadd.s32 v38, v43;
	v9 =	vshll.u32 v9, $0xC;
	v38 =	vtrunc.f32 v37  }
0x1c8: {  	v37 =	vadd.f32 $2.500000000e-01, v2;
	v39 =	vor.u32 v8, v7;
	v8 =	vand.u32 $0x7F, v41  }
0x1c9: {  	v7 =	vtrunc.f32 v40;
	v45 =	vand.u32 $0xFFFFFC00, v10;
	v10 =	vtrunc.f32 v46  }
0x1ca: {  	v40 =	vadd.f32 $4.687500000e-01, v2;
	v46 =	vadd.f32 $4.375000000e-01, v2;
	v12 =	vcvt.f32.s32 v7  }
0x1cb: {  	v6 =	vadd.s32 $0x600180, v39;
	v7 =	vor.u32 v8, v45;
	v10 =	vcvt.f32.s32 v10  }
0x1cc: {  	v8 =	vshll.u32 v47, $0xC;
	v7 =	vadd.s32 $0x600100, v7;
	vm9 =	vlt.s32 v12, $0x1FF  }
0x1cd: {  	v42 =	vtrunc.f32 v40;
	vm11 =	vlt.s32 v10, $0x1FF;
	v49 =	vnsel vm9, $0x1FF, v12  }
0x1ce: {  	v10 =	vnsel vm11, $0x1FF, v10;
	vm9 =	vlt.s32 v17, $0x1FF;
	v12 =	vshll.u32 v49, $0x3  }
0x1cf: {  	v11 =	vand.u32 $0x7F, v49;
	v51 =	vshll.u32 v10, $0x3;
	v10 =	vand.u32 $0x7F, v10  }
0x1d0: {  	v30 =	vnsel vm9, $0x1FF, v17;
	v17 =	vcvt.f32.s32 v31;
	v31 =	vadd.f32 $2.812500000e-01, v2  }
0x1d1: {  	v8 =	vadd.s32 v8, v12;
	v12 =	vtrunc.f32 v50;
	v9 =	vadd.s32 v9, v51  }
0x1d2: {  	v32 =	vshll.u32 v30, $0x3;
	v16 =	vand.u32 $0x7F, v30;
	v8 =	vand.u32 $0xFFFFFC00, v8  }
0x1d3: {  	v52 =	vcvt.f32.s32 v12;
	v9 =	vand.u32 $0xFFFFFC00, v9;
	v12 =	vnsel vm13, $0x1FF, v53  }
0x1d4: {  	vm11 =	vlt.s32 v17, $0x1FF;
	vm13 =	vlt.s32 v36, $0x1FF;
	v33 =	vtrunc.f32 v31  }
0x1d5: {  	v31 =	vadd.f32 $1.562500000e-01, v3;
	v8 =	vor.u32 v11, v8;
	v9 =	vor.u32 v10, v9  }
0x1d6: {  	v56 =	vshll.u32 v12, $0x3;
	v12 =	vand.u32 $0x7F, v12;
	v10 =	vcvt.f32.s32 v55  }
0x1d7: {  	v34 =	vnsel vm11, $0x1FF, v17;
	v18 =	vnsel vm13, $0x1FF, v36;
	v55 =	vadd.f32 $3.750000000e-01, v2  }
0x1d8: {  	vm13 =	vlt.s32 v63, $0x1FF;
	v8 =	vadd.s32 $0x600080, v8;
	vm12 =	vlt.s32 v52, $0x1FF  }
0x1d9: {  	v9 =	vadd.s32 $0x600000, v9;
	v17 =	vshll.u32 v34, $0x3;
	v39 =	vshll.u32 v18, $0x3  }
0x1da: {  	v18 =	vand.u32 $0x7F, v18;
	v31 =	vtrunc.f32 v31;
	v11 =	vnsel vm12, $0x1FF, v52  }
0x1db: {  	vm14 =	vlt.s32 v10, $0x1FF;
	v52 =	vadd.f32 $4.062500000e-01, v2;
	v11 =	vshll.u32 v11, $0xC  }
0x1dc: {  	vm12 =	vlt.s32 v35, $0x1FF;
	v58 =	vnsel vm14, $0x1FF, v10;
	v11 =	vadd.s32 v11, v56  }
0x1dd: {  	v53 =	vtrunc.f32 v52;
	v56 =	vtrunc.f32 v55;
	v11 =	vand.u32 $0xFFFFFC00, v11  }
0x1de: {  	v55 =	vadd.f32 $1.250000000e-01, v2;
	v11 =	vor.u32 v12, v11;
	v12 =	vshll.u32 v58, $0xC  }
0x1df: {  	v58 =	vtrunc.f32 v24;
	v24 =	vtrunc.f32 v60;
	v10 =	vadd.s32 $0x400380, v11  }
0x1e0: {  	v11 =	vcvt.f32.s32 v59;
	v12 =	vadd.s32 v12, v62;
	v62 =	vcvt.f32.s32 v24  }
0x1e1: {  	v24 =	vnsel vm13, $0x1FF, v63;
	v63 =	vadd.f32 $6.250000000e-02, v2;
	v12 =	vand.u32 $0xFFFFFC00, v12  }
0x1e2: {  	v30 =	vshll.u32 v24, $0x3;
	v24 =	vand.u32 $0x7F, v24;
	vm4 =	vlt.s32 v11, $0x1FF  }
0x1e3: {  	v12 =	vor.u32 v13, v12;
	v13 =	vnsel vm6, $0x1FF, v23;
	v23 =	vadd.f32 $4.062500000e-01, v3  }
0x1e4: {  	v20 =	vnsel vm4, $0x1FF, v11;
	v11 =	vadd.s32 $0x400300, v12;
	v13 =	vshll.u32 v13, $0xC  }
0x1e5: {  	v21 =	vshll.u32 v20, $0xC;
	v13 =	vadd.s32 v13, v27;
	v20 =	vadd.f32 $5.000000000e-01, v3  }
0x1e6: {  	v23 =	vtrunc.f32 v23;
	v27 =	vadd.f32 $2.812500000e-01, v3;
	v12 =	vadd.s32 v21, v22  }
0x1e7: {  	v13 =	vand.u32 $0xFFFFFC00, v13;
	v21 =	vadd.f32 $4.687500000e-01, v3;
	v22 =	vadd.f32 $4.375000000e-01, v3  }
0x1e8: {  	v23 =	vcvt.f32.s32 v23;
	v13 =	vor.u32 v15, v13;
	v15 =	vcvt.f32.s32 v29  }
0x1e9: {  	v12 =	vand.u32 $0xFFFFFC00, v12;
	v20 =	vtrunc.f32 v20;
	v29 =	vtrunc.f32 v28  }
0x1ea: {  	v28 =	vadd.f32 $2.500000000e-01, v3;
	v12 =	vor.u32 v14, v12;
	v14 =	vcvt.f32.s32 v26  }
0x1eb: {  	v13 =	vadd.s32 $0x400200, v13;
	v20 =	vcvt.f32.s32 v20;
	v44 =	vtrunc.f32 v21  }
0x1ec: {  	v21 =	vtrunc.f32 v46;
	v22 =	vtrunc.f32 v22;
	vm9 =	vlt.s32 v23, $0x1FF  }
0x1ed: {  	v26 =	vadd.f32 $3.125000000e-01, v3;
	v46 =	vadd.f32 $1.875000000e-01, v2;
	v12 =	vadd.s32 $0x400280, v12  }
0x1ee: {  	vm10 =	vlt.s32 v15, $0x1FF;
	v50 =	vcvt.f32.s32 v21;
	v51 =	vcvt.f32.s32 v22  }
0x1ef: {  	v57 =	vnsel vm9, $0x1FF, v23;
	v23 =	vcvt.f32.s32 v58;
	v28 =	vtrunc.f32 v28  }
0x1f0: {  	v58 =	vadd.f32 $9.375000000e-02, v2;
	vm8 =	vlt.s32 v14, $0x1FF;
	v15 =	vnsel vm10, $0x1FF, v15  }
0x1f1: {  	vm15 =	vlt.s32 v20, $0x1FF;
	v59 =	vshll.u32 v57, $0x3;
	v22 =	vand.u32 $0x7F, v57  }
0x1f2: {  	v26 =	vtrunc.f32 v26;
	v14 =	vnsel vm8, $0x1FF, v14;
	v15 =	vshll.u32 v15, $0xC  }
0x1f3: {  	v43 =	vnsel vm15, $0x1FF, v20;
	v20 =	vcvt.f32.s32 v44;
	vm6 =	vlt.s32 v50, $0x1FF  }
0x1f4: {  	vm7 =	vlt.s32 v51, $0x1FF;
	vm11 =	vlt.s32 v23, $0x1FF;
	v26 =	vcvt.f32.s32 v26  }
0x1f5: {  	v14 =	vshll.u32 v14, $0xC;
	v15 =	vadd.s32 v15, v17;
	v17 =	vnsel vm12, $0x1FF, v35  }
0x1f6: {  	v45 =	vshll.u32 v43, $0x3;
	v19 =	vand.u32 $0x7F, v43;
	v21 =	vnsel vm7, $0x1FF, v51  }
0x1f7: {  	v61 =	vnsel vm11, $0x1FF, v23;
	vm12 =	vlt.s32 v62, $0x1FF;
	v35 =	vtrunc.f32 v27  }
0x1f8: {  	v27 =	vtrunc.f32 v37;
	v43 =	vadd.f32 $2.187500000e-01, v2;
	v51 =	vadd.f32 $1.562500000e-01, v2  }
0x1f9: {  	v14 =	vadd.s32 v14, v32;
	v15 =	vand.u32 $0xFFFFFC00, v15;
	v17 =	vshll.u32 v17, $0xC  }
0x1fa: {  	vm5 =	vlt.s32 v20, $0x1FF;
	v54 =	vshll.u32 v21, $0x3;
	v21 =	vand.u32 $0x7F, v21  }
0x1fb: {  	v23 =	vshll.u32 v61, $0x3;
	vm15 =	vlt.s32 v26, $0x1FF;
	v14 =	vand.u32 $0xFFFFFC00, v14  }
0x1fc: {  	v17 =	vadd.s32 v17, v39;
	v20 =	vnsel vm5, $0x1FF, v20;
	v44 =	vtrunc.f32 v43  }
0x1fd: {  	v43 =	vadd.f32 $3.125000000e-02, v2;
	v14 =	vor.u32 v16, v14;
	v16 =	vand.u32 $0x7F, v34  }
0x1fe: {  	v17 =	vand.u32 $0xFFFFFC00, v17;
	v49 =	vshll.u32 v20, $0x3;
	v20 =	vand.u32 $0x7F, v20  }
0x1ff: {  	v34 =	vnsel vm15, $0x1FF, v26;
	v26 =	vcvt.f32.s32 v35;
	v14 =	vadd.s32 $0x400180, v14  }
0x200: {  	v15 =	vor.u32 v16, v15;
	v16 =	vcvt.f32.s32 v38;
	v17 =	vor.u32 v18, v17  }
0x201: {  	s0 =	sand.u32 $0xF0, s31;
	v36 =	vshll.u32 v34, $0x3;
	v25 =	vand.u32 $0x7F, v34;
	v34 =	vadd.f32 $6.250000000e-02, v3  }
0x202: {  	[tilespmem:s0+$0x3D00] =	vst v8;
	v8 =	vtrunc.f32 v43;
	v15 =	vadd.s32 $0x400100, v15;
	vm5 =	vlt.s32 v26, $0x1FF  }
0x203: {  	v8 =	vcvt.f32.s32 v8;
	vm14 =	vlt.s32 v16, $0x1FF;
	v26 =	vnsel vm5, $0x1FF, v26  }
0x204: {  	v41 =	vnsel vm14, $0x1FF, v16;
	v16 =	vadd.s32 $0x400080, v17;
	v17 =	vcvt.f32.s32 v42  }
0x205: {  	v40 =	vshll.u32 v26, $0x3;
	v42 =	vcvt.f32.s32 v28;
	v18 =	vshll.u32 v41, $0xC  }
0x206: {  	v26 =	vand.u32 $0x7F, v26;
	v41 =	vcvt.f32.s32 v27;
	v18 =	vadd.s32 v18, v45  }
0x207: {  	vm4 =	vlt.s32 v17, $0x1FF;
	vm7 =	vlt.s32 v42, $0x1FF;
	v18 =	vand.u32 $0xFFFFFC00, v18  }
0x208: {  	v47 =	vnsel vm4, $0x1FF, v17;
	v27 =	vnsel vm7, $0x1FF, v42;
	v18 =	vor.u32 v19, v18  }
0x209: {  	v48 =	vshll.u32 v47, $0xC;
	v19 =	vnsel vm6, $0x1FF, v50;
	vm6 =	vlt.s32 v41, $0x1FF  }
0x20a: {  	v45 =	vshll.u32 v27, $0x3;
	v27 =	vand.u32 $0x7F, v27;
	v47 =	vtrunc.f32 v46  }
0x20b: {  	v46 =	vadd.f32 $9.375000000e-01, v2;
	v17 =	vadd.s32 $0x400000, v18;
	v18 =	vadd.s32 v48, v49  }
0x20c: {  	v2 =	vadd.f32 $9.687500000e-01, v2;
	v19 =	vshll.u32 v19, $0xC;
	v18 =	vand.u32 $0xFFFFFC00, v18  }
0x20d: {  	[tilespmem:s0+$0x3B00] =	vst v10;
	v19 =	vadd.s32 v19, v54;
	v54 =	vcvt.f32.s32 v31;
	v10 =	vtrunc.f32 v46  }
0x20e: {  	v2 =	vtrunc.f32 v2;
	v18 =	vor.u32 v20, v18;
	v20 =	vcvt.f32.s32 v53  }
0x20f: {  	v19 =	vand.u32 $0xFFFFFC00, v19;
	v10 =	vcvt.f32.s32 v10;
	v2 =	vcvt.f32.s32 v2  }
0x210: {  	v19 =	vor.u32 v21, v19;
	v21 =	vcvt.f32.s32 v56;
	vm8 =	vlt.s32 v20, $0x1FF  }
0x211: {  	v18 =	vadd.s32 $0x200380, v18;
	vm13 =	vlt.s32 v54, $0x1FF;
	v20 =	vnsel vm8, $0x1FF, v20  }
0x212: {  	v56 =	vtrunc.f32 v55;
	vm10 =	vlt.s32 v21, $0x1FF;
	v20 =	vshll.u32 v20, $0xC  }
0x213: {  	v19 =	vadd.s32 $0x200300, v19;
	v21 =	vnsel vm10, $0x1FF, v21;
	v20 =	vadd.s32 v20, v59  }
0x214: {  	v21 =	vshll.u32 v21, $0xC;
	v59 =	vtrunc.f32 v58;
	v20 =	vand.u32 $0xFFFFFC00, v20  }
0x215: {  	v21 =	vadd.s32 v21, v23;
	v23 =	vnsel vm12, $0x1FF, v62;
	v20 =	vor.u32 v22, v20  }
0x216: {  	v22 =	vand.u32 $0x7F, v61;
	v21 =	vand.u32 $0xFFFFFC00, v21;
	v23 =	vshll.u32 v23, $0xC  }
0x217: {  	v21 =	vor.u32 v22, v21;
	v22 =	vcvt.f32.s32 v29;
	v29 =	vadd.f32 $2.187500000e-01, v3  }
0x218: {  	v20 =	vadd.s32 $0x200280, v20;
	v23 =	vadd.s32 v23, v30;
	v30 =	vadd.f32 $1.875000000e-01, v3  }
0x219: {  	v23 =	vand.u32 $0xFFFFFC00, v23;
	vm14 =	vlt.s32 v22, $0x1FF;
	v29 =	vtrunc.f32 v29  }
0x21a: {  	v23 =	vor.u32 v24, v23;
	v49 =	vtrunc.f32 v30;
	v30 =	vtrunc.f32 v51  }
0x21b: {  	v32 =	vnsel vm14, $0x1FF, v22;
	v22 =	vadd.s32 $0x200180, v23;
	v23 =	vcvt.f32.s32 v33  }
0x21c: {  	v21 =	vadd.s32 $0x200200, v21;
	v29 =	vcvt.f32.s32 v29;
	v53 =	vcvt.f32.s32 v30  }
0x21d: {  	v30 =	vnsel vm13, $0x1FF, v54;
	v33 =	vadd.f32 $9.375000000e-02, v3;
	v24 =	vshll.u32 v32, $0xC  }
0x21e: {  	v32 =	vadd.f32 $1.250000000e-01, v3;
	v57 =	vshll.u32 v30, $0x3;
	v30 =	vand.u32 $0x7F, v30  }
0x21f: {  	v24 =	vadd.s32 v24, v36;
	vm4 =	vlt.s32 v23, $0x1FF;
	vm9 =	vlt.s32 v29, $0x1FF  }
0x220: {  	vm12 =	vlt.s32 v53, $0x1FF;
	v61 =	vtrunc.f32 v33;
	v24 =	vand.u32 $0xFFFFFC00, v24  }
0x221: {  	v38 =	vnsel vm4, $0x1FF, v23;
	v48 =	vnsel vm9, $0x1FF, v29;
	v29 =	vcvt.f32.s32 v49  }
0x222: {  	v32 =	vtrunc.f32 v32;
	v24 =	vor.u32 v25, v24;
	v39 =	vshll.u32 v38, $0xC  }
0x223: {  	v25 =	vnsel vm6, $0x1FF, v41;
	v50 =	vshll.u32 v48, $0x3;
	v28 =	vand.u32 $0x7F, v48  }
0x224: {  	v32 =	vcvt.f32.s32 v32;
	v23 =	vadd.s32 $0x200100, v24;
	v24 =	vadd.s32 v39, v40  }
0x225: {  	v25 =	vshll.u32 v25, $0xC;
	vm11 =	vlt.s32 v29, $0x1FF;
	v39 =	vtrunc.f32 v63  }
0x226: {  	v40 =	vtrunc.f32 v34;
	v24 =	vand.u32 $0xFFFFFC00, v24;
	v25 =	vadd.s32 v25, v45  }
0x227: {  	v52 =	vnsel vm11, $0x1FF, v29;
	vm15 =	vlt.s32 v32, $0x1FF;
	v41 =	vcvt.f32.s32 v39  }
0x228: {  	v42 =	vcvt.f32.s32 v40;
	v24 =	vor.u32 v26, v24;
	v26 =	vcvt.f32.s32 v44  }
0x229: {  	v25 =	vand.u32 $0xFFFFFC00, v25;
	v29 =	vshll.u32 v52, $0x3;
	v60 =	vnsel vm15, $0x1FF, v32  }
0x22a: {  	v32 =	vcvt.f32.s32 v61;
	v44 =	vadd.f32 $3.125000000e-02, v3;
	vm15 =	vlt.s32 v1, $0x1FF  }
0x22b: {  	v24 =	vadd.s32 $0x200080, v24;
	v25 =	vor.u32 v27, v25;
	v27 =	vcvt.f32.s32 v47  }
0x22c: {  	v62 =	vshll.u32 v60, $0x3;
	v31 =	vand.u32 $0x7F, v60;
	vm6 =	vlt.s32 v41, $0x1FF  }
0x22d: {  	vm7 =	vlt.s32 v42, $0x1FF;
	v47 =	vadd.f32 $9.375000000e-01, v3;
	v3 =	vadd.f32 $9.687500000e-01, v3  }
0x22e: {  	[tilespmem:s0+$0x3F00] =	vst v6;
	v1 =	vnsel vm15, $0x1FF, v1;
	vm8 =	vlt.s32 v26, $0x1FF;
	v25 =	vadd.s32 $0x200000, v25  }
0x22f: {  	[tilespmem:s0+$0x3E00] =	vst v7;
	vm5 =	vlt.s32 v32, $0x1FF;
	v6 =	vnsel vm6, $0x1FF, v41;
	v7 =	vnsel vm7, $0x1FF, v42  }
0x230: {  	[tilespmem:s0+$0x3C00] =	vst v9;
	v9 =	vtrunc.f32 v44;
	v26 =	vnsel vm8, $0x1FF, v26;
	vm10 =	vlt.s32 v27, $0x1FF  }
0x231: {  	v37 =	vnsel vm5, $0x1FF, v32;
	v6 =	vshll.u32 v6, $0xC;
	v45 =	vshll.u32 v7, $0x3  }
0x232: {  	v7 =	vand.u32 $0x7F, v7;
	v9 =	vcvt.f32.s32 v9;
	vm8 =	vlt.s32 v8, $0x1FF  }
0x233: {  	v3 =	vtrunc.f32 v3;
	v26 =	vshll.u32 v26, $0xC;
	v27 =	vnsel vm10, $0x1FF, v27  }
0x234: {  	v38 =	vshll.u32 v37, $0x3;
	v6 =	vadd.s32 v6, v45;
	v8 =	vnsel vm8, $0x1FF, v8  }
0x235: {  	vm10 =	vlt.s32 v10, $0x1FF;
	v3 =	vcvt.f32.s32 v3;
	v26 =	vadd.s32 v26, v50  }
0x236: {  	[tilespmem:s0+$0x4100] =	vst v4;
	v27 =	vshll.u32 v27, $0xC;
	v6 =	vand.u32 $0xFFFFFC00, v6;
	vm9 =	vlt.s32 v9, $0x1FF  }
0x237: {  	[tilespmem:s0+$0x4000] =	vst v5;
	v8 =	vshll.u32 v8, $0xC;
	v49 =	vnsel vm10, $0x1FF, v10;
	v26 =	vand.u32 $0xFFFFFC00, v26  }
0x238: {  	[tilespmem:s0+$0x3A00] =	vst v11;
	v27 =	vadd.s32 v27, v29;
	v29 =	vnsel vm12, $0x1FF, v53;
	v6 =	vor.u32 v6, v7  }
0x239: {  	[tilespmem:s0+$0x3800] =	vst v13;
	v9 =	vnsel vm9, $0x1FF, v9;
	v7 =	vtrunc.f32 v47;
	vm12 =	vlt.s32 v2, $0x1FF  }
0x23a: {  	[tilespmem:s0+$0x3900] =	vst v12;
	vm13 =	vlt.s32 v3, $0x1FF;
	v26 =	vor.u32 v26, v28;
	v28 =	vand.u32 $0x7F, v52  }
0x23b: {  	[tilespmem:s0+$0x3700] =	vst v14;
	v27 =	vand.u32 $0xFFFFFC00, v27;
	v29 =	vshll.u32 v29, $0xC;
	v6 =	vor.u32 $0x100, v6  }
0x23c: {  	[tilespmem:s0+$0x3600] =	vst v15;
	v48 =	vshll.u32 v9, $0x3;
	v9 =	vand.u32 $0x7F, v9;
	v7 =	vcvt.f32.s32 v7  }
0x23d: {  	[tilespmem:s0+$0x3500] =	vst v16;
	v2 =	vnsel vm12, $0x1FF, v2;
	v3 =	vnsel vm13, $0x1FF, v3;
	v52 =	vshll.u32 v1, $0x3  }
0x23e: {  	[tilespmem:s0+$0x3400] =	vst v17;
	v1 =	vand.u32 $0x7F, v1;
	v26 =	vor.u32 $0x380, v26;
	v27 =	vor.u32 v27, v28  }
0x23f: {  	[tilespmem:s0+$0x3300] =	vst v18;
	v28 =	vcvt.f32.s32 v56;
	v29 =	vadd.s32 v29, v57;
	v8 =	vadd.s32 v8, v48  }
0x240: {  	[tilespmem:s0+$0x3200] =	vst v19;
	v2 =	vshll.u32 v2, $0xC;
	v51 =	vshll.u32 v3, $0x3;
	v3 =	vand.u32 $0x7F, v3  }
0x241: {  	[tilespmem:s0+$0x3100] =	vst v20;
	v27 =	vor.u32 $0x300, v27;
	v29 =	vand.u32 $0xFFFFFC00, v29;
	v8 =	vand.u32 $0xFFFFFC00, v8  }
0x242: {  	[tilespmem:s0+$0x3000] =	vst v21;
	vm11 =	vlt.s32 v7, $0x1FF;
	v2 =	vadd.s32 v2, v51;
	vm14 =	vlt.s32 v28, $0x1FF  }
0x243: {  	[tilespmem:s0+$0x2F00] =	vst v22;
	v29 =	vor.u32 v29, v30;
	v30 =	vcvt.f32.s32 v59;
	v8 =	vor.u32 v8, v9  }
0x244: {  	[tilespmem:s0+$0x2E00] =	vst v23;
	v7 =	vnsel vm11, $0x1FF, v7;
	v9 =	vshll.u32 v49, $0xC;
	v2 =	vand.u32 $0xFFFFFC00, v2  }
0x245: {  	[tilespmem:s0+$0x2D00] =	vst v24;
	v28 =	vnsel vm14, $0x1FF, v28;
	v29 =	vor.u32 $0x280, v29;
	v8 =	vor.u32 $0x80, v8  }
0x246: {  	[tilespmem:s0+$0x2C00] =	vst v25;
	v50 =	vshll.u32 v7, $0x3;
	v7 =	vand.u32 $0x7F, v7;
	vm14 =	vlt.s32 v0, $0x1FF  }
0x247: {  	[tilespmem:s0+$0x2600] =	vst v6;
	v2 =	vor.u32 v3, v2;
	v28 =	vshll.u32 v28, $0xC;
	vm4 =	vlt.s32 v30, $0x1FF  }
0x248: {  	[tilespmem:s0+$0x2B00] =	vst v26;
	v9 =	vadd.s32 v9, v50;
	v0 =	vnsel vm14, $0x1FF, v0;
	v2 =	vadd.s32 $0x600380, v2  }
0x249: {  	[tilespmem:s0+$0x2A00] =	vst v27;
	v28 =	vadd.s32 v28, v62;
	v36 =	vnsel vm4, $0x1FF, v30;
	v9 =	vand.u32 $0xFFFFFC00, v9  }
0x24a: {  	[tilespmem:s0+$0x2900] =	vst v29;
	v0 =	vshll.u32 v0, $0xC;
	v28 =	vand.u32 $0xFFFFFC00, v28;
	v5 =	vshll.u32 v36, $0xC  }
0x24b: {  	[tilespmem:s0+$0x2500] =	vst v8;
	v7 =	vor.u32 v7, v9;
	v0 =	vadd.s32 v0, v52;
	v35 =	vor.u32 v28, v31  }
0x24c: {  	[tilespmem:s0+$0x4300] =	vst v2;
	v28 =	vand.u32 $0x7F, v37;
	v5 =	vadd.s32 v5, v38;
	v53 =	vadd.s32 $0x600300, v7  }
0x24d: {  	v0 =	vand.u32 $0xFFFFFC00, v0;
	v4 =	vor.u32 $0x200, v35;
	v5 =	vand.u32 $0xFFFFFC00, v5;
	[tilespmem:s0+$0x4200] =	vst v53  }
0x24e: {  	v0 =	vor.u32 v1, v0;
	v5 =	vor.u32 v5, v28;
	[tilespmem:s0+$0x2800] =	vst v4  }
0x24f: {  	[tilespmem:s0+$0x2400] =	vst v0;
	v5 =	vor.u32 $0x180, v5  }
0x250: {  	s13 =	simm.s32 $0x6400;
	[tilespmem:s0+$0x2700] =	vst v5  }
0x251: {  	[tilespmem:s13], [sflag:$0x4] =	stream.indirect.gather [hbm4b:s1+s11], $0x1, s16, s11, $0xb8;
	[tilespmem:$0x10C00] =	vst v63  }
0x252: {  	s14 =	simm.s32 $0xA400  }
0x253: {  	[tilespmem:s14], [sflag:$0x5] =	stream.indirect.gather [hbm4b:s2+s11], $0x1, s16, s11, $0xb8;
	[tilespmem:$0x10C00] =	vst v63  }
0x254: {  	_ = 	snop  }
0x255: {  	[tilespmem:s19], [sflag:$0x6] =	stream.indirect.gather [hbm4b:s4+s11], $0x1, s16, s11, $0xb8;
	[tilespmem:$0x10C00] =	vst v63  }
0x256: {  	_ =	swait.ge [sflag:s20], $0x2000  }
0x257: {  	[sflag:s20] =	ssyncset.done $0x0  }
0x258: {  	[sflag:s20] =	ssyncadd.s32 $0xFFFFE000  }
0x259: {  	_ =	swait.ge [sflag:s21], $0x2000  }
0x25a: {  	[sflag:s21] =	ssyncset.done $0x0  }
0x25b: {  	[sflag:s21] =	ssyncadd.s32 $0xFFFFE000  }
0x25c: {  	_ =	swait.ge [sflag:s22], $0x2000  }
0x25d: {  	[sflag:s22] =	ssyncset.done $0x0  }
0x25e: {  	s0 =	simm.s32 $0x9400;
	[sflag:s22] =	ssyncadd.s32 $0xFFFFE000  }
0x25f: {  	s15 =	simm.s32 $0xD400;
	v0 =	vld [tilespmem:s0+$0xFFFFFC00]  }
0x260: {  	v1 =	vld [tilespmem:s15+$0xFFFFFA00]  }
0x261: {  	v2 =	vld [tilespmem:s0+$0xFFFFFB00]  }
0x262: {  	v3 =	vld [tilespmem:s15+$0xFFFFF900]  }
0x263: {  	v4 =	vld [tilespmem:s0+$0xFFFFFA00]  }
0x264: {  	v5 =	vld [tilespmem:s15+$0xFFFFF800]  }
0x265: {  	s3 =	simm.s32 $0x5400;
	v6 =	vld [tilespmem:s0+$0xFFFFF900]  }
0x266: {  	v7 =	vld [tilespmem:s3+$0xFFFFF900]  }
0x267: {  	v8 =	vld [tilespmem:s15+$0xFFFFF700]  }
0x268: {  	v9 =	vld [tilespmem:s0+$0xFFFFF800]  }
0x269: {  	v10 =	vld [tilespmem:s3+$0xFFFFF800]  }
0x26a: {  	v11 =	vld [tilespmem:s15+$0xFFFFF600]  }
0x26b: {  	v12 =	vld [tilespmem:s0+$0xFFFFF700]  }
0x26c: {  	v13 =	vld [tilespmem:s3+$0xFFFFF700]  }
0x26d: {  	v14 =	vld [tilespmem:s15+$0xFFFFF500]  }
0x26e: {  	v15 =	vld [tilespmem:s0+$0xFFFFF600]  }
0x26f: {  	v16 =	vld [tilespmem:s3+$0xFFFFF600]  }
0x270: {  	v17 =	vld [tilespmem:s15+$0xFFFFF400]  }
0x271: {  	v54 =	vld [tilespmem:s0+$0xFFFFF500]  }
0x272: {  	v55 =	vld [tilespmem:s3+$0xFFFFF500]  }
0x273: {  	v56 =	vld [tilespmem:s15+$0xFFFFF300]  }
0x274: {  	v57 =	vld [tilespmem:s0+$0xFFFFF400]  }
0x275: {  	v58 =	vld [tilespmem:s3+$0xFFFFF400]  }
0x276: {  	v59 =	vld [tilespmem:s15+$0xFFFFF200]  }
0x277: {  	v60 =	vld [tilespmem:s0+$0xFFFFF300]  }
0x278: {  	v61 =	vld [tilespmem:s3+$0xFFFFF300]  }
0x279: {  	v62 =	vld [tilespmem:s15+$0xFFFFF100]  }
0x27a: {  	v63 =	vld [tilespmem:s0+$0xFFFFF200]  }
0x27b: {  	v28 =	vld [tilespmem:s15+$0xFFFFFC00]  }
0x27c: {  	v40 =	vld [tilespmem:s15+$0xFFFFF000]  }
0x27d: {  	v41 =	vld [tilespmem:s0+$0xFFFFF100]  }
0x27e: {  	v42 =	vld [tilespmem:s15+$0xFFFFFB00]  }
0x27f: {  	v43 =	vld [tilespmem:s0+$0xFFFFF000]  }
0x280: {  	v44 =	vld [tilespmem:s3+$0xFFFFF000]  }
0x281: {  	v45 =	vld [tilespmem:s0+$0xFFFFFD00]  }
0x282: {  	v35 =	vld [tilespmem:s3+$0xFFFFF100]  }
0x283: {  	v36 =	vld [tilespmem:s15+$0xFFFFFD00]  }
0x284: {  	v37 =	vld [tilespmem:s3+$0xFFFFF200];
	v32 =	vadd.f32 $0.0e+00, v43  }
0x285: {  	v38 =	vld [tilespmem:s0+$0xFFFFFF00];
	v33 =	vadd.f32 $0.0e+00, v44  }
0x286: {  	v46 =	vld [tilespmem:s15+$0xFFFFFF00];
	v30 =	vadd.f32 v41, v32  }
0x287: {  	v47 =	vld [tilespmem:s0+$0x0];
	v29 =	vadd.f32 $0.0e+00, v40;
	v33 =	vadd.f32 v35, v33  }
0x288: {  	v48 =	vld [tilespmem:s0+$0x100];
	v27 =	vadd.f32 v63, v30  }
0x289: {  	v50 =	vld [tilespmem:s15+$0x0];
	v26 =	vadd.f32 v62, v29;
	v49 =	vadd.f32 v37, v33  }
0x28a: {  	v51 =	vld [tilespmem:s0+$0x200];
	v24 =	vadd.f32 v60, v27  }
0x28b: {  	v52 =	vld [tilespmem:s15+$0x500];
	v23 =	vadd.f32 v59, v26;
	v25 =	vadd.f32 v61, v49  }
0x28c: {  	v53 =	vld [tilespmem:s0+$0x300];
	v21 =	vadd.f32 v57, v24  }
0x28d: {  	v31 =	vld [tilespmem:s3+$0x100];
	v20 =	vadd.f32 v56, v23;
	v22 =	vadd.f32 v58, v25  }
0x28e: {  	v34 =	vld [tilespmem:s15+$0xD00];
	v18 =	vadd.f32 v54, v21  }
0x28f: {  	v39 =	vld [tilespmem:s3+$0x400];
	v17 =	vadd.f32 v17, v20;
	v19 =	vadd.f32 v55, v22  }
0x290: {  	v40 =	vld [tilespmem:s15+$0xA00];
	v15 =	vadd.f32 v15, v18  }
0x291: {  	v43 =	vld [tilespmem:s3+$0x600];
	v14 =	vadd.f32 v14, v17;
	v16 =	vadd.f32 v16, v19  }
0x292: {  	v44 =	vld [tilespmem:s15+$0x800];
	v12 =	vadd.f32 v12, v15  }
0x293: {  	v62 =	vld [tilespmem:s3+$0xFFFFFB00];
	v11 =	vadd.f32 v11, v14;
	v13 =	vadd.f32 v13, v16  }
0x294: {  	v60 =	vld [tilespmem:s3+$0xFFFFFA00];
	v9 =	vadd.f32 v9, v12  }
0x295: {  	v29 =	vld [tilespmem:s3+$0x0];
	v8 =	vadd.f32 v8, v11;
	v10 =	vadd.f32 v10, v13  }
0x296: {  	v35 =	vld [tilespmem:s3+$0x200];
	v6 =	vadd.f32 v6, v9  }
0x297: {  	v41 =	vld [tilespmem:s3+$0x500];
	v5 =	vadd.f32 v5, v8;
	v7 =	vadd.f32 v7, v10  }
0x298: {  	v10 =	vld [tilespmem:s3+$0xFFFFFC00];
	v4 =	vadd.f32 v4, v6  }
0x299: {  	v33 =	vld [tilespmem:s15+$0x600];
	v3 =	vadd.f32 v3, v5;
	v12 =	vadd.f32 v60, v7  }
0x29a: {  	v16 =	vld [tilespmem:s3+$0xFFFFFD00];
	v2 =	vadd.f32 v2, v4  }
0x29b: {  	v19 =	vld [tilespmem:s0+$0xFFFFFE00];
	v1 =	vadd.f32 v1, v3;
	v3 =	vadd.f32 v62, v12  }
0x29c: {  	v0 =	vadd.f32 v0, v2;
	v2 =	vld [tilespmem:s3+$0xFFFFFE00]  }
0x29d: {  	v25 =	vld [tilespmem:s3+$0xFFFFFF00];
	v1 =	vadd.f32 v42, v1;
	v3 =	vadd.f32 v10, v3  }
0x29e: {  	v13 =	vld [tilespmem:s15+$0xFFFFFE00];
	v0 =	vadd.f32 v45, v0  }
0x29f: {  	v59 =	vld [tilespmem:s0+$0x600];
	v1 =	vadd.f32 v28, v1;
	v3 =	vadd.f32 v16, v3  }
0x2a0: {  	v63 =	vld [tilespmem:s0+$0x800];
	v0 =	vadd.f32 v19, v0  }
0x2a1: {  	v37 =	vld [tilespmem:s3+$0x300];
	v1 =	vadd.f32 v36, v1;
	v2 =	vadd.f32 v2, v3  }
0x2a2: {  	v56 =	vld [tilespmem:s15+$0x300];
	v0 =	vadd.f32 v38, v0  }
0x2a3: {  	v61 =	vld [tilespmem:s0+$0x700];
	v1 =	vadd.f32 v13, v1;
	v2 =	vadd.f32 v25, v2  }
0x2a4: {  	v28 =	vld [tilespmem:s15+$0x100];
	v0 =	vadd.f32 v47, v0  }
0x2a5: {  	v49 =	vld [tilespmem:s3+$0x900];
	v1 =	vadd.f32 v46, v1;
	v2 =	vadd.f32 v29, v2  }
0x2a6: {  	v54 =	vld [tilespmem:s15+$0x200];
	v0 =	vadd.f32 v48, v0  }
0x2a7: {  	v55 =	vld [tilespmem:s0+$0x400];
	v1 =	vadd.f32 v50, v1;
	v2 =	vadd.f32 v31, v2  }
0x2a8: {  	v57 =	vld [tilespmem:s0+$0x500];
	v0 =	vadd.f32 v51, v0  }
0x2a9: {  	v58 =	vld [tilespmem:s15+$0x400];
	v1 =	vadd.f32 v28, v1;
	v2 =	vadd.f32 v35, v2  }
0x2aa: {  	v22 =	vld [tilespmem:s15+$0xF00];
	v0 =	vadd.f32 v53, v0  }
0x2ab: {  	v60 =	vld [tilespmem:s0+$0xF00];
	v1 =	vadd.f32 v54, v1;
	v2 =	vadd.f32 v37, v2  }
0x2ac: {  	v42 =	vld [tilespmem:s15+$0x700];
	v0 =	vadd.f32 v55, v0  }
0x2ad: {  	v36 =	vld [tilespmem:s15+$0xC00];
	v1 =	vadd.f32 v56, v1;
	v2 =	vadd.f32 v39, v2  }
0x2ae: {  	v45 =	vld [tilespmem:s3+$0x700];
	v0 =	vadd.f32 v57, v0  }
0x2af: {  	v38 =	vld [tilespmem:s15+$0xB00];
	v1 =	vadd.f32 v58, v1;
	v2 =	vadd.f32 v41, v2  }
0x2b0: {  	v47 =	vld [tilespmem:s3+$0x800];
	v0 =	vadd.f32 v59, v0  }
0x2b1: {  	v48 =	vld [tilespmem:s0+$0x900];
	v1 =	vadd.f32 v52, v1;
	v2 =	vadd.f32 v43, v2  }
0x2b2: {  	v46 =	vld [tilespmem:s15+$0x900];
	v0 =	vadd.f32 v61, v0  }
0x2b3: {  	v50 =	vld [tilespmem:s0+$0xA00];
	v1 =	vadd.f32 v33, v1;
	v2 =	vadd.f32 v45, v2  }
0x2b4: {  	v51 =	vld [tilespmem:s3+$0xA00];
	v0 =	vadd.f32 v63, v0  }
0x2b5: {  	v52 =	vld [tilespmem:s0+$0xB00];
	v1 =	vadd.f32 v42, v1;
	v2 =	vadd.f32 v47, v2  }
0x2b6: {  	v53 =	vld [tilespmem:s3+$0xB00];
	v0 =	vadd.f32 v48, v0  }
0x2b7: {  	v54 =	vld [tilespmem:s0+$0xC00];
	v1 =	vadd.f32 v44, v1;
	v2 =	vadd.f32 v49, v2  }
0x2b8: {  	v55 =	vld [tilespmem:s3+$0xC00];
	v0 =	vadd.f32 v50, v0  }
0x2b9: {  	v56 =	vld [tilespmem:s0+$0xD00];
	v1 =	vadd.f32 v46, v1;
	v2 =	vadd.f32 v51, v2  }
0x2ba: {  	v57 =	vld [tilespmem:s3+$0xD00];
	v0 =	vadd.f32 v52, v0  }
0x2bb: {  	v58 =	vld [tilespmem:s0+$0xE00];
	v1 =	vadd.f32 v40, v1;
	v2 =	vadd.f32 v53, v2  }
0x2bc: {  	s31 =	simm.s32 $0x0;
	s17 =	simm.s32 $0x0;
	v59 =	vld [tilespmem:s3+$0xE00];
	v0 =	vadd.f32 v54, v0  }
0x2bd: {  	s13 =	sand.u32 $0x3FFFFF00, s17;
	s14 =	sand.u32 $0x70, s31;
	v3 =	vld [tilespmem:s15+$0xE00];
	v1 =	vadd.f32 v38, v1;
	v2 =	vadd.f32 v55, v2  }
0x2be: {  	s13 =	sor.u32 s14, s13;
	v61 =	vld [tilespmem:s3+$0xF00];
	v0 =	vadd.f32 v56, v0  }
0x2bf: {  	v62 =	vld [tilespmem:s13+$0x80];
	v1 =	vadd.f32 v36, v1;
	v2 =	vadd.f32 v57, v2  }
0x2c0: {  	v63 =	vld [tilespmem:s13+$0x0];
	v0 =	vadd.f32 v58, v0  }
0x2c1: {  	v1 =	vadd.f32 v34, v1;
	v2 =	vadd.f32 v59, v2  }
0x2c2: {  	v0 =	vadd.f32 v60, v0  }
0x2c3: {  	s18 =	simm.s32 $0x0;
	v1 =	vadd.f32 v3, v1;
	v2 =	vadd.f32 v61, v2  }
0x2c4: {  	s13 =	sand.u32 $0x3FFFFE00, s18;
	v0 =	vadd.f32 v62, v0  }
0x2c5: {  	s15 =	sor.u32 s14, s13;
	v1 =	vadd.f32 v22, v1;
	v2 =	vadd.f32 v63, v2  }
0x2c6: {  	s14 =	sadd.s32 $0x10400, s15;
	v0 =	vmax.f32 v0, $0.0e+00  }
0x2c7: {  	[tilespmem:s14+$0x100] =	vst v1;
	v1 =	vmax.f32 v2, $0.0e+00;
	v2 =	vmin.f32 v0, $1.000000000e+00  }
0x2c8: {  	s13 =	simm.s32 $0x1;
	v0 =	vmin.f32 v1, $1.000000000e+00;
	[tilespmem:s14+$0x80] =	vst v2;
	s14 =	simm.s32 $0xD410  }
.LBB2_6:
0x2c9: {  	[tilespmem:s15+$0x10400] =	vst v0;
	s31 =	sadd.s32 $0x10, s31;
	s3 =	sadd.s32 $0x10, s3;
	s0 =	sadd.s32 $0x10, s0  }
0x2ca: {  	p0 =	sne.s32 s13, $0xF;
	s15 =	smov.u32 s13;
	s13 =	sadd.s32 $0x1, s13;
	v0 =	vld [tilespmem:s0+$0xFFFFFC00]  }
0x2cb: {  	v3 =	vld [tilespmem:s14+$0xFFFFFA00]  }
0x2cc: {  	v1 =	vld [tilespmem:s0+$0xFFFFFB00]  }
0x2cd: {  	v5 =	vld [tilespmem:s14+$0xFFFFF900]  }
0x2ce: {  	v2 =	vld [tilespmem:s0+$0xFFFFFA00]  }
0x2cf: {  	v6 =	vld [tilespmem:s14+$0xFFFFF800]  }
0x2d0: {  	v7 =	vld [tilespmem:s0+$0xFFFFF900]  }
0x2d1: {  	v8 =	vld [tilespmem:s3+$0xFFFFF900]  }
0x2d2: {  	v9 =	vld [tilespmem:s14+$0xFFFFF700]  }
0x2d3: {  	v10 =	vld [tilespmem:s0+$0xFFFFF800]  }
0x2d4: {  	v11 =	vld [tilespmem:s3+$0xFFFFF800]  }
0x2d5: {  	v12 =	vld [tilespmem:s14+$0xFFFFF600]  }
0x2d6: {  	v13 =	vld [tilespmem:s0+$0xFFFFF700]  }
0x2d7: {  	v14 =	vld [tilespmem:s3+$0xFFFFF700]  }
0x2d8: {  	v15 =	vld [tilespmem:s14+$0xFFFFF500]  }
0x2d9: {  	v16 =	vld [tilespmem:s0+$0xFFFFF600]  }
0x2da: {  	v17 =	vld [tilespmem:s3+$0xFFFFF600]  }
0x2db: {  	v18 =	vld [tilespmem:s14+$0xFFFFF400]  }
0x2dc: {  	v19 =	vld [tilespmem:s0+$0xFFFFF500]  }
0x2dd: {  	v20 =	vld [tilespmem:s3+$0xFFFFF500]  }
0x2de: {  	v4 =	vld [tilespmem:s14+$0xFFFFF300]  }
0x2df: {  	v21 =	vld [tilespmem:s0+$0xFFFFF400]  }
0x2e0: {  	v22 =	vld [tilespmem:s3+$0xFFFFF400]  }
0x2e1: {  	v23 =	vld [tilespmem:s14+$0xFFFFF200]  }
0x2e2: {  	v24 =	vld [tilespmem:s0+$0xFFFFF300]  }
0x2e3: {  	v25 =	vld [tilespmem:s3+$0xFFFFF300]  }
0x2e4: {  	v26 =	vld [tilespmem:s14+$0xFFFFF100]  }
0x2e5: {  	v27 =	vld [tilespmem:s0+$0xFFFFF200]  }
0x2e6: {  	v28 =	vld [tilespmem:s14+$0xFFFFFC00]  }
0x2e7: {  	v29 =	vld [tilespmem:s14+$0xFFFFF000]  }
0x2e8: {  	v30 =	vld [tilespmem:s0+$0xFFFFF100]  }
0x2e9: {  	v31 =	vld [tilespmem:s14+$0xFFFFFB00]  }
0x2ea: {  	v32 =	vld [tilespmem:s0+$0xFFFFF000]  }
0x2eb: {  	v33 =	vld [tilespmem:s3+$0xFFFFF000]  }
0x2ec: {  	v29 =	vadd.f32 $0.0e+00, v29;
	v34 =	vld [tilespmem:s0+$0xFFFFFD00]  }
0x2ed: {  	v35 =	vld [tilespmem:s3+$0xFFFFF100]  }
0x2ee: {  	v26 =	vadd.f32 v26, v29;
	v29 =	vld [tilespmem:s14+$0xFFFFFD00]  }
0x2ef: {  	v32 =	vadd.f32 $0.0e+00, v32;
	v36 =	vld [tilespmem:s3+$0xFFFFF200]  }
0x2f0: {  	v33 =	vadd.f32 $0.0e+00, v33;
	v37 =	vld [tilespmem:s0+$0xFFFFFF00]  }
0x2f1: {  	v23 =	vadd.f32 v23, v26;
	v30 =	vadd.f32 v30, v32;
	v26 =	vld [tilespmem:s14+$0xFFFFFF00]  }
0x2f2: {  	v32 =	vadd.f32 v35, v33;
	v33 =	vld [tilespmem:s0+$0x0]  }
0x2f3: {  	v23 =	vadd.f32 v4, v23;
	v27 =	vadd.f32 v27, v30;
	v30 =	vld [tilespmem:s0+$0x100]  }
0x2f4: {  	v32 =	vadd.f32 v36, v32;
	v4 =	vld [tilespmem:s14+$0x600]  }
0x2f5: {  	v18 =	vadd.f32 v18, v23;
	v24 =	vadd.f32 v24, v27;
	v23 =	vld [tilespmem:s14+$0x0]  }
0x2f6: {  	v25 =	vadd.f32 v25, v32;
	v27 =	vld [tilespmem:s0+$0x200]  }
0x2f7: {  	v15 =	vadd.f32 v15, v18;
	v21 =	vadd.f32 v21, v24;
	v18 =	vld [tilespmem:s14+$0x500]  }
0x2f8: {  	v22 =	vadd.f32 v22, v25;
	v24 =	vld [tilespmem:s0+$0x300]  }
0x2f9: {  	v12 =	vadd.f32 v12, v15;
	v19 =	vadd.f32 v19, v21;
	v15 =	vld [tilespmem:s14+$0x200]  }
0x2fa: {  	v20 =	vadd.f32 v20, v22;
	v21 =	vld [tilespmem:s0+$0x400]  }
0x2fb: {  	v9 =	vadd.f32 v9, v12;
	v16 =	vadd.f32 v16, v19;
	v12 =	vld [tilespmem:s14+$0x300]  }
0x2fc: {  	v17 =	vadd.f32 v17, v20;
	v19 =	vld [tilespmem:s0+$0x500]  }
0x2fd: {  	v6 =	vadd.f32 v6, v9;
	v13 =	vadd.f32 v13, v16;
	v9 =	vld [tilespmem:s14+$0x400]  }
0x2fe: {  	v14 =	vadd.f32 v14, v17;
	v16 =	vld [tilespmem:s0+$0x600]  }
0x2ff: {  	v5 =	vadd.f32 v5, v6;
	v10 =	vadd.f32 v10, v13;
	v6 =	vld [tilespmem:s3+$0xFFFFFA00]  }
0x300: {  	v11 =	vadd.f32 v11, v14;
	v13 =	vld [tilespmem:s0+$0x700]  }
0x301: {  	v3 =	vadd.f32 v3, v5;
	v7 =	vadd.f32 v7, v10;
	v5 =	vld [tilespmem:s3+$0xFFFFFB00]  }
0x302: {  	v8 =	vadd.f32 v8, v11;
	v10 =	vld [tilespmem:s0+$0x800]  }
0x303: {  	v3 =	vadd.f32 v31, v3;
	v2 =	vadd.f32 v2, v7;
	v7 =	vld [tilespmem:s3+$0xFFFFFC00]  }
0x304: {  	v6 =	vadd.f32 v6, v8;
	v8 =	vld [tilespmem:s14+$0xFFFFFE00]  }
0x305: {  	v1 =	vadd.f32 v1, v2;
	v2 =	vadd.f32 v28, v3;
	v3 =	vld [tilespmem:s3+$0xFFFFFD00]  }
0x306: {  	v5 =	vadd.f32 v5, v6;
	v6 =	vld [tilespmem:s0+$0xFFFFFE00]  }
0x307: {  	v0 =	vadd.f32 v0, v1;
	v1 =	vadd.f32 v29, v2;
	v2 =	vld [tilespmem:s3+$0xFFFFFE00]  }
0x308: {  	v5 =	vadd.f32 v7, v5;
	v7 =	vld [tilespmem:s14+$0xF00]  }
0x309: {  	v0 =	vadd.f32 v34, v0;
	v1 =	vadd.f32 v8, v1;
	v8 =	vld [tilespmem:s3+$0xFFFFFF00]  }
0x30a: {  	v3 =	vadd.f32 v3, v5;
	v5 =	vld [tilespmem:s14+$0x100]  }
0x30b: {  	v0 =	vadd.f32 v6, v0;
	v1 =	vadd.f32 v26, v1;
	v6 =	vld [tilespmem:s3+$0x0]  }
0x30c: {  	v2 =	vadd.f32 v2, v3;
	v3 =	vld [tilespmem:s14+$0xE00]  }
0x30d: {  	v0 =	vadd.f32 v37, v0;
	v1 =	vadd.f32 v23, v1;
	v11 =	vld [tilespmem:s3+$0x100]  }
0x30e: {  	v2 =	vadd.f32 v8, v2;
	v8 =	vld [tilespmem:s14+$0xD00]  }
0x30f: {  	v0 =	vadd.f32 v33, v0;
	v1 =	vadd.f32 v5, v1;
	v5 =	vld [tilespmem:s3+$0x200]  }
0x310: {  	v2 =	vadd.f32 v6, v2;
	v6 =	vld [tilespmem:s14+$0xC00]  }
0x311: {  	v0 =	vadd.f32 v30, v0;
	v1 =	vadd.f32 v15, v1;
	v14 =	vld [tilespmem:s3+$0x300]  }
0x312: {  	v2 =	vadd.f32 v11, v2;
	v11 =	vld [tilespmem:s14+$0xB00]  }
0x313: {  	v0 =	vadd.f32 v27, v0;
	v1 =	vadd.f32 v12, v1;
	v12 =	vld [tilespmem:s3+$0x400]  }
0x314: {  	v2 =	vadd.f32 v5, v2;
	v5 =	vld [tilespmem:s14+$0xA00]  }
0x315: {  	v0 =	vadd.f32 v24, v0;
	v1 =	vadd.f32 v9, v1;
	v9 =	vld [tilespmem:s3+$0x500]  }
0x316: {  	v2 =	vadd.f32 v14, v2;
	v14 =	vld [tilespmem:s14+$0x700]  }
0x317: {  	v0 =	vadd.f32 v21, v0;
	v1 =	vadd.f32 v18, v1;
	v15 =	vld [tilespmem:s3+$0x600]  }
0x318: {  	v2 =	vadd.f32 v12, v2;
	v12 =	vld [tilespmem:s14+$0x800]  }
0x319: {  	v0 =	vadd.f32 v19, v0;
	v1 =	vadd.f32 v4, v1;
	v4 =	vld [tilespmem:s3+$0x700]  }
0x31a: {  	v2 =	vadd.f32 v9, v2;
	v9 =	vld [tilespmem:s14+$0x900]  }
0x31b: {  	v0 =	vadd.f32 v16, v0;
	v1 =	vadd.f32 v14, v1;
	v14 =	vld [tilespmem:s3+$0x800]  }
0x31c: {  	v2 =	vadd.f32 v15, v2;
	v15 =	vld [tilespmem:s0+$0x900]  }
0x31d: {  	v0 =	vadd.f32 v13, v0;
	v1 =	vadd.f32 v12, v1;
	v12 =	vld [tilespmem:s3+$0x900]  }
0x31e: {  	v2 =	vadd.f32 v4, v2;
	v4 =	vld [tilespmem:s0+$0xA00]  }
0x31f: {  	v0 =	vadd.f32 v10, v0;
	v1 =	vadd.f32 v9, v1;
	v9 =	vld [tilespmem:s3+$0xA00]  }
0x320: {  	v2 =	vadd.f32 v14, v2;
	v10 =	vld [tilespmem:s0+$0xB00]  }
0x321: {  	v0 =	vadd.f32 v15, v0;
	v1 =	vadd.f32 v5, v1;
	v5 =	vld [tilespmem:s3+$0xB00]  }
0x322: {  	v2 =	vadd.f32 v12, v2;
	v12 =	vld [tilespmem:s0+$0xC00]  }
0x323: {  	v0 =	vadd.f32 v4, v0;
	v1 =	vadd.f32 v11, v1;
	v4 =	vld [tilespmem:s3+$0xC00]  }
0x324: {  	v2 =	vadd.f32 v9, v2;
	v9 =	vld [tilespmem:s0+$0xD00]  }
0x325: {  	v0 =	vadd.f32 v10, v0;
	v1 =	vadd.f32 v6, v1;
	v6 =	vld [tilespmem:s3+$0xD00]  }
0x326: {  	v2 =	vadd.f32 v5, v2;
	v5 =	vld [tilespmem:s0+$0xE00]  }
0x327: {  	s17 =	sshll.u32 s15, $0x5;
	v0 =	vadd.f32 v12, v0;
	v1 =	vadd.f32 v8, v1;
	v8 =	vld [tilespmem:s3+$0xE00]  }
0x328: {  	s18 =	sand.u32 $0x70, s31;
	s17 =	sand.u32 $0x3FFFFF00, s17;
	v2 =	vadd.f32 v4, v2;
	v4 =	vld [tilespmem:s0+$0xF00]  }
0x329: {  	s15 =	sshll.u32 s15, $0x6;
	s17 =	sor.u32 s18, s17;
	v0 =	vadd.f32 v9, v0;
	v1 =	vadd.f32 v3, v1;
	v3 =	vld [tilespmem:s3+$0xF00]  }
0x32a: {  	s15 =	sand.u32 $0x3FFFFE00, s15;
	v2 =	vadd.f32 v6, v2;
	v6 =	vld [tilespmem:s17+$0x80]  }
0x32b: {  	s15 =	sor.u32 s18, s15;
	v0 =	vadd.f32 v5, v0;
	v1 =	vadd.f32 v7, v1;
	v5 =	vld [tilespmem:s17+$0x0]  }
0x32c: {  	s17 =	sadd.s32 $0x10400, s15;
	v2 =	vadd.f32 v8, v2  }
0x32d: {  	v0 =	vadd.f32 v4, v0;
	[tilespmem:s17+$0x100] =	vst v1  }
0x32e: {  	v1 =	vadd.f32 v3, v2  }
.Ltmp2:
0x32f: {  	v0 =	vadd.f32 v6, v0;
	(pc) =	sbr.rel @p0 .LBB2_6-.Ltmp2, $4  }
0x330: {  	v1 =	vadd.f32 v5, v1  }
0x331: {  	v0 =	vmax.f32 v0, $0.0e+00  }
0x332: {  	v1 =	vmax.f32 v1, $0.0e+00;
	v2 =	vmin.f32 v0, $1.000000000e+00  }
0x333: {  	s14 =	sadd.s32 $0x10, s14;
	v0 =	vmin.f32 v1, $1.000000000e+00;
	[tilespmem:s17+$0x80] =	vst v2  }
0x334: {  	[tilespmem:s15+$0x10400] =	vst v0;
	s0 =	simm.s32 $0x0  }
0x335: {  	[hbm4b:s6+s0] =	stream.linear.scatter [tilespmem:s23], [sflag:$0x7], $0x400, $0x38;
	[tilespmem:$0x10C00] =	vst v63  }
0x336: {  	_ =	swait.ge [sflag:s24], $0x2000  }
0x337: {  	[sflag:s24] =	ssyncset.done $0x0  }
0x338: {  	[sflag:s24] =	ssyncadd.s32 $0xFFFFE000  }
0x339: {  	_ =	swait.ge [sflag:s25], $0x2000  }
0x33a: {  	[sflag:s25] =	ssyncset.done $0x0  }
0x33b: {  	[sflag:s25] =	ssyncadd.s32 $0xFFFFE000  }
0x33c: {  	_ =	swait.ge [sflag:s26], $0x2000  }
0x33d: {  	[sflag:s26] =	ssyncset.done $0x0  }
0x33e: {  	s14 =	simm.s32 $0xC300;
	[sflag:s26] =	ssyncadd.s32 $0xFFFFE000  }
0x33f: {  	s13 =	simm.s32 $0x10300;
	v7 =	vld [tilespmem:s14+$0xFFFFE200]  }
0x340: {  	s3 =	simm.s32 $0x8300;
	v8 =	vld [tilespmem:s13+$0xFFFFE100]  }
0x341: {  	v9 =	vld [tilespmem:s3+$0xFFFFE300]  }
0x342: {  	v10 =	vld [tilespmem:s14+$0xFFFFE300]  }
0x343: {  	v11 =	vld [tilespmem:s13+$0xFFFFE200]  }
0x344: {  	v12 =	vld [tilespmem:s3+$0xFFFFE400]  }
0x345: {  	v13 =	vld [tilespmem:s14+$0xFFFFE400]  }
0x346: {  	v14 =	vld [tilespmem:s13+$0xFFFFE300]  }
0x347: {  	v15 =	vld [tilespmem:s3+$0xFFFFE500]  }
0x348: {  	v16 =	vld [tilespmem:s14+$0xFFFFE500]  }
0x349: {  	v17 =	vld [tilespmem:s13+$0xFFFFE400]  }
0x34a: {  	v18 =	vld [tilespmem:s3+$0xFFFFE600]  }
0x34b: {  	v19 =	vld [tilespmem:s14+$0xFFFFE600]  }
0x34c: {  	v20 =	vld [tilespmem:s13+$0xFFFFE500]  }
0x34d: {  	v21 =	vld [tilespmem:s3+$0xFFFFE700]  }
0x34e: {  	v22 =	vld [tilespmem:s14+$0xFFFFE700]  }
0x34f: {  	v23 =	vld [tilespmem:s13+$0xFFFFE600]  }
0x350: {  	v24 =	vld [tilespmem:s3+$0xFFFFE800]  }
0x351: {  	v25 =	vld [tilespmem:s14+$0xFFFFE800]  }
0x352: {  	v26 =	vld [tilespmem:s13+$0xFFFFE700]  }
0x353: {  	v27 =	vld [tilespmem:s3+$0xFFFFE900]  }
0x354: {  	v28 =	vld [tilespmem:s14+$0xFFFFE900]  }
0x355: {  	v29 =	vld [tilespmem:s13+$0xFFFFE800]  }
0x356: {  	v30 =	vld [tilespmem:s3+$0xFFFFEA00]  }
0x357: {  	v0 =	vld [tilespmem:s13+$0xFFFFFF00]  }
0x358: {  	v1 =	vld [tilespmem:s3+$0x0]  }
0x359: {  	v2 =	vld [tilespmem:s3+$0xFFFFFF00]  }
0x35a: {  	v3 =	vld [tilespmem:s3+$0xFFFFFE00]  }
0x35b: {  	v4 =	vld [tilespmem:s3+$0xFFFFFD00]  }
0x35c: {  	v5 =	vld [tilespmem:s3+$0xFFFFFC00]  }
0x35d: {  	v31 =	vld [tilespmem:s14+$0xFFFFE100]  }
0x35e: {  	v32 =	vld [tilespmem:s3+$0xFFFFE100]  }
0x35f: {  	v6 =	vld [tilespmem:s3+$0xFFFFFB00]  }
0x360: {  	v33 =	vld [tilespmem:s3+$0xFFFFE200]  }
0x361: {  	v34 =	vld [tilespmem:s3+$0xFFFFFA00]  }
0x362: {  	v35 =	vld [tilespmem:s3+$0xFFFFF900]  }
0x363: {  	v36 =	vld [tilespmem:s3+$0xFFFFF800];
	v32 =	vadd.f32 $0.0e+00, v32  }
0x364: {  	v37 =	vld [tilespmem:s3+$0xFFFFF700];
	v31 =	vadd.f32 $0.0e+00, v31  }
0x365: {  	v42 =	vld [tilespmem:s3+$0xFFFFF400];
	v32 =	vadd.f32 v33, v32  }
0x366: {  	v43 =	vld [tilespmem:s3+$0xFFFFF300];
	v7 =	vadd.f32 v7, v31  }
0x367: {  	v44 =	vld [tilespmem:s3+$0xFFFFF200];
	v9 =	vadd.f32 v9, v32  }
0x368: {  	v45 =	vld [tilespmem:s3+$0xFFFFF100];
	v8 =	vadd.f32 $0.0e+00, v8;
	v7 =	vadd.f32 v10, v7  }
0x369: {  	v46 =	vld [tilespmem:s3+$0xFFFFF000];
	v9 =	vadd.f32 v12, v9  }
0x36a: {  	v47 =	vld [tilespmem:s3+$0xFFFFEF00];
	v8 =	vadd.f32 v11, v8;
	v7 =	vadd.f32 v13, v7  }
0x36b: {  	v48 =	vld [tilespmem:s3+$0xFFFFEE00];
	v9 =	vadd.f32 v15, v9  }
0x36c: {  	v49 =	vld [tilespmem:s3+$0xFFFFED00];
	v8 =	vadd.f32 v14, v8;
	v7 =	vadd.f32 v16, v7  }
0x36d: {  	v50 =	vld [tilespmem:s14+$0xFFFFEB00];
	v9 =	vadd.f32 v18, v9  }
0x36e: {  	v51 =	vld [tilespmem:s14+$0xFFFFEA00];
	v8 =	vadd.f32 v17, v8;
	v7 =	vadd.f32 v19, v7  }
0x36f: {  	v52 =	vld [tilespmem:s3+$0xFFFFEB00];
	v9 =	vadd.f32 v21, v9  }
0x370: {  	v53 =	vld [tilespmem:s13+$0xFFFFE900];
	v8 =	vadd.f32 v20, v8;
	v7 =	vadd.f32 v22, v7  }
0x371: {  	v54 =	vld [tilespmem:s3+$0xFFFFEC00];
	v9 =	vadd.f32 v24, v9  }
0x372: {  	v55 =	vld [tilespmem:s13+$0xFFFFEA00];
	v8 =	vadd.f32 v23, v8;
	v7 =	vadd.f32 v25, v7  }
0x373: {  	v56 =	vld [tilespmem:s14+$0xFFFFEC00];
	v9 =	vadd.f32 v27, v9  }
0x374: {  	v57 =	vld [tilespmem:s13+$0xFFFFEB00];
	v8 =	vadd.f32 v26, v8;
	v7 =	vadd.f32 v28, v7  }
0x375: {  	v58 =	vld [tilespmem:s14+$0xFFFFED00];
	v9 =	vadd.f32 v30, v9  }
0x376: {  	v59 =	vld [tilespmem:s13+$0xFFFFEC00];
	v8 =	vadd.f32 v29, v8;
	v7 =	vadd.f32 v51, v7  }
0x377: {  	v60 =	vld [tilespmem:s14+$0xFFFFEE00];
	v9 =	vadd.f32 v52, v9  }
0x378: {  	v61 =	vld [tilespmem:s13+$0xFFFFED00];
	v8 =	vadd.f32 v53, v8;
	v7 =	vadd.f32 v50, v7  }
0x379: {  	v62 =	vld [tilespmem:s14+$0xFFFFEF00];
	v9 =	vadd.f32 v54, v9  }
0x37a: {  	v63 =	vld [tilespmem:s13+$0xFFFFEE00];
	v8 =	vadd.f32 v55, v8;
	v7 =	vadd.f32 v56, v7  }
0x37b: {  	v38 =	vld [tilespmem:s13+$0xFFFFF300];
	v9 =	vadd.f32 v49, v9  }
0x37c: {  	v39 =	vld [tilespmem:s14+$0xFFFFF500];
	v8 =	vadd.f32 v57, v8;
	v7 =	vadd.f32 v58, v7  }
0x37d: {  	v22 =	vld [tilespmem:s14+$0xFFFFF000];
	v9 =	vadd.f32 v48, v9  }
0x37e: {  	v23 =	vld [tilespmem:s13+$0xFFFFEF00];
	v8 =	vadd.f32 v59, v8;
	v7 =	vadd.f32 v60, v7  }
0x37f: {  	v24 =	vld [tilespmem:s14+$0xFFFFF100];
	v9 =	vadd.f32 v47, v9  }
0x380: {  	v26 =	vld [tilespmem:s14+$0xFFFFF200];
	v8 =	vadd.f32 v61, v8;
	v7 =	vadd.f32 v62, v7  }
0x381: {  	v25 =	vld [tilespmem:s13+$0xFFFFF000];
	v9 =	vadd.f32 v46, v9  }
0x382: {  	v27 =	vld [tilespmem:s13+$0xFFFFF100];
	v8 =	vadd.f32 v63, v8;
	v7 =	vadd.f32 v22, v7  }
0x383: {  	v28 =	vld [tilespmem:s14+$0xFFFFF300];
	v9 =	vadd.f32 v45, v9  }
0x384: {  	v29 =	vld [tilespmem:s13+$0xFFFFF200];
	v8 =	vadd.f32 v23, v8;
	v7 =	vadd.f32 v24, v7  }
0x385: {  	v30 =	vld [tilespmem:s14+$0xFFFFF400];
	v9 =	vadd.f32 v44, v9  }
0x386: {  	v31 =	vld [tilespmem:s3+$0xFFFFF500];
	v8 =	vadd.f32 v25, v8;
	v7 =	vadd.f32 v26, v7  }
0x387: {  	v40 =	vld [tilespmem:s13+$0xFFFFF400];
	v9 =	vadd.f32 v43, v9  }
0x388: {  	v33 =	vld [tilespmem:s3+$0xFFFFF600];
	v8 =	vadd.f32 v27, v8;
	v7 =	vadd.f32 v28, v7  }
0x389: {  	v41 =	vld [tilespmem:s14+$0xFFFFF600];
	v9 =	vadd.f32 v42, v9  }
0x38a: {  	v8 =	vadd.f32 v29, v8;
	v43 =	vld [tilespmem:s14+$0xFFFFF700];
	v7 =	vadd.f32 v30, v7  }
0x38b: {  	v42 =	vld [tilespmem:s13+$0xFFFFF500];
	v9 =	vadd.f32 v31, v9  }
0x38c: {  	v45 =	vld [tilespmem:s14+$0xFFFFF800];
	v8 =	vadd.f32 v38, v8;
	v7 =	vadd.f32 v39, v7  }
0x38d: {  	v44 =	vld [tilespmem:s13+$0xFFFFF600];
	v9 =	vadd.f32 v33, v9  }
0x38e: {  	v47 =	vld [tilespmem:s14+$0xFFFFF900];
	v8 =	vadd.f32 v40, v8;
	v7 =	vadd.f32 v41, v7  }
0x38f: {  	v46 =	vld [tilespmem:s13+$0xFFFFF700];
	v9 =	vadd.f32 v37, v9  }
0x390: {  	v49 =	vld [tilespmem:s14+$0xFFFFFA00];
	v8 =	vadd.f32 v42, v8;
	v7 =	vadd.f32 v43, v7  }
0x391: {  	v48 =	vld [tilespmem:s13+$0xFFFFF800];
	v9 =	vadd.f32 v36, v9  }
0x392: {  	v51 =	vld [tilespmem:s14+$0xFFFFFB00];
	v8 =	vadd.f32 v44, v8;
	v7 =	vadd.f32 v45, v7  }
0x393: {  	v50 =	vld [tilespmem:s13+$0xFFFFF900];
	v9 =	vadd.f32 v35, v9  }
0x394: {  	v53 =	vld [tilespmem:s14+$0xFFFFFC00];
	v8 =	vadd.f32 v46, v8;
	v7 =	vadd.f32 v47, v7  }
0x395: {  	v52 =	vld [tilespmem:s13+$0xFFFFFA00];
	v9 =	vadd.f32 v34, v9  }
0x396: {  	v55 =	vld [tilespmem:s14+$0xFFFFFD00];
	v8 =	vadd.f32 v48, v8;
	v7 =	vadd.f32 v49, v7  }
0x397: {  	v54 =	vld [tilespmem:s13+$0xFFFFFB00];
	v6 =	vadd.f32 v6, v9  }
0x398: {  	v57 =	vld [tilespmem:s14+$0xFFFFFE00];
	v8 =	vadd.f32 v50, v8;
	v7 =	vadd.f32 v51, v7  }
0x399: {  	s18 =	simm.s32 $0x0;
	v56 =	vld [tilespmem:s13+$0xFFFFFC00];
	v5 =	vadd.f32 v5, v6  }
0x39a: {  	s15 =	sor.u32 $0x2, s18;
	v59 =	vld [tilespmem:s14+$0xFFFFFF00];
	v8 =	vadd.f32 v52, v8;
	v7 =	vadd.f32 v53, v7  }
0x39b: {  	s17 =	sshll.u32 s15, $0x8;
	v58 =	vld [tilespmem:s13+$0xFFFFFD00];
	v4 =	vadd.f32 v4, v5  }
0x39c: {  	s18 =	sand.u32 $0x70, s0;
	s17 =	sand.u32 $0x3FFFFF00, s17;
	v61 =	vld [tilespmem:s14+$0x0];
	v8 =	vadd.f32 v54, v8;
	v7 =	vadd.f32 v55, v7  }
0x39d: {  	s17 =	sor.u32 s18, s17;
	v60 =	vld [tilespmem:s13+$0xFFFFFE00];
	v3 =	vadd.f32 v3, v4  }
0x39e: {  	v62 =	vld [tilespmem:s17+$0x0];
	v8 =	vadd.f32 v56, v8;
	v6 =	vadd.f32 v57, v7  }
0x39f: {  	v2 =	vadd.f32 v2, v3;
	v3 =	vld [tilespmem:s17+$0x80]  }
0x3a0: {  	v8 =	vadd.f32 v58, v8;
	v5 =	vadd.f32 v59, v6  }
0x3a1: {  	v63 =	vld [tilespmem:s13+$0x0];
	v1 =	vadd.f32 v1, v2  }
0x3a2: {  	v2 =	vadd.f32 v60, v8;
	v4 =	vadd.f32 v61, v5  }
0x3a3: {  	v1 =	vadd.f32 v62, v1  }
0x3a4: {  	s17 =	sshll.u32 s15, $0x9;
	v0 =	vadd.f32 v0, v2;
	v2 =	vadd.f32 v3, v4  }
0x3a5: {  	s31 =	simm.s32 $0x1;
	s13 =	sand.u32 $0x3FFFFE00, s17;
	v1 =	vmax.f32 v1, $0.0e+00  }
0x3a6: {  	s14 =	simm.s32 $0x10310;
	s15 =	sor.u32 s18, s13;
	s13 =	simm.s32 $0xC310;
	v0 =	vadd.f32 v63, v0;
	v1 =	vmin.f32 v1, $1.000000000e+00;
	v2 =	vmax.f32 v2, $0.0e+00  }
.LBB2_8:
0x3a7: {  	s17 =	sadd.s32 $0x10400, s15;
	[tilespmem:s15+$0x10400] =	vst v1;
	v1 =	vmin.f32 v2, $1.000000000e+00;
	s0 =	sadd.s32 $0x10, s0;
	s3 =	sadd.s32 $0x10, s3  }
0x3a8: {  	p0 =	sne.s32 s31, $0xF;
	s15 =	smov.u32 s31;
	s31 =	sadd.s32 $0x1, s31;
	[tilespmem:s17+$0x80] =	vst v1  }
0x3a9: {  	[tilespmem:s17+$0x100] =	vst v0  }
0x3aa: {  	v10 =	vld [tilespmem:s13+$0xFFFFE200]  }
0x3ab: {  	v12 =	vld [tilespmem:s14+$0xFFFFE100]  }
0x3ac: {  	v13 =	vld [tilespmem:s3+$0xFFFFE300]  }
0x3ad: {  	v14 =	vld [tilespmem:s13+$0xFFFFE300]  }
0x3ae: {  	v15 =	vld [tilespmem:s14+$0xFFFFE200]  }
0x3af: {  	v16 =	vld [tilespmem:s3+$0xFFFFE400]  }
0x3b0: {  	v17 =	vld [tilespmem:s13+$0xFFFFE400]  }
0x3b1: {  	v18 =	vld [tilespmem:s14+$0xFFFFE300]  }
0x3b2: {  	v19 =	vld [tilespmem:s3+$0xFFFFE500]  }
0x3b3: {  	v20 =	vld [tilespmem:s13+$0xFFFFE500]  }
0x3b4: {  	v21 =	vld [tilespmem:s14+$0xFFFFE400]  }
0x3b5: {  	v22 =	vld [tilespmem:s3+$0xFFFFE600]  }
0x3b6: {  	v23 =	vld [tilespmem:s13+$0xFFFFE600]  }
0x3b7: {  	v24 =	vld [tilespmem:s14+$0xFFFFE500]  }
0x3b8: {  	v25 =	vld [tilespmem:s3+$0xFFFFE700]  }
0x3b9: {  	v26 =	vld [tilespmem:s13+$0xFFFFE700]  }
0x3ba: {  	v27 =	vld [tilespmem:s14+$0xFFFFE600]  }
0x3bb: {  	v28 =	vld [tilespmem:s3+$0xFFFFE800]  }
0x3bc: {  	v29 =	vld [tilespmem:s13+$0xFFFFE800]  }
0x3bd: {  	v30 =	vld [tilespmem:s14+$0xFFFFE700]  }
0x3be: {  	v31 =	vld [tilespmem:s3+$0xFFFFE900]  }
0x3bf: {  	v32 =	vld [tilespmem:s13+$0xFFFFE900]  }
0x3c0: {  	v33 =	vld [tilespmem:s14+$0xFFFFE800]  }
0x3c1: {  	v34 =	vld [tilespmem:s3+$0xFFFFEA00]  }
0x3c2: {  	v0 =	vld [tilespmem:s14+$0xFFFFFF00]  }
0x3c3: {  	v1 =	vld [tilespmem:s3+$0x0]  }
0x3c4: {  	v2 =	vld [tilespmem:s3+$0xFFFFFF00]  }
0x3c5: {  	v3 =	vld [tilespmem:s3+$0xFFFFFE00]  }
0x3c6: {  	v4 =	vld [tilespmem:s3+$0xFFFFFD00]  }
0x3c7: {  	v5 =	vld [tilespmem:s3+$0xFFFFFC00]  }
0x3c8: {  	v8 =	vld [tilespmem:s13+$0xFFFFE100]  }
0x3c9: {  	v9 =	vld [tilespmem:s3+$0xFFFFE100]  }
0x3ca: {  	v6 =	vld [tilespmem:s3+$0xFFFFFB00]  }
0x3cb: {  	v11 =	vld [tilespmem:s3+$0xFFFFE200]  }
0x3cc: {  	v7 =	vld [tilespmem:s3+$0xFFFFFA00]  }
0x3cd: {  	v35 =	vadd.f32 $0.0e+00, v8;
	v8 =	vld [tilespmem:s3+$0xFFFFF900]  }
0x3ce: {  	v36 =	vadd.f32 $0.0e+00, v9;
	v9 =	vld [tilespmem:s3+$0xFFFFF800]  }
0x3cf: {  	v35 =	vadd.f32 v10, v35;
	v10 =	vld [tilespmem:s3+$0xFFFFF700]  }
0x3d0: {  	v36 =	vadd.f32 v11, v36;
	v11 =	vld [tilespmem:s3+$0xFFFFF600]  }
0x3d1: {  	v12 =	vadd.f32 $0.0e+00, v12;
	v14 =	vadd.f32 v14, v35;
	v35 =	vld [tilespmem:s3+$0xFFFFF500]  }
0x3d2: {  	v13 =	vadd.f32 v13, v36;
	v36 =	vld [tilespmem:s3+$0xFFFFF400]  }
0x3d3: {  	v12 =	vadd.f32 v15, v12;
	v14 =	vadd.f32 v17, v14;
	v15 =	vld [tilespmem:s3+$0xFFFFF300]  }
0x3d4: {  	v13 =	vadd.f32 v16, v13;
	v16 =	vld [tilespmem:s3+$0xFFFFF200]  }
0x3d5: {  	v12 =	vadd.f32 v18, v12;
	v14 =	vadd.f32 v20, v14;
	v17 =	vld [tilespmem:s3+$0xFFFFF100]  }
0x3d6: {  	v13 =	vadd.f32 v19, v13;
	v18 =	vld [tilespmem:s3+$0xFFFFF000]  }
0x3d7: {  	v12 =	vadd.f32 v21, v12;
	v14 =	vadd.f32 v23, v14;
	v19 =	vld [tilespmem:s3+$0xFFFFEF00]  }
0x3d8: {  	v13 =	vadd.f32 v22, v13;
	v20 =	vld [tilespmem:s3+$0xFFFFEE00]  }
0x3d9: {  	v12 =	vadd.f32 v24, v12;
	v14 =	vadd.f32 v26, v14;
	v21 =	vld [tilespmem:s3+$0xFFFFED00]  }
0x3da: {  	v13 =	vadd.f32 v25, v13;
	v22 =	vld [tilespmem:s13+$0xFFFFEB00]  }
0x3db: {  	v12 =	vadd.f32 v27, v12;
	v14 =	vadd.f32 v29, v14;
	v23 =	vld [tilespmem:s13+$0xFFFFEA00]  }
0x3dc: {  	v13 =	vadd.f32 v28, v13;
	v24 =	vld [tilespmem:s3+$0xFFFFEB00]  }
0x3dd: {  	v12 =	vadd.f32 v30, v12;
	v25 =	vld [tilespmem:s14+$0xFFFFE900]  }
0x3de: {  	v14 =	vadd.f32 v32, v14;
	v13 =	vadd.f32 v31, v13;
	v26 =	vld [tilespmem:s3+$0xFFFFEC00]  }
0x3df: {  	v12 =	vadd.f32 v33, v12;
	v27 =	vld [tilespmem:s14+$0xFFFFEA00]  }
0x3e0: {  	v13 =	vadd.f32 v34, v13;
	v14 =	vadd.f32 v23, v14;
	v23 =	vld [tilespmem:s13+$0xFFFFEC00]  }
0x3e1: {  	v28 =	vld [tilespmem:s14+$0xFFFFEB00]  }
0x3e2: {  	v12 =	vadd.f32 v25, v12;
	v13 =	vadd.f32 v24, v13;
	v24 =	vld [tilespmem:s13+$0xFFFFED00]  }
0x3e3: {  	v14 =	vadd.f32 v22, v14;
	v22 =	vld [tilespmem:s14+$0xFFFFEC00]  }
0x3e4: {  	v12 =	vadd.f32 v27, v12;
	v13 =	vadd.f32 v26, v13;
	v25 =	vld [tilespmem:s13+$0xFFFFEE00]  }
0x3e5: {  	v14 =	vadd.f32 v23, v14;
	v23 =	vld [tilespmem:s14+$0xFFFFED00]  }
0x3e6: {  	v12 =	vadd.f32 v28, v12;
	v13 =	vadd.f32 v21, v13;
	v21 =	vld [tilespmem:s13+$0xFFFFEF00]  }
0x3e7: {  	v14 =	vadd.f32 v24, v14;
	v24 =	vld [tilespmem:s14+$0xFFFFEE00]  }
0x3e8: {  	v12 =	vadd.f32 v22, v12;
	v13 =	vadd.f32 v20, v13;
	v20 =	vld [tilespmem:s13+$0xFFFFF000]  }
0x3e9: {  	v14 =	vadd.f32 v25, v14;
	v22 =	vld [tilespmem:s14+$0xFFFFEF00]  }
0x3ea: {  	v12 =	vadd.f32 v23, v12;
	v13 =	vadd.f32 v19, v13;
	v19 =	vld [tilespmem:s13+$0xFFFFF100]  }
0x3eb: {  	v14 =	vadd.f32 v21, v14;
	v21 =	vld [tilespmem:s14+$0xFFFFF000]  }
0x3ec: {  	v12 =	vadd.f32 v24, v12;
	v13 =	vadd.f32 v18, v13;
	v18 =	vld [tilespmem:s13+$0xFFFFF200]  }
0x3ed: {  	v14 =	vadd.f32 v20, v14;
	v20 =	vld [tilespmem:s14+$0xFFFFF100]  }
0x3ee: {  	v12 =	vadd.f32 v22, v12;
	v13 =	vadd.f32 v17, v13;
	v17 =	vld [tilespmem:s13+$0xFFFFF300]  }
0x3ef: {  	v14 =	vadd.f32 v19, v14;
	v19 =	vld [tilespmem:s14+$0xFFFFF200]  }
0x3f0: {  	v12 =	vadd.f32 v21, v12;
	v13 =	vadd.f32 v16, v13;
	v16 =	vld [tilespmem:s13+$0xFFFFF400]  }
0x3f1: {  	v14 =	vadd.f32 v18, v14;
	v18 =	vld [tilespmem:s14+$0xFFFFF300]  }
0x3f2: {  	v12 =	vadd.f32 v20, v12;
	v13 =	vadd.f32 v15, v13;
	v15 =	vld [tilespmem:s13+$0xFFFFF500]  }
0x3f3: {  	v14 =	vadd.f32 v17, v14;
	v17 =	vld [tilespmem:s14+$0xFFFFF400]  }
0x3f4: {  	v12 =	vadd.f32 v19, v12;
	v13 =	vadd.f32 v36, v13;
	v19 =	vld [tilespmem:s13+$0xFFFFF600]  }
0x3f5: {  	v14 =	vadd.f32 v16, v14;
	v16 =	vld [tilespmem:s14+$0xFFFFF500]  }
0x3f6: {  	v12 =	vadd.f32 v18, v12;
	v13 =	vadd.f32 v35, v13;
	v18 =	vld [tilespmem:s13+$0xFFFFF700]  }
0x3f7: {  	v14 =	vadd.f32 v15, v14;
	v15 =	vld [tilespmem:s14+$0xFFFFF600]  }
0x3f8: {  	v12 =	vadd.f32 v17, v12;
	v11 =	vadd.f32 v11, v13;
	v13 =	vld [tilespmem:s13+$0xFFFFF800]  }
0x3f9: {  	v14 =	vadd.f32 v19, v14;
	v17 =	vld [tilespmem:s14+$0xFFFFF700]  }
0x3fa: {  	v12 =	vadd.f32 v16, v12;
	v10 =	vadd.f32 v10, v11;
	v11 =	vld [tilespmem:s13+$0xFFFFF900]  }
0x3fb: {  	v14 =	vadd.f32 v18, v14;
	v16 =	vld [tilespmem:s14+$0xFFFFF800]  }
0x3fc: {  	v12 =	vadd.f32 v15, v12;
	v9 =	vadd.f32 v9, v10;
	v10 =	vld [tilespmem:s13+$0xFFFFFA00]  }
0x3fd: {  	v13 =	vadd.f32 v13, v14;
	v14 =	vld [tilespmem:s14+$0xFFFFF900]  }
0x3fe: {  	v12 =	vadd.f32 v17, v12;
	v8 =	vadd.f32 v8, v9;
	v9 =	vld [tilespmem:s13+$0xFFFFFB00]  }
0x3ff: {  	v11 =	vadd.f32 v11, v13;
	v13 =	vld [tilespmem:s14+$0xFFFFFA00]  }
0x400: {  	v12 =	vadd.f32 v16, v12;
	v7 =	vadd.f32 v7, v8;
	v8 =	vld [tilespmem:s13+$0xFFFFFC00]  }
0x401: {  	v10 =	vadd.f32 v10, v11;
	v11 =	vld [tilespmem:s14+$0xFFFFFB00]  }
0x402: {  	v12 =	vadd.f32 v14, v12;
	v6 =	vadd.f32 v6, v7;
	v7 =	vld [tilespmem:s13+$0xFFFFFD00]  }
0x403: {  	v9 =	vadd.f32 v9, v10;
	v10 =	vld [tilespmem:s14+$0xFFFFFC00]  }
0x404: {  	s15 =	sshrl.u32 s15, $0x3;
	v12 =	vadd.f32 v13, v12;
	v5 =	vadd.f32 v5, v6;
	v6 =	vld [tilespmem:s13+$0xFFFFFE00]  }
0x405: {  	s15 =	sor.u32 $0x2, s15;
	v8 =	vadd.f32 v8, v9;
	v9 =	vld [tilespmem:s14+$0xFFFFFD00]  }
0x406: {  	s17 =	sshll.u32 s15, $0x8;
	s15 =	sshll.u32 s15, $0x9;
	v11 =	vadd.f32 v11, v12;
	v4 =	vadd.f32 v4, v5;
	v5 =	vld [tilespmem:s13+$0xFFFFFF00]  }
0x407: {  	s18 =	sand.u32 $0x70, s0;
	s17 =	sand.u32 $0x3FFFFF00, s17;
	v7 =	vadd.f32 v7, v8;
	v8 =	vld [tilespmem:s14+$0xFFFFFE00]  }
0x408: {  	s17 =	sor.u32 s18, s17;
	v10 =	vadd.f32 v10, v11;
	v3 =	vadd.f32 v3, v4;
	v4 =	vld [tilespmem:s13+$0x0]  }
0x409: {  	v6 =	vadd.f32 v6, v7;
	v7 =	vld [tilespmem:s17+$0x0]  }
0x40a: {  	v9 =	vadd.f32 v9, v10;
	v2 =	vadd.f32 v2, v3;
	v3 =	vld [tilespmem:s17+$0x80]  }
0x40b: {  	v5 =	vadd.f32 v5, v6;
	v6 =	vld [tilespmem:s14+$0x0]  }
0x40c: {  	v8 =	vadd.f32 v8, v9;
	v1 =	vadd.f32 v1, v2  }
.Ltmp3:
0x40d: {  	v2 =	vadd.f32 v4, v5;
	(pc) =	sbr.rel @p0 .LBB2_8-.Ltmp3, $4  }
0x40e: {  	v0 =	vadd.f32 v0, v8;
	v1 =	vadd.f32 v7, v1  }
0x40f: {  	v2 =	vadd.f32 v3, v2  }
0x410: {  	s15 =	sand.u32 $0x3FFFFE00, s15;
	v0 =	vadd.f32 v6, v0;
	v1 =	vmax.f32 v1, $0.0e+00  }
0x411: {  	s15 =	sor.u32 s18, s15;
	s13 =	sadd.s32 $0x10, s13;
	s14 =	sadd.s32 $0x10, s14;
	v1 =	vmin.f32 v1, $1.000000000e+00;
	v2 =	vmax.f32 v2, $0.0e+00  }
0x412: {  	s0 =	sadd.s32 $0x10400, s15;
	[tilespmem:s15+$0x10400] =	vst v1;
	v63 =	vmin.f32 v2, $1.000000000e+00  }
0x413: {  	[tilespmem:s0+$0x80] =	vst v63  }
0x414: {  	s30 =	sadd.s32 $0x1, s30;
	[tilespmem:s0+$0x100] =	vst v0  }
0x415: {  	[hbm4b:s8+s5] =	stream.linear.scatter [tilespmem:s28], [sflag:$0x7], $0x400, $0x38;
	[tilespmem:$0x10C00] =	vst v63  }
0x416: {  	p0 =	sne.s32 s30, s9;
	_ =	swait.ge [sflag:s29], $0x400  }
.Ltmp4:
0x417: {  	[sflag:s29] =	ssyncset.done $0x0;
	(pc) =	sbr.rel @p0 .LBB2_1-.Ltmp4, $4  }
0x418: {  	[sflag:s29] =	ssyncadd.s32 $0xFFFFFC00  }
0x419: {  	_ =	swait.ge [sflag:s29], $0x400  }
0x41a: {  	[sflag:s29] =	ssyncset.done $0x0  }
0x41b: {  	[sflag:s29] =	ssyncadd.s32 $0xFFFFFC00  }
0x41c: {  	_ =	sfence.sel $0x180000  }
0x41d: {  	[bflag:$0x0] =	sbarrier.arrive $0xFFFF  }
0x41e: {  	_ =	strace $0x90000047  }
0x41f: {  	s0 =	stileid.u32;
	[bflag:$0x2] =	sbarrier.arrive $0xFFFF  }
0x420: {  	p0 =	sne.s32 s0, $0x0;
	s0 =	rddreg [dreg:$0x5]  }
0x421: {  	s0 =	sadd.s32 @!p0 $0x100000, s0  }
0x422: {  	[sflag:s0] =	ssyncadd.tile.s32 @!p0 $0x1;
	_ =	shalt  }
.Lfunc_end2:
_tile_overlayer_lowered:
.L_overlay_start_2:
0x423: {  	(tag) =	ssettag $0x2  }
0x424: {  	s0 =	rddreg [dreg:$0x0];
	s2 =	stileid.u32  }
0x425: {  	s1 =	rddreg [dreg:$0x1];
	p0 =	sne.s32 s2, $0x0  }
0x426: {  	s3 =	rddreg [dreg:$0x2];
	[bflag:$0x3] =	sbarrier.arrive $0xFFFF;
	s2 =	simm.s32 @!p0 $0x1C08  }
0x427: {  	[timem:s3], [sflag:s2] =	dma.local @!p0 [hbm:s0], s1  }
0x428: {  	s0 =	simm.s32 @!p0 $0x8  }
0x429: {  	_ =	swait.ge @!p0 [sflag:s0], s1  }
0x42a: {  	s1 =	ssub.s32 @!p0 $0x0, s1;
	[sflag:s0] =	ssyncset.done @!p0 $0x0  }
0x42b: {  	[sflag:s0] =	ssyncadd.s32 @!p0 s1  }
0x42c: {  	[bflag:$0x3] =	sbarrier.arrive $0xFFFF  }
0x42d: {  	_ =	shalt  }

</sc_bundles>
